<compile_context>
chip_gen: v7x
topology: tpu7x:2x2x1
jax: 0.10.2.dev20260603
libtpu: 0.0.44.dev20260713+nightly
codegen_flags: <defaults>
</compile_context>

<pallas_src>
import functools

import jax
import jax.numpy as jnp
from jax import lax
from jax.experimental import pallas as pl
from jax.experimental.pallas import tpu as pltpu
from jax.experimental.pallas import tpu_sc as plsc

NN = 10000
NE = 320000
DIM = 128
NH = 4

NC = 2
NS = 16
LN = 16



def _make_tc_proj(n, heads, blk, interpret=False):
  nb = pl.cdiv(n, blk)

  def body(x_ref, w_ref, al_ref, ar_ref, h_ref, el_ref, er_ref):
    hb = jnp.dot(x_ref[...], w_ref[0], preferred_element_type=jnp.float32)
    h_ref[0] = hb
    el_ref[0, 0] = jnp.sum(hb * al_ref[0], axis=1)
    er_ref[0, 0] = jnp.sum(hb * ar_ref[0], axis=1)

  return pl.pallas_call(
      body,
      grid=(heads, nb),
      in_specs=[
          pl.BlockSpec((blk, DIM), lambda h, i: (i, 0)),
          pl.BlockSpec((1, DIM, DIM), lambda h, i: (h, 0, 0)),
          pl.BlockSpec((1, 1, DIM), lambda h, i: (h, 0, 0)),
          pl.BlockSpec((1, 1, DIM), lambda h, i: (h, 0, 0)),
      ],
      out_specs=[
          pl.BlockSpec((1, blk, DIM), lambda h, i: (h, i, 0)),
          pl.BlockSpec((1, 1, blk), lambda h, i: (h, 0, i)),
          pl.BlockSpec((1, 1, blk), lambda h, i: (h, 0, i)),
      ],
      out_shape=[
          jax.ShapeDtypeStruct((heads, n, DIM), jnp.float32),
          jax.ShapeDtypeStruct((heads, 1, n), jnp.float32),
          jax.ShapeDtypeStruct((heads, 1, n), jnp.float32),
      ],
      interpret=interpret,
  )


def _make_tc_mid(n, heads, blk, interpret=False):
  nb = pl.cdiv(n, blk)

  def body(rst_ref, den_ref, b_ref, w_ref, al_ref, ar_ref, h_ref, el_ref,
           er_ref):
    h = pl.program_id(1)
    inv = 1.0 / jnp.maximum(den_ref[0], 1e-9)
    xb = jnp.maximum(rst_ref[0] * inv + b_ref[0], 0.0)
    acc = jnp.dot(xb, w_ref[0], preferred_element_type=jnp.float32)

    @pl.when(h == 0)
    def _():
      h_ref[...] = acc

    @pl.when(h > 0)
    def _():
      h_ref[...] = h_ref[...] + acc

    @pl.when(h == heads - 1)
    def _():
      hf = h_ref[...]
      el_ref[0, 0] = jnp.sum(hf * al_ref[0], axis=1)
      er_ref[0, 0] = jnp.sum(hf * ar_ref[0], axis=1)

  return pl.pallas_call(
      body,
      grid=(nb, heads),
      in_specs=[
          pl.BlockSpec((1, blk, DIM), lambda i, h: (h, i, 0)),
          pl.BlockSpec((1, blk, 1), lambda i, h: (h, i, 0)),
          pl.BlockSpec((1, 1, DIM), lambda i, h: (h, 0, 0)),
          pl.BlockSpec((1, DIM, DIM), lambda i, h: (h, 0, 0)),
          pl.BlockSpec((1, 1, DIM), lambda i, h: (0, 0, 0)),
          pl.BlockSpec((1, 1, DIM), lambda i, h: (0, 0, 0)),
      ],
      out_specs=[
          pl.BlockSpec((blk, DIM), lambda i, h: (i, 0)),
          pl.BlockSpec((1, 1, blk), lambda i, h: (0, 0, i)),
          pl.BlockSpec((1, 1, blk), lambda i, h: (0, 0, i)),
      ],
      out_shape=[
          jax.ShapeDtypeStruct((n, DIM), jnp.float32),
          jax.ShapeDtypeStruct((1, 1, n), jnp.float32),
          jax.ShapeDtypeStruct((1, 1, n), jnp.float32),
      ],
      interpret=interpret,
  )


def _make_tc_combine(n, blk, interpret=False):
  nb = pl.cdiv(n, blk)

  def body(p_ref, d_ref, b_ref, o_ref):
    inv = 1.0 / jnp.maximum(d_ref[0] + d_ref[1], 1e-9)
    o_ref[...] = (p_ref[0] + p_ref[1]) * inv + b_ref[0]

  return pl.pallas_call(
      body,
      grid=(nb,),
      in_specs=[
          pl.BlockSpec((2, blk, DIM), lambda i: (0, i, 0)),
          pl.BlockSpec((2, blk, 1), lambda i: (0, i, 0)),
          pl.BlockSpec((1, 1, DIM), lambda i: (0, 0, 0)),
      ],
      out_specs=pl.BlockSpec((blk, DIM), lambda i: (i, 0)),
      out_shape=jax.ShapeDtypeStruct((n, DIM), jnp.float32),
      interpret=interpret,
  )



def _make_sc_layer(hpc, n, e, k, interpret=False):
  ept = e // NS
  ng = k // LN
  nheads = hpc * NC if hpc > 1 else 1
  out_rows = (nheads if hpc > 1 else NC) * n
  span = -(-(n // NS) // 8) * 8
  last = n - (NS - 1) * span
  assert 0 < last <= span and last % 8 == 0

  mesh = plsc.VectorSubcoreMesh(core_axis_name="c", subcore_axis_name="s",
                                num_cores=NC, num_subcores=NS)

  scratch = (
      [pltpu.VMEM((k,), jnp.int32) for _ in range(2)]
      + [pltpu.VMEM((k,), jnp.int32) for _ in range(2)]
      + [pltpu.VMEM((k,), jnp.int32) for _ in range(2)]
      + [pltpu.VMEM((k,), jnp.int32) for _ in range(2)]
      + [pltpu.VMEM((k,), jnp.float32) for _ in range(2)]
      + [pltpu.VMEM((k,), jnp.float32) for _ in range(2)]
      + [pltpu.VMEM((k,), jnp.float32)]
      + [pltpu.VMEM((k, DIM), jnp.float32) for _ in range(2)]
      + [pltpu.VMEM((n,), jnp.float32)]
      + [pltpu.SemaphoreType.DMA for _ in range(6)]
      + [pltpu.MemorySpace.VMEM_SHARED((n, DIM), jnp.float32)]
      + [pltpu.MemorySpace.VMEM_SHARED((n,), jnp.float32) for _ in range(hpc)])

  @functools.partial(
      pl.kernel,
      out_type=[
          jax.ShapeDtypeStruct((out_rows, DIM), jnp.float32),
          jax.ShapeDtypeStruct((out_rows,), jnp.float32),
      ],
      mesh=mesh,
      scratch_types=scratch,
      compiler_params=pltpu.CompilerParams(needs_layout_passes=False),
      interpret=interpret,
  )
  def sc_layer(src_hbm, dst_hbm, el_hbm, er_hbm, h_hbm, zrow_hbm, znode_hbm,
               out_hbm, den_hbm, *refs):
    srcb = refs[0:2]
    dstb = refs[2:4]
    gidx = refs[4:6]
    gidx2 = refs[6:8]
    elg = refs[8:10]
    erg = refs[10:12]
    exb = refs[12]
    rows_v = refs[13:15]
    denv = refs[15]
    semE = refs[16:18]
    semF = refs[18:20]
    semR = refs[20:22]
    acc_sh = refs[22]
    dens = refs[23:]
    c = lax.axis_index("c")
    s = lax.axis_index("s")
    e0 = s * ept

    @pl.when(s == 0)
    def _():
      for d in dens:
        pltpu.sync_copy(znode_hbm, d)

    plsc.subcore_barrier()

    for p in range(hpc):
      @pl.when(s == 0)
      def _():
        pltpu.sync_copy(zrow_hbm, acc_sh)

      plsc.subcore_barrier()

      if hpc > 1:
        b_lo = 0
        nch = ept // k
        hoff = (hpc * c + p) * n
        orow = (hpc * c + p) * n
      else:
        b_lo = c * (ept // 2)
        nch = (ept // 2) // k
        hoff = None
        orow = c * n

      def stage(i, b, b_lo=b_lo, hoff=hoff):
        base = jnp.minimum(e0 + b_lo + i * k, e - k)
        pltpu.sync_copy(src_hbm.at[pl.ds(base, k)], srcb[b])
        pltpu.sync_copy(dst_hbm.at[pl.ds(base, k)], dstb[b])
        if hoff is not None:
          for g in range(ng):
            sl = pl.ds(g * LN, LN)
            gidx[b][sl] = srcb[b][sl] + hoff
            gidx2[b][sl] = dstb[b][sl] + hoff
          si, di = gidx[b], gidx2[b]
        else:
          si, di = srcb[b], dstb[b]
        pltpu.async_copy(el_hbm.at[si], elg[b], semE[b])
        pltpu.async_copy(er_hbm.at[di], erg[b], semF[b])
        pltpu.async_copy(h_hbm.at[si], rows_v[b], semR[b])

      def consume(i, b, p=p):
        pltpu.make_async_copy(el_hbm.at[pl.ds(0, k)], elg[b], semE[b]).wait()
        pltpu.make_async_copy(er_hbm.at[pl.ds(0, k)], erg[b], semF[b]).wait()
        for g in range(ng):
          sl = pl.ds(g * LN, LN)
          x = elg[b][sl] + erg[b][sl]
          exb[sl] = jnp.exp(jnp.maximum(x, 0.2 * x))
        pltpu.sync_copy(exb, dens[p].at[dstb[b]], add=True)
        stage(i + 1, 1 - b)
        pltpu.make_async_copy(h_hbm.at[pl.ds(0, k)], rows_v[b], semR[b]).wait()

        def row_fn(r, cr):
          a = plsc.load_gather(
              exb, [jnp.broadcast_to(r, (LN,)).astype(jnp.int32)])
          for cc in range(DIM // LN):
            rows_v[b][r, pl.ds(cc * LN, LN)] = (
                rows_v[b][r, pl.ds(cc * LN, LN)] * a)
          return cr

        lax.fori_loop(0, k, row_fn, 0)
        pltpu.sync_copy(rows_v[b], acc_sh.at[dstb[b]], add=True)

      stage(0, 0)

      def pair(j, carry):
        consume(2 * j, 0)
        consume(2 * j + 1, 1)
        return carry

      lax.fori_loop(0, nch // 2, pair, 0)
      if nch % 2:
        consume(nch - 1, 0)
        tail = 1
      else:
        tail = 0
      pltpu.make_async_copy(el_hbm.at[pl.ds(0, k)], elg[tail], semE[tail]).wait()
      pltpu.make_async_copy(er_hbm.at[pl.ds(0, k)], erg[tail], semF[tail]).wait()
      pltpu.make_async_copy(h_hbm.at[pl.ds(0, k)], rows_v[tail], semR[tail]).wait()
      plsc.subcore_barrier()

      @pl.when(s < NS - 1)
      def _(orow=orow):
        r0 = s * span
        pltpu.sync_copy(acc_sh.at[pl.ds(r0, span)],
                        out_hbm.at[pl.ds(orow + r0, span)])

      @pl.when(s == NS - 1)
      def _(orow=orow):
        r0 = (NS - 1) * span
        pltpu.sync_copy(acc_sh.at[pl.ds(r0, last)],
                        out_hbm.at[pl.ds(orow + r0, last)])

      @pl.when(s == 0)
      def _(orow=orow, p=p):
        pltpu.sync_copy(dens[p], denv)
        pltpu.sync_copy(denv, den_hbm.at[pl.ds(orow, n)])

      if p + 1 < hpc:
        plsc.subcore_barrier()

  return sc_layer



_TC_BLK = 1024
_K = 80


def _gat_pipeline(n, e, blk, k, interpret=False):
  tc1 = _make_tc_proj(n, NH, blk, interpret)
  sc1 = _make_sc_layer(2, n, e, k, interpret)
  tc2 = _make_tc_mid(n, NH, blk, interpret)
  sc2 = _make_sc_layer(1, n, e, k, interpret)
  tc3 = _make_tc_combine(n, blk, interpret)

  def run(features, edge_index, W1, al1, ar1, b1, W2, al2, ar2, b2):
    src = edge_index[0].astype(jnp.int32)
    dst = edge_index[1].astype(jnp.int32)
    zrow = jnp.zeros((n, DIM), jnp.float32)
    znode = jnp.zeros((n,), jnp.float32)

    w1r = W1.reshape(DIM, NH, DIM).transpose(1, 0, 2)
    h1, el1, er1 = tc1(features, w1r, al1.reshape(NH, 1, DIM),
                       ar1.reshape(NH, 1, DIM))
    rst1, den1 = sc1(src, dst, el1.reshape(NH * n), er1.reshape(NH * n),
                     h1.reshape(NH * n, DIM), zrow, znode)

    w2r = W2.reshape(NH, DIM, DIM)
    h2, el2, er2 = tc2(rst1.reshape(NH, n, DIM), den1.reshape(NH, n, 1),
                       b1.reshape(NH, 1, DIM), w2r,
                       al2.reshape(1, 1, DIM), ar2.reshape(1, 1, DIM))
    rst2, den2 = sc2(src, dst, el2.reshape(n), er2.reshape(n), h2, zrow,
                     znode)
    return tc3(rst2.reshape(NC, n, DIM), den2.reshape(NC, n, 1),
               b2.reshape(1, 1, DIM))

  return run


_run = _gat_pipeline(NN, NE, _TC_BLK, _K)


def kernel(features, edge_index, edge_feats, W1, al1, ar1, b1, W2, al2, ar2,
           b2):
  del edge_feats
  return _run(features, edge_index, W1, al1, ar1, b1, W2, al2, ar2, b2)

# --- scband reference (transcript-rebuilt; emitter-appended) ---
"""Pipeline reference for scband-gatlayer-78151224918247 (READ-ONLY COPY).

The authoritative reference and input builder live on the scoring server;
editing this copy changes nothing except your own understanding.
"""

import jax, jax.numpy as jnp
import numpy as np

N = 10000
E = 320000
IN_FEATS = 128
HIDDEN = 128
OUT_FEATS = 128
HEADS = 4


def _gat_conv(x, src, dst, W, attn_l, attn_r, bias, heads, out_dim, n_nodes):
    # feat projection: [N, in] @ [in, heads*out] -> [N, heads, out]
    h = (x @ W).reshape(n_nodes, heads, out_dim)
    el = jnp.sum(h * attn_l[None, :, :], axis=-1)  # [N, H]
    er = jnp.sum(h * attn_r[None, :, :], axis=-1)  # [N, H]
    e = jax.nn.leaky_relu(el[src] + er[dst], negative_slope=0.2)  # [E, H]
    # edge softmax over incoming edges of each dst node
    m = jax.ops.segment_max(e, dst, num_segments=n_nodes)
    m = jnp.where(jnp.isfinite(m), m, 0.0)
    ex = jnp.exp(e - m[dst])
    denom = jax.ops.segment_sum(ex, dst, num_segments=n_nodes)
    alpha = ex / jnp.maximum(denom[dst], 1e-9)  # [E, H]
    msg = h[src] * alpha[:, :, None]  # [E, H, out]
    rst = jax.ops.segment_sum(msg, dst, num_segments=n_nodes)  # [N, H, out]
    return rst + bias.reshape(1, heads, out_dim)


def setup_inputs(seed: int = 0) -> dict:
    key = jax.random.key(seed)
    ks = [jax.random.fold_in(key, i) for i in range(12)]
    features = jax.random.normal(ks[0], (N, IN_FEATS), dtype=jnp.float32)
    edge_index = jax.random.randint(ks[1], (2, E), 0, N, dtype=jnp.int64)
    edge_feats = jax.random.normal(ks[2], (E,), dtype=jnp.float32)
    s1 = 1.0 / np.sqrt(IN_FEATS)
    s2 = 1.0 / np.sqrt(HIDDEN * HEADS)
    W1 = jax.random.uniform(ks[3], (IN_FEATS, HEADS * HIDDEN), jnp.float32, -s1, s1)
    al1 = jax.random.normal(ks[4], (HEADS, HIDDEN), dtype=jnp.float32) * 0.1
    ar1 = jax.random.normal(ks[5], (HEADS, HIDDEN), dtype=jnp.float32) * 0.1
    b1 = jnp.zeros((HEADS * HIDDEN,), dtype=jnp.float32)
    W2 = jax.random.uniform(ks[6], (HEADS * HIDDEN, 1 * OUT_FEATS), jnp.float32, -s2, s2)
    al2 = jax.random.normal(ks[7], (1, OUT_FEATS), dtype=jnp.float32) * 0.1
    ar2 = jax.random.normal(ks[8], (1, OUT_FEATS), dtype=jnp.float32) * 0.1
    b2 = jnp.zeros((OUT_FEATS,), dtype=jnp.float32)
    return {"features": features, "edge_index": edge_index, "edge_feats": edge_feats,
            "W1": W1, "al1": al1, "ar1": ar1, "b1": b1,
            "W2": W2, "al2": al2, "ar2": ar2, "b2": b2}


def reference(features, edge_index, edge_feats, W1, al1, ar1, b1, W2, al2, ar2, b2):
    # Note: the torch module's initialize_weights is a no-op because dgl GATConv
    # has no attribute 'weight' (it uses fc.weight); edge_feats does not enter compute.
    src = edge_index[0]
    dst = edge_index[1]
    x = _gat_conv(features, src, dst, W1, al1, ar1, b1, HEADS, HIDDEN, N)
    x = x.reshape(N, HEADS * HIDDEN)
    x = jax.nn.relu(x)
    x = _gat_conv(x, src, dst, W2, al2, ar2, b2, 1, OUT_FEATS, N)
    x = x.reshape(N, OUT_FEATS)
    return x

if __name__ == "__main__":
    import jax
    _d = setup_inputs()
    print(jax.jit(kernel)(*tuple(_d.values())))

</pallas_src>

<mosaic_0001>
#map = affine_map<(d0, d1) -> (0)>
#map1 = affine_map<(d0, d1) -> (0, 0)>
module attributes {stable_mosaic.version = 14 : i64} {
  func.func @sc_layer(%arg0: i32, %arg1: i32, %arg2: memref<320000xi32, #tpu.memory_space<hbm>>, %arg3: memref<320000xi32, #tpu.memory_space<hbm>>, %arg4: memref<40000xf32, #tpu.memory_space<hbm>>, %arg5: memref<40000xf32, #tpu.memory_space<hbm>>, %arg6: memref<40000x128xf32, #tpu.memory_space<hbm>>, %arg7: memref<10000x128xf32, #tpu.memory_space<hbm>>, %arg8: memref<10000xf32, #tpu.memory_space<hbm>>, %arg9: memref<40000x128xf32, #tpu.memory_space<hbm>>, %arg10: memref<40000xf32, #tpu.memory_space<hbm>>, %arg11: memref<80xi32, #tpu.memory_space<vmem>>, %arg12: memref<80xi32, #tpu.memory_space<vmem>>, %arg13: memref<80xi32, #tpu.memory_space<vmem>>, %arg14: memref<80xi32, #tpu.memory_space<vmem>>, %arg15: memref<80xi32, #tpu.memory_space<vmem>>, %arg16: memref<80xi32, #tpu.memory_space<vmem>>, %arg17: memref<80xi32, #tpu.memory_space<vmem>>, %arg18: memref<80xi32, #tpu.memory_space<vmem>>, %arg19: memref<80xf32, #tpu.memory_space<vmem>>, %arg20: memref<80xf32, #tpu.memory_space<vmem>>, %arg21: memref<80xf32, #tpu.memory_space<vmem>>, %arg22: memref<80xf32, #tpu.memory_space<vmem>>, %arg23: memref<80xf32, #tpu.memory_space<vmem>>, %arg24: memref<80x128xf32, #tpu.memory_space<vmem>>, %arg25: memref<80x128xf32, #tpu.memory_space<vmem>>, %arg26: memref<10000xf32, #tpu.memory_space<vmem>>, %arg27: memref<!tpu.dma_semaphore, #tpu.memory_space<semaphore_mem>>, %arg28: memref<!tpu.dma_semaphore, #tpu.memory_space<semaphore_mem>>, %arg29: memref<!tpu.dma_semaphore, #tpu.memory_space<semaphore_mem>>, %arg30: memref<!tpu.dma_semaphore, #tpu.memory_space<semaphore_mem>>, %arg31: memref<!tpu.dma_semaphore, #tpu.memory_space<semaphore_mem>>, %arg32: memref<!tpu.dma_semaphore, #tpu.memory_space<semaphore_mem>>, %arg33: memref<10000x128xf32, #tpu.memory_space<vmem_shared>>, %arg34: memref<10000xf32, #tpu.memory_space<vmem_shared>>, %arg35: memref<10000xf32, #tpu.memory_space<vmem_shared>>) attributes {dimension_semantics = [#tpu.dimension_semantics<core_parallel>, #tpu.dimension_semantics<subcore_parallel>], iteration_bounds = array<i64: 2, 16>, scalar_prefetch = 0 : i64, scratch_operands = 25 : i64, tpu.core_type = #tpu.core_type<sc_vector_subcore>, window_params = [{transform_indices = #map}, {transform_indices = #map}, {transform_indices = #map}, {transform_indices = #map}, {transform_indices = #map1}, {transform_indices = #map1}, {transform_indices = #map}, {transform_indices = #map1}, {transform_indices = #map}]} {
    %mul3A = arith.constant 20000 : i32
    %mul3A_0 = arith.muli %arg1, %mul3A : i32
    %eq3A = arith.constant 0 : i32
    %eq3A_1 = arith.cmpi eq, %arg1, %eq3A : i32
    %convert_element_type3A = arith.extui %eq3A_1 : i1 to i32
    %cond3A = arith.constant 0 : i32
    %cond3A_2 = arith.cmpi ne, %convert_element_type3A, %cond3A : i32
    scf.if %cond3A_2 {
      "tpu.region"() ({
        %run_scoped3A = tpu.sem_alloc : memref<!tpu.dma_semaphore, #tpu.memory_space<semaphore_mem>>
        tpu.enqueue_dma source(%arg8 : memref<10000xf32, #tpu.memory_space<hbm>>) target(%arg34 : memref<10000xf32, #tpu.memory_space<vmem_shared>>) target_semaphore(%run_scoped3A : memref<!tpu.dma_semaphore, #tpu.memory_space<semaphore_mem>>)
        tpu.wait_dma2 semaphore(%run_scoped3A : memref<!tpu.dma_semaphore, #tpu.memory_space<semaphore_mem>>) src(%arg8 : memref<10000xf32, #tpu.memory_space<hbm>>) dst(%arg34 : memref<10000xf32, #tpu.memory_space<vmem_shared>>)
        tpu.yield
      }) : () -> ()
      "tpu.region"() ({
        %run_scoped3A = tpu.sem_alloc : memref<!tpu.dma_semaphore, #tpu.memory_space<semaphore_mem>>
        tpu.enqueue_dma source(%arg8 : memref<10000xf32, #tpu.memory_space<hbm>>) target(%arg35 : memref<10000xf32, #tpu.memory_space<vmem_shared>>) target_semaphore(%run_scoped3A : memref<!tpu.dma_semaphore, #tpu.memory_space<semaphore_mem>>)
        tpu.wait_dma2 semaphore(%run_scoped3A : memref<!tpu.dma_semaphore, #tpu.memory_space<semaphore_mem>>) src(%arg8 : memref<10000xf32, #tpu.memory_space<hbm>>) dst(%arg35 : memref<10000xf32, #tpu.memory_space<vmem_shared>>)
        tpu.yield
      }) : () -> ()
    } else {
    }
    %barrier3A = arith.constant 0 : index
    tpu.barrier barrier_id(%barrier3A)
    %eq3A_3 = arith.constant 0 : i32
    %eq3A_4 = arith.cmpi eq, %arg1, %eq3A_3 : i32
    %convert_element_type3A_5 = arith.extui %eq3A_4 : i1 to i32
    %cond3A_6 = arith.constant 0 : i32
    %cond3A_7 = arith.cmpi ne, %convert_element_type3A_5, %cond3A_6 : i32
    scf.if %cond3A_7 {
      "tpu.region"() ({
        %run_scoped3A = tpu.sem_alloc : memref<!tpu.dma_semaphore, #tpu.memory_space<semaphore_mem>>
        tpu.enqueue_dma source(%arg7 : memref<10000x128xf32, #tpu.memory_space<hbm>>) target(%arg33 : memref<10000x128xf32, #tpu.memory_space<vmem_shared>>) target_semaphore(%run_scoped3A : memref<!tpu.dma_semaphore, #tpu.memory_space<semaphore_mem>>)
        tpu.wait_dma2 semaphore(%run_scoped3A : memref<!tpu.dma_semaphore, #tpu.memory_space<semaphore_mem>>) src(%arg7 : memref<10000x128xf32, #tpu.memory_space<hbm>>) dst(%arg33 : memref<10000x128xf32, #tpu.memory_space<vmem_shared>>)
        tpu.yield
      }) : () -> ()
    } else {
    }
    %barrier3A_8 = arith.constant 0 : index
    tpu.barrier barrier_id(%barrier3A_8)
    %mul3A_9 = arith.constant 2 : i32
    %mul3A_10 = arith.muli %mul3A_9, %arg0 : i32
    %add3A = arith.constant 0 : i32
    %add3A_11 = arith.addi %mul3A_10, %add3A : i32
    %mul3A_12 = arith.constant 10000 : i32
    %mul3A_13 = arith.muli %add3A_11, %mul3A_12 : i32
    %mul3A_14 = arith.constant 2 : i32
    %mul3A_15 = arith.muli %mul3A_14, %arg0 : i32
    %add3A_16 = arith.constant 0 : i32
    %add3A_17 = arith.addi %mul3A_15, %add3A_16 : i32
    %mul3A_18 = arith.constant 10000 : i32
    %mul3A_19 = arith.muli %add3A_17, %mul3A_18 : i32
    %add3A_20 = arith.constant 0 : i32
    %add3A_21 = arith.addi %mul3A_0, %add3A_20 : i32
    %add3A_22 = arith.constant 0 : i32
    %add3A_23 = arith.addi %add3A_21, %add3A_22 : i32
    %min3A = arith.constant 319920 : i32
    %min3A_24 = arith.minsi %add3A_23, %min3A : i32
    "tpu.region"() ({
      %run_scoped3A = tpu.sem_alloc : memref<!tpu.dma_semaphore, #tpu.memory_space<semaphore_mem>>
      %dma_start3A_250 = tpu.memref_slice %arg2[%min3A_24] : memref<320000xi32, #tpu.memory_space<hbm>> -> memref<80xi32, #tpu.memory_space<hbm>>
      %dma_start3A_251 = tpu.memref_slice %arg2[%min3A_24] : memref<320000xi32, #tpu.memory_space<hbm>> -> memref<80xi32, #tpu.memory_space<hbm>>
      tpu.enqueue_dma source(%dma_start3A_251 : memref<80xi32, #tpu.memory_space<hbm>>) target(%arg11 : memref<80xi32, #tpu.memory_space<vmem>>) target_semaphore(%run_scoped3A : memref<!tpu.dma_semaphore, #tpu.memory_space<semaphore_mem>>)
      %dma_wait3A_252 = tpu.memref_slice %arg2[%min3A_24] : memref<320000xi32, #tpu.memory_space<hbm>> -> memref<80xi32, #tpu.memory_space<hbm>>
      %dma_wait3A_253 = tpu.memref_slice %arg2[%min3A_24] : memref<320000xi32, #tpu.memory_space<hbm>> -> memref<80xi32, #tpu.memory_space<hbm>>
      tpu.wait_dma2 semaphore(%run_scoped3A : memref<!tpu.dma_semaphore, #tpu.memory_space<semaphore_mem>>) src(%dma_wait3A_253 : memref<80xi32, #tpu.memory_space<hbm>>) dst(%arg11 : memref<80xi32, #tpu.memory_space<vmem>>)
      tpu.yield
    }) : () -> ()
    "tpu.region"() ({
      %run_scoped3A = tpu.sem_alloc : memref<!tpu.dma_semaphore, #tpu.memory_space<semaphore_mem>>
      %dma_start3A_250 = tpu.memref_slice %arg3[%min3A_24] : memref<320000xi32, #tpu.memory_space<hbm>> -> memref<80xi32, #tpu.memory_space<hbm>>
      %dma_start3A_251 = tpu.memref_slice %arg3[%min3A_24] : memref<320000xi32, #tpu.memory_space<hbm>> -> memref<80xi32, #tpu.memory_space<hbm>>
      tpu.enqueue_dma source(%dma_start3A_251 : memref<80xi32, #tpu.memory_space<hbm>>) target(%arg13 : memref<80xi32, #tpu.memory_space<vmem>>) target_semaphore(%run_scoped3A : memref<!tpu.dma_semaphore, #tpu.memory_space<semaphore_mem>>)
      %dma_wait3A_252 = tpu.memref_slice %arg3[%min3A_24] : memref<320000xi32, #tpu.memory_space<hbm>> -> memref<80xi32, #tpu.memory_space<hbm>>
      %dma_wait3A_253 = tpu.memref_slice %arg3[%min3A_24] : memref<320000xi32, #tpu.memory_space<hbm>> -> memref<80xi32, #tpu.memory_space<hbm>>
      tpu.wait_dma2 semaphore(%run_scoped3A : memref<!tpu.dma_semaphore, #tpu.memory_space<semaphore_mem>>) src(%dma_wait3A_253 : memref<80xi32, #tpu.memory_space<hbm>>) dst(%arg13 : memref<80xi32, #tpu.memory_space<vmem>>)
      tpu.yield
    }) : () -> ()
    %get3A = arith.constant 0 : index
    %get3A_25 = tpu.vector_load %arg11[%get3A] {strides = array<i32>} : memref<80xi32, #tpu.memory_space<vmem>>, vector<16xi32>,
    %add3A_26 = vector.broadcast %mul3A_13 : i32 to vector<16xi32>
    %add3A_27 = arith.addi %get3A_25, %add3A_26 : vector<16xi32>
    %swap3A = arith.constant 0 : index
    %swap3A_28 = tpu.vector_load %arg15[%swap3A] {strides = array<i32>} : memref<80xi32, #tpu.memory_space<vmem>>, vector<16xi32>,
    tpu.vector_store %arg15[%swap3A], %add3A_27 {strides = array<i32>} : memref<80xi32, #tpu.memory_space<vmem>>, vector<16xi32>,
    %get3A_29 = arith.constant 0 : index
    %get3A_30 = tpu.vector_load %arg13[%get3A_29] {strides = array<i32>} : memref<80xi32, #tpu.memory_space<vmem>>, vector<16xi32>,
    %add3A_31 = vector.broadcast %mul3A_13 : i32 to vector<16xi32>
    %add3A_32 = arith.addi %get3A_30, %add3A_31 : vector<16xi32>
    %swap3A_33 = arith.constant 0 : index
    %swap3A_34 = tpu.vector_load %arg17[%swap3A_33] {strides = array<i32>} : memref<80xi32, #tpu.memory_space<vmem>>, vector<16xi32>,
    tpu.vector_store %arg17[%swap3A_33], %add3A_32 {strides = array<i32>} : memref<80xi32, #tpu.memory_space<vmem>>, vector<16xi32>,
    %get3A_35 = arith.constant 16 : index
    %get3A_36 = tpu.vector_load %arg11[%get3A_35] {strides = array<i32>} : memref<80xi32, #tpu.memory_space<vmem>>, vector<16xi32>,
    %add3A_37 = vector.broadcast %mul3A_13 : i32 to vector<16xi32>
    %add3A_38 = arith.addi %get3A_36, %add3A_37 : vector<16xi32>
    %swap3A_39 = arith.constant 16 : index
    %swap3A_40 = tpu.vector_load %arg15[%swap3A_39] {strides = array<i32>} : memref<80xi32, #tpu.memory_space<vmem>>, vector<16xi32>,
    tpu.vector_store %arg15[%swap3A_39], %add3A_38 {strides = array<i32>} : memref<80xi32, #tpu.memory_space<vmem>>, vector<16xi32>,
    %get3A_41 = arith.constant 16 : index
    %get3A_42 = tpu.vector_load %arg13[%get3A_41] {strides = array<i32>} : memref<80xi32, #tpu.memory_space<vmem>>, vector<16xi32>,
    %add3A_43 = vector.broadcast %mul3A_13 : i32 to vector<16xi32>
    %add3A_44 = arith.addi %get3A_42, %add3A_43 : vector<16xi32>
    %swap3A_45 = arith.constant 16 : index
    %swap3A_46 = tpu.vector_load %arg17[%swap3A_45] {strides = array<i32>} : memref<80xi32, #tpu.memory_space<vmem>>, vector<16xi32>,
    tpu.vector_store %arg17[%swap3A_45], %add3A_44 {strides = array<i32>} : memref<80xi32, #tpu.memory_space<vmem>>, vector<16xi32>,
    %get3A_47 = arith.constant 32 : index
    %get3A_48 = tpu.vector_load %arg11[%get3A_47] {strides = array<i32>} : memref<80xi32, #tpu.memory_space<vmem>>, vector<16xi32>,
    %add3A_49 = vector.broadcast %mul3A_13 : i32 to vector<16xi32>
    %add3A_50 = arith.addi %get3A_48, %add3A_49 : vector<16xi32>
    %swap3A_51 = arith.constant 32 : index
    %swap3A_52 = tpu.vector_load %arg15[%swap3A_51] {strides = array<i32>} : memref<80xi32, #tpu.memory_space<vmem>>, vector<16xi32>,
    tpu.vector_store %arg15[%swap3A_51], %add3A_50 {strides = array<i32>} : memref<80xi32, #tpu.memory_space<vmem>>, vector<16xi32>,
    %get3A_53 = arith.constant 32 : index
    %get3A_54 = tpu.vector_load %arg13[%get3A_53] {strides = array<i32>} : memref<80xi32, #tpu.memory_space<vmem>>, vector<16xi32>,
    %add3A_55 = vector.broadcast %mul3A_13 : i32 to vector<16xi32>
    %add3A_56 = arith.addi %get3A_54, %add3A_55 : vector<16xi32>
    %swap3A_57 = arith.constant 32 : index
    %swap3A_58 = tpu.vector_load %arg17[%swap3A_57] {strides = array<i32>} : memref<80xi32, #tpu.memory_space<vmem>>, vector<16xi32>,
    tpu.vector_store %arg17[%swap3A_57], %add3A_56 {strides = array<i32>} : memref<80xi32, #tpu.memory_space<vmem>>, vector<16xi32>,
    %get3A_59 = arith.constant 48 : index
    %get3A_60 = tpu.vector_load %arg11[%get3A_59] {strides = array<i32>} : memref<80xi32, #tpu.memory_space<vmem>>, vector<16xi32>,
    %add3A_61 = vector.broadcast %mul3A_13 : i32 to vector<16xi32>
    %add3A_62 = arith.addi %get3A_60, %add3A_61 : vector<16xi32>
    %swap3A_63 = arith.constant 48 : index
    %swap3A_64 = tpu.vector_load %arg15[%swap3A_63] {strides = array<i32>} : memref<80xi32, #tpu.memory_space<vmem>>, vector<16xi32>,
    tpu.vector_store %arg15[%swap3A_63], %add3A_62 {strides = array<i32>} : memref<80xi32, #tpu.memory_space<vmem>>, vector<16xi32>,
    %get3A_65 = arith.constant 48 : index
    %get3A_66 = tpu.vector_load %arg13[%get3A_65] {strides = array<i32>} : memref<80xi32, #tpu.memory_space<vmem>>, vector<16xi32>,
    %add3A_67 = vector.broadcast %mul3A_13 : i32 to vector<16xi32>
    %add3A_68 = arith.addi %get3A_66, %add3A_67 : vector<16xi32>
    %swap3A_69 = arith.constant 48 : index
    %swap3A_70 = tpu.vector_load %arg17[%swap3A_69] {strides = array<i32>} : memref<80xi32, #tpu.memory_space<vmem>>, vector<16xi32>,
    tpu.vector_store %arg17[%swap3A_69], %add3A_68 {strides = array<i32>} : memref<80xi32, #tpu.memory_space<vmem>>, vector<16xi32>,
    %get3A_71 = arith.constant 64 : index
    %get3A_72 = tpu.vector_load %arg11[%get3A_71] {strides = array<i32>} : memref<80xi32, #tpu.memory_space<vmem>>, vector<16xi32>,
    %add3A_73 = vector.broadcast %mul3A_13 : i32 to vector<16xi32>
    %add3A_74 = arith.addi %get3A_72, %add3A_73 : vector<16xi32>
    %swap3A_75 = arith.constant 64 : index
    %swap3A_76 = tpu.vector_load %arg15[%swap3A_75] {strides = array<i32>} : memref<80xi32, #tpu.memory_space<vmem>>, vector<16xi32>,
    tpu.vector_store %arg15[%swap3A_75], %add3A_74 {strides = array<i32>} : memref<80xi32, #tpu.memory_space<vmem>>, vector<16xi32>,
    %get3A_77 = arith.constant 64 : index
    %get3A_78 = tpu.vector_load %arg13[%get3A_77] {strides = array<i32>} : memref<80xi32, #tpu.memory_space<vmem>>, vector<16xi32>,
    %add3A_79 = vector.broadcast %mul3A_13 : i32 to vector<16xi32>
    %add3A_80 = arith.addi %get3A_78, %add3A_79 : vector<16xi32>
    %swap3A_81 = arith.constant 64 : index
    %swap3A_82 = tpu.vector_load %arg17[%swap3A_81] {strides = array<i32>} : memref<80xi32, #tpu.memory_space<vmem>>, vector<16xi32>,
    tpu.vector_store %arg17[%swap3A_81], %add3A_80 {strides = array<i32>} : memref<80xi32, #tpu.memory_space<vmem>>, vector<16xi32>,
    %dma_start3A = arith.constant 0 : i32
    %dma_start3A_83 = tpu.memref_slice %arg4[%dma_start3A] : memref<40000xf32, #tpu.memory_space<hbm>> -> memref<40000xf32, #tpu.memory_space<hbm>>
    tpu.enqueue_indirect_dma source(%dma_start3A_83 : memref<40000xf32, #tpu.memory_space<hbm>>) target(%arg19 : memref<80xf32, #tpu.memory_space<vmem>>) offsets(%arg15 : memref<80xi32, #tpu.memory_space<vmem>>) semaphore(%arg27 : memref<!tpu.dma_semaphore, #tpu.memory_space<semaphore_mem>>)
    %dma_start3A_84 = arith.constant 0 : i32
    %dma_start3A_85 = tpu.memref_slice %arg5[%dma_start3A_84] : memref<40000xf32, #tpu.memory_space<hbm>> -> memref<40000xf32, #tpu.memory_space<hbm>>
    tpu.enqueue_indirect_dma source(%dma_start3A_85 : memref<40000xf32, #tpu.memory_space<hbm>>) target(%arg21 : memref<80xf32, #tpu.memory_space<vmem>>) offsets(%arg17 : memref<80xi32, #tpu.memory_space<vmem>>) semaphore(%arg29 : memref<!tpu.dma_semaphore, #tpu.memory_space<semaphore_mem>>)
    %dma_start3A_86 = arith.constant 0 : i32
    %dma_start3A_87 = arith.constant 0 : i32
    %dma_start3A_88 = tpu.memref_slice %arg6[%dma_start3A_86, %dma_start3A_87] : memref<40000x128xf32, #tpu.memory_space<hbm>> -> memref<40000x128xf32, #tpu.memory_space<hbm>>
    tpu.enqueue_indirect_dma source(%dma_start3A_88 : memref<40000x128xf32, #tpu.memory_space<hbm>>) target(%arg24 : memref<80x128xf32, #tpu.memory_space<vmem>>) offsets(%arg15 : memref<80xi32, #tpu.memory_space<vmem>>) semaphore(%arg31 : memref<!tpu.dma_semaphore, #tpu.memory_space<semaphore_mem>>)
    %scan3A = arith.constant 0 : i32
    %scan3A_89 = arith.constant 0 : i32
    %scan3A_90 = arith.constant 125 : i32
    %scan3A_91 = arith.addi %scan3A_89, %scan3A_90 : i32
    %scan3A_92 = arith.constant 1 : i32
    scf.for %scan3A_250 = %scan3A_89 to %scan3A_91 step %scan3A_92  : i32 {
      %mul3A_251 = arith.constant 2 : i32
      %mul3A_252 = arith.muli %mul3A_251, %scan3A_250 : i32
      %dma_wait3A_253 = arith.constant 0 : i32
      %dma_wait3A_254 = tpu.memref_slice %arg4[%dma_wait3A_253] : memref<40000xf32, #tpu.memory_space<hbm>> -> memref<80xf32, #tpu.memory_space<hbm>>
      %dma_wait3A_255 = arith.constant 0 : i32
      %dma_wait3A_256 = tpu.memref_slice %arg4[%dma_wait3A_255] : memref<40000xf32, #tpu.memory_space<hbm>> -> memref<80xf32, #tpu.memory_space<hbm>>
      tpu.wait_dma2 semaphore(%arg27 : memref<!tpu.dma_semaphore, #tpu.memory_space<semaphore_mem>>) src(%dma_wait3A_256 : memref<80xf32, #tpu.memory_space<hbm>>) dst(%arg19 : memref<80xf32, #tpu.memory_space<vmem>>)
      %dma_wait3A_257 = arith.constant 0 : i32
      %dma_wait3A_258 = tpu.memref_slice %arg5[%dma_wait3A_257] : memref<40000xf32, #tpu.memory_space<hbm>> -> memref<80xf32, #tpu.memory_space<hbm>>
      %dma_wait3A_259 = arith.constant 0 : i32
      %dma_wait3A_260 = tpu.memref_slice %arg5[%dma_wait3A_259] : memref<40000xf32, #tpu.memory_space<hbm>> -> memref<80xf32, #tpu.memory_space<hbm>>
      tpu.wait_dma2 semaphore(%arg29 : memref<!tpu.dma_semaphore, #tpu.memory_space<semaphore_mem>>) src(%dma_wait3A_260 : memref<80xf32, #tpu.memory_space<hbm>>) dst(%arg21 : memref<80xf32, #tpu.memory_space<vmem>>)
      %get3A_261 = arith.constant 0 : index
      %get3A_262 = tpu.vector_load %arg19[%get3A_261] {strides = array<i32>} : memref<80xf32, #tpu.memory_space<vmem>>, vector<16xf32>,
      %get3A_263 = arith.constant 0 : index
      %get3A_264 = tpu.vector_load %arg21[%get3A_263] {strides = array<i32>} : memref<80xf32, #tpu.memory_space<vmem>>, vector<16xf32>,
      %add3A_265 = arith.addf %get3A_262, %get3A_264 : vector<16xf32>
      %mul3A_266 = arith.constant 2.000000e-01 : f32
      %mul3A_267 = vector.broadcast %mul3A_266 : f32 to vector<16xf32>
      %mul3A_268 = arith.mulf %mul3A_267, %add3A_265 : vector<16xf32>
      %max3A = arith.maximumf %add3A_265, %mul3A_268 : vector<16xf32>
      %exp3A = math.exp %max3A : vector<16xf32>
      %swap3A_269 = arith.constant 0 : index
      %swap3A_270 = tpu.vector_load %arg23[%swap3A_269] {strides = array<i32>} : memref<80xf32, #tpu.memory_space<vmem>>, vector<16xf32>,
      tpu.vector_store %arg23[%swap3A_269], %exp3A {strides = array<i32>} : memref<80xf32, #tpu.memory_space<vmem>>, vector<16xf32>,
      %get3A_271 = arith.constant 16 : index
      %get3A_272 = tpu.vector_load %arg19[%get3A_271] {strides = array<i32>} : memref<80xf32, #tpu.memory_space<vmem>>, vector<16xf32>,
      %get3A_273 = arith.constant 16 : index
      %get3A_274 = tpu.vector_load %arg21[%get3A_273] {strides = array<i32>} : memref<80xf32, #tpu.memory_space<vmem>>, vector<16xf32>,
      %add3A_275 = arith.addf %get3A_272, %get3A_274 : vector<16xf32>
      %mul3A_276 = arith.constant 2.000000e-01 : f32
      %mul3A_277 = vector.broadcast %mul3A_276 : f32 to vector<16xf32>
      %mul3A_278 = arith.mulf %mul3A_277, %add3A_275 : vector<16xf32>
      %max3A_279 = arith.maximumf %add3A_275, %mul3A_278 : vector<16xf32>
      %exp3A_280 = math.exp %max3A_279 : vector<16xf32>
      %swap3A_281 = arith.constant 16 : index
      %swap3A_282 = tpu.vector_load %arg23[%swap3A_281] {strides = array<i32>} : memref<80xf32, #tpu.memory_space<vmem>>, vector<16xf32>,
      tpu.vector_store %arg23[%swap3A_281], %exp3A_280 {strides = array<i32>} : memref<80xf32, #tpu.memory_space<vmem>>, vector<16xf32>,
      %get3A_283 = arith.constant 32 : index
      %get3A_284 = tpu.vector_load %arg19[%get3A_283] {strides = array<i32>} : memref<80xf32, #tpu.memory_space<vmem>>, vector<16xf32>,
      %get3A_285 = arith.constant 32 : index
      %get3A_286 = tpu.vector_load %arg21[%get3A_285] {strides = array<i32>} : memref<80xf32, #tpu.memory_space<vmem>>, vector<16xf32>,
      %add3A_287 = arith.addf %get3A_284, %get3A_286 : vector<16xf32>
      %mul3A_288 = arith.constant 2.000000e-01 : f32
      %mul3A_289 = vector.broadcast %mul3A_288 : f32 to vector<16xf32>
      %mul3A_290 = arith.mulf %mul3A_289, %add3A_287 : vector<16xf32>
      %max3A_291 = arith.maximumf %add3A_287, %mul3A_290 : vector<16xf32>
      %exp3A_292 = math.exp %max3A_291 : vector<16xf32>
      %swap3A_293 = arith.constant 32 : index
      %swap3A_294 = tpu.vector_load %arg23[%swap3A_293] {strides = array<i32>} : memref<80xf32, #tpu.memory_space<vmem>>, vector<16xf32>,
      tpu.vector_store %arg23[%swap3A_293], %exp3A_292 {strides = array<i32>} : memref<80xf32, #tpu.memory_space<vmem>>, vector<16xf32>,
      %get3A_295 = arith.constant 48 : index
      %get3A_296 = tpu.vector_load %arg19[%get3A_295] {strides = array<i32>} : memref<80xf32, #tpu.memory_space<vmem>>, vector<16xf32>,
      %get3A_297 = arith.constant 48 : index
      %get3A_298 = tpu.vector_load %arg21[%get3A_297] {strides = array<i32>} : memref<80xf32, #tpu.memory_space<vmem>>, vector<16xf32>,
      %add3A_299 = arith.addf %get3A_296, %get3A_298 : vector<16xf32>
      %mul3A_300 = arith.constant 2.000000e-01 : f32
      %mul3A_301 = vector.broadcast %mul3A_300 : f32 to vector<16xf32>
      %mul3A_302 = arith.mulf %mul3A_301, %add3A_299 : vector<16xf32>
      %max3A_303 = arith.maximumf %add3A_299, %mul3A_302 : vector<16xf32>
      %exp3A_304 = math.exp %max3A_303 : vector<16xf32>
      %swap3A_305 = arith.constant 48 : index
      %swap3A_306 = tpu.vector_load %arg23[%swap3A_305] {strides = array<i32>} : memref<80xf32, #tpu.memory_space<vmem>>, vector<16xf32>,
      tpu.vector_store %arg23[%swap3A_305], %exp3A_304 {strides = array<i32>} : memref<80xf32, #tpu.memory_space<vmem>>, vector<16xf32>,
      %get3A_307 = arith.constant 64 : index
      %get3A_308 = tpu.vector_load %arg19[%get3A_307] {strides = array<i32>} : memref<80xf32, #tpu.memory_space<vmem>>, vector<16xf32>,
      %get3A_309 = arith.constant 64 : index
      %get3A_310 = tpu.vector_load %arg21[%get3A_309] {strides = array<i32>} : memref<80xf32, #tpu.memory_space<vmem>>, vector<16xf32>,
      %add3A_311 = arith.addf %get3A_308, %get3A_310 : vector<16xf32>
      %mul3A_312 = arith.constant 2.000000e-01 : f32
      %mul3A_313 = vector.broadcast %mul3A_312 : f32 to vector<16xf32>
      %mul3A_314 = arith.mulf %mul3A_313, %add3A_311 : vector<16xf32>
      %max3A_315 = arith.maximumf %add3A_311, %mul3A_314 : vector<16xf32>
      %exp3A_316 = math.exp %max3A_315 : vector<16xf32>
      %swap3A_317 = arith.constant 64 : index
      %swap3A_318 = tpu.vector_load %arg23[%swap3A_317] {strides = array<i32>} : memref<80xf32, #tpu.memory_space<vmem>>, vector<16xf32>,
      tpu.vector_store %arg23[%swap3A_317], %exp3A_316 {strides = array<i32>} : memref<80xf32, #tpu.memory_space<vmem>>, vector<16xf32>,
      "tpu.region"() ({
        %run_scoped3A = tpu.sem_alloc : memref<!tpu.dma_semaphore, #tpu.memory_space<semaphore_mem>>
        %dma_start3A_567 = arith.constant 0 : i32
        %dma_start3A_568 = tpu.memref_slice %arg34[%dma_start3A_567] : memref<10000xf32, #tpu.memory_space<vmem_shared>> -> memref<10000xf32, #tpu.memory_space<vmem_shared>>
        tpu.enqueue_indirect_dma source(%arg23 : memref<80xf32, #tpu.memory_space<vmem>>) target(%dma_start3A_568 : memref<10000xf32, #tpu.memory_space<vmem_shared>>) offsets(%arg13 : memref<80xi32, #tpu.memory_space<vmem>>) semaphore(%run_scoped3A : memref<!tpu.dma_semaphore, #tpu.memory_space<semaphore_mem>>) {add = true}
        %dma_wait3A_569 = arith.constant 0 : i32
        %dma_wait3A_570 = tpu.memref_slice %arg34[%dma_wait3A_569] : memref<10000xf32, #tpu.memory_space<vmem_shared>> -> memref<10000xf32, #tpu.memory_space<vmem_shared>>
        tpu.wait_indirect_dma semaphore(%run_scoped3A : memref<!tpu.dma_semaphore, #tpu.memory_space<semaphore_mem>>) src(%arg23 : memref<80xf32, #tpu.memory_space<vmem>>) dst(%dma_wait3A_570 : memref<10000xf32, #tpu.memory_space<vmem_shared>>)
        tpu.yield
      }) : () -> ()
      %add3A_319 = arith.constant 1 : i32
      %add3A_320 = arith.addi %mul3A_252, %add3A_319 : i32
      %add3A_321 = arith.constant 0 : i32
      %add3A_322 = arith.addi %mul3A_0, %add3A_321 : i32
      %mul3A_323 = arith.constant 80 : i32
      %mul3A_324 = arith.muli %add3A_320, %mul3A_323 : i32
      %add3A_325 = arith.addi %add3A_322, %mul3A_324 : i32
      %min3A_326 = arith.constant 319920 : i32
      %min3A_327 = arith.minsi %add3A_325, %min3A_326 : i32
      "tpu.region"() ({
        %run_scoped3A = tpu.sem_alloc : memref<!tpu.dma_semaphore, #tpu.memory_space<semaphore_mem>>
        %dma_start3A_567 = tpu.memref_slice %arg2[%min3A_327] : memref<320000xi32, #tpu.memory_space<hbm>> -> memref<80xi32, #tpu.memory_space<hbm>>
        %dma_start3A_568 = tpu.memref_slice %arg2[%min3A_327] : memref<320000xi32, #tpu.memory_space<hbm>> -> memref<80xi32, #tpu.memory_space<hbm>>
        tpu.enqueue_dma source(%dma_start3A_568 : memref<80xi32, #tpu.memory_space<hbm>>) target(%arg12 : memref<80xi32, #tpu.memory_space<vmem>>) target_semaphore(%run_scoped3A : memref<!tpu.dma_semaphore, #tpu.memory_space<semaphore_mem>>)
        %dma_wait3A_569 = tpu.memref_slice %arg2[%min3A_327] : memref<320000xi32, #tpu.memory_space<hbm>> -> memref<80xi32, #tpu.memory_space<hbm>>
        %dma_wait3A_570 = tpu.memref_slice %arg2[%min3A_327] : memref<320000xi32, #tpu.memory_space<hbm>> -> memref<80xi32, #tpu.memory_space<hbm>>
        tpu.wait_dma2 semaphore(%run_scoped3A : memref<!tpu.dma_semaphore, #tpu.memory_space<semaphore_mem>>) src(%dma_wait3A_570 : memref<80xi32, #tpu.memory_space<hbm>>) dst(%arg12 : memref<80xi32, #tpu.memory_space<vmem>>)
        tpu.yield
      }) : () -> ()
      "tpu.region"() ({
        %run_scoped3A = tpu.sem_alloc : memref<!tpu.dma_semaphore, #tpu.memory_space<semaphore_mem>>
        %dma_start3A_567 = tpu.memref_slice %arg3[%min3A_327] : memref<320000xi32, #tpu.memory_space<hbm>> -> memref<80xi32, #tpu.memory_space<hbm>>
        %dma_start3A_568 = tpu.memref_slice %arg3[%min3A_327] : memref<320000xi32, #tpu.memory_space<hbm>> -> memref<80xi32, #tpu.memory_space<hbm>>
        tpu.enqueue_dma source(%dma_start3A_568 : memref<80xi32, #tpu.memory_space<hbm>>) target(%arg14 : memref<80xi32, #tpu.memory_space<vmem>>) target_semaphore(%run_scoped3A : memref<!tpu.dma_semaphore, #tpu.memory_space<semaphore_mem>>)
        %dma_wait3A_569 = tpu.memref_slice %arg3[%min3A_327] : memref<320000xi32, #tpu.memory_space<hbm>> -> memref<80xi32, #tpu.memory_space<hbm>>
        %dma_wait3A_570 = tpu.memref_slice %arg3[%min3A_327] : memref<320000xi32, #tpu.memory_space<hbm>> -> memref<80xi32, #tpu.memory_space<hbm>>
        tpu.wait_dma2 semaphore(%run_scoped3A : memref<!tpu.dma_semaphore, #tpu.memory_space<semaphore_mem>>) src(%dma_wait3A_570 : memref<80xi32, #tpu.memory_space<hbm>>) dst(%arg14 : memref<80xi32, #tpu.memory_space<vmem>>)
        tpu.yield
      }) : () -> ()
      %get3A_328 = arith.constant 0 : index
      %get3A_329 = tpu.vector_load %arg12[%get3A_328] {strides = array<i32>} : memref<80xi32, #tpu.memory_space<vmem>>, vector<16xi32>,
      %add3A_330 = vector.broadcast %mul3A_13 : i32 to vector<16xi32>
      %add3A_331 = arith.addi %get3A_329, %add3A_330 : vector<16xi32>
      %swap3A_332 = arith.constant 0 : index
      %swap3A_333 = tpu.vector_load %arg16[%swap3A_332] {strides = array<i32>} : memref<80xi32, #tpu.memory_space<vmem>>, vector<16xi32>,
      tpu.vector_store %arg16[%swap3A_332], %add3A_331 {strides = array<i32>} : memref<80xi32, #tpu.memory_space<vmem>>, vector<16xi32>,
      %get3A_334 = arith.constant 0 : index
      %get3A_335 = tpu.vector_load %arg14[%get3A_334] {strides = array<i32>} : memref<80xi32, #tpu.memory_space<vmem>>, vector<16xi32>,
      %add3A_336 = vector.broadcast %mul3A_13 : i32 to vector<16xi32>
      %add3A_337 = arith.addi %get3A_335, %add3A_336 : vector<16xi32>
      %swap3A_338 = arith.constant 0 : index
      %swap3A_339 = tpu.vector_load %arg18[%swap3A_338] {strides = array<i32>} : memref<80xi32, #tpu.memory_space<vmem>>, vector<16xi32>,
      tpu.vector_store %arg18[%swap3A_338], %add3A_337 {strides = array<i32>} : memref<80xi32, #tpu.memory_space<vmem>>, vector<16xi32>,
      %get3A_340 = arith.constant 16 : index
      %get3A_341 = tpu.vector_load %arg12[%get3A_340] {strides = array<i32>} : memref<80xi32, #tpu.memory_space<vmem>>, vector<16xi32>,
      %add3A_342 = vector.broadcast %mul3A_13 : i32 to vector<16xi32>
      %add3A_343 = arith.addi %get3A_341, %add3A_342 : vector<16xi32>
      %swap3A_344 = arith.constant 16 : index
      %swap3A_345 = tpu.vector_load %arg16[%swap3A_344] {strides = array<i32>} : memref<80xi32, #tpu.memory_space<vmem>>, vector<16xi32>,
      tpu.vector_store %arg16[%swap3A_344], %add3A_343 {strides = array<i32>} : memref<80xi32, #tpu.memory_space<vmem>>, vector<16xi32>,
      %get3A_346 = arith.constant 16 : index
      %get3A_347 = tpu.vector_load %arg14[%get3A_346] {strides = array<i32>} : memref<80xi32, #tpu.memory_space<vmem>>, vector<16xi32>,
      %add3A_348 = vector.broadcast %mul3A_13 : i32 to vector<16xi32>
      %add3A_349 = arith.addi %get3A_347, %add3A_348 : vector<16xi32>
      %swap3A_350 = arith.constant 16 : index
      %swap3A_351 = tpu.vector_load %arg18[%swap3A_350] {strides = array<i32>} : memref<80xi32, #tpu.memory_space<vmem>>, vector<16xi32>,
      tpu.vector_store %arg18[%swap3A_350], %add3A_349 {strides = array<i32>} : memref<80xi32, #tpu.memory_space<vmem>>, vector<16xi32>,
      %get3A_352 = arith.constant 32 : index
      %get3A_353 = tpu.vector_load %arg12[%get3A_352] {strides = array<i32>} : memref<80xi32, #tpu.memory_space<vmem>>, vector<16xi32>,
      %add3A_354 = vector.broadcast %mul3A_13 : i32 to vector<16xi32>
      %add3A_355 = arith.addi %get3A_353, %add3A_354 : vector<16xi32>
      %swap3A_356 = arith.constant 32 : index
      %swap3A_357 = tpu.vector_load %arg16[%swap3A_356] {strides = array<i32>} : memref<80xi32, #tpu.memory_space<vmem>>, vector<16xi32>,
      tpu.vector_store %arg16[%swap3A_356], %add3A_355 {strides = array<i32>} : memref<80xi32, #tpu.memory_space<vmem>>, vector<16xi32>,
      %get3A_358 = arith.constant 32 : index
      %get3A_359 = tpu.vector_load %arg14[%get3A_358] {strides = array<i32>} : memref<80xi32, #tpu.memory_space<vmem>>, vector<16xi32>,
      %add3A_360 = vector.broadcast %mul3A_13 : i32 to vector<16xi32>
      %add3A_361 = arith.addi %get3A_359, %add3A_360 : vector<16xi32>
      %swap3A_362 = arith.constant 32 : index
      %swap3A_363 = tpu.vector_load %arg18[%swap3A_362] {strides = array<i32>} : memref<80xi32, #tpu.memory_space<vmem>>, vector<16xi32>,
      tpu.vector_store %arg18[%swap3A_362], %add3A_361 {strides = array<i32>} : memref<80xi32, #tpu.memory_space<vmem>>, vector<16xi32>,
      %get3A_364 = arith.constant 48 : index
      %get3A_365 = tpu.vector_load %arg12[%get3A_364] {strides = array<i32>} : memref<80xi32, #tpu.memory_space<vmem>>, vector<16xi32>,
      %add3A_366 = vector.broadcast %mul3A_13 : i32 to vector<16xi32>
      %add3A_367 = arith.addi %get3A_365, %add3A_366 : vector<16xi32>
      %swap3A_368 = arith.constant 48 : index
      %swap3A_369 = tpu.vector_load %arg16[%swap3A_368] {strides = array<i32>} : memref<80xi32, #tpu.memory_space<vmem>>, vector<16xi32>,
      tpu.vector_store %arg16[%swap3A_368], %add3A_367 {strides = array<i32>} : memref<80xi32, #tpu.memory_space<vmem>>, vector<16xi32>,
      %get3A_370 = arith.constant 48 : index
      %get3A_371 = tpu.vector_load %arg14[%get3A_370] {strides = array<i32>} : memref<80xi32, #tpu.memory_space<vmem>>, vector<16xi32>,
      %add3A_372 = vector.broadcast %mul3A_13 : i32 to vector<16xi32>
      %add3A_373 = arith.addi %get3A_371, %add3A_372 : vector<16xi32>
      %swap3A_374 = arith.constant 48 : index
      %swap3A_375 = tpu.vector_load %arg18[%swap3A_374] {strides = array<i32>} : memref<80xi32, #tpu.memory_space<vmem>>, vector<16xi32>,
      tpu.vector_store %arg18[%swap3A_374], %add3A_373 {strides = array<i32>} : memref<80xi32, #tpu.memory_space<vmem>>, vector<16xi32>,
      %get3A_376 = arith.constant 64 : index
      %get3A_377 = tpu.vector_load %arg12[%get3A_376] {strides = array<i32>} : memref<80xi32, #tpu.memory_space<vmem>>, vector<16xi32>,
      %add3A_378 = vector.broadcast %mul3A_13 : i32 to vector<16xi32>
      %add3A_379 = arith.addi %get3A_377, %add3A_378 : vector<16xi32>
      %swap3A_380 = arith.constant 64 : index
      %swap3A_381 = tpu.vector_load %arg16[%swap3A_380] {strides = array<i32>} : memref<80xi32, #tpu.memory_space<vmem>>, vector<16xi32>,
      tpu.vector_store %arg16[%swap3A_380], %add3A_379 {strides = array<i32>} : memref<80xi32, #tpu.memory_space<vmem>>, vector<16xi32>,
      %get3A_382 = arith.constant 64 : index
      %get3A_383 = tpu.vector_load %arg14[%get3A_382] {strides = array<i32>} : memref<80xi32, #tpu.memory_space<vmem>>, vector<16xi32>,
      %add3A_384 = vector.broadcast %mul3A_13 : i32 to vector<16xi32>
      %add3A_385 = arith.addi %get3A_383, %add3A_384 : vector<16xi32>
      %swap3A_386 = arith.constant 64 : index
      %swap3A_387 = tpu.vector_load %arg18[%swap3A_386] {strides = array<i32>} : memref<80xi32, #tpu.memory_space<vmem>>, vector<16xi32>,
      tpu.vector_store %arg18[%swap3A_386], %add3A_385 {strides = array<i32>} : memref<80xi32, #tpu.memory_space<vmem>>, vector<16xi32>,
      %dma_start3A_388 = arith.constant 0 : i32
      %dma_start3A_389 = tpu.memref_slice %arg4[%dma_start3A_388] : memref<40000xf32, #tpu.memory_space<hbm>> -> memref<40000xf32, #tpu.memory_space<hbm>>
      tpu.enqueue_indirect_dma source(%dma_start3A_389 : memref<40000xf32, #tpu.memory_space<hbm>>) target(%arg20 : memref<80xf32, #tpu.memory_space<vmem>>) offsets(%arg16 : memref<80xi32, #tpu.memory_space<vmem>>) semaphore(%arg28 : memref<!tpu.dma_semaphore, #tpu.memory_space<semaphore_mem>>)
      %dma_start3A_390 = arith.constant 0 : i32
      %dma_start3A_391 = tpu.memref_slice %arg5[%dma_start3A_390] : memref<40000xf32, #tpu.memory_space<hbm>> -> memref<40000xf32, #tpu.memory_space<hbm>>
      tpu.enqueue_indirect_dma source(%dma_start3A_391 : memref<40000xf32, #tpu.memory_space<hbm>>) target(%arg22 : memref<80xf32, #tpu.memory_space<vmem>>) offsets(%arg18 : memref<80xi32, #tpu.memory_space<vmem>>) semaphore(%arg30 : memref<!tpu.dma_semaphore, #tpu.memory_space<semaphore_mem>>)
      %dma_start3A_392 = arith.constant 0 : i32
      %dma_start3A_393 = arith.constant 0 : i32
      %dma_start3A_394 = tpu.memref_slice %arg6[%dma_start3A_392, %dma_start3A_393] : memref<40000x128xf32, #tpu.memory_space<hbm>> -> memref<40000x128xf32, #tpu.memory_space<hbm>>
      tpu.enqueue_indirect_dma source(%dma_start3A_394 : memref<40000x128xf32, #tpu.memory_space<hbm>>) target(%arg25 : memref<80x128xf32, #tpu.memory_space<vmem>>) offsets(%arg16 : memref<80xi32, #tpu.memory_space<vmem>>) semaphore(%arg32 : memref<!tpu.dma_semaphore, #tpu.memory_space<semaphore_mem>>)
      %dma_wait3A_395 = arith.constant 0 : i32
      %dma_wait3A_396 = arith.constant 0 : i32
      %dma_wait3A_397 = tpu.memref_slice %arg6[%dma_wait3A_395, %dma_wait3A_396] : memref<40000x128xf32, #tpu.memory_space<hbm>> -> memref<80x128xf32, #tpu.memory_space<hbm>>
      %dma_wait3A_398 = arith.constant 0 : i32
      %dma_wait3A_399 = arith.constant 0 : i32
      %dma_wait3A_400 = tpu.memref_slice %arg6[%dma_wait3A_398, %dma_wait3A_399] : memref<40000x128xf32, #tpu.memory_space<hbm>> -> memref<80x128xf32, #tpu.memory_space<hbm>>
      tpu.wait_dma2 semaphore(%arg31 : memref<!tpu.dma_semaphore, #tpu.memory_space<semaphore_mem>>) src(%dma_wait3A_400 : memref<80x128xf32, #tpu.memory_space<hbm>>) dst(%arg24 : memref<80x128xf32, #tpu.memory_space<vmem>>)
      %scan3A_401 = arith.constant 0 : i32
      %scan3A_402 = arith.constant 0 : i32
      %scan3A_403 = arith.constant 80 : i32
      %scan3A_404 = arith.addi %scan3A_402, %scan3A_403 : i32
      %scan3A_405 = arith.constant 1 : i32
      scf.for %scan3A_567 = %scan3A_402 to %scan3A_404 step %scan3A_405  : i32 {
        %broadcast_in_dim3A = vector.broadcast %scan3A_567 : i32 to vector<16xi32>
        %gather3A = tpu.vector_load_idx %arg23[%broadcast_in_dim3A] : memref<80xf32, #tpu.memory_space<vmem>>[vector<16xi32>], vector<16xf32>,
        %get3A_568 = arith.index_cast %scan3A_567 : i32 to index
        %get3A_569 = arith.constant 0 : index
        %get3A_570 = tpu.vector_load %arg24[%get3A_568, %get3A_569] {strides = array<i32>} : memref<80x128xf32, #tpu.memory_space<vmem>>, vector<16xf32>,
        %mul3A_571 = arith.mulf %get3A_570, %gather3A : vector<16xf32>
        %swap3A_572 = arith.index_cast %scan3A_567 : i32 to index
        %swap3A_573 = arith.constant 0 : index
        %swap3A_574 = tpu.vector_load %arg24[%swap3A_572, %swap3A_573] {strides = array<i32>} : memref<80x128xf32, #tpu.memory_space<vmem>>, vector<16xf32>,
        tpu.vector_store %arg24[%swap3A_572, %swap3A_573], %mul3A_571 {strides = array<i32>} : memref<80x128xf32, #tpu.memory_space<vmem>>, vector<16xf32>,
        %get3A_575 = arith.index_cast %scan3A_567 : i32 to index
        %get3A_576 = arith.constant 16 : index
        %get3A_577 = tpu.vector_load %arg24[%get3A_575, %get3A_576] {strides = array<i32>} : memref<80x128xf32, #tpu.memory_space<vmem>>, vector<16xf32>,
        %mul3A_578 = arith.mulf %get3A_577, %gather3A : vector<16xf32>
        %swap3A_579 = arith.index_cast %scan3A_567 : i32 to index
        %swap3A_580 = arith.constant 16 : index
        %swap3A_581 = tpu.vector_load %arg24[%swap3A_579, %swap3A_580] {strides = array<i32>} : memref<80x128xf32, #tpu.memory_space<vmem>>, vector<16xf32>,
        tpu.vector_store %arg24[%swap3A_579, %swap3A_580], %mul3A_578 {strides = array<i32>} : memref<80x128xf32, #tpu.memory_space<vmem>>, vector<16xf32>,
        %get3A_582 = arith.index_cast %scan3A_567 : i32 to index
        %get3A_583 = arith.constant 32 : index
        %get3A_584 = tpu.vector_load %arg24[%get3A_582, %get3A_583] {strides = array<i32>} : memref<80x128xf32, #tpu.memory_space<vmem>>, vector<16xf32>,
        %mul3A_585 = arith.mulf %get3A_584, %gather3A : vector<16xf32>
        %swap3A_586 = arith.index_cast %scan3A_567 : i32 to index
        %swap3A_587 = arith.constant 32 : index
        %swap3A_588 = tpu.vector_load %arg24[%swap3A_586, %swap3A_587] {strides = array<i32>} : memref<80x128xf32, #tpu.memory_space<vmem>>, vector<16xf32>,
        tpu.vector_store %arg24[%swap3A_586, %swap3A_587], %mul3A_585 {strides = array<i32>} : memref<80x128xf32, #tpu.memory_space<vmem>>, vector<16xf32>,
        %get3A_589 = arith.index_cast %scan3A_567 : i32 to index
        %get3A_590 = arith.constant 48 : index
        %get3A_591 = tpu.vector_load %arg24[%get3A_589, %get3A_590] {strides = array<i32>} : memref<80x128xf32, #tpu.memory_space<vmem>>, vector<16xf32>,
        %mul3A_592 = arith.mulf %get3A_591, %gather3A : vector<16xf32>
        %swap3A_593 = arith.index_cast %scan3A_567 : i32 to index
        %swap3A_594 = arith.constant 48 : index
        %swap3A_595 = tpu.vector_load %arg24[%swap3A_593, %swap3A_594] {strides = array<i32>} : memref<80x128xf32, #tpu.memory_space<vmem>>, vector<16xf32>,
        tpu.vector_store %arg24[%swap3A_593, %swap3A_594], %mul3A_592 {strides = array<i32>} : memref<80x128xf32, #tpu.memory_space<vmem>>, vector<16xf32>,
        %get3A_596 = arith.index_cast %scan3A_567 : i32 to index
        %get3A_597 = arith.constant 64 : index
        %get3A_598 = tpu.vector_load %arg24[%get3A_596, %get3A_597] {strides = array<i32>} : memref<80x128xf32, #tpu.memory_space<vmem>>, vector<16xf32>,
        %mul3A_599 = arith.mulf %get3A_598, %gather3A : vector<16xf32>
        %swap3A_600 = arith.index_cast %scan3A_567 : i32 to index
        %swap3A_601 = arith.constant 64 : index
        %swap3A_602 = tpu.vector_load %arg24[%swap3A_600, %swap3A_601] {strides = array<i32>} : memref<80x128xf32, #tpu.memory_space<vmem>>, vector<16xf32>,
        tpu.vector_store %arg24[%swap3A_600, %swap3A_601], %mul3A_599 {strides = array<i32>} : memref<80x128xf32, #tpu.memory_space<vmem>>, vector<16xf32>,
        %get3A_603 = arith.index_cast %scan3A_567 : i32 to index
        %get3A_604 = arith.constant 80 : index
        %get3A_605 = tpu.vector_load %arg24[%get3A_603, %get3A_604] {strides = array<i32>} : memref<80x128xf32, #tpu.memory_space<vmem>>, vector<16xf32>,
        %mul3A_606 = arith.mulf %get3A_605, %gather3A : vector<16xf32>
        %swap3A_607 = arith.index_cast %scan3A_567 : i32 to index
        %swap3A_608 = arith.constant 80 : index
        %swap3A_609 = tpu.vector_load %arg24[%swap3A_607, %swap3A_608] {strides = array<i32>} : memref<80x128xf32, #tpu.memory_space<vmem>>, vector<16xf32>,
        tpu.vector_store %arg24[%swap3A_607, %swap3A_608], %mul3A_606 {strides = array<i32>} : memref<80x128xf32, #tpu.memory_space<vmem>>, vector<16xf32>,
        %get3A_610 = arith.index_cast %scan3A_567 : i32 to index
        %get3A_611 = arith.constant 96 : index
        %get3A_612 = tpu.vector_load %arg24[%get3A_610, %get3A_611] {strides = array<i32>} : memref<80x128xf32, #tpu.memory_space<vmem>>, vector<16xf32>,
        %mul3A_613 = arith.mulf %get3A_612, %gather3A : vector<16xf32>
        %swap3A_614 = arith.index_cast %scan3A_567 : i32 to index
        %swap3A_615 = arith.constant 96 : index
        %swap3A_616 = tpu.vector_load %arg24[%swap3A_614, %swap3A_615] {strides = array<i32>} : memref<80x128xf32, #tpu.memory_space<vmem>>, vector<16xf32>,
        tpu.vector_store %arg24[%swap3A_614, %swap3A_615], %mul3A_613 {strides = array<i32>} : memref<80x128xf32, #tpu.memory_space<vmem>>, vector<16xf32>,
        %get3A_617 = arith.index_cast %scan3A_567 : i32 to index
        %get3A_618 = arith.constant 112 : index
        %get3A_619 = tpu.vector_load %arg24[%get3A_617, %get3A_618] {strides = array<i32>} : memref<80x128xf32, #tpu.memory_space<vmem>>, vector<16xf32>,
        %mul3A_620 = arith.mulf %get3A_619, %gather3A : vector<16xf32>
        %swap3A_621 = arith.index_cast %scan3A_567 : i32 to index
        %swap3A_622 = arith.constant 112 : index
        %swap3A_623 = tpu.vector_load %arg24[%swap3A_621, %swap3A_622] {strides = array<i32>} : memref<80x128xf32, #tpu.memory_space<vmem>>, vector<16xf32>,
        tpu.vector_store %arg24[%swap3A_621, %swap3A_622], %mul3A_620 {strides = array<i32>} : memref<80x128xf32, #tpu.memory_space<vmem>>, vector<16xf32>,
      }
      %scan3A_406 = arith.constant 80 : i32
      "tpu.region"() ({
        %run_scoped3A = tpu.sem_alloc : memref<!tpu.dma_semaphore, #tpu.memory_space<semaphore_mem>>
        %dma_start3A_567 = arith.constant 0 : i32
        %dma_start3A_568 = arith.constant 0 : i32
        %dma_start3A_569 = tpu.memref_slice %arg33[%dma_start3A_567, %dma_start3A_568] : memref<10000x128xf32, #tpu.memory_space<vmem_shared>> -> memref<10000x128xf32, #tpu.memory_space<vmem_shared>>
        tpu.enqueue_indirect_dma source(%arg24 : memref<80x128xf32, #tpu.memory_space<vmem>>) target(%dma_start3A_569 : memref<10000x128xf32, #tpu.memory_space<vmem_shared>>) offsets(%arg13 : memref<80xi32, #tpu.memory_space<vmem>>) semaphore(%run_scoped3A : memref<!tpu.dma_semaphore, #tpu.memory_space<semaphore_mem>>) {add = true}
        %dma_wait3A_570 = arith.constant 0 : i32
        %dma_wait3A_571 = arith.constant 0 : i32
        %dma_wait3A_572 = tpu.memref_slice %arg33[%dma_wait3A_570, %dma_wait3A_571] : memref<10000x128xf32, #tpu.memory_space<vmem_shared>> -> memref<10000x128xf32, #tpu.memory_space<vmem_shared>>
        tpu.wait_indirect_dma semaphore(%run_scoped3A : memref<!tpu.dma_semaphore, #tpu.memory_space<semaphore_mem>>) src(%arg24 : memref<80x128xf32, #tpu.memory_space<vmem>>) dst(%dma_wait3A_572 : memref<10000x128xf32, #tpu.memory_space<vmem_shared>>)
        tpu.yield
      }) : () -> ()
      %mul3A_407 = arith.constant 2 : i32
      %mul3A_408 = arith.muli %mul3A_407, %scan3A_250 : i32
      %add3A_409 = arith.constant 1 : i32
      %add3A_410 = arith.addi %mul3A_408, %add3A_409 : i32
      %dma_wait3A_411 = arith.constant 0 : i32
      %dma_wait3A_412 = tpu.memref_slice %arg4[%dma_wait3A_411] : memref<40000xf32, #tpu.memory_space<hbm>> -> memref<80xf32, #tpu.memory_space<hbm>>
      %dma_wait3A_413 = arith.constant 0 : i32
      %dma_wait3A_414 = tpu.memref_slice %arg4[%dma_wait3A_413] : memref<40000xf32, #tpu.memory_space<hbm>> -> memref<80xf32, #tpu.memory_space<hbm>>
      tpu.wait_dma2 semaphore(%arg28 : memref<!tpu.dma_semaphore, #tpu.memory_space<semaphore_mem>>) src(%dma_wait3A_414 : memref<80xf32, #tpu.memory_space<hbm>>) dst(%arg20 : memref<80xf32, #tpu.memory_space<vmem>>)
      %dma_wait3A_415 = arith.constant 0 : i32
      %dma_wait3A_416 = tpu.memref_slice %arg5[%dma_wait3A_415] : memref<40000xf32, #tpu.memory_space<hbm>> -> memref<80xf32, #tpu.memory_space<hbm>>
      %dma_wait3A_417 = arith.constant 0 : i32
      %dma_wait3A_418 = tpu.memref_slice %arg5[%dma_wait3A_417] : memref<40000xf32, #tpu.memory_space<hbm>> -> memref<80xf32, #tpu.memory_space<hbm>>
      tpu.wait_dma2 semaphore(%arg30 : memref<!tpu.dma_semaphore, #tpu.memory_space<semaphore_mem>>) src(%dma_wait3A_418 : memref<80xf32, #tpu.memory_space<hbm>>) dst(%arg22 : memref<80xf32, #tpu.memory_space<vmem>>)
      %get3A_419 = arith.constant 0 : index
      %get3A_420 = tpu.vector_load %arg20[%get3A_419] {strides = array<i32>} : memref<80xf32, #tpu.memory_space<vmem>>, vector<16xf32>,
      %get3A_421 = arith.constant 0 : index
      %get3A_422 = tpu.vector_load %arg22[%get3A_421] {strides = array<i32>} : memref<80xf32, #tpu.memory_space<vmem>>, vector<16xf32>,
      %add3A_423 = arith.addf %get3A_420, %get3A_422 : vector<16xf32>
      %mul3A_424 = arith.constant 2.000000e-01 : f32
      %mul3A_425 = vector.broadcast %mul3A_424 : f32 to vector<16xf32>
      %mul3A_426 = arith.mulf %mul3A_425, %add3A_423 : vector<16xf32>
      %max3A_427 = arith.maximumf %add3A_423, %mul3A_426 : vector<16xf32>
      %exp3A_428 = math.exp %max3A_427 : vector<16xf32>
      %swap3A_429 = arith.constant 0 : index
      %swap3A_430 = tpu.vector_load %arg23[%swap3A_429] {strides = array<i32>} : memref<80xf32, #tpu.memory_space<vmem>>, vector<16xf32>,
      tpu.vector_store %arg23[%swap3A_429], %exp3A_428 {strides = array<i32>} : memref<80xf32, #tpu.memory_space<vmem>>, vector<16xf32>,
      %get3A_431 = arith.constant 16 : index
      %get3A_432 = tpu.vector_load %arg20[%get3A_431] {strides = array<i32>} : memref<80xf32, #tpu.memory_space<vmem>>, vector<16xf32>,
      %get3A_433 = arith.constant 16 : index
      %get3A_434 = tpu.vector_load %arg22[%get3A_433] {strides = array<i32>} : memref<80xf32, #tpu.memory_space<vmem>>, vector<16xf32>,
      %add3A_435 = arith.addf %get3A_432, %get3A_434 : vector<16xf32>
      %mul3A_436 = arith.constant 2.000000e-01 : f32
      %mul3A_437 = vector.broadcast %mul3A_436 : f32 to vector<16xf32>
      %mul3A_438 = arith.mulf %mul3A_437, %add3A_435 : vector<16xf32>
      %max3A_439 = arith.maximumf %add3A_435, %mul3A_438 : vector<16xf32>
      %exp3A_440 = math.exp %max3A_439 : vector<16xf32>
      %swap3A_441 = arith.constant 16 : index
      %swap3A_442 = tpu.vector_load %arg23[%swap3A_441] {strides = array<i32>} : memref<80xf32, #tpu.memory_space<vmem>>, vector<16xf32>,
      tpu.vector_store %arg23[%swap3A_441], %exp3A_440 {strides = array<i32>} : memref<80xf32, #tpu.memory_space<vmem>>, vector<16xf32>,
      %get3A_443 = arith.constant 32 : index
      %get3A_444 = tpu.vector_load %arg20[%get3A_443] {strides = array<i32>} : memref<80xf32, #tpu.memory_space<vmem>>, vector<16xf32>,
      %get3A_445 = arith.constant 32 : index
      %get3A_446 = tpu.vector_load %arg22[%get3A_445] {strides = array<i32>} : memref<80xf32, #tpu.memory_space<vmem>>, vector<16xf32>,
      %add3A_447 = arith.addf %get3A_444, %get3A_446 : vector<16xf32>
      %mul3A_448 = arith.constant 2.000000e-01 : f32
      %mul3A_449 = vector.broadcast %mul3A_448 : f32 to vector<16xf32>
      %mul3A_450 = arith.mulf %mul3A_449, %add3A_447 : vector<16xf32>
      %max3A_451 = arith.maximumf %add3A_447, %mul3A_450 : vector<16xf32>
      %exp3A_452 = math.exp %max3A_451 : vector<16xf32>
      %swap3A_453 = arith.constant 32 : index
      %swap3A_454 = tpu.vector_load %arg23[%swap3A_453] {strides = array<i32>} : memref<80xf32, #tpu.memory_space<vmem>>, vector<16xf32>,
      tpu.vector_store %arg23[%swap3A_453], %exp3A_452 {strides = array<i32>} : memref<80xf32, #tpu.memory_space<vmem>>, vector<16xf32>,
      %get3A_455 = arith.constant 48 : index
      %get3A_456 = tpu.vector_load %arg20[%get3A_455] {strides = array<i32>} : memref<80xf32, #tpu.memory_space<vmem>>, vector<16xf32>,
      %get3A_457 = arith.constant 48 : index
      %get3A_458 = tpu.vector_load %arg22[%get3A_457] {strides = array<i32>} : memref<80xf32, #tpu.memory_space<vmem>>, vector<16xf32>,
      %add3A_459 = arith.addf %get3A_456, %get3A_458 : vector<16xf32>
      %mul3A_460 = arith.constant 2.000000e-01 : f32
      %mul3A_461 = vector.broadcast %mul3A_460 : f32 to vector<16xf32>
      %mul3A_462 = arith.mulf %mul3A_461, %add3A_459 : vector<16xf32>
      %max3A_463 = arith.maximumf %add3A_459, %mul3A_462 : vector<16xf32>
      %exp3A_464 = math.exp %max3A_463 : vector<16xf32>
      %swap3A_465 = arith.constant 48 : index
      %swap3A_466 = tpu.vector_load %arg23[%swap3A_465] {strides = array<i32>} : memref<80xf32, #tpu.memory_space<vmem>>, vector<16xf32>,
      tpu.vector_store %arg23[%swap3A_465], %exp3A_464 {strides = array<i32>} : memref<80xf32, #tpu.memory_space<vmem>>, vector<16xf32>,
      %get3A_467 = arith.constant 64 : index
      %get3A_468 = tpu.vector_load %arg20[%get3A_467] {strides = array<i32>} : memref<80xf32, #tpu.memory_space<vmem>>, vector<16xf32>,
      %get3A_469 = arith.constant 64 : index
      %get3A_470 = tpu.vector_load %arg22[%get3A_469] {strides = array<i32>} : memref<80xf32, #tpu.memory_space<vmem>>, vector<16xf32>,
      %add3A_471 = arith.addf %get3A_468, %get3A_470 : vector<16xf32>
      %mul3A_472 = arith.constant 2.000000e-01 : f32
      %mul3A_473 = vector.broadcast %mul3A_472 : f32 to vector<16xf32>
      %mul3A_474 = arith.mulf %mul3A_473, %add3A_471 : vector<16xf32>
      %max3A_475 = arith.maximumf %add3A_471, %mul3A_474 : vector<16xf32>
      %exp3A_476 = math.exp %max3A_475 : vector<16xf32>
      %swap3A_477 = arith.constant 64 : index
      %swap3A_478 = tpu.vector_load %arg23[%swap3A_477] {strides = array<i32>} : memref<80xf32, #tpu.memory_space<vmem>>, vector<16xf32>,
      tpu.vector_store %arg23[%swap3A_477], %exp3A_476 {strides = array<i32>} : memref<80xf32, #tpu.memory_space<vmem>>, vector<16xf32>,
      "tpu.region"() ({
        %run_scoped3A = tpu.sem_alloc : memref<!tpu.dma_semaphore, #tpu.memory_space<semaphore_mem>>
        %dma_start3A_567 = arith.constant 0 : i32
        %dma_start3A_568 = tpu.memref_slice %arg34[%dma_start3A_567] : memref<10000xf32, #tpu.memory_space<vmem_shared>> -> memref<10000xf32, #tpu.memory_space<vmem_shared>>
        tpu.enqueue_indirect_dma source(%arg23 : memref<80xf32, #tpu.memory_space<vmem>>) target(%dma_start3A_568 : memref<10000xf32, #tpu.memory_space<vmem_shared>>) offsets(%arg14 : memref<80xi32, #tpu.memory_space<vmem>>) semaphore(%run_scoped3A : memref<!tpu.dma_semaphore, #tpu.memory_space<semaphore_mem>>) {add = true}
        %dma_wait3A_569 = arith.constant 0 : i32
        %dma_wait3A_570 = tpu.memref_slice %arg34[%dma_wait3A_569] : memref<10000xf32, #tpu.memory_space<vmem_shared>> -> memref<10000xf32, #tpu.memory_space<vmem_shared>>
        tpu.wait_indirect_dma semaphore(%run_scoped3A : memref<!tpu.dma_semaphore, #tpu.memory_space<semaphore_mem>>) src(%arg23 : memref<80xf32, #tpu.memory_space<vmem>>) dst(%dma_wait3A_570 : memref<10000xf32, #tpu.memory_space<vmem_shared>>)
        tpu.yield
      }) : () -> ()
      %add3A_479 = arith.constant 1 : i32
      %add3A_480 = arith.addi %add3A_410, %add3A_479 : i32
      %add3A_481 = arith.constant 0 : i32
      %add3A_482 = arith.addi %mul3A_0, %add3A_481 : i32
      %mul3A_483 = arith.constant 80 : i32
      %mul3A_484 = arith.muli %add3A_480, %mul3A_483 : i32
      %add3A_485 = arith.addi %add3A_482, %mul3A_484 : i32
      %min3A_486 = arith.constant 319920 : i32
      %min3A_487 = arith.minsi %add3A_485, %min3A_486 : i32
      "tpu.region"() ({
        %run_scoped3A = tpu.sem_alloc : memref<!tpu.dma_semaphore, #tpu.memory_space<semaphore_mem>>
        %dma_start3A_567 = tpu.memref_slice %arg2[%min3A_487] : memref<320000xi32, #tpu.memory_space<hbm>> -> memref<80xi32, #tpu.memory_space<hbm>>
        %dma_start3A_568 = tpu.memref_slice %arg2[%min3A_487] : memref<320000xi32, #tpu.memory_space<hbm>> -> memref<80xi32, #tpu.memory_space<hbm>>
        tpu.enqueue_dma source(%dma_start3A_568 : memref<80xi32, #tpu.memory_space<hbm>>) target(%arg11 : memref<80xi32, #tpu.memory_space<vmem>>) target_semaphore(%run_scoped3A : memref<!tpu.dma_semaphore, #tpu.memory_space<semaphore_mem>>)
        %dma_wait3A_569 = tpu.memref_slice %arg2[%min3A_487] : memref<320000xi32, #tpu.memory_space<hbm>> -> memref<80xi32, #tpu.memory_space<hbm>>
        %dma_wait3A_570 = tpu.memref_slice %arg2[%min3A_487] : memref<320000xi32, #tpu.memory_space<hbm>> -> memref<80xi32, #tpu.memory_space<hbm>>
        tpu.wait_dma2 semaphore(%run_scoped3A : memref<!tpu.dma_semaphore, #tpu.memory_space<semaphore_mem>>) src(%dma_wait3A_570 : memref<80xi32, #tpu.memory_space<hbm>>) dst(%arg11 : memref<80xi32, #tpu.memory_space<vmem>>)
        tpu.yield
      }) : () -> ()
      "tpu.region"() ({
        %run_scoped3A = tpu.sem_alloc : memref<!tpu.dma_semaphore, #tpu.memory_space<semaphore_mem>>
        %dma_start3A_567 = tpu.memref_slice %arg3[%min3A_487] : memref<320000xi32, #tpu.memory_space<hbm>> -> memref<80xi32, #tpu.memory_space<hbm>>
        %dma_start3A_568 = tpu.memref_slice %arg3[%min3A_487] : memref<320000xi32, #tpu.memory_space<hbm>> -> memref<80xi32, #tpu.memory_space<hbm>>
        tpu.enqueue_dma source(%dma_start3A_568 : memref<80xi32, #tpu.memory_space<hbm>>) target(%arg13 : memref<80xi32, #tpu.memory_space<vmem>>) target_semaphore(%run_scoped3A : memref<!tpu.dma_semaphore, #tpu.memory_space<semaphore_mem>>)
        %dma_wait3A_569 = tpu.memref_slice %arg3[%min3A_487] : memref<320000xi32, #tpu.memory_space<hbm>> -> memref<80xi32, #tpu.memory_space<hbm>>
        %dma_wait3A_570 = tpu.memref_slice %arg3[%min3A_487] : memref<320000xi32, #tpu.memory_space<hbm>> -> memref<80xi32, #tpu.memory_space<hbm>>
        tpu.wait_dma2 semaphore(%run_scoped3A : memref<!tpu.dma_semaphore, #tpu.memory_space<semaphore_mem>>) src(%dma_wait3A_570 : memref<80xi32, #tpu.memory_space<hbm>>) dst(%arg13 : memref<80xi32, #tpu.memory_space<vmem>>)
        tpu.yield
      }) : () -> ()
      %get3A_488 = arith.constant 0 : index
      %get3A_489 = tpu.vector_load %arg11[%get3A_488] {strides = array<i32>} : memref<80xi32, #tpu.memory_space<vmem>>, vector<16xi32>,
      %add3A_490 = vector.broadcast %mul3A_13 : i32 to vector<16xi32>
      %add3A_491 = arith.addi %get3A_489, %add3A_490 : vector<16xi32>
      %swap3A_492 = arith.constant 0 : index
      %swap3A_493 = tpu.vector_load %arg15[%swap3A_492] {strides = array<i32>} : memref<80xi32, #tpu.memory_space<vmem>>, vector<16xi32>,
      tpu.vector_store %arg15[%swap3A_492], %add3A_491 {strides = array<i32>} : memref<80xi32, #tpu.memory_space<vmem>>, vector<16xi32>,
      %get3A_494 = arith.constant 0 : index
      %get3A_495 = tpu.vector_load %arg13[%get3A_494] {strides = array<i32>} : memref<80xi32, #tpu.memory_space<vmem>>, vector<16xi32>,
      %add3A_496 = vector.broadcast %mul3A_13 : i32 to vector<16xi32>
      %add3A_497 = arith.addi %get3A_495, %add3A_496 : vector<16xi32>
      %swap3A_498 = arith.constant 0 : index
      %swap3A_499 = tpu.vector_load %arg17[%swap3A_498] {strides = array<i32>} : memref<80xi32, #tpu.memory_space<vmem>>, vector<16xi32>,
      tpu.vector_store %arg17[%swap3A_498], %add3A_497 {strides = array<i32>} : memref<80xi32, #tpu.memory_space<vmem>>, vector<16xi32>,
      %get3A_500 = arith.constant 16 : index
      %get3A_501 = tpu.vector_load %arg11[%get3A_500] {strides = array<i32>} : memref<80xi32, #tpu.memory_space<vmem>>, vector<16xi32>,
      %add3A_502 = vector.broadcast %mul3A_13 : i32 to vector<16xi32>
      %add3A_503 = arith.addi %get3A_501, %add3A_502 : vector<16xi32>
      %swap3A_504 = arith.constant 16 : index
      %swap3A_505 = tpu.vector_load %arg15[%swap3A_504] {strides = array<i32>} : memref<80xi32, #tpu.memory_space<vmem>>, vector<16xi32>,
      tpu.vector_store %arg15[%swap3A_504], %add3A_503 {strides = array<i32>} : memref<80xi32, #tpu.memory_space<vmem>>, vector<16xi32>,
      %get3A_506 = arith.constant 16 : index
      %get3A_507 = tpu.vector_load %arg13[%get3A_506] {strides = array<i32>} : memref<80xi32, #tpu.memory_space<vmem>>, vector<16xi32>,
      %add3A_508 = vector.broadcast %mul3A_13 : i32 to vector<16xi32>
      %add3A_509 = arith.addi %get3A_507, %add3A_508 : vector<16xi32>
      %swap3A_510 = arith.constant 16 : index
      %swap3A_511 = tpu.vector_load %arg17[%swap3A_510] {strides = array<i32>} : memref<80xi32, #tpu.memory_space<vmem>>, vector<16xi32>,
      tpu.vector_store %arg17[%swap3A_510], %add3A_509 {strides = array<i32>} : memref<80xi32, #tpu.memory_space<vmem>>, vector<16xi32>,
      %get3A_512 = arith.constant 32 : index
      %get3A_513 = tpu.vector_load %arg11[%get3A_512] {strides = array<i32>} : memref<80xi32, #tpu.memory_space<vmem>>, vector<16xi32>,
      %add3A_514 = vector.broadcast %mul3A_13 : i32 to vector<16xi32>
      %add3A_515 = arith.addi %get3A_513, %add3A_514 : vector<16xi32>
      %swap3A_516 = arith.constant 32 : index
      %swap3A_517 = tpu.vector_load %arg15[%swap3A_516] {strides = array<i32>} : memref<80xi32, #tpu.memory_space<vmem>>, vector<16xi32>,
      tpu.vector_store %arg15[%swap3A_516], %add3A_515 {strides = array<i32>} : memref<80xi32, #tpu.memory_space<vmem>>, vector<16xi32>,
      %get3A_518 = arith.constant 32 : index
      %get3A_519 = tpu.vector_load %arg13[%get3A_518] {strides = array<i32>} : memref<80xi32, #tpu.memory_space<vmem>>, vector<16xi32>,
      %add3A_520 = vector.broadcast %mul3A_13 : i32 to vector<16xi32>
      %add3A_521 = arith.addi %get3A_519, %add3A_520 : vector<16xi32>
      %swap3A_522 = arith.constant 32 : index
      %swap3A_523 = tpu.vector_load %arg17[%swap3A_522] {strides = array<i32>} : memref<80xi32, #tpu.memory_space<vmem>>, vector<16xi32>,
      tpu.vector_store %arg17[%swap3A_522], %add3A_521 {strides = array<i32>} : memref<80xi32, #tpu.memory_space<vmem>>, vector<16xi32>,
      %get3A_524 = arith.constant 48 : index
      %get3A_525 = tpu.vector_load %arg11[%get3A_524] {strides = array<i32>} : memref<80xi32, #tpu.memory_space<vmem>>, vector<16xi32>,
      %add3A_526 = vector.broadcast %mul3A_13 : i32 to vector<16xi32>
      %add3A_527 = arith.addi %get3A_525, %add3A_526 : vector<16xi32>
      %swap3A_528 = arith.constant 48 : index
      %swap3A_529 = tpu.vector_load %arg15[%swap3A_528] {strides = array<i32>} : memref<80xi32, #tpu.memory_space<vmem>>, vector<16xi32>,
      tpu.vector_store %arg15[%swap3A_528], %add3A_527 {strides = array<i32>} : memref<80xi32, #tpu.memory_space<vmem>>, vector<16xi32>,
      %get3A_530 = arith.constant 48 : index
      %get3A_531 = tpu.vector_load %arg13[%get3A_530] {strides = array<i32>} : memref<80xi32, #tpu.memory_space<vmem>>, vector<16xi32>,
      %add3A_532 = vector.broadcast %mul3A_13 : i32 to vector<16xi32>
      %add3A_533 = arith.addi %get3A_531, %add3A_532 : vector<16xi32>
      %swap3A_534 = arith.constant 48 : index
      %swap3A_535 = tpu.vector_load %arg17[%swap3A_534] {strides = array<i32>} : memref<80xi32, #tpu.memory_space<vmem>>, vector<16xi32>,
      tpu.vector_store %arg17[%swap3A_534], %add3A_533 {strides = array<i32>} : memref<80xi32, #tpu.memory_space<vmem>>, vector<16xi32>,
      %get3A_536 = arith.constant 64 : index
      %get3A_537 = tpu.vector_load %arg11[%get3A_536] {strides = array<i32>} : memref<80xi32, #tpu.memory_space<vmem>>, vector<16xi32>,
      %add3A_538 = vector.broadcast %mul3A_13 : i32 to vector<16xi32>
      %add3A_539 = arith.addi %get3A_537, %add3A_538 : vector<16xi32>
      %swap3A_540 = arith.constant 64 : index
      %swap3A_541 = tpu.vector_load %arg15[%swap3A_540] {strides = array<i32>} : memref<80xi32, #tpu.memory_space<vmem>>, vector<16xi32>,
      tpu.vector_store %arg15[%swap3A_540], %add3A_539 {strides = array<i32>} : memref<80xi32, #tpu.memory_space<vmem>>, vector<16xi32>,
      %get3A_542 = arith.constant 64 : index
      %get3A_543 = tpu.vector_load %arg13[%get3A_542] {strides = array<i32>} : memref<80xi32, #tpu.memory_space<vmem>>, vector<16xi32>,
      %add3A_544 = vector.broadcast %mul3A_13 : i32 to vector<16xi32>
      %add3A_545 = arith.addi %get3A_543, %add3A_544 : vector<16xi32>
      %swap3A_546 = arith.constant 64 : index
      %swap3A_547 = tpu.vector_load %arg17[%swap3A_546] {strides = array<i32>} : memref<80xi32, #tpu.memory_space<vmem>>, vector<16xi32>,
      tpu.vector_store %arg17[%swap3A_546], %add3A_545 {strides = array<i32>} : memref<80xi32, #tpu.memory_space<vmem>>, vector<16xi32>,
      %dma_start3A_548 = arith.constant 0 : i32
      %dma_start3A_549 = tpu.memref_slice %arg4[%dma_start3A_548] : memref<40000xf32, #tpu.memory_space<hbm>> -> memref<40000xf32, #tpu.memory_space<hbm>>
      tpu.enqueue_indirect_dma source(%dma_start3A_549 : memref<40000xf32, #tpu.memory_space<hbm>>) target(%arg19 : memref<80xf32, #tpu.memory_space<vmem>>) offsets(%arg15 : memref<80xi32, #tpu.memory_space<vmem>>) semaphore(%arg27 : memref<!tpu.dma_semaphore, #tpu.memory_space<semaphore_mem>>)
      %dma_start3A_550 = arith.constant 0 : i32
      %dma_start3A_551 = tpu.memref_slice %arg5[%dma_start3A_550] : memref<40000xf32, #tpu.memory_space<hbm>> -> memref<40000xf32, #tpu.memory_space<hbm>>
      tpu.enqueue_indirect_dma source(%dma_start3A_551 : memref<40000xf32, #tpu.memory_space<hbm>>) target(%arg21 : memref<80xf32, #tpu.memory_space<vmem>>) offsets(%arg17 : memref<80xi32, #tpu.memory_space<vmem>>) semaphore(%arg29 : memref<!tpu.dma_semaphore, #tpu.memory_space<semaphore_mem>>)
      %dma_start3A_552 = arith.constant 0 : i32
      %dma_start3A_553 = arith.constant 0 : i32
      %dma_start3A_554 = tpu.memref_slice %arg6[%dma_start3A_552, %dma_start3A_553] : memref<40000x128xf32, #tpu.memory_space<hbm>> -> memref<40000x128xf32, #tpu.memory_space<hbm>>
      tpu.enqueue_indirect_dma source(%dma_start3A_554 : memref<40000x128xf32, #tpu.memory_space<hbm>>) target(%arg24 : memref<80x128xf32, #tpu.memory_space<vmem>>) offsets(%arg15 : memref<80xi32, #tpu.memory_space<vmem>>) semaphore(%arg31 : memref<!tpu.dma_semaphore, #tpu.memory_space<semaphore_mem>>)
      %dma_wait3A_555 = arith.constant 0 : i32
      %dma_wait3A_556 = arith.constant 0 : i32
      %dma_wait3A_557 = tpu.memref_slice %arg6[%dma_wait3A_555, %dma_wait3A_556] : memref<40000x128xf32, #tpu.memory_space<hbm>> -> memref<80x128xf32, #tpu.memory_space<hbm>>
      %dma_wait3A_558 = arith.constant 0 : i32
      %dma_wait3A_559 = arith.constant 0 : i32
      %dma_wait3A_560 = tpu.memref_slice %arg6[%dma_wait3A_558, %dma_wait3A_559] : memref<40000x128xf32, #tpu.memory_space<hbm>> -> memref<80x128xf32, #tpu.memory_space<hbm>>
      tpu.wait_dma2 semaphore(%arg32 : memref<!tpu.dma_semaphore, #tpu.memory_space<semaphore_mem>>) src(%dma_wait3A_560 : memref<80x128xf32, #tpu.memory_space<hbm>>) dst(%arg25 : memref<80x128xf32, #tpu.memory_space<vmem>>)
      %scan3A_561 = arith.constant 0 : i32
      %scan3A_562 = arith.constant 0 : i32
      %scan3A_563 = arith.constant 80 : i32
      %scan3A_564 = arith.addi %scan3A_562, %scan3A_563 : i32
      %scan3A_565 = arith.constant 1 : i32
      scf.for %scan3A_567 = %scan3A_562 to %scan3A_564 step %scan3A_565  : i32 {
        %broadcast_in_dim3A = vector.broadcast %scan3A_567 : i32 to vector<16xi32>
        %gather3A = tpu.vector_load_idx %arg23[%broadcast_in_dim3A] : memref<80xf32, #tpu.memory_space<vmem>>[vector<16xi32>], vector<16xf32>,
        %get3A_568 = arith.index_cast %scan3A_567 : i32 to index
        %get3A_569 = arith.constant 0 : index
        %get3A_570 = tpu.vector_load %arg25[%get3A_568, %get3A_569] {strides = array<i32>} : memref<80x128xf32, #tpu.memory_space<vmem>>, vector<16xf32>,
        %mul3A_571 = arith.mulf %get3A_570, %gather3A : vector<16xf32>
        %swap3A_572 = arith.index_cast %scan3A_567 : i32 to index
        %swap3A_573 = arith.constant 0 : index
        %swap3A_574 = tpu.vector_load %arg25[%swap3A_572, %swap3A_573] {strides = array<i32>} : memref<80x128xf32, #tpu.memory_space<vmem>>, vector<16xf32>,
        tpu.vector_store %arg25[%swap3A_572, %swap3A_573], %mul3A_571 {strides = array<i32>} : memref<80x128xf32, #tpu.memory_space<vmem>>, vector<16xf32>,
        %get3A_575 = arith.index_cast %scan3A_567 : i32 to index
        %get3A_576 = arith.constant 16 : index
        %get3A_577 = tpu.vector_load %arg25[%get3A_575, %get3A_576] {strides = array<i32>} : memref<80x128xf32, #tpu.memory_space<vmem>>, vector<16xf32>,
        %mul3A_578 = arith.mulf %get3A_577, %gather3A : vector<16xf32>
        %swap3A_579 = arith.index_cast %scan3A_567 : i32 to index
        %swap3A_580 = arith.constant 16 : index
        %swap3A_581 = tpu.vector_load %arg25[%swap3A_579, %swap3A_580] {strides = array<i32>} : memref<80x128xf32, #tpu.memory_space<vmem>>, vector<16xf32>,
        tpu.vector_store %arg25[%swap3A_579, %swap3A_580], %mul3A_578 {strides = array<i32>} : memref<80x128xf32, #tpu.memory_space<vmem>>, vector<16xf32>,
        %get3A_582 = arith.index_cast %scan3A_567 : i32 to index
        %get3A_583 = arith.constant 32 : index
        %get3A_584 = tpu.vector_load %arg25[%get3A_582, %get3A_583] {strides = array<i32>} : memref<80x128xf32, #tpu.memory_space<vmem>>, vector<16xf32>,
        %mul3A_585 = arith.mulf %get3A_584, %gather3A : vector<16xf32>
        %swap3A_586 = arith.index_cast %scan3A_567 : i32 to index
        %swap3A_587 = arith.constant 32 : index
        %swap3A_588 = tpu.vector_load %arg25[%swap3A_586, %swap3A_587] {strides = array<i32>} : memref<80x128xf32, #tpu.memory_space<vmem>>, vector<16xf32>,
        tpu.vector_store %arg25[%swap3A_586, %swap3A_587], %mul3A_585 {strides = array<i32>} : memref<80x128xf32, #tpu.memory_space<vmem>>, vector<16xf32>,
        %get3A_589 = arith.index_cast %scan3A_567 : i32 to index
        %get3A_590 = arith.constant 48 : index
        %get3A_591 = tpu.vector_load %arg25[%get3A_589, %get3A_590] {strides = array<i32>} : memref<80x128xf32, #tpu.memory_space<vmem>>, vector<16xf32>,
        %mul3A_592 = arith.mulf %get3A_591, %gather3A : vector<16xf32>
        %swap3A_593 = arith.index_cast %scan3A_567 : i32 to index
        %swap3A_594 = arith.constant 48 : index
        %swap3A_595 = tpu.vector_load %arg25[%swap3A_593, %swap3A_594] {strides = array<i32>} : memref<80x128xf32, #tpu.memory_space<vmem>>, vector<16xf32>,
        tpu.vector_store %arg25[%swap3A_593, %swap3A_594], %mul3A_592 {strides = array<i32>} : memref<80x128xf32, #tpu.memory_space<vmem>>, vector<16xf32>,
        %get3A_596 = arith.index_cast %scan3A_567 : i32 to index
        %get3A_597 = arith.constant 64 : index
        %get3A_598 = tpu.vector_load %arg25[%get3A_596, %get3A_597] {strides = array<i32>} : memref<80x128xf32, #tpu.memory_space<vmem>>, vector<16xf32>,
        %mul3A_599 = arith.mulf %get3A_598, %gather3A : vector<16xf32>
        %swap3A_600 = arith.index_cast %scan3A_567 : i32 to index
        %swap3A_601 = arith.constant 64 : index
        %swap3A_602 = tpu.vector_load %arg25[%swap3A_600, %swap3A_601] {strides = array<i32>} : memref<80x128xf32, #tpu.memory_space<vmem>>, vector<16xf32>,
        tpu.vector_store %arg25[%swap3A_600, %swap3A_601], %mul3A_599 {strides = array<i32>} : memref<80x128xf32, #tpu.memory_space<vmem>>, vector<16xf32>,
        %get3A_603 = arith.index_cast %scan3A_567 : i32 to index
        %get3A_604 = arith.constant 80 : index
        %get3A_605 = tpu.vector_load %arg25[%get3A_603, %get3A_604] {strides = array<i32>} : memref<80x128xf32, #tpu.memory_space<vmem>>, vector<16xf32>,
        %mul3A_606 = arith.mulf %get3A_605, %gather3A : vector<16xf32>
        %swap3A_607 = arith.index_cast %scan3A_567 : i32 to index
        %swap3A_608 = arith.constant 80 : index
        %swap3A_609 = tpu.vector_load %arg25[%swap3A_607, %swap3A_608] {strides = array<i32>} : memref<80x128xf32, #tpu.memory_space<vmem>>, vector<16xf32>,
        tpu.vector_store %arg25[%swap3A_607, %swap3A_608], %mul3A_606 {strides = array<i32>} : memref<80x128xf32, #tpu.memory_space<vmem>>, vector<16xf32>,
        %get3A_610 = arith.index_cast %scan3A_567 : i32 to index
        %get3A_611 = arith.constant 96 : index
        %get3A_612 = tpu.vector_load %arg25[%get3A_610, %get3A_611] {strides = array<i32>} : memref<80x128xf32, #tpu.memory_space<vmem>>, vector<16xf32>,
        %mul3A_613 = arith.mulf %get3A_612, %gather3A : vector<16xf32>
        %swap3A_614 = arith.index_cast %scan3A_567 : i32 to index
        %swap3A_615 = arith.constant 96 : index
        %swap3A_616 = tpu.vector_load %arg25[%swap3A_614, %swap3A_615] {strides = array<i32>} : memref<80x128xf32, #tpu.memory_space<vmem>>, vector<16xf32>,
        tpu.vector_store %arg25[%swap3A_614, %swap3A_615], %mul3A_613 {strides = array<i32>} : memref<80x128xf32, #tpu.memory_space<vmem>>, vector<16xf32>,
        %get3A_617 = arith.index_cast %scan3A_567 : i32 to index
        %get3A_618 = arith.constant 112 : index
        %get3A_619 = tpu.vector_load %arg25[%get3A_617, %get3A_618] {strides = array<i32>} : memref<80x128xf32, #tpu.memory_space<vmem>>, vector<16xf32>,
        %mul3A_620 = arith.mulf %get3A_619, %gather3A : vector<16xf32>
        %swap3A_621 = arith.index_cast %scan3A_567 : i32 to index
        %swap3A_622 = arith.constant 112 : index
        %swap3A_623 = tpu.vector_load %arg25[%swap3A_621, %swap3A_622] {strides = array<i32>} : memref<80x128xf32, #tpu.memory_space<vmem>>, vector<16xf32>,
        tpu.vector_store %arg25[%swap3A_621, %swap3A_622], %mul3A_620 {strides = array<i32>} : memref<80x128xf32, #tpu.memory_space<vmem>>, vector<16xf32>,
      }
      %scan3A_566 = arith.constant 80 : i32
      "tpu.region"() ({
        %run_scoped3A = tpu.sem_alloc : memref<!tpu.dma_semaphore, #tpu.memory_space<semaphore_mem>>
        %dma_start3A_567 = arith.constant 0 : i32
        %dma_start3A_568 = arith.constant 0 : i32
        %dma_start3A_569 = tpu.memref_slice %arg33[%dma_start3A_567, %dma_start3A_568] : memref<10000x128xf32, #tpu.memory_space<vmem_shared>> -> memref<10000x128xf32, #tpu.memory_space<vmem_shared>>
        tpu.enqueue_indirect_dma source(%arg25 : memref<80x128xf32, #tpu.memory_space<vmem>>) target(%dma_start3A_569 : memref<10000x128xf32, #tpu.memory_space<vmem_shared>>) offsets(%arg14 : memref<80xi32, #tpu.memory_space<vmem>>) semaphore(%run_scoped3A : memref<!tpu.dma_semaphore, #tpu.memory_space<semaphore_mem>>) {add = true}
        %dma_wait3A_570 = arith.constant 0 : i32
        %dma_wait3A_571 = arith.constant 0 : i32
        %dma_wait3A_572 = tpu.memref_slice %arg33[%dma_wait3A_570, %dma_wait3A_571] : memref<10000x128xf32, #tpu.memory_space<vmem_shared>> -> memref<10000x128xf32, #tpu.memory_space<vmem_shared>>
        tpu.wait_indirect_dma semaphore(%run_scoped3A : memref<!tpu.dma_semaphore, #tpu.memory_space<semaphore_mem>>) src(%arg25 : memref<80x128xf32, #tpu.memory_space<vmem>>) dst(%dma_wait3A_572 : memref<10000x128xf32, #tpu.memory_space<vmem_shared>>)
        tpu.yield
      }) : () -> ()
    }
    %scan3A_93 = arith.constant 125 : i32
    %dma_wait3A = arith.constant 0 : i32
    %dma_wait3A_94 = tpu.memref_slice %arg4[%dma_wait3A] : memref<40000xf32, #tpu.memory_space<hbm>> -> memref<80xf32, #tpu.memory_space<hbm>>
    %dma_wait3A_95 = arith.constant 0 : i32
    %dma_wait3A_96 = tpu.memref_slice %arg4[%dma_wait3A_95] : memref<40000xf32, #tpu.memory_space<hbm>> -> memref<80xf32, #tpu.memory_space<hbm>>
    tpu.wait_dma2 semaphore(%arg27 : memref<!tpu.dma_semaphore, #tpu.memory_space<semaphore_mem>>) src(%dma_wait3A_96 : memref<80xf32, #tpu.memory_space<hbm>>) dst(%arg19 : memref<80xf32, #tpu.memory_space<vmem>>)
    %dma_wait3A_97 = arith.constant 0 : i32
    %dma_wait3A_98 = tpu.memref_slice %arg5[%dma_wait3A_97] : memref<40000xf32, #tpu.memory_space<hbm>> -> memref<80xf32, #tpu.memory_space<hbm>>
    %dma_wait3A_99 = arith.constant 0 : i32
    %dma_wait3A_100 = tpu.memref_slice %arg5[%dma_wait3A_99] : memref<40000xf32, #tpu.memory_space<hbm>> -> memref<80xf32, #tpu.memory_space<hbm>>
    tpu.wait_dma2 semaphore(%arg29 : memref<!tpu.dma_semaphore, #tpu.memory_space<semaphore_mem>>) src(%dma_wait3A_100 : memref<80xf32, #tpu.memory_space<hbm>>) dst(%arg21 : memref<80xf32, #tpu.memory_space<vmem>>)
    %dma_wait3A_101 = arith.constant 0 : i32
    %dma_wait3A_102 = arith.constant 0 : i32
    %dma_wait3A_103 = tpu.memref_slice %arg6[%dma_wait3A_101, %dma_wait3A_102] : memref<40000x128xf32, #tpu.memory_space<hbm>> -> memref<80x128xf32, #tpu.memory_space<hbm>>
    %dma_wait3A_104 = arith.constant 0 : i32
    %dma_wait3A_105 = arith.constant 0 : i32
    %dma_wait3A_106 = tpu.memref_slice %arg6[%dma_wait3A_104, %dma_wait3A_105] : memref<40000x128xf32, #tpu.memory_space<hbm>> -> memref<80x128xf32, #tpu.memory_space<hbm>>
    tpu.wait_dma2 semaphore(%arg31 : memref<!tpu.dma_semaphore, #tpu.memory_space<semaphore_mem>>) src(%dma_wait3A_106 : memref<80x128xf32, #tpu.memory_space<hbm>>) dst(%arg24 : memref<80x128xf32, #tpu.memory_space<vmem>>)
    %barrier3A_107 = arith.constant 0 : index
    tpu.barrier barrier_id(%barrier3A_107)
    %lt3A = arith.constant 15 : i32
    %lt3A_108 = arith.cmpi slt, %arg1, %lt3A : i32
    %convert_element_type3A_109 = arith.extui %lt3A_108 : i1 to i32
    %cond3A_110 = arith.constant 0 : i32
    %cond3A_111 = arith.cmpi ne, %convert_element_type3A_109, %cond3A_110 : i32
    scf.if %cond3A_111 {
      %mul3A_250 = arith.constant 632 : i32
      %mul3A_251 = arith.muli %arg1, %mul3A_250 : i32
      %add3A_252 = arith.addi %mul3A_19, %mul3A_251 : i32
      "tpu.region"() ({
        %run_scoped3A = tpu.sem_alloc : memref<!tpu.dma_semaphore, #tpu.memory_space<semaphore_mem>>
        %dma_start3A_253 = arith.constant 0 : i32
        %dma_start3A_254 = tpu.memref_slice %arg9[%add3A_252, %dma_start3A_253] : memref<40000x128xf32, #tpu.memory_space<hbm>> -> memref<632x128xf32, #tpu.memory_space<hbm>>
        %dma_start3A_255 = arith.constant 0 : i32
        %dma_start3A_256 = tpu.memref_slice %arg33[%mul3A_251, %dma_start3A_255] : memref<10000x128xf32, #tpu.memory_space<vmem_shared>> -> memref<632x128xf32, #tpu.memory_space<vmem_shared>>
        tpu.enqueue_dma source(%dma_start3A_256 : memref<632x128xf32, #tpu.memory_space<vmem_shared>>) target(%dma_start3A_254 : memref<632x128xf32, #tpu.memory_space<hbm>>) target_semaphore(%run_scoped3A : memref<!tpu.dma_semaphore, #tpu.memory_space<semaphore_mem>>)
        %dma_wait3A_257 = arith.constant 0 : i32
        %dma_wait3A_258 = tpu.memref_slice %arg9[%add3A_252, %dma_wait3A_257] : memref<40000x128xf32, #tpu.memory_space<hbm>> -> memref<632x128xf32, #tpu.memory_space<hbm>>
        %dma_wait3A_259 = arith.constant 0 : i32
        %dma_wait3A_260 = tpu.memref_slice %arg33[%mul3A_251, %dma_wait3A_259] : memref<10000x128xf32, #tpu.memory_space<vmem_shared>> -> memref<632x128xf32, #tpu.memory_space<vmem_shared>>
        tpu.wait_dma2 semaphore(%run_scoped3A : memref<!tpu.dma_semaphore, #tpu.memory_space<semaphore_mem>>) src(%dma_wait3A_260 : memref<632x128xf32, #tpu.memory_space<vmem_shared>>) dst(%dma_wait3A_258 : memref<632x128xf32, #tpu.memory_space<hbm>>)
        tpu.yield
      }) : () -> ()
    } else {
    }
    %eq3A_112 = arith.constant 15 : i32
    %eq3A_113 = arith.cmpi eq, %arg1, %eq3A_112 : i32
    %convert_element_type3A_114 = arith.extui %eq3A_113 : i1 to i32
    %cond3A_115 = arith.constant 0 : i32
    %cond3A_116 = arith.cmpi ne, %convert_element_type3A_114, %cond3A_115 : i32
    scf.if %cond3A_116 {
      %add3A_250 = arith.constant 9480 : i32
      %add3A_251 = arith.addi %mul3A_19, %add3A_250 : i32
      "tpu.region"() ({
        %run_scoped3A = tpu.sem_alloc : memref<!tpu.dma_semaphore, #tpu.memory_space<semaphore_mem>>
        %dma_start3A_252 = arith.constant 0 : i32
        %dma_start3A_253 = tpu.memref_slice %arg9[%add3A_251, %dma_start3A_252] : memref<40000x128xf32, #tpu.memory_space<hbm>> -> memref<520x128xf32, #tpu.memory_space<hbm>>
        %dma_start3A_254 = arith.constant 9480 : i32
        %dma_start3A_255 = arith.constant 0 : i32
        %dma_start3A_256 = tpu.memref_slice %arg33[%dma_start3A_254, %dma_start3A_255] : memref<10000x128xf32, #tpu.memory_space<vmem_shared>> -> memref<520x128xf32, #tpu.memory_space<vmem_shared>>
        tpu.enqueue_dma source(%dma_start3A_256 : memref<520x128xf32, #tpu.memory_space<vmem_shared>>) target(%dma_start3A_253 : memref<520x128xf32, #tpu.memory_space<hbm>>) target_semaphore(%run_scoped3A : memref<!tpu.dma_semaphore, #tpu.memory_space<semaphore_mem>>)
        %dma_wait3A_257 = arith.constant 0 : i32
        %dma_wait3A_258 = tpu.memref_slice %arg9[%add3A_251, %dma_wait3A_257] : memref<40000x128xf32, #tpu.memory_space<hbm>> -> memref<520x128xf32, #tpu.memory_space<hbm>>
        %dma_wait3A_259 = arith.constant 9480 : i32
        %dma_wait3A_260 = arith.constant 0 : i32
        %dma_wait3A_261 = tpu.memref_slice %arg33[%dma_wait3A_259, %dma_wait3A_260] : memref<10000x128xf32, #tpu.memory_space<vmem_shared>> -> memref<520x128xf32, #tpu.memory_space<vmem_shared>>
        tpu.wait_dma2 semaphore(%run_scoped3A : memref<!tpu.dma_semaphore, #tpu.memory_space<semaphore_mem>>) src(%dma_wait3A_261 : memref<520x128xf32, #tpu.memory_space<vmem_shared>>) dst(%dma_wait3A_258 : memref<520x128xf32, #tpu.memory_space<hbm>>)
        tpu.yield
      }) : () -> ()
    } else {
    }
    %eq3A_117 = arith.constant 0 : i32
    %eq3A_118 = arith.cmpi eq, %arg1, %eq3A_117 : i32
    %convert_element_type3A_119 = arith.extui %eq3A_118 : i1 to i32
    %cond3A_120 = arith.constant 0 : i32
    %cond3A_121 = arith.cmpi ne, %convert_element_type3A_119, %cond3A_120 : i32
    scf.if %cond3A_121 {
      "tpu.region"() ({
        %run_scoped3A = tpu.sem_alloc : memref<!tpu.dma_semaphore, #tpu.memory_space<semaphore_mem>>
        tpu.enqueue_dma source(%arg34 : memref<10000xf32, #tpu.memory_space<vmem_shared>>) target(%arg26 : memref<10000xf32, #tpu.memory_space<vmem>>) target_semaphore(%run_scoped3A : memref<!tpu.dma_semaphore, #tpu.memory_space<semaphore_mem>>)
        tpu.wait_dma2 semaphore(%run_scoped3A : memref<!tpu.dma_semaphore, #tpu.memory_space<semaphore_mem>>) src(%arg34 : memref<10000xf32, #tpu.memory_space<vmem_shared>>) dst(%arg26 : memref<10000xf32, #tpu.memory_space<vmem>>)
        tpu.yield
      }) : () -> ()
      "tpu.region"() ({
        %run_scoped3A = tpu.sem_alloc : memref<!tpu.dma_semaphore, #tpu.memory_space<semaphore_mem>>
        %dma_start3A_250 = tpu.memref_slice %arg10[%mul3A_19] : memref<40000xf32, #tpu.memory_space<hbm>> -> memref<10000xf32, #tpu.memory_space<hbm>>
        %dma_start3A_251 = tpu.memref_slice %arg10[%mul3A_19] : memref<40000xf32, #tpu.memory_space<hbm>> -> memref<10000xf32, #tpu.memory_space<hbm>>
        tpu.enqueue_dma source(%arg26 : memref<10000xf32, #tpu.memory_space<vmem>>) target(%dma_start3A_251 : memref<10000xf32, #tpu.memory_space<hbm>>) target_semaphore(%run_scoped3A : memref<!tpu.dma_semaphore, #tpu.memory_space<semaphore_mem>>)
        %dma_wait3A_252 = tpu.memref_slice %arg10[%mul3A_19] : memref<40000xf32, #tpu.memory_space<hbm>> -> memref<10000xf32, #tpu.memory_space<hbm>>
        %dma_wait3A_253 = tpu.memref_slice %arg10[%mul3A_19] : memref<40000xf32, #tpu.memory_space<hbm>> -> memref<10000xf32, #tpu.memory_space<hbm>>
        tpu.wait_dma2 semaphore(%run_scoped3A : memref<!tpu.dma_semaphore, #tpu.memory_space<semaphore_mem>>) src(%arg26 : memref<10000xf32, #tpu.memory_space<vmem>>) dst(%dma_wait3A_253 : memref<10000xf32, #tpu.memory_space<hbm>>)
        tpu.yield
      }) : () -> ()
    } else {
    }
    %barrier3A_122 = arith.constant 0 : index
    tpu.barrier barrier_id(%barrier3A_122)
    %eq3A_123 = arith.constant 0 : i32
    %eq3A_124 = arith.cmpi eq, %arg1, %eq3A_123 : i32
    %convert_element_type3A_125 = arith.extui %eq3A_124 : i1 to i32
    %cond3A_126 = arith.constant 0 : i32
    %cond3A_127 = arith.cmpi ne, %convert_element_type3A_125, %cond3A_126 : i32
    scf.if %cond3A_127 {
      "tpu.region"() ({
        %run_scoped3A = tpu.sem_alloc : memref<!tpu.dma_semaphore, #tpu.memory_space<semaphore_mem>>
        tpu.enqueue_dma source(%arg7 : memref<10000x128xf32, #tpu.memory_space<hbm>>) target(%arg33 : memref<10000x128xf32, #tpu.memory_space<vmem_shared>>) target_semaphore(%run_scoped3A : memref<!tpu.dma_semaphore, #tpu.memory_space<semaphore_mem>>)
        tpu.wait_dma2 semaphore(%run_scoped3A : memref<!tpu.dma_semaphore, #tpu.memory_space<semaphore_mem>>) src(%arg7 : memref<10000x128xf32, #tpu.memory_space<hbm>>) dst(%arg33 : memref<10000x128xf32, #tpu.memory_space<vmem_shared>>)
        tpu.yield
      }) : () -> ()
    } else {
    }
    %barrier3A_128 = arith.constant 0 : index
    tpu.barrier barrier_id(%barrier3A_128)
    %mul3A_129 = arith.constant 2 : i32
    %mul3A_130 = arith.muli %mul3A_129, %arg0 : i32
    %add3A_131 = arith.constant 1 : i32
    %add3A_132 = arith.addi %mul3A_130, %add3A_131 : i32
    %mul3A_133 = arith.constant 10000 : i32
    %mul3A_134 = arith.muli %add3A_132, %mul3A_133 : i32
    %mul3A_135 = arith.constant 2 : i32
    %mul3A_136 = arith.muli %mul3A_135, %arg0 : i32
    %add3A_137 = arith.constant 1 : i32
    %add3A_138 = arith.addi %mul3A_136, %add3A_137 : i32
    %mul3A_139 = arith.constant 10000 : i32
    %mul3A_140 = arith.muli %add3A_138, %mul3A_139 : i32
    %add3A_141 = arith.constant 0 : i32
    %add3A_142 = arith.addi %mul3A_0, %add3A_141 : i32
    %add3A_143 = arith.constant 0 : i32
    %add3A_144 = arith.addi %add3A_142, %add3A_143 : i32
    %min3A_145 = arith.constant 319920 : i32
    %min3A_146 = arith.minsi %add3A_144, %min3A_145 : i32
    "tpu.region"() ({
      %run_scoped3A = tpu.sem_alloc : memref<!tpu.dma_semaphore, #tpu.memory_space<semaphore_mem>>
      %dma_start3A_250 = tpu.memref_slice %arg2[%min3A_146] : memref<320000xi32, #tpu.memory_space<hbm>> -> memref<80xi32, #tpu.memory_space<hbm>>
      %dma_start3A_251 = tpu.memref_slice %arg2[%min3A_146] : memref<320000xi32, #tpu.memory_space<hbm>> -> memref<80xi32, #tpu.memory_space<hbm>>
      tpu.enqueue_dma source(%dma_start3A_251 : memref<80xi32, #tpu.memory_space<hbm>>) target(%arg11 : memref<80xi32, #tpu.memory_space<vmem>>) target_semaphore(%run_scoped3A : memref<!tpu.dma_semaphore, #tpu.memory_space<semaphore_mem>>)
      %dma_wait3A_252 = tpu.memref_slice %arg2[%min3A_146] : memref<320000xi32, #tpu.memory_space<hbm>> -> memref<80xi32, #tpu.memory_space<hbm>>
      %dma_wait3A_253 = tpu.memref_slice %arg2[%min3A_146] : memref<320000xi32, #tpu.memory_space<hbm>> -> memref<80xi32, #tpu.memory_space<hbm>>
      tpu.wait_dma2 semaphore(%run_scoped3A : memref<!tpu.dma_semaphore, #tpu.memory_space<semaphore_mem>>) src(%dma_wait3A_253 : memref<80xi32, #tpu.memory_space<hbm>>) dst(%arg11 : memref<80xi32, #tpu.memory_space<vmem>>)
      tpu.yield
    }) : () -> ()
    "tpu.region"() ({
      %run_scoped3A = tpu.sem_alloc : memref<!tpu.dma_semaphore, #tpu.memory_space<semaphore_mem>>
      %dma_start3A_250 = tpu.memref_slice %arg3[%min3A_146] : memref<320000xi32, #tpu.memory_space<hbm>> -> memref<80xi32, #tpu.memory_space<hbm>>
      %dma_start3A_251 = tpu.memref_slice %arg3[%min3A_146] : memref<320000xi32, #tpu.memory_space<hbm>> -> memref<80xi32, #tpu.memory_space<hbm>>
      tpu.enqueue_dma source(%dma_start3A_251 : memref<80xi32, #tpu.memory_space<hbm>>) target(%arg13 : memref<80xi32, #tpu.memory_space<vmem>>) target_semaphore(%run_scoped3A : memref<!tpu.dma_semaphore, #tpu.memory_space<semaphore_mem>>)
      %dma_wait3A_252 = tpu.memref_slice %arg3[%min3A_146] : memref<320000xi32, #tpu.memory_space<hbm>> -> memref<80xi32, #tpu.memory_space<hbm>>
      %dma_wait3A_253 = tpu.memref_slice %arg3[%min3A_146] : memref<320000xi32, #tpu.memory_space<hbm>> -> memref<80xi32, #tpu.memory_space<hbm>>
      tpu.wait_dma2 semaphore(%run_scoped3A : memref<!tpu.dma_semaphore, #tpu.memory_space<semaphore_mem>>) src(%dma_wait3A_253 : memref<80xi32, #tpu.memory_space<hbm>>) dst(%arg13 : memref<80xi32, #tpu.memory_space<vmem>>)
      tpu.yield
    }) : () -> ()
    %get3A_147 = arith.constant 0 : index
    %get3A_148 = tpu.vector_load %arg11[%get3A_147] {strides = array<i32>} : memref<80xi32, #tpu.memory_space<vmem>>, vector<16xi32>,
    %add3A_149 = vector.broadcast %mul3A_134 : i32 to vector<16xi32>
    %add3A_150 = arith.addi %get3A_148, %add3A_149 : vector<16xi32>
    %swap3A_151 = arith.constant 0 : index
    %swap3A_152 = tpu.vector_load %arg15[%swap3A_151] {strides = array<i32>} : memref<80xi32, #tpu.memory_space<vmem>>, vector<16xi32>,
    tpu.vector_store %arg15[%swap3A_151], %add3A_150 {strides = array<i32>} : memref<80xi32, #tpu.memory_space<vmem>>, vector<16xi32>,
    %get3A_153 = arith.constant 0 : index
    %get3A_154 = tpu.vector_load %arg13[%get3A_153] {strides = array<i32>} : memref<80xi32, #tpu.memory_space<vmem>>, vector<16xi32>,
    %add3A_155 = vector.broadcast %mul3A_134 : i32 to vector<16xi32>
    %add3A_156 = arith.addi %get3A_154, %add3A_155 : vector<16xi32>
    %swap3A_157 = arith.constant 0 : index
    %swap3A_158 = tpu.vector_load %arg17[%swap3A_157] {strides = array<i32>} : memref<80xi32, #tpu.memory_space<vmem>>, vector<16xi32>,
    tpu.vector_store %arg17[%swap3A_157], %add3A_156 {strides = array<i32>} : memref<80xi32, #tpu.memory_space<vmem>>, vector<16xi32>,
    %get3A_159 = arith.constant 16 : index
    %get3A_160 = tpu.vector_load %arg11[%get3A_159] {strides = array<i32>} : memref<80xi32, #tpu.memory_space<vmem>>, vector<16xi32>,
    %add3A_161 = vector.broadcast %mul3A_134 : i32 to vector<16xi32>
    %add3A_162 = arith.addi %get3A_160, %add3A_161 : vector<16xi32>
    %swap3A_163 = arith.constant 16 : index
    %swap3A_164 = tpu.vector_load %arg15[%swap3A_163] {strides = array<i32>} : memref<80xi32, #tpu.memory_space<vmem>>, vector<16xi32>,
    tpu.vector_store %arg15[%swap3A_163], %add3A_162 {strides = array<i32>} : memref<80xi32, #tpu.memory_space<vmem>>, vector<16xi32>,
    %get3A_165 = arith.constant 16 : index
    %get3A_166 = tpu.vector_load %arg13[%get3A_165] {strides = array<i32>} : memref<80xi32, #tpu.memory_space<vmem>>, vector<16xi32>,
    %add3A_167 = vector.broadcast %mul3A_134 : i32 to vector<16xi32>
    %add3A_168 = arith.addi %get3A_166, %add3A_167 : vector<16xi32>
    %swap3A_169 = arith.constant 16 : index
    %swap3A_170 = tpu.vector_load %arg17[%swap3A_169] {strides = array<i32>} : memref<80xi32, #tpu.memory_space<vmem>>, vector<16xi32>,
    tpu.vector_store %arg17[%swap3A_169], %add3A_168 {strides = array<i32>} : memref<80xi32, #tpu.memory_space<vmem>>, vector<16xi32>,
    %get3A_171 = arith.constant 32 : index
    %get3A_172 = tpu.vector_load %arg11[%get3A_171] {strides = array<i32>} : memref<80xi32, #tpu.memory_space<vmem>>, vector<16xi32>,
    %add3A_173 = vector.broadcast %mul3A_134 : i32 to vector<16xi32>
    %add3A_174 = arith.addi %get3A_172, %add3A_173 : vector<16xi32>
    %swap3A_175 = arith.constant 32 : index
    %swap3A_176 = tpu.vector_load %arg15[%swap3A_175] {strides = array<i32>} : memref<80xi32, #tpu.memory_space<vmem>>, vector<16xi32>,
    tpu.vector_store %arg15[%swap3A_175], %add3A_174 {strides = array<i32>} : memref<80xi32, #tpu.memory_space<vmem>>, vector<16xi32>,
    %get3A_177 = arith.constant 32 : index
    %get3A_178 = tpu.vector_load %arg13[%get3A_177] {strides = array<i32>} : memref<80xi32, #tpu.memory_space<vmem>>, vector<16xi32>,
    %add3A_179 = vector.broadcast %mul3A_134 : i32 to vector<16xi32>
    %add3A_180 = arith.addi %get3A_178, %add3A_179 : vector<16xi32>
    %swap3A_181 = arith.constant 32 : index
    %swap3A_182 = tpu.vector_load %arg17[%swap3A_181] {strides = array<i32>} : memref<80xi32, #tpu.memory_space<vmem>>, vector<16xi32>,
    tpu.vector_store %arg17[%swap3A_181], %add3A_180 {strides = array<i32>} : memref<80xi32, #tpu.memory_space<vmem>>, vector<16xi32>,
    %get3A_183 = arith.constant 48 : index
    %get3A_184 = tpu.vector_load %arg11[%get3A_183] {strides = array<i32>} : memref<80xi32, #tpu.memory_space<vmem>>, vector<16xi32>,
    %add3A_185 = vector.broadcast %mul3A_134 : i32 to vector<16xi32>
    %add3A_186 = arith.addi %get3A_184, %add3A_185 : vector<16xi32>
    %swap3A_187 = arith.constant 48 : index
    %swap3A_188 = tpu.vector_load %arg15[%swap3A_187] {strides = array<i32>} : memref<80xi32, #tpu.memory_space<vmem>>, vector<16xi32>,
    tpu.vector_store %arg15[%swap3A_187], %add3A_186 {strides = array<i32>} : memref<80xi32, #tpu.memory_space<vmem>>, vector<16xi32>,
    %get3A_189 = arith.constant 48 : index
    %get3A_190 = tpu.vector_load %arg13[%get3A_189] {strides = array<i32>} : memref<80xi32, #tpu.memory_space<vmem>>, vector<16xi32>,
    %add3A_191 = vector.broadcast %mul3A_134 : i32 to vector<16xi32>
    %add3A_192 = arith.addi %get3A_190, %add3A_191 : vector<16xi32>
    %swap3A_193 = arith.constant 48 : index
    %swap3A_194 = tpu.vector_load %arg17[%swap3A_193] {strides = array<i32>} : memref<80xi32, #tpu.memory_space<vmem>>, vector<16xi32>,
    tpu.vector_store %arg17[%swap3A_193], %add3A_192 {strides = array<i32>} : memref<80xi32, #tpu.memory_space<vmem>>, vector<16xi32>,
    %get3A_195 = arith.constant 64 : index
    %get3A_196 = tpu.vector_load %arg11[%get3A_195] {strides = array<i32>} : memref<80xi32, #tpu.memory_space<vmem>>, vector<16xi32>,
    %add3A_197 = vector.broadcast %mul3A_134 : i32 to vector<16xi32>
    %add3A_198 = arith.addi %get3A_196, %add3A_197 : vector<16xi32>
    %swap3A_199 = arith.constant 64 : index
    %swap3A_200 = tpu.vector_load %arg15[%swap3A_199] {strides = array<i32>} : memref<80xi32, #tpu.memory_space<vmem>>, vector<16xi32>,
    tpu.vector_store %arg15[%swap3A_199], %add3A_198 {strides = array<i32>} : memref<80xi32, #tpu.memory_space<vmem>>, vector<16xi32>,
    %get3A_201 = arith.constant 64 : index
    %get3A_202 = tpu.vector_load %arg13[%get3A_201] {strides = array<i32>} : memref<80xi32, #tpu.memory_space<vmem>>, vector<16xi32>,
    %add3A_203 = vector.broadcast %mul3A_134 : i32 to vector<16xi32>
    %add3A_204 = arith.addi %get3A_202, %add3A_203 : vector<16xi32>
    %swap3A_205 = arith.constant 64 : index
    %swap3A_206 = tpu.vector_load %arg17[%swap3A_205] {strides = array<i32>} : memref<80xi32, #tpu.memory_space<vmem>>, vector<16xi32>,
    tpu.vector_store %arg17[%swap3A_205], %add3A_204 {strides = array<i32>} : memref<80xi32, #tpu.memory_space<vmem>>, vector<16xi32>,
    %dma_start3A_207 = arith.constant 0 : i32
    %dma_start3A_208 = tpu.memref_slice %arg4[%dma_start3A_207] : memref<40000xf32, #tpu.memory_space<hbm>> -> memref<40000xf32, #tpu.memory_space<hbm>>
    tpu.enqueue_indirect_dma source(%dma_start3A_208 : memref<40000xf32, #tpu.memory_space<hbm>>) target(%arg19 : memref<80xf32, #tpu.memory_space<vmem>>) offsets(%arg15 : memref<80xi32, #tpu.memory_space<vmem>>) semaphore(%arg27 : memref<!tpu.dma_semaphore, #tpu.memory_space<semaphore_mem>>)
    %dma_start3A_209 = arith.constant 0 : i32
    %dma_start3A_210 = tpu.memref_slice %arg5[%dma_start3A_209] : memref<40000xf32, #tpu.memory_space<hbm>> -> memref<40000xf32, #tpu.memory_space<hbm>>
    tpu.enqueue_indirect_dma source(%dma_start3A_210 : memref<40000xf32, #tpu.memory_space<hbm>>) target(%arg21 : memref<80xf32, #tpu.memory_space<vmem>>) offsets(%arg17 : memref<80xi32, #tpu.memory_space<vmem>>) semaphore(%arg29 : memref<!tpu.dma_semaphore, #tpu.memory_space<semaphore_mem>>)
    %dma_start3A_211 = arith.constant 0 : i32
    %dma_start3A_212 = arith.constant 0 : i32
    %dma_start3A_213 = tpu.memref_slice %arg6[%dma_start3A_211, %dma_start3A_212] : memref<40000x128xf32, #tpu.memory_space<hbm>> -> memref<40000x128xf32, #tpu.memory_space<hbm>>
    tpu.enqueue_indirect_dma source(%dma_start3A_213 : memref<40000x128xf32, #tpu.memory_space<hbm>>) target(%arg24 : memref<80x128xf32, #tpu.memory_space<vmem>>) offsets(%arg15 : memref<80xi32, #tpu.memory_space<vmem>>) semaphore(%arg31 : memref<!tpu.dma_semaphore, #tpu.memory_space<semaphore_mem>>)
    %scan3A_214 = arith.constant 0 : i32
    %scan3A_215 = arith.constant 0 : i32
    %scan3A_216 = arith.constant 125 : i32
    %scan3A_217 = arith.addi %scan3A_215, %scan3A_216 : i32
    %scan3A_218 = arith.constant 1 : i32
    scf.for %scan3A_250 = %scan3A_215 to %scan3A_217 step %scan3A_218  : i32 {
      %mul3A_251 = arith.constant 2 : i32
      %mul3A_252 = arith.muli %mul3A_251, %scan3A_250 : i32
      %dma_wait3A_253 = arith.constant 0 : i32
      %dma_wait3A_254 = tpu.memref_slice %arg4[%dma_wait3A_253] : memref<40000xf32, #tpu.memory_space<hbm>> -> memref<80xf32, #tpu.memory_space<hbm>>
      %dma_wait3A_255 = arith.constant 0 : i32
      %dma_wait3A_256 = tpu.memref_slice %arg4[%dma_wait3A_255] : memref<40000xf32, #tpu.memory_space<hbm>> -> memref<80xf32, #tpu.memory_space<hbm>>
      tpu.wait_dma2 semaphore(%arg27 : memref<!tpu.dma_semaphore, #tpu.memory_space<semaphore_mem>>) src(%dma_wait3A_256 : memref<80xf32, #tpu.memory_space<hbm>>) dst(%arg19 : memref<80xf32, #tpu.memory_space<vmem>>)
      %dma_wait3A_257 = arith.constant 0 : i32
      %dma_wait3A_258 = tpu.memref_slice %arg5[%dma_wait3A_257] : memref<40000xf32, #tpu.memory_space<hbm>> -> memref<80xf32, #tpu.memory_space<hbm>>
      %dma_wait3A_259 = arith.constant 0 : i32
      %dma_wait3A_260 = tpu.memref_slice %arg5[%dma_wait3A_259] : memref<40000xf32, #tpu.memory_space<hbm>> -> memref<80xf32, #tpu.memory_space<hbm>>
      tpu.wait_dma2 semaphore(%arg29 : memref<!tpu.dma_semaphore, #tpu.memory_space<semaphore_mem>>) src(%dma_wait3A_260 : memref<80xf32, #tpu.memory_space<hbm>>) dst(%arg21 : memref<80xf32, #tpu.memory_space<vmem>>)
      %get3A_261 = arith.constant 0 : index
      %get3A_262 = tpu.vector_load %arg19[%get3A_261] {strides = array<i32>} : memref<80xf32, #tpu.memory_space<vmem>>, vector<16xf32>,
      %get3A_263 = arith.constant 0 : index
      %get3A_264 = tpu.vector_load %arg21[%get3A_263] {strides = array<i32>} : memref<80xf32, #tpu.memory_space<vmem>>, vector<16xf32>,
      %add3A_265 = arith.addf %get3A_262, %get3A_264 : vector<16xf32>
      %mul3A_266 = arith.constant 2.000000e-01 : f32
      %mul3A_267 = vector.broadcast %mul3A_266 : f32 to vector<16xf32>
      %mul3A_268 = arith.mulf %mul3A_267, %add3A_265 : vector<16xf32>
      %max3A = arith.maximumf %add3A_265, %mul3A_268 : vector<16xf32>
      %exp3A = math.exp %max3A : vector<16xf32>
      %swap3A_269 = arith.constant 0 : index
      %swap3A_270 = tpu.vector_load %arg23[%swap3A_269] {strides = array<i32>} : memref<80xf32, #tpu.memory_space<vmem>>, vector<16xf32>,
      tpu.vector_store %arg23[%swap3A_269], %exp3A {strides = array<i32>} : memref<80xf32, #tpu.memory_space<vmem>>, vector<16xf32>,
      %get3A_271 = arith.constant 16 : index
      %get3A_272 = tpu.vector_load %arg19[%get3A_271] {strides = array<i32>} : memref<80xf32, #tpu.memory_space<vmem>>, vector<16xf32>,
      %get3A_273 = arith.constant 16 : index
      %get3A_274 = tpu.vector_load %arg21[%get3A_273] {strides = array<i32>} : memref<80xf32, #tpu.memory_space<vmem>>, vector<16xf32>,
      %add3A_275 = arith.addf %get3A_272, %get3A_274 : vector<16xf32>
      %mul3A_276 = arith.constant 2.000000e-01 : f32
      %mul3A_277 = vector.broadcast %mul3A_276 : f32 to vector<16xf32>
      %mul3A_278 = arith.mulf %mul3A_277, %add3A_275 : vector<16xf32>
      %max3A_279 = arith.maximumf %add3A_275, %mul3A_278 : vector<16xf32>
      %exp3A_280 = math.exp %max3A_279 : vector<16xf32>
      %swap3A_281 = arith.constant 16 : index
      %swap3A_282 = tpu.vector_load %arg23[%swap3A_281] {strides = array<i32>} : memref<80xf32, #tpu.memory_space<vmem>>, vector<16xf32>,
      tpu.vector_store %arg23[%swap3A_281], %exp3A_280 {strides = array<i32>} : memref<80xf32, #tpu.memory_space<vmem>>, vector<16xf32>,
      %get3A_283 = arith.constant 32 : index
      %get3A_284 = tpu.vector_load %arg19[%get3A_283] {strides = array<i32>} : memref<80xf32, #tpu.memory_space<vmem>>, vector<16xf32>,
      %get3A_285 = arith.constant 32 : index
      %get3A_286 = tpu.vector_load %arg21[%get3A_285] {strides = array<i32>} : memref<80xf32, #tpu.memory_space<vmem>>, vector<16xf32>,
      %add3A_287 = arith.addf %get3A_284, %get3A_286 : vector<16xf32>
      %mul3A_288 = arith.constant 2.000000e-01 : f32
      %mul3A_289 = vector.broadcast %mul3A_288 : f32 to vector<16xf32>
      %mul3A_290 = arith.mulf %mul3A_289, %add3A_287 : vector<16xf32>
      %max3A_291 = arith.maximumf %add3A_287, %mul3A_290 : vector<16xf32>
      %exp3A_292 = math.exp %max3A_291 : vector<16xf32>
      %swap3A_293 = arith.constant 32 : index
      %swap3A_294 = tpu.vector_load %arg23[%swap3A_293] {strides = array<i32>} : memref<80xf32, #tpu.memory_space<vmem>>, vector<16xf32>,
      tpu.vector_store %arg23[%swap3A_293], %exp3A_292 {strides = array<i32>} : memref<80xf32, #tpu.memory_space<vmem>>, vector<16xf32>,
      %get3A_295 = arith.constant 48 : index
      %get3A_296 = tpu.vector_load %arg19[%get3A_295] {strides = array<i32>} : memref<80xf32, #tpu.memory_space<vmem>>, vector<16xf32>,
      %get3A_297 = arith.constant 48 : index
      %get3A_298 = tpu.vector_load %arg21[%get3A_297] {strides = array<i32>} : memref<80xf32, #tpu.memory_space<vmem>>, vector<16xf32>,
      %add3A_299 = arith.addf %get3A_296, %get3A_298 : vector<16xf32>
      %mul3A_300 = arith.constant 2.000000e-01 : f32
      %mul3A_301 = vector.broadcast %mul3A_300 : f32 to vector<16xf32>
      %mul3A_302 = arith.mulf %mul3A_301, %add3A_299 : vector<16xf32>
      %max3A_303 = arith.maximumf %add3A_299, %mul3A_302 : vector<16xf32>
      %exp3A_304 = math.exp %max3A_303 : vector<16xf32>
      %swap3A_305 = arith.constant 48 : index
      %swap3A_306 = tpu.vector_load %arg23[%swap3A_305] {strides = array<i32>} : memref<80xf32, #tpu.memory_space<vmem>>, vector<16xf32>,
      tpu.vector_store %arg23[%swap3A_305], %exp3A_304 {strides = array<i32>} : memref<80xf32, #tpu.memory_space<vmem>>, vector<16xf32>,
      %get3A_307 = arith.constant 64 : index
      %get3A_308 = tpu.vector_load %arg19[%get3A_307] {strides = array<i32>} : memref<80xf32, #tpu.memory_space<vmem>>, vector<16xf32>,
      %get3A_309 = arith.constant 64 : index
      %get3A_310 = tpu.vector_load %arg21[%get3A_309] {strides = array<i32>} : memref<80xf32, #tpu.memory_space<vmem>>, vector<16xf32>,
      %add3A_311 = arith.addf %get3A_308, %get3A_310 : vector<16xf32>
      %mul3A_312 = arith.constant 2.000000e-01 : f32
      %mul3A_313 = vector.broadcast %mul3A_312 : f32 to vector<16xf32>
      %mul3A_314 = arith.mulf %mul3A_313, %add3A_311 : vector<16xf32>
      %max3A_315 = arith.maximumf %add3A_311, %mul3A_314 : vector<16xf32>
      %exp3A_316 = math.exp %max3A_315 : vector<16xf32>
      %swap3A_317 = arith.constant 64 : index
      %swap3A_318 = tpu.vector_load %arg23[%swap3A_317] {strides = array<i32>} : memref<80xf32, #tpu.memory_space<vmem>>, vector<16xf32>,
      tpu.vector_store %arg23[%swap3A_317], %exp3A_316 {strides = array<i32>} : memref<80xf32, #tpu.memory_space<vmem>>, vector<16xf32>,
      "tpu.region"() ({
        %run_scoped3A = tpu.sem_alloc : memref<!tpu.dma_semaphore, #tpu.memory_space<semaphore_mem>>
        %dma_start3A_567 = arith.constant 0 : i32
        %dma_start3A_568 = tpu.memref_slice %arg35[%dma_start3A_567] : memref<10000xf32, #tpu.memory_space<vmem_shared>> -> memref<10000xf32, #tpu.memory_space<vmem_shared>>
        tpu.enqueue_indirect_dma source(%arg23 : memref<80xf32, #tpu.memory_space<vmem>>) target(%dma_start3A_568 : memref<10000xf32, #tpu.memory_space<vmem_shared>>) offsets(%arg13 : memref<80xi32, #tpu.memory_space<vmem>>) semaphore(%run_scoped3A : memref<!tpu.dma_semaphore, #tpu.memory_space<semaphore_mem>>) {add = true}
        %dma_wait3A_569 = arith.constant 0 : i32
        %dma_wait3A_570 = tpu.memref_slice %arg35[%dma_wait3A_569] : memref<10000xf32, #tpu.memory_space<vmem_shared>> -> memref<10000xf32, #tpu.memory_space<vmem_shared>>
        tpu.wait_indirect_dma semaphore(%run_scoped3A : memref<!tpu.dma_semaphore, #tpu.memory_space<semaphore_mem>>) src(%arg23 : memref<80xf32, #tpu.memory_space<vmem>>) dst(%dma_wait3A_570 : memref<10000xf32, #tpu.memory_space<vmem_shared>>)
        tpu.yield
      }) : () -> ()
      %add3A_319 = arith.constant 1 : i32
      %add3A_320 = arith.addi %mul3A_252, %add3A_319 : i32
      %add3A_321 = arith.constant 0 : i32
      %add3A_322 = arith.addi %mul3A_0, %add3A_321 : i32
      %mul3A_323 = arith.constant 80 : i32
      %mul3A_324 = arith.muli %add3A_320, %mul3A_323 : i32
      %add3A_325 = arith.addi %add3A_322, %mul3A_324 : i32
      %min3A_326 = arith.constant 319920 : i32
      %min3A_327 = arith.minsi %add3A_325, %min3A_326 : i32
      "tpu.region"() ({
        %run_scoped3A = tpu.sem_alloc : memref<!tpu.dma_semaphore, #tpu.memory_space<semaphore_mem>>
        %dma_start3A_567 = tpu.memref_slice %arg2[%min3A_327] : memref<320000xi32, #tpu.memory_space<hbm>> -> memref<80xi32, #tpu.memory_space<hbm>>
        %dma_start3A_568 = tpu.memref_slice %arg2[%min3A_327] : memref<320000xi32, #tpu.memory_space<hbm>> -> memref<80xi32, #tpu.memory_space<hbm>>
        tpu.enqueue_dma source(%dma_start3A_568 : memref<80xi32, #tpu.memory_space<hbm>>) target(%arg12 : memref<80xi32, #tpu.memory_space<vmem>>) target_semaphore(%run_scoped3A : memref<!tpu.dma_semaphore, #tpu.memory_space<semaphore_mem>>)
        %dma_wait3A_569 = tpu.memref_slice %arg2[%min3A_327] : memref<320000xi32, #tpu.memory_space<hbm>> -> memref<80xi32, #tpu.memory_space<hbm>>
        %dma_wait3A_570 = tpu.memref_slice %arg2[%min3A_327] : memref<320000xi32, #tpu.memory_space<hbm>> -> memref<80xi32, #tpu.memory_space<hbm>>
        tpu.wait_dma2 semaphore(%run_scoped3A : memref<!tpu.dma_semaphore, #tpu.memory_space<semaphore_mem>>) src(%dma_wait3A_570 : memref<80xi32, #tpu.memory_space<hbm>>) dst(%arg12 : memref<80xi32, #tpu.memory_space<vmem>>)
        tpu.yield
      }) : () -> ()
      "tpu.region"() ({
        %run_scoped3A = tpu.sem_alloc : memref<!tpu.dma_semaphore, #tpu.memory_space<semaphore_mem>>
        %dma_start3A_567 = tpu.memref_slice %arg3[%min3A_327] : memref<320000xi32, #tpu.memory_space<hbm>> -> memref<80xi32, #tpu.memory_space<hbm>>
        %dma_start3A_568 = tpu.memref_slice %arg3[%min3A_327] : memref<320000xi32, #tpu.memory_space<hbm>> -> memref<80xi32, #tpu.memory_space<hbm>>
        tpu.enqueue_dma source(%dma_start3A_568 : memref<80xi32, #tpu.memory_space<hbm>>) target(%arg14 : memref<80xi32, #tpu.memory_space<vmem>>) target_semaphore(%run_scoped3A : memref<!tpu.dma_semaphore, #tpu.memory_space<semaphore_mem>>)
        %dma_wait3A_569 = tpu.memref_slice %arg3[%min3A_327] : memref<320000xi32, #tpu.memory_space<hbm>> -> memref<80xi32, #tpu.memory_space<hbm>>
        %dma_wait3A_570 = tpu.memref_slice %arg3[%min3A_327] : memref<320000xi32, #tpu.memory_space<hbm>> -> memref<80xi32, #tpu.memory_space<hbm>>
        tpu.wait_dma2 semaphore(%run_scoped3A : memref<!tpu.dma_semaphore, #tpu.memory_space<semaphore_mem>>) src(%dma_wait3A_570 : memref<80xi32, #tpu.memory_space<hbm>>) dst(%arg14 : memref<80xi32, #tpu.memory_space<vmem>>)
        tpu.yield
      }) : () -> ()
      %get3A_328 = arith.constant 0 : index
      %get3A_329 = tpu.vector_load %arg12[%get3A_328] {strides = array<i32>} : memref<80xi32, #tpu.memory_space<vmem>>, vector<16xi32>,
      %add3A_330 = vector.broadcast %mul3A_134 : i32 to vector<16xi32>
      %add3A_331 = arith.addi %get3A_329, %add3A_330 : vector<16xi32>
      %swap3A_332 = arith.constant 0 : index
      %swap3A_333 = tpu.vector_load %arg16[%swap3A_332] {strides = array<i32>} : memref<80xi32, #tpu.memory_space<vmem>>, vector<16xi32>,
      tpu.vector_store %arg16[%swap3A_332], %add3A_331 {strides = array<i32>} : memref<80xi32, #tpu.memory_space<vmem>>, vector<16xi32>,
      %get3A_334 = arith.constant 0 : index
      %get3A_335 = tpu.vector_load %arg14[%get3A_334] {strides = array<i32>} : memref<80xi32, #tpu.memory_space<vmem>>, vector<16xi32>,
      %add3A_336 = vector.broadcast %mul3A_134 : i32 to vector<16xi32>
      %add3A_337 = arith.addi %get3A_335, %add3A_336 : vector<16xi32>
      %swap3A_338 = arith.constant 0 : index
      %swap3A_339 = tpu.vector_load %arg18[%swap3A_338] {strides = array<i32>} : memref<80xi32, #tpu.memory_space<vmem>>, vector<16xi32>,
      tpu.vector_store %arg18[%swap3A_338], %add3A_337 {strides = array<i32>} : memref<80xi32, #tpu.memory_space<vmem>>, vector<16xi32>,
      %get3A_340 = arith.constant 16 : index
      %get3A_341 = tpu.vector_load %arg12[%get3A_340] {strides = array<i32>} : memref<80xi32, #tpu.memory_space<vmem>>, vector<16xi32>,
      %add3A_342 = vector.broadcast %mul3A_134 : i32 to vector<16xi32>
      %add3A_343 = arith.addi %get3A_341, %add3A_342 : vector<16xi32>
      %swap3A_344 = arith.constant 16 : index
      %swap3A_345 = tpu.vector_load %arg16[%swap3A_344] {strides = array<i32>} : memref<80xi32, #tpu.memory_space<vmem>>, vector<16xi32>,
      tpu.vector_store %arg16[%swap3A_344], %add3A_343 {strides = array<i32>} : memref<80xi32, #tpu.memory_space<vmem>>, vector<16xi32>,
      %get3A_346 = arith.constant 16 : index
      %get3A_347 = tpu.vector_load %arg14[%get3A_346] {strides = array<i32>} : memref<80xi32, #tpu.memory_space<vmem>>, vector<16xi32>,
      %add3A_348 = vector.broadcast %mul3A_134 : i32 to vector<16xi32>
      %add3A_349 = arith.addi %get3A_347, %add3A_348 : vector<16xi32>
      %swap3A_350 = arith.constant 16 : index
      %swap3A_351 = tpu.vector_load %arg18[%swap3A_350] {strides = array<i32>} : memref<80xi32, #tpu.memory_space<vmem>>, vector<16xi32>,
      tpu.vector_store %arg18[%swap3A_350], %add3A_349 {strides = array<i32>} : memref<80xi32, #tpu.memory_space<vmem>>, vector<16xi32>,
      %get3A_352 = arith.constant 32 : index
      %get3A_353 = tpu.vector_load %arg12[%get3A_352] {strides = array<i32>} : memref<80xi32, #tpu.memory_space<vmem>>, vector<16xi32>,
      %add3A_354 = vector.broadcast %mul3A_134 : i32 to vector<16xi32>
      %add3A_355 = arith.addi %get3A_353, %add3A_354 : vector<16xi32>
      %swap3A_356 = arith.constant 32 : index
      %swap3A_357 = tpu.vector_load %arg16[%swap3A_356] {strides = array<i32>} : memref<80xi32, #tpu.memory_space<vmem>>, vector<16xi32>,
      tpu.vector_store %arg16[%swap3A_356], %add3A_355 {strides = array<i32>} : memref<80xi32, #tpu.memory_space<vmem>>, vector<16xi32>,
      %get3A_358 = arith.constant 32 : index
      %get3A_359 = tpu.vector_load %arg14[%get3A_358] {strides = array<i32>} : memref<80xi32, #tpu.memory_space<vmem>>, vector<16xi32>,
      %add3A_360 = vector.broadcast %mul3A_134 : i32 to vector<16xi32>
      %add3A_361 = arith.addi %get3A_359, %add3A_360 : vector<16xi32>
      %swap3A_362 = arith.constant 32 : index
      %swap3A_363 = tpu.vector_load %arg18[%swap3A_362] {strides = array<i32>} : memref<80xi32, #tpu.memory_space<vmem>>, vector<16xi32>,
      tpu.vector_store %arg18[%swap3A_362], %add3A_361 {strides = array<i32>} : memref<80xi32, #tpu.memory_space<vmem>>, vector<16xi32>,
      %get3A_364 = arith.constant 48 : index
      %get3A_365 = tpu.vector_load %arg12[%get3A_364] {strides = array<i32>} : memref<80xi32, #tpu.memory_space<vmem>>, vector<16xi32>,
      %add3A_366 = vector.broadcast %mul3A_134 : i32 to vector<16xi32>
      %add3A_367 = arith.addi %get3A_365, %add3A_366 : vector<16xi32>
      %swap3A_368 = arith.constant 48 : index
      %swap3A_369 = tpu.vector_load %arg16[%swap3A_368] {strides = array<i32>} : memref<80xi32, #tpu.memory_space<vmem>>, vector<16xi32>,
      tpu.vector_store %arg16[%swap3A_368], %add3A_367 {strides = array<i32>} : memref<80xi32, #tpu.memory_space<vmem>>, vector<16xi32>,
      %get3A_370 = arith.constant 48 : index
      %get3A_371 = tpu.vector_load %arg14[%get3A_370] {strides = array<i32>} : memref<80xi32, #tpu.memory_space<vmem>>, vector<16xi32>,
      %add3A_372 = vector.broadcast %mul3A_134 : i32 to vector<16xi32>
      %add3A_373 = arith.addi %get3A_371, %add3A_372 : vector<16xi32>
      %swap3A_374 = arith.constant 48 : index
      %swap3A_375 = tpu.vector_load %arg18[%swap3A_374] {strides = array<i32>} : memref<80xi32, #tpu.memory_space<vmem>>, vector<16xi32>,
      tpu.vector_store %arg18[%swap3A_374], %add3A_373 {strides = array<i32>} : memref<80xi32, #tpu.memory_space<vmem>>, vector<16xi32>,
      %get3A_376 = arith.constant 64 : index
      %get3A_377 = tpu.vector_load %arg12[%get3A_376] {strides = array<i32>} : memref<80xi32, #tpu.memory_space<vmem>>, vector<16xi32>,
      %add3A_378 = vector.broadcast %mul3A_134 : i32 to vector<16xi32>
      %add3A_379 = arith.addi %get3A_377, %add3A_378 : vector<16xi32>
      %swap3A_380 = arith.constant 64 : index
      %swap3A_381 = tpu.vector_load %arg16[%swap3A_380] {strides = array<i32>} : memref<80xi32, #tpu.memory_space<vmem>>, vector<16xi32>,
      tpu.vector_store %arg16[%swap3A_380], %add3A_379 {strides = array<i32>} : memref<80xi32, #tpu.memory_space<vmem>>, vector<16xi32>,
      %get3A_382 = arith.constant 64 : index
      %get3A_383 = tpu.vector_load %arg14[%get3A_382] {strides = array<i32>} : memref<80xi32, #tpu.memory_space<vmem>>, vector<16xi32>,
      %add3A_384 = vector.broadcast %mul3A_134 : i32 to vector<16xi32>
      %add3A_385 = arith.addi %get3A_383, %add3A_384 : vector<16xi32>
      %swap3A_386 = arith.constant 64 : index
      %swap3A_387 = tpu.vector_load %arg18[%swap3A_386] {strides = array<i32>} : memref<80xi32, #tpu.memory_space<vmem>>, vector<16xi32>,
      tpu.vector_store %arg18[%swap3A_386], %add3A_385 {strides = array<i32>} : memref<80xi32, #tpu.memory_space<vmem>>, vector<16xi32>,
      %dma_start3A_388 = arith.constant 0 : i32
      %dma_start3A_389 = tpu.memref_slice %arg4[%dma_start3A_388] : memref<40000xf32, #tpu.memory_space<hbm>> -> memref<40000xf32, #tpu.memory_space<hbm>>
      tpu.enqueue_indirect_dma source(%dma_start3A_389 : memref<40000xf32, #tpu.memory_space<hbm>>) target(%arg20 : memref<80xf32, #tpu.memory_space<vmem>>) offsets(%arg16 : memref<80xi32, #tpu.memory_space<vmem>>) semaphore(%arg28 : memref<!tpu.dma_semaphore, #tpu.memory_space<semaphore_mem>>)
      %dma_start3A_390 = arith.constant 0 : i32
      %dma_start3A_391 = tpu.memref_slice %arg5[%dma_start3A_390] : memref<40000xf32, #tpu.memory_space<hbm>> -> memref<40000xf32, #tpu.memory_space<hbm>>
      tpu.enqueue_indirect_dma source(%dma_start3A_391 : memref<40000xf32, #tpu.memory_space<hbm>>) target(%arg22 : memref<80xf32, #tpu.memory_space<vmem>>) offsets(%arg18 : memref<80xi32, #tpu.memory_space<vmem>>) semaphore(%arg30 : memref<!tpu.dma_semaphore, #tpu.memory_space<semaphore_mem>>)
      %dma_start3A_392 = arith.constant 0 : i32
      %dma_start3A_393 = arith.constant 0 : i32
      %dma_start3A_394 = tpu.memref_slice %arg6[%dma_start3A_392, %dma_start3A_393] : memref<40000x128xf32, #tpu.memory_space<hbm>> -> memref<40000x128xf32, #tpu.memory_space<hbm>>
      tpu.enqueue_indirect_dma source(%dma_start3A_394 : memref<40000x128xf32, #tpu.memory_space<hbm>>) target(%arg25 : memref<80x128xf32, #tpu.memory_space<vmem>>) offsets(%arg16 : memref<80xi32, #tpu.memory_space<vmem>>) semaphore(%arg32 : memref<!tpu.dma_semaphore, #tpu.memory_space<semaphore_mem>>)
      %dma_wait3A_395 = arith.constant 0 : i32
      %dma_wait3A_396 = arith.constant 0 : i32
      %dma_wait3A_397 = tpu.memref_slice %arg6[%dma_wait3A_395, %dma_wait3A_396] : memref<40000x128xf32, #tpu.memory_space<hbm>> -> memref<80x128xf32, #tpu.memory_space<hbm>>
      %dma_wait3A_398 = arith.constant 0 : i32
      %dma_wait3A_399 = arith.constant 0 : i32
      %dma_wait3A_400 = tpu.memref_slice %arg6[%dma_wait3A_398, %dma_wait3A_399] : memref<40000x128xf32, #tpu.memory_space<hbm>> -> memref<80x128xf32, #tpu.memory_space<hbm>>
      tpu.wait_dma2 semaphore(%arg31 : memref<!tpu.dma_semaphore, #tpu.memory_space<semaphore_mem>>) src(%dma_wait3A_400 : memref<80x128xf32, #tpu.memory_space<hbm>>) dst(%arg24 : memref<80x128xf32, #tpu.memory_space<vmem>>)
      %scan3A_401 = arith.constant 0 : i32
      %scan3A_402 = arith.constant 0 : i32
      %scan3A_403 = arith.constant 80 : i32
      %scan3A_404 = arith.addi %scan3A_402, %scan3A_403 : i32
      %scan3A_405 = arith.constant 1 : i32
      scf.for %scan3A_567 = %scan3A_402 to %scan3A_404 step %scan3A_405  : i32 {
        %broadcast_in_dim3A = vector.broadcast %scan3A_567 : i32 to vector<16xi32>
        %gather3A = tpu.vector_load_idx %arg23[%broadcast_in_dim3A] : memref<80xf32, #tpu.memory_space<vmem>>[vector<16xi32>], vector<16xf32>,
        %get3A_568 = arith.index_cast %scan3A_567 : i32 to index
        %get3A_569 = arith.constant 0 : index
        %get3A_570 = tpu.vector_load %arg24[%get3A_568, %get3A_569] {strides = array<i32>} : memref<80x128xf32, #tpu.memory_space<vmem>>, vector<16xf32>,
        %mul3A_571 = arith.mulf %get3A_570, %gather3A : vector<16xf32>
        %swap3A_572 = arith.index_cast %scan3A_567 : i32 to index
        %swap3A_573 = arith.constant 0 : index
        %swap3A_574 = tpu.vector_load %arg24[%swap3A_572, %swap3A_573] {strides = array<i32>} : memref<80x128xf32, #tpu.memory_space<vmem>>, vector<16xf32>,
        tpu.vector_store %arg24[%swap3A_572, %swap3A_573], %mul3A_571 {strides = array<i32>} : memref<80x128xf32, #tpu.memory_space<vmem>>, vector<16xf32>,
        %get3A_575 = arith.index_cast %scan3A_567 : i32 to index
        %get3A_576 = arith.constant 16 : index
        %get3A_577 = tpu.vector_load %arg24[%get3A_575, %get3A_576] {strides = array<i32>} : memref<80x128xf32, #tpu.memory_space<vmem>>, vector<16xf32>,
        %mul3A_578 = arith.mulf %get3A_577, %gather3A : vector<16xf32>
        %swap3A_579 = arith.index_cast %scan3A_567 : i32 to index
        %swap3A_580 = arith.constant 16 : index
        %swap3A_581 = tpu.vector_load %arg24[%swap3A_579, %swap3A_580] {strides = array<i32>} : memref<80x128xf32, #tpu.memory_space<vmem>>, vector<16xf32>,
        tpu.vector_store %arg24[%swap3A_579, %swap3A_580], %mul3A_578 {strides = array<i32>} : memref<80x128xf32, #tpu.memory_space<vmem>>, vector<16xf32>,
        %get3A_582 = arith.index_cast %scan3A_567 : i32 to index
        %get3A_583 = arith.constant 32 : index
        %get3A_584 = tpu.vector_load %arg24[%get3A_582, %get3A_583] {strides = array<i32>} : memref<80x128xf32, #tpu.memory_space<vmem>>, vector<16xf32>,
        %mul3A_585 = arith.mulf %get3A_584, %gather3A : vector<16xf32>
        %swap3A_586 = arith.index_cast %scan3A_567 : i32 to index
        %swap3A_587 = arith.constant 32 : index
        %swap3A_588 = tpu.vector_load %arg24[%swap3A_586, %swap3A_587] {strides = array<i32>} : memref<80x128xf32, #tpu.memory_space<vmem>>, vector<16xf32>,
        tpu.vector_store %arg24[%swap3A_586, %swap3A_587], %mul3A_585 {strides = array<i32>} : memref<80x128xf32, #tpu.memory_space<vmem>>, vector<16xf32>,
        %get3A_589 = arith.index_cast %scan3A_567 : i32 to index
        %get3A_590 = arith.constant 48 : index
        %get3A_591 = tpu.vector_load %arg24[%get3A_589, %get3A_590] {strides = array<i32>} : memref<80x128xf32, #tpu.memory_space<vmem>>, vector<16xf32>,
        %mul3A_592 = arith.mulf %get3A_591, %gather3A : vector<16xf32>
        %swap3A_593 = arith.index_cast %scan3A_567 : i32 to index
        %swap3A_594 = arith.constant 48 : index
        %swap3A_595 = tpu.vector_load %arg24[%swap3A_593, %swap3A_594] {strides = array<i32>} : memref<80x128xf32, #tpu.memory_space<vmem>>, vector<16xf32>,
        tpu.vector_store %arg24[%swap3A_593, %swap3A_594], %mul3A_592 {strides = array<i32>} : memref<80x128xf32, #tpu.memory_space<vmem>>, vector<16xf32>,
        %get3A_596 = arith.index_cast %scan3A_567 : i32 to index
        %get3A_597 = arith.constant 64 : index
        %get3A_598 = tpu.vector_load %arg24[%get3A_596, %get3A_597] {strides = array<i32>} : memref<80x128xf32, #tpu.memory_space<vmem>>, vector<16xf32>,
        %mul3A_599 = arith.mulf %get3A_598, %gather3A : vector<16xf32>
        %swap3A_600 = arith.index_cast %scan3A_567 : i32 to index
        %swap3A_601 = arith.constant 64 : index
        %swap3A_602 = tpu.vector_load %arg24[%swap3A_600, %swap3A_601] {strides = array<i32>} : memref<80x128xf32, #tpu.memory_space<vmem>>, vector<16xf32>,
        tpu.vector_store %arg24[%swap3A_600, %swap3A_601], %mul3A_599 {strides = array<i32>} : memref<80x128xf32, #tpu.memory_space<vmem>>, vector<16xf32>,
        %get3A_603 = arith.index_cast %scan3A_567 : i32 to index
        %get3A_604 = arith.constant 80 : index
        %get3A_605 = tpu.vector_load %arg24[%get3A_603, %get3A_604] {strides = array<i32>} : memref<80x128xf32, #tpu.memory_space<vmem>>, vector<16xf32>,
        %mul3A_606 = arith.mulf %get3A_605, %gather3A : vector<16xf32>
        %swap3A_607 = arith.index_cast %scan3A_567 : i32 to index
        %swap3A_608 = arith.constant 80 : index
        %swap3A_609 = tpu.vector_load %arg24[%swap3A_607, %swap3A_608] {strides = array<i32>} : memref<80x128xf32, #tpu.memory_space<vmem>>, vector<16xf32>,
        tpu.vector_store %arg24[%swap3A_607, %swap3A_608], %mul3A_606 {strides = array<i32>} : memref<80x128xf32, #tpu.memory_space<vmem>>, vector<16xf32>,
        %get3A_610 = arith.index_cast %scan3A_567 : i32 to index
        %get3A_611 = arith.constant 96 : index
        %get3A_612 = tpu.vector_load %arg24[%get3A_610, %get3A_611] {strides = array<i32>} : memref<80x128xf32, #tpu.memory_space<vmem>>, vector<16xf32>,
        %mul3A_613 = arith.mulf %get3A_612, %gather3A : vector<16xf32>
        %swap3A_614 = arith.index_cast %scan3A_567 : i32 to index
        %swap3A_615 = arith.constant 96 : index
        %swap3A_616 = tpu.vector_load %arg24[%swap3A_614, %swap3A_615] {strides = array<i32>} : memref<80x128xf32, #tpu.memory_space<vmem>>, vector<16xf32>,
        tpu.vector_store %arg24[%swap3A_614, %swap3A_615], %mul3A_613 {strides = array<i32>} : memref<80x128xf32, #tpu.memory_space<vmem>>, vector<16xf32>,
        %get3A_617 = arith.index_cast %scan3A_567 : i32 to index
        %get3A_618 = arith.constant 112 : index
        %get3A_619 = tpu.vector_load %arg24[%get3A_617, %get3A_618] {strides = array<i32>} : memref<80x128xf32, #tpu.memory_space<vmem>>, vector<16xf32>,
        %mul3A_620 = arith.mulf %get3A_619, %gather3A : vector<16xf32>
        %swap3A_621 = arith.index_cast %scan3A_567 : i32 to index
        %swap3A_622 = arith.constant 112 : index
        %swap3A_623 = tpu.vector_load %arg24[%swap3A_621, %swap3A_622] {strides = array<i32>} : memref<80x128xf32, #tpu.memory_space<vmem>>, vector<16xf32>,
        tpu.vector_store %arg24[%swap3A_621, %swap3A_622], %mul3A_620 {strides = array<i32>} : memref<80x128xf32, #tpu.memory_space<vmem>>, vector<16xf32>,
      }
      %scan3A_406 = arith.constant 80 : i32
      "tpu.region"() ({
        %run_scoped3A = tpu.sem_alloc : memref<!tpu.dma_semaphore, #tpu.memory_space<semaphore_mem>>
        %dma_start3A_567 = arith.constant 0 : i32
        %dma_start3A_568 = arith.constant 0 : i32
        %dma_start3A_569 = tpu.memref_slice %arg33[%dma_start3A_567, %dma_start3A_568] : memref<10000x128xf32, #tpu.memory_space<vmem_shared>> -> memref<10000x128xf32, #tpu.memory_space<vmem_shared>>
        tpu.enqueue_indirect_dma source(%arg24 : memref<80x128xf32, #tpu.memory_space<vmem>>) target(%dma_start3A_569 : memref<10000x128xf32, #tpu.memory_space<vmem_shared>>) offsets(%arg13 : memref<80xi32, #tpu.memory_space<vmem>>) semaphore(%run_scoped3A : memref<!tpu.dma_semaphore, #tpu.memory_space<semaphore_mem>>) {add = true}
        %dma_wait3A_570 = arith.constant 0 : i32
        %dma_wait3A_571 = arith.constant 0 : i32
        %dma_wait3A_572 = tpu.memref_slice %arg33[%dma_wait3A_570, %dma_wait3A_571] : memref<10000x128xf32, #tpu.memory_space<vmem_shared>> -> memref<10000x128xf32, #tpu.memory_space<vmem_shared>>
        tpu.wait_indirect_dma semaphore(%run_scoped3A : memref<!tpu.dma_semaphore, #tpu.memory_space<semaphore_mem>>) src(%arg24 : memref<80x128xf32, #tpu.memory_space<vmem>>) dst(%dma_wait3A_572 : memref<10000x128xf32, #tpu.memory_space<vmem_shared>>)
        tpu.yield
      }) : () -> ()
      %mul3A_407 = arith.constant 2 : i32
      %mul3A_408 = arith.muli %mul3A_407, %scan3A_250 : i32
      %add3A_409 = arith.constant 1 : i32
      %add3A_410 = arith.addi %mul3A_408, %add3A_409 : i32
      %dma_wait3A_411 = arith.constant 0 : i32
      %dma_wait3A_412 = tpu.memref_slice %arg4[%dma_wait3A_411] : memref<40000xf32, #tpu.memory_space<hbm>> -> memref<80xf32, #tpu.memory_space<hbm>>
      %dma_wait3A_413 = arith.constant 0 : i32
      %dma_wait3A_414 = tpu.memref_slice %arg4[%dma_wait3A_413] : memref<40000xf32, #tpu.memory_space<hbm>> -> memref<80xf32, #tpu.memory_space<hbm>>
      tpu.wait_dma2 semaphore(%arg28 : memref<!tpu.dma_semaphore, #tpu.memory_space<semaphore_mem>>) src(%dma_wait3A_414 : memref<80xf32, #tpu.memory_space<hbm>>) dst(%arg20 : memref<80xf32, #tpu.memory_space<vmem>>)
      %dma_wait3A_415 = arith.constant 0 : i32
      %dma_wait3A_416 = tpu.memref_slice %arg5[%dma_wait3A_415] : memref<40000xf32, #tpu.memory_space<hbm>> -> memref<80xf32, #tpu.memory_space<hbm>>
      %dma_wait3A_417 = arith.constant 0 : i32
      %dma_wait3A_418 = tpu.memref_slice %arg5[%dma_wait3A_417] : memref<40000xf32, #tpu.memory_space<hbm>> -> memref<80xf32, #tpu.memory_space<hbm>>
      tpu.wait_dma2 semaphore(%arg30 : memref<!tpu.dma_semaphore, #tpu.memory_space<semaphore_mem>>) src(%dma_wait3A_418 : memref<80xf32, #tpu.memory_space<hbm>>) dst(%arg22 : memref<80xf32, #tpu.memory_space<vmem>>)
      %get3A_419 = arith.constant 0 : index
      %get3A_420 = tpu.vector_load %arg20[%get3A_419] {strides = array<i32>} : memref<80xf32, #tpu.memory_space<vmem>>, vector<16xf32>,
      %get3A_421 = arith.constant 0 : index
      %get3A_422 = tpu.vector_load %arg22[%get3A_421] {strides = array<i32>} : memref<80xf32, #tpu.memory_space<vmem>>, vector<16xf32>,
      %add3A_423 = arith.addf %get3A_420, %get3A_422 : vector<16xf32>
      %mul3A_424 = arith.constant 2.000000e-01 : f32
      %mul3A_425 = vector.broadcast %mul3A_424 : f32 to vector<16xf32>
      %mul3A_426 = arith.mulf %mul3A_425, %add3A_423 : vector<16xf32>
      %max3A_427 = arith.maximumf %add3A_423, %mul3A_426 : vector<16xf32>
      %exp3A_428 = math.exp %max3A_427 : vector<16xf32>
      %swap3A_429 = arith.constant 0 : index
      %swap3A_430 = tpu.vector_load %arg23[%swap3A_429] {strides = array<i32>} : memref<80xf32, #tpu.memory_space<vmem>>, vector<16xf32>,
      tpu.vector_store %arg23[%swap3A_429], %exp3A_428 {strides = array<i32>} : memref<80xf32, #tpu.memory_space<vmem>>, vector<16xf32>,
      %get3A_431 = arith.constant 16 : index
      %get3A_432 = tpu.vector_load %arg20[%get3A_431] {strides = array<i32>} : memref<80xf32, #tpu.memory_space<vmem>>, vector<16xf32>,
      %get3A_433 = arith.constant 16 : index
      %get3A_434 = tpu.vector_load %arg22[%get3A_433] {strides = array<i32>} : memref<80xf32, #tpu.memory_space<vmem>>, vector<16xf32>,
      %add3A_435 = arith.addf %get3A_432, %get3A_434 : vector<16xf32>
      %mul3A_436 = arith.constant 2.000000e-01 : f32
      %mul3A_437 = vector.broadcast %mul3A_436 : f32 to vector<16xf32>
      %mul3A_438 = arith.mulf %mul3A_437, %add3A_435 : vector<16xf32>
      %max3A_439 = arith.maximumf %add3A_435, %mul3A_438 : vector<16xf32>
      %exp3A_440 = math.exp %max3A_439 : vector<16xf32>
      %swap3A_441 = arith.constant 16 : index
      %swap3A_442 = tpu.vector_load %arg23[%swap3A_441] {strides = array<i32>} : memref<80xf32, #tpu.memory_space<vmem>>, vector<16xf32>,
      tpu.vector_store %arg23[%swap3A_441], %exp3A_440 {strides = array<i32>} : memref<80xf32, #tpu.memory_space<vmem>>, vector<16xf32>,
      %get3A_443 = arith.constant 32 : index
      %get3A_444 = tpu.vector_load %arg20[%get3A_443] {strides = array<i32>} : memref<80xf32, #tpu.memory_space<vmem>>, vector<16xf32>,
      %get3A_445 = arith.constant 32 : index
      %get3A_446 = tpu.vector_load %arg22[%get3A_445] {strides = array<i32>} : memref<80xf32, #tpu.memory_space<vmem>>, vector<16xf32>,
      %add3A_447 = arith.addf %get3A_444, %get3A_446 : vector<16xf32>
      %mul3A_448 = arith.constant 2.000000e-01 : f32
      %mul3A_449 = vector.broadcast %mul3A_448 : f32 to vector<16xf32>
      %mul3A_450 = arith.mulf %mul3A_449, %add3A_447 : vector<16xf32>
      %max3A_451 = arith.maximumf %add3A_447, %mul3A_450 : vector<16xf32>
      %exp3A_452 = math.exp %max3A_451 : vector<16xf32>
      %swap3A_453 = arith.constant 32 : index
      %swap3A_454 = tpu.vector_load %arg23[%swap3A_453] {strides = array<i32>} : memref<80xf32, #tpu.memory_space<vmem>>, vector<16xf32>,
      tpu.vector_store %arg23[%swap3A_453], %exp3A_452 {strides = array<i32>} : memref<80xf32, #tpu.memory_space<vmem>>, vector<16xf32>,
      %get3A_455 = arith.constant 48 : index
      %get3A_456 = tpu.vector_load %arg20[%get3A_455] {strides = array<i32>} : memref<80xf32, #tpu.memory_space<vmem>>, vector<16xf32>,
      %get3A_457 = arith.constant 48 : index
      %get3A_458 = tpu.vector_load %arg22[%get3A_457] {strides = array<i32>} : memref<80xf32, #tpu.memory_space<vmem>>, vector<16xf32>,
      %add3A_459 = arith.addf %get3A_456, %get3A_458 : vector<16xf32>
      %mul3A_460 = arith.constant 2.000000e-01 : f32
      %mul3A_461 = vector.broadcast %mul3A_460 : f32 to vector<16xf32>
      %mul3A_462 = arith.mulf %mul3A_461, %add3A_459 : vector<16xf32>
      %max3A_463 = arith.maximumf %add3A_459, %mul3A_462 : vector<16xf32>
      %exp3A_464 = math.exp %max3A_463 : vector<16xf32>
      %swap3A_465 = arith.constant 48 : index
      %swap3A_466 = tpu.vector_load %arg23[%swap3A_465] {strides = array<i32>} : memref<80xf32, #tpu.memory_space<vmem>>, vector<16xf32>,
      tpu.vector_store %arg23[%swap3A_465], %exp3A_464 {strides = array<i32>} : memref<80xf32, #tpu.memory_space<vmem>>, vector<16xf32>,
      %get3A_467 = arith.constant 64 : index
      %get3A_468 = tpu.vector_load %arg20[%get3A_467] {strides = array<i32>} : memref<80xf32, #tpu.memory_space<vmem>>, vector<16xf32>,
      %get3A_469 = arith.constant 64 : index
      %get3A_470 = tpu.vector_load %arg22[%get3A_469] {strides = array<i32>} : memref<80xf32, #tpu.memory_space<vmem>>, vector<16xf32>,
      %add3A_471 = arith.addf %get3A_468, %get3A_470 : vector<16xf32>
      %mul3A_472 = arith.constant 2.000000e-01 : f32
      %mul3A_473 = vector.broadcast %mul3A_472 : f32 to vector<16xf32>
      %mul3A_474 = arith.mulf %mul3A_473, %add3A_471 : vector<16xf32>
      %max3A_475 = arith.maximumf %add3A_471, %mul3A_474 : vector<16xf32>
      %exp3A_476 = math.exp %max3A_475 : vector<16xf32>
      %swap3A_477 = arith.constant 64 : index
      %swap3A_478 = tpu.vector_load %arg23[%swap3A_477] {strides = array<i32>} : memref<80xf32, #tpu.memory_space<vmem>>, vector<16xf32>,
      tpu.vector_store %arg23[%swap3A_477], %exp3A_476 {strides = array<i32>} : memref<80xf32, #tpu.memory_space<vmem>>, vector<16xf32>,
      "tpu.region"() ({
        %run_scoped3A = tpu.sem_alloc : memref<!tpu.dma_semaphore, #tpu.memory_space<semaphore_mem>>
        %dma_start3A_567 = arith.constant 0 : i32
        %dma_start3A_568 = tpu.memref_slice %arg35[%dma_start3A_567] : memref<10000xf32, #tpu.memory_space<vmem_shared>> -> memref<10000xf32, #tpu.memory_space<vmem_shared>>
        tpu.enqueue_indirect_dma source(%arg23 : memref<80xf32, #tpu.memory_space<vmem>>) target(%dma_start3A_568 : memref<10000xf32, #tpu.memory_space<vmem_shared>>) offsets(%arg14 : memref<80xi32, #tpu.memory_space<vmem>>) semaphore(%run_scoped3A : memref<!tpu.dma_semaphore, #tpu.memory_space<semaphore_mem>>) {add = true}
        %dma_wait3A_569 = arith.constant 0 : i32
        %dma_wait3A_570 = tpu.memref_slice %arg35[%dma_wait3A_569] : memref<10000xf32, #tpu.memory_space<vmem_shared>> -> memref<10000xf32, #tpu.memory_space<vmem_shared>>
        tpu.wait_indirect_dma semaphore(%run_scoped3A : memref<!tpu.dma_semaphore, #tpu.memory_space<semaphore_mem>>) src(%arg23 : memref<80xf32, #tpu.memory_space<vmem>>) dst(%dma_wait3A_570 : memref<10000xf32, #tpu.memory_space<vmem_shared>>)
        tpu.yield
      }) : () -> ()
      %add3A_479 = arith.constant 1 : i32
      %add3A_480 = arith.addi %add3A_410, %add3A_479 : i32
      %add3A_481 = arith.constant 0 : i32
      %add3A_482 = arith.addi %mul3A_0, %add3A_481 : i32
      %mul3A_483 = arith.constant 80 : i32
      %mul3A_484 = arith.muli %add3A_480, %mul3A_483 : i32
      %add3A_485 = arith.addi %add3A_482, %mul3A_484 : i32
      %min3A_486 = arith.constant 319920 : i32
      %min3A_487 = arith.minsi %add3A_485, %min3A_486 : i32
      "tpu.region"() ({
        %run_scoped3A = tpu.sem_alloc : memref<!tpu.dma_semaphore, #tpu.memory_space<semaphore_mem>>
        %dma_start3A_567 = tpu.memref_slice %arg2[%min3A_487] : memref<320000xi32, #tpu.memory_space<hbm>> -> memref<80xi32, #tpu.memory_space<hbm>>
        %dma_start3A_568 = tpu.memref_slice %arg2[%min3A_487] : memref<320000xi32, #tpu.memory_space<hbm>> -> memref<80xi32, #tpu.memory_space<hbm>>
        tpu.enqueue_dma source(%dma_start3A_568 : memref<80xi32, #tpu.memory_space<hbm>>) target(%arg11 : memref<80xi32, #tpu.memory_space<vmem>>) target_semaphore(%run_scoped3A : memref<!tpu.dma_semaphore, #tpu.memory_space<semaphore_mem>>)
        %dma_wait3A_569 = tpu.memref_slice %arg2[%min3A_487] : memref<320000xi32, #tpu.memory_space<hbm>> -> memref<80xi32, #tpu.memory_space<hbm>>
        %dma_wait3A_570 = tpu.memref_slice %arg2[%min3A_487] : memref<320000xi32, #tpu.memory_space<hbm>> -> memref<80xi32, #tpu.memory_space<hbm>>
        tpu.wait_dma2 semaphore(%run_scoped3A : memref<!tpu.dma_semaphore, #tpu.memory_space<semaphore_mem>>) src(%dma_wait3A_570 : memref<80xi32, #tpu.memory_space<hbm>>) dst(%arg11 : memref<80xi32, #tpu.memory_space<vmem>>)
        tpu.yield
      }) : () -> ()
      "tpu.region"() ({
        %run_scoped3A = tpu.sem_alloc : memref<!tpu.dma_semaphore, #tpu.memory_space<semaphore_mem>>
        %dma_start3A_567 = tpu.memref_slice %arg3[%min3A_487] : memref<320000xi32, #tpu.memory_space<hbm>> -> memref<80xi32, #tpu.memory_space<hbm>>
        %dma_start3A_568 = tpu.memref_slice %arg3[%min3A_487] : memref<320000xi32, #tpu.memory_space<hbm>> -> memref<80xi32, #tpu.memory_space<hbm>>
        tpu.enqueue_dma source(%dma_start3A_568 : memref<80xi32, #tpu.memory_space<hbm>>) target(%arg13 : memref<80xi32, #tpu.memory_space<vmem>>) target_semaphore(%run_scoped3A : memref<!tpu.dma_semaphore, #tpu.memory_space<semaphore_mem>>)
        %dma_wait3A_569 = tpu.memref_slice %arg3[%min3A_487] : memref<320000xi32, #tpu.memory_space<hbm>> -> memref<80xi32, #tpu.memory_space<hbm>>
        %dma_wait3A_570 = tpu.memref_slice %arg3[%min3A_487] : memref<320000xi32, #tpu.memory_space<hbm>> -> memref<80xi32, #tpu.memory_space<hbm>>
        tpu.wait_dma2 semaphore(%run_scoped3A : memref<!tpu.dma_semaphore, #tpu.memory_space<semaphore_mem>>) src(%dma_wait3A_570 : memref<80xi32, #tpu.memory_space<hbm>>) dst(%arg13 : memref<80xi32, #tpu.memory_space<vmem>>)
        tpu.yield
      }) : () -> ()
      %get3A_488 = arith.constant 0 : index
      %get3A_489 = tpu.vector_load %arg11[%get3A_488] {strides = array<i32>} : memref<80xi32, #tpu.memory_space<vmem>>, vector<16xi32>,
      %add3A_490 = vector.broadcast %mul3A_134 : i32 to vector<16xi32>
      %add3A_491 = arith.addi %get3A_489, %add3A_490 : vector<16xi32>
      %swap3A_492 = arith.constant 0 : index
      %swap3A_493 = tpu.vector_load %arg15[%swap3A_492] {strides = array<i32>} : memref<80xi32, #tpu.memory_space<vmem>>, vector<16xi32>,
      tpu.vector_store %arg15[%swap3A_492], %add3A_491 {strides = array<i32>} : memref<80xi32, #tpu.memory_space<vmem>>, vector<16xi32>,
      %get3A_494 = arith.constant 0 : index
      %get3A_495 = tpu.vector_load %arg13[%get3A_494] {strides = array<i32>} : memref<80xi32, #tpu.memory_space<vmem>>, vector<16xi32>,
      %add3A_496 = vector.broadcast %mul3A_134 : i32 to vector<16xi32>
      %add3A_497 = arith.addi %get3A_495, %add3A_496 : vector<16xi32>
      %swap3A_498 = arith.constant 0 : index
      %swap3A_499 = tpu.vector_load %arg17[%swap3A_498] {strides = array<i32>} : memref<80xi32, #tpu.memory_space<vmem>>, vector<16xi32>,
      tpu.vector_store %arg17[%swap3A_498], %add3A_497 {strides = array<i32>} : memref<80xi32, #tpu.memory_space<vmem>>, vector<16xi32>,
      %get3A_500 = arith.constant 16 : index
      %get3A_501 = tpu.vector_load %arg11[%get3A_500] {strides = array<i32>} : memref<80xi32, #tpu.memory_space<vmem>>, vector<16xi32>,
      %add3A_502 = vector.broadcast %mul3A_134 : i32 to vector<16xi32>
      %add3A_503 = arith.addi %get3A_501, %add3A_502 : vector<16xi32>
      %swap3A_504 = arith.constant 16 : index
      %swap3A_505 = tpu.vector_load %arg15[%swap3A_504] {strides = array<i32>} : memref<80xi32, #tpu.memory_space<vmem>>, vector<16xi32>,
      tpu.vector_store %arg15[%swap3A_504], %add3A_503 {strides = array<i32>} : memref<80xi32, #tpu.memory_space<vmem>>, vector<16xi32>,
      %get3A_506 = arith.constant 16 : index
      %get3A_507 = tpu.vector_load %arg13[%get3A_506] {strides = array<i32>} : memref<80xi32, #tpu.memory_space<vmem>>, vector<16xi32>,
      %add3A_508 = vector.broadcast %mul3A_134 : i32 to vector<16xi32>
      %add3A_509 = arith.addi %get3A_507, %add3A_508 : vector<16xi32>
      %swap3A_510 = arith.constant 16 : index
      %swap3A_511 = tpu.vector_load %arg17[%swap3A_510] {strides = array<i32>} : memref<80xi32, #tpu.memory_space<vmem>>, vector<16xi32>,
      tpu.vector_store %arg17[%swap3A_510], %add3A_509 {strides = array<i32>} : memref<80xi32, #tpu.memory_space<vmem>>, vector<16xi32>,
      %get3A_512 = arith.constant 32 : index
      %get3A_513 = tpu.vector_load %arg11[%get3A_512] {strides = array<i32>} : memref<80xi32, #tpu.memory_space<vmem>>, vector<16xi32>,
      %add3A_514 = vector.broadcast %mul3A_134 : i32 to vector<16xi32>
      %add3A_515 = arith.addi %get3A_513, %add3A_514 : vector<16xi32>
      %swap3A_516 = arith.constant 32 : index
      %swap3A_517 = tpu.vector_load %arg15[%swap3A_516] {strides = array<i32>} : memref<80xi32, #tpu.memory_space<vmem>>, vector<16xi32>,
      tpu.vector_store %arg15[%swap3A_516], %add3A_515 {strides = array<i32>} : memref<80xi32, #tpu.memory_space<vmem>>, vector<16xi32>,
      %get3A_518 = arith.constant 32 : index
      %get3A_519 = tpu.vector_load %arg13[%get3A_518] {strides = array<i32>} : memref<80xi32, #tpu.memory_space<vmem>>, vector<16xi32>,
      %add3A_520 = vector.broadcast %mul3A_134 : i32 to vector<16xi32>
      %add3A_521 = arith.addi %get3A_519, %add3A_520 : vector<16xi32>
      %swap3A_522 = arith.constant 32 : index
      %swap3A_523 = tpu.vector_load %arg17[%swap3A_522] {strides = array<i32>} : memref<80xi32, #tpu.memory_space<vmem>>, vector<16xi32>,
      tpu.vector_store %arg17[%swap3A_522], %add3A_521 {strides = array<i32>} : memref<80xi32, #tpu.memory_space<vmem>>, vector<16xi32>,
      %get3A_524 = arith.constant 48 : index
      %get3A_525 = tpu.vector_load %arg11[%get3A_524] {strides = array<i32>} : memref<80xi32, #tpu.memory_space<vmem>>, vector<16xi32>,
      %add3A_526 = vector.broadcast %mul3A_134 : i32 to vector<16xi32>
      %add3A_527 = arith.addi %get3A_525, %add3A_526 : vector<16xi32>
      %swap3A_528 = arith.constant 48 : index
      %swap3A_529 = tpu.vector_load %arg15[%swap3A_528] {strides = array<i32>} : memref<80xi32, #tpu.memory_space<vmem>>, vector<16xi32>,
      tpu.vector_store %arg15[%swap3A_528], %add3A_527 {strides = array<i32>} : memref<80xi32, #tpu.memory_space<vmem>>, vector<16xi32>,
      %get3A_530 = arith.constant 48 : index
      %get3A_531 = tpu.vector_load %arg13[%get3A_530] {strides = array<i32>} : memref<80xi32, #tpu.memory_space<vmem>>, vector<16xi32>,
      %add3A_532 = vector.broadcast %mul3A_134 : i32 to vector<16xi32>
      %add3A_533 = arith.addi %get3A_531, %add3A_532 : vector<16xi32>
      %swap3A_534 = arith.constant 48 : index
      %swap3A_535 = tpu.vector_load %arg17[%swap3A_534] {strides = array<i32>} : memref<80xi32, #tpu.memory_space<vmem>>, vector<16xi32>,
      tpu.vector_store %arg17[%swap3A_534], %add3A_533 {strides = array<i32>} : memref<80xi32, #tpu.memory_space<vmem>>, vector<16xi32>,
      %get3A_536 = arith.constant 64 : index
      %get3A_537 = tpu.vector_load %arg11[%get3A_536] {strides = array<i32>} : memref<80xi32, #tpu.memory_space<vmem>>, vector<16xi32>,
      %add3A_538 = vector.broadcast %mul3A_134 : i32 to vector<16xi32>
      %add3A_539 = arith.addi %get3A_537, %add3A_538 : vector<16xi32>
      %swap3A_540 = arith.constant 64 : index
      %swap3A_541 = tpu.vector_load %arg15[%swap3A_540] {strides = array<i32>} : memref<80xi32, #tpu.memory_space<vmem>>, vector<16xi32>,
      tpu.vector_store %arg15[%swap3A_540], %add3A_539 {strides = array<i32>} : memref<80xi32, #tpu.memory_space<vmem>>, vector<16xi32>,
      %get3A_542 = arith.constant 64 : index
      %get3A_543 = tpu.vector_load %arg13[%get3A_542] {strides = array<i32>} : memref<80xi32, #tpu.memory_space<vmem>>, vector<16xi32>,
      %add3A_544 = vector.broadcast %mul3A_134 : i32 to vector<16xi32>
      %add3A_545 = arith.addi %get3A_543, %add3A_544 : vector<16xi32>
      %swap3A_546 = arith.constant 64 : index
      %swap3A_547 = tpu.vector_load %arg17[%swap3A_546] {strides = array<i32>} : memref<80xi32, #tpu.memory_space<vmem>>, vector<16xi32>,
      tpu.vector_store %arg17[%swap3A_546], %add3A_545 {strides = array<i32>} : memref<80xi32, #tpu.memory_space<vmem>>, vector<16xi32>,
      %dma_start3A_548 = arith.constant 0 : i32
      %dma_start3A_549 = tpu.memref_slice %arg4[%dma_start3A_548] : memref<40000xf32, #tpu.memory_space<hbm>> -> memref<40000xf32, #tpu.memory_space<hbm>>
      tpu.enqueue_indirect_dma source(%dma_start3A_549 : memref<40000xf32, #tpu.memory_space<hbm>>) target(%arg19 : memref<80xf32, #tpu.memory_space<vmem>>) offsets(%arg15 : memref<80xi32, #tpu.memory_space<vmem>>) semaphore(%arg27 : memref<!tpu.dma_semaphore, #tpu.memory_space<semaphore_mem>>)
      %dma_start3A_550 = arith.constant 0 : i32
      %dma_start3A_551 = tpu.memref_slice %arg5[%dma_start3A_550] : memref<40000xf32, #tpu.memory_space<hbm>> -> memref<40000xf32, #tpu.memory_space<hbm>>
      tpu.enqueue_indirect_dma source(%dma_start3A_551 : memref<40000xf32, #tpu.memory_space<hbm>>) target(%arg21 : memref<80xf32, #tpu.memory_space<vmem>>) offsets(%arg17 : memref<80xi32, #tpu.memory_space<vmem>>) semaphore(%arg29 : memref<!tpu.dma_semaphore, #tpu.memory_space<semaphore_mem>>)
      %dma_start3A_552 = arith.constant 0 : i32
      %dma_start3A_553 = arith.constant 0 : i32
      %dma_start3A_554 = tpu.memref_slice %arg6[%dma_start3A_552, %dma_start3A_553] : memref<40000x128xf32, #tpu.memory_space<hbm>> -> memref<40000x128xf32, #tpu.memory_space<hbm>>
      tpu.enqueue_indirect_dma source(%dma_start3A_554 : memref<40000x128xf32, #tpu.memory_space<hbm>>) target(%arg24 : memref<80x128xf32, #tpu.memory_space<vmem>>) offsets(%arg15 : memref<80xi32, #tpu.memory_space<vmem>>) semaphore(%arg31 : memref<!tpu.dma_semaphore, #tpu.memory_space<semaphore_mem>>)
      %dma_wait3A_555 = arith.constant 0 : i32
      %dma_wait3A_556 = arith.constant 0 : i32
      %dma_wait3A_557 = tpu.memref_slice %arg6[%dma_wait3A_555, %dma_wait3A_556] : memref<40000x128xf32, #tpu.memory_space<hbm>> -> memref<80x128xf32, #tpu.memory_space<hbm>>
      %dma_wait3A_558 = arith.constant 0 : i32
      %dma_wait3A_559 = arith.constant 0 : i32
      %dma_wait3A_560 = tpu.memref_slice %arg6[%dma_wait3A_558, %dma_wait3A_559] : memref<40000x128xf32, #tpu.memory_space<hbm>> -> memref<80x128xf32, #tpu.memory_space<hbm>>
      tpu.wait_dma2 semaphore(%arg32 : memref<!tpu.dma_semaphore, #tpu.memory_space<semaphore_mem>>) src(%dma_wait3A_560 : memref<80x128xf32, #tpu.memory_space<hbm>>) dst(%arg25 : memref<80x128xf32, #tpu.memory_space<vmem>>)
      %scan3A_561 = arith.constant 0 : i32
      %scan3A_562 = arith.constant 0 : i32
      %scan3A_563 = arith.constant 80 : i32
      %scan3A_564 = arith.addi %scan3A_562, %scan3A_563 : i32
      %scan3A_565 = arith.constant 1 : i32
      scf.for %scan3A_567 = %scan3A_562 to %scan3A_564 step %scan3A_565  : i32 {
        %broadcast_in_dim3A = vector.broadcast %scan3A_567 : i32 to vector<16xi32>
        %gather3A = tpu.vector_load_idx %arg23[%broadcast_in_dim3A] : memref<80xf32, #tpu.memory_space<vmem>>[vector<16xi32>], vector<16xf32>,
        %get3A_568 = arith.index_cast %scan3A_567 : i32 to index
        %get3A_569 = arith.constant 0 : index
        %get3A_570 = tpu.vector_load %arg25[%get3A_568, %get3A_569] {strides = array<i32>} : memref<80x128xf32, #tpu.memory_space<vmem>>, vector<16xf32>,
        %mul3A_571 = arith.mulf %get3A_570, %gather3A : vector<16xf32>
        %swap3A_572 = arith.index_cast %scan3A_567 : i32 to index
        %swap3A_573 = arith.constant 0 : index
        %swap3A_574 = tpu.vector_load %arg25[%swap3A_572, %swap3A_573] {strides = array<i32>} : memref<80x128xf32, #tpu.memory_space<vmem>>, vector<16xf32>,
        tpu.vector_store %arg25[%swap3A_572, %swap3A_573], %mul3A_571 {strides = array<i32>} : memref<80x128xf32, #tpu.memory_space<vmem>>, vector<16xf32>,
        %get3A_575 = arith.index_cast %scan3A_567 : i32 to index
        %get3A_576 = arith.constant 16 : index
        %get3A_577 = tpu.vector_load %arg25[%get3A_575, %get3A_576] {strides = array<i32>} : memref<80x128xf32, #tpu.memory_space<vmem>>, vector<16xf32>,
        %mul3A_578 = arith.mulf %get3A_577, %gather3A : vector<16xf32>
        %swap3A_579 = arith.index_cast %scan3A_567 : i32 to index
        %swap3A_580 = arith.constant 16 : index
        %swap3A_581 = tpu.vector_load %arg25[%swap3A_579, %swap3A_580] {strides = array<i32>} : memref<80x128xf32, #tpu.memory_space<vmem>>, vector<16xf32>,
        tpu.vector_store %arg25[%swap3A_579, %swap3A_580], %mul3A_578 {strides = array<i32>} : memref<80x128xf32, #tpu.memory_space<vmem>>, vector<16xf32>,
        %get3A_582 = arith.index_cast %scan3A_567 : i32 to index
        %get3A_583 = arith.constant 32 : index
        %get3A_584 = tpu.vector_load %arg25[%get3A_582, %get3A_583] {strides = array<i32>} : memref<80x128xf32, #tpu.memory_space<vmem>>, vector<16xf32>,
        %mul3A_585 = arith.mulf %get3A_584, %gather3A : vector<16xf32>
        %swap3A_586 = arith.index_cast %scan3A_567 : i32 to index
        %swap3A_587 = arith.constant 32 : index
        %swap3A_588 = tpu.vector_load %arg25[%swap3A_586, %swap3A_587] {strides = array<i32>} : memref<80x128xf32, #tpu.memory_space<vmem>>, vector<16xf32>,
        tpu.vector_store %arg25[%swap3A_586, %swap3A_587], %mul3A_585 {strides = array<i32>} : memref<80x128xf32, #tpu.memory_space<vmem>>, vector<16xf32>,
        %get3A_589 = arith.index_cast %scan3A_567 : i32 to index
        %get3A_590 = arith.constant 48 : index
        %get3A_591 = tpu.vector_load %arg25[%get3A_589, %get3A_590] {strides = array<i32>} : memref<80x128xf32, #tpu.memory_space<vmem>>, vector<16xf32>,
        %mul3A_592 = arith.mulf %get3A_591, %gather3A : vector<16xf32>
        %swap3A_593 = arith.index_cast %scan3A_567 : i32 to index
        %swap3A_594 = arith.constant 48 : index
        %swap3A_595 = tpu.vector_load %arg25[%swap3A_593, %swap3A_594] {strides = array<i32>} : memref<80x128xf32, #tpu.memory_space<vmem>>, vector<16xf32>,
        tpu.vector_store %arg25[%swap3A_593, %swap3A_594], %mul3A_592 {strides = array<i32>} : memref<80x128xf32, #tpu.memory_space<vmem>>, vector<16xf32>,
        %get3A_596 = arith.index_cast %scan3A_567 : i32 to index
        %get3A_597 = arith.constant 64 : index
        %get3A_598 = tpu.vector_load %arg25[%get3A_596, %get3A_597] {strides = array<i32>} : memref<80x128xf32, #tpu.memory_space<vmem>>, vector<16xf32>,
        %mul3A_599 = arith.mulf %get3A_598, %gather3A : vector<16xf32>
        %swap3A_600 = arith.index_cast %scan3A_567 : i32 to index
        %swap3A_601 = arith.constant 64 : index
        %swap3A_602 = tpu.vector_load %arg25[%swap3A_600, %swap3A_601] {strides = array<i32>} : memref<80x128xf32, #tpu.memory_space<vmem>>, vector<16xf32>,
        tpu.vector_store %arg25[%swap3A_600, %swap3A_601], %mul3A_599 {strides = array<i32>} : memref<80x128xf32, #tpu.memory_space<vmem>>, vector<16xf32>,
        %get3A_603 = arith.index_cast %scan3A_567 : i32 to index
        %get3A_604 = arith.constant 80 : index
        %get3A_605 = tpu.vector_load %arg25[%get3A_603, %get3A_604] {strides = array<i32>} : memref<80x128xf32, #tpu.memory_space<vmem>>, vector<16xf32>,
        %mul3A_606 = arith.mulf %get3A_605, %gather3A : vector<16xf32>
        %swap3A_607 = arith.index_cast %scan3A_567 : i32 to index
        %swap3A_608 = arith.constant 80 : index
        %swap3A_609 = tpu.vector_load %arg25[%swap3A_607, %swap3A_608] {strides = array<i32>} : memref<80x128xf32, #tpu.memory_space<vmem>>, vector<16xf32>,
        tpu.vector_store %arg25[%swap3A_607, %swap3A_608], %mul3A_606 {strides = array<i32>} : memref<80x128xf32, #tpu.memory_space<vmem>>, vector<16xf32>,
        %get3A_610 = arith.index_cast %scan3A_567 : i32 to index
        %get3A_611 = arith.constant 96 : index
        %get3A_612 = tpu.vector_load %arg25[%get3A_610, %get3A_611] {strides = array<i32>} : memref<80x128xf32, #tpu.memory_space<vmem>>, vector<16xf32>,
        %mul3A_613 = arith.mulf %get3A_612, %gather3A : vector<16xf32>
        %swap3A_614 = arith.index_cast %scan3A_567 : i32 to index
        %swap3A_615 = arith.constant 96 : index
        %swap3A_616 = tpu.vector_load %arg25[%swap3A_614, %swap3A_615] {strides = array<i32>} : memref<80x128xf32, #tpu.memory_space<vmem>>, vector<16xf32>,
        tpu.vector_store %arg25[%swap3A_614, %swap3A_615], %mul3A_613 {strides = array<i32>} : memref<80x128xf32, #tpu.memory_space<vmem>>, vector<16xf32>,
        %get3A_617 = arith.index_cast %scan3A_567 : i32 to index
        %get3A_618 = arith.constant 112 : index
        %get3A_619 = tpu.vector_load %arg25[%get3A_617, %get3A_618] {strides = array<i32>} : memref<80x128xf32, #tpu.memory_space<vmem>>, vector<16xf32>,
        %mul3A_620 = arith.mulf %get3A_619, %gather3A : vector<16xf32>
        %swap3A_621 = arith.index_cast %scan3A_567 : i32 to index
        %swap3A_622 = arith.constant 112 : index
        %swap3A_623 = tpu.vector_load %arg25[%swap3A_621, %swap3A_622] {strides = array<i32>} : memref<80x128xf32, #tpu.memory_space<vmem>>, vector<16xf32>,
        tpu.vector_store %arg25[%swap3A_621, %swap3A_622], %mul3A_620 {strides = array<i32>} : memref<80x128xf32, #tpu.memory_space<vmem>>, vector<16xf32>,
      }
      %scan3A_566 = arith.constant 80 : i32
      "tpu.region"() ({
        %run_scoped3A = tpu.sem_alloc : memref<!tpu.dma_semaphore, #tpu.memory_space<semaphore_mem>>
        %dma_start3A_567 = arith.constant 0 : i32
        %dma_start3A_568 = arith.constant 0 : i32
        %dma_start3A_569 = tpu.memref_slice %arg33[%dma_start3A_567, %dma_start3A_568] : memref<10000x128xf32, #tpu.memory_space<vmem_shared>> -> memref<10000x128xf32, #tpu.memory_space<vmem_shared>>
        tpu.enqueue_indirect_dma source(%arg25 : memref<80x128xf32, #tpu.memory_space<vmem>>) target(%dma_start3A_569 : memref<10000x128xf32, #tpu.memory_space<vmem_shared>>) offsets(%arg14 : memref<80xi32, #tpu.memory_space<vmem>>) semaphore(%run_scoped3A : memref<!tpu.dma_semaphore, #tpu.memory_space<semaphore_mem>>) {add = true}
        %dma_wait3A_570 = arith.constant 0 : i32
        %dma_wait3A_571 = arith.constant 0 : i32
        %dma_wait3A_572 = tpu.memref_slice %arg33[%dma_wait3A_570, %dma_wait3A_571] : memref<10000x128xf32, #tpu.memory_space<vmem_shared>> -> memref<10000x128xf32, #tpu.memory_space<vmem_shared>>
        tpu.wait_indirect_dma semaphore(%run_scoped3A : memref<!tpu.dma_semaphore, #tpu.memory_space<semaphore_mem>>) src(%arg25 : memref<80x128xf32, #tpu.memory_space<vmem>>) dst(%dma_wait3A_572 : memref<10000x128xf32, #tpu.memory_space<vmem_shared>>)
        tpu.yield
      }) : () -> ()
    }
    %scan3A_219 = arith.constant 125 : i32
    %dma_wait3A_220 = arith.constant 0 : i32
    %dma_wait3A_221 = tpu.memref_slice %arg4[%dma_wait3A_220] : memref<40000xf32, #tpu.memory_space<hbm>> -> memref<80xf32, #tpu.memory_space<hbm>>
    %dma_wait3A_222 = arith.constant 0 : i32
    %dma_wait3A_223 = tpu.memref_slice %arg4[%dma_wait3A_222] : memref<40000xf32, #tpu.memory_space<hbm>> -> memref<80xf32, #tpu.memory_space<hbm>>
    tpu.wait_dma2 semaphore(%arg27 : memref<!tpu.dma_semaphore, #tpu.memory_space<semaphore_mem>>) src(%dma_wait3A_223 : memref<80xf32, #tpu.memory_space<hbm>>) dst(%arg19 : memref<80xf32, #tpu.memory_space<vmem>>)
    %dma_wait3A_224 = arith.constant 0 : i32
    %dma_wait3A_225 = tpu.memref_slice %arg5[%dma_wait3A_224] : memref<40000xf32, #tpu.memory_space<hbm>> -> memref<80xf32, #tpu.memory_space<hbm>>
    %dma_wait3A_226 = arith.constant 0 : i32
    %dma_wait3A_227 = tpu.memref_slice %arg5[%dma_wait3A_226] : memref<40000xf32, #tpu.memory_space<hbm>> -> memref<80xf32, #tpu.memory_space<hbm>>
    tpu.wait_dma2 semaphore(%arg29 : memref<!tpu.dma_semaphore, #tpu.memory_space<semaphore_mem>>) src(%dma_wait3A_227 : memref<80xf32, #tpu.memory_space<hbm>>) dst(%arg21 : memref<80xf32, #tpu.memory_space<vmem>>)
    %dma_wait3A_228 = arith.constant 0 : i32
    %dma_wait3A_229 = arith.constant 0 : i32
    %dma_wait3A_230 = tpu.memref_slice %arg6[%dma_wait3A_228, %dma_wait3A_229] : memref<40000x128xf32, #tpu.memory_space<hbm>> -> memref<80x128xf32, #tpu.memory_space<hbm>>
    %dma_wait3A_231 = arith.constant 0 : i32
    %dma_wait3A_232 = arith.constant 0 : i32
    %dma_wait3A_233 = tpu.memref_slice %arg6[%dma_wait3A_231, %dma_wait3A_232] : memref<40000x128xf32, #tpu.memory_space<hbm>> -> memref<80x128xf32, #tpu.memory_space<hbm>>
    tpu.wait_dma2 semaphore(%arg31 : memref<!tpu.dma_semaphore, #tpu.memory_space<semaphore_mem>>) src(%dma_wait3A_233 : memref<80x128xf32, #tpu.memory_space<hbm>>) dst(%arg24 : memref<80x128xf32, #tpu.memory_space<vmem>>)
    %barrier3A_234 = arith.constant 0 : index
    tpu.barrier barrier_id(%barrier3A_234)
    %lt3A_235 = arith.constant 15 : i32
    %lt3A_236 = arith.cmpi slt, %arg1, %lt3A_235 : i32
    %convert_element_type3A_237 = arith.extui %lt3A_236 : i1 to i32
    %cond3A_238 = arith.constant 0 : i32
    %cond3A_239 = arith.cmpi ne, %convert_element_type3A_237, %cond3A_238 : i32
    scf.if %cond3A_239 {
      %mul3A_250 = arith.constant 632 : i32
      %mul3A_251 = arith.muli %arg1, %mul3A_250 : i32
      %add3A_252 = arith.addi %mul3A_140, %mul3A_251 : i32
      "tpu.region"() ({
        %run_scoped3A = tpu.sem_alloc : memref<!tpu.dma_semaphore, #tpu.memory_space<semaphore_mem>>
        %dma_start3A_253 = arith.constant 0 : i32
        %dma_start3A_254 = tpu.memref_slice %arg9[%add3A_252, %dma_start3A_253] : memref<40000x128xf32, #tpu.memory_space<hbm>> -> memref<632x128xf32, #tpu.memory_space<hbm>>
        %dma_start3A_255 = arith.constant 0 : i32
        %dma_start3A_256 = tpu.memref_slice %arg33[%mul3A_251, %dma_start3A_255] : memref<10000x128xf32, #tpu.memory_space<vmem_shared>> -> memref<632x128xf32, #tpu.memory_space<vmem_shared>>
        tpu.enqueue_dma source(%dma_start3A_256 : memref<632x128xf32, #tpu.memory_space<vmem_shared>>) target(%dma_start3A_254 : memref<632x128xf32, #tpu.memory_space<hbm>>) target_semaphore(%run_scoped3A : memref<!tpu.dma_semaphore, #tpu.memory_space<semaphore_mem>>)
        %dma_wait3A_257 = arith.constant 0 : i32
        %dma_wait3A_258 = tpu.memref_slice %arg9[%add3A_252, %dma_wait3A_257] : memref<40000x128xf32, #tpu.memory_space<hbm>> -> memref<632x128xf32, #tpu.memory_space<hbm>>
        %dma_wait3A_259 = arith.constant 0 : i32
        %dma_wait3A_260 = tpu.memref_slice %arg33[%mul3A_251, %dma_wait3A_259] : memref<10000x128xf32, #tpu.memory_space<vmem_shared>> -> memref<632x128xf32, #tpu.memory_space<vmem_shared>>
        tpu.wait_dma2 semaphore(%run_scoped3A : memref<!tpu.dma_semaphore, #tpu.memory_space<semaphore_mem>>) src(%dma_wait3A_260 : memref<632x128xf32, #tpu.memory_space<vmem_shared>>) dst(%dma_wait3A_258 : memref<632x128xf32, #tpu.memory_space<hbm>>)
        tpu.yield
      }) : () -> ()
    } else {
    }
    %eq3A_240 = arith.constant 15 : i32
    %eq3A_241 = arith.cmpi eq, %arg1, %eq3A_240 : i32
    %convert_element_type3A_242 = arith.extui %eq3A_241 : i1 to i32
    %cond3A_243 = arith.constant 0 : i32
    %cond3A_244 = arith.cmpi ne, %convert_element_type3A_242, %cond3A_243 : i32
    scf.if %cond3A_244 {
      %add3A_250 = arith.constant 9480 : i32
      %add3A_251 = arith.addi %mul3A_140, %add3A_250 : i32
      "tpu.region"() ({
        %run_scoped3A = tpu.sem_alloc : memref<!tpu.dma_semaphore, #tpu.memory_space<semaphore_mem>>
        %dma_start3A_252 = arith.constant 0 : i32
        %dma_start3A_253 = tpu.memref_slice %arg9[%add3A_251, %dma_start3A_252] : memref<40000x128xf32, #tpu.memory_space<hbm>> -> memref<520x128xf32, #tpu.memory_space<hbm>>
        %dma_start3A_254 = arith.constant 9480 : i32
        %dma_start3A_255 = arith.constant 0 : i32
        %dma_start3A_256 = tpu.memref_slice %arg33[%dma_start3A_254, %dma_start3A_255] : memref<10000x128xf32, #tpu.memory_space<vmem_shared>> -> memref<520x128xf32, #tpu.memory_space<vmem_shared>>
        tpu.enqueue_dma source(%dma_start3A_256 : memref<520x128xf32, #tpu.memory_space<vmem_shared>>) target(%dma_start3A_253 : memref<520x128xf32, #tpu.memory_space<hbm>>) target_semaphore(%run_scoped3A : memref<!tpu.dma_semaphore, #tpu.memory_space<semaphore_mem>>)
        %dma_wait3A_257 = arith.constant 0 : i32
        %dma_wait3A_258 = tpu.memref_slice %arg9[%add3A_251, %dma_wait3A_257] : memref<40000x128xf32, #tpu.memory_space<hbm>> -> memref<520x128xf32, #tpu.memory_space<hbm>>
        %dma_wait3A_259 = arith.constant 9480 : i32
        %dma_wait3A_260 = arith.constant 0 : i32
        %dma_wait3A_261 = tpu.memref_slice %arg33[%dma_wait3A_259, %dma_wait3A_260] : memref<10000x128xf32, #tpu.memory_space<vmem_shared>> -> memref<520x128xf32, #tpu.memory_space<vmem_shared>>
        tpu.wait_dma2 semaphore(%run_scoped3A : memref<!tpu.dma_semaphore, #tpu.memory_space<semaphore_mem>>) src(%dma_wait3A_261 : memref<520x128xf32, #tpu.memory_space<vmem_shared>>) dst(%dma_wait3A_258 : memref<520x128xf32, #tpu.memory_space<hbm>>)
        tpu.yield
      }) : () -> ()
    } else {
    }
    %eq3A_245 = arith.constant 0 : i32
    %eq3A_246 = arith.cmpi eq, %arg1, %eq3A_245 : i32
    %convert_element_type3A_247 = arith.extui %eq3A_246 : i1 to i32
    %cond3A_248 = arith.constant 0 : i32
    %cond3A_249 = arith.cmpi ne, %convert_element_type3A_247, %cond3A_248 : i32
    scf.if %cond3A_249 {
      "tpu.region"() ({
        %run_scoped3A = tpu.sem_alloc : memref<!tpu.dma_semaphore, #tpu.memory_space<semaphore_mem>>
        tpu.enqueue_dma source(%arg35 : memref<10000xf32, #tpu.memory_space<vmem_shared>>) target(%arg26 : memref<10000xf32, #tpu.memory_space<vmem>>) target_semaphore(%run_scoped3A : memref<!tpu.dma_semaphore, #tpu.memory_space<semaphore_mem>>)
        tpu.wait_dma2 semaphore(%run_scoped3A : memref<!tpu.dma_semaphore, #tpu.memory_space<semaphore_mem>>) src(%arg35 : memref<10000xf32, #tpu.memory_space<vmem_shared>>) dst(%arg26 : memref<10000xf32, #tpu.memory_space<vmem>>)
        tpu.yield
      }) : () -> ()
      "tpu.region"() ({
        %run_scoped3A = tpu.sem_alloc : memref<!tpu.dma_semaphore, #tpu.memory_space<semaphore_mem>>
        %dma_start3A_250 = tpu.memref_slice %arg10[%mul3A_140] : memref<40000xf32, #tpu.memory_space<hbm>> -> memref<10000xf32, #tpu.memory_space<hbm>>
        %dma_start3A_251 = tpu.memref_slice %arg10[%mul3A_140] : memref<40000xf32, #tpu.memory_space<hbm>> -> memref<10000xf32, #tpu.memory_space<hbm>>
        tpu.enqueue_dma source(%arg26 : memref<10000xf32, #tpu.memory_space<vmem>>) target(%dma_start3A_251 : memref<10000xf32, #tpu.memory_space<hbm>>) target_semaphore(%run_scoped3A : memref<!tpu.dma_semaphore, #tpu.memory_space<semaphore_mem>>)
        %dma_wait3A_252 = tpu.memref_slice %arg10[%mul3A_140] : memref<40000xf32, #tpu.memory_space<hbm>> -> memref<10000xf32, #tpu.memory_space<hbm>>
        %dma_wait3A_253 = tpu.memref_slice %arg10[%mul3A_140] : memref<40000xf32, #tpu.memory_space<hbm>> -> memref<10000xf32, #tpu.memory_space<hbm>>
        tpu.wait_dma2 semaphore(%run_scoped3A : memref<!tpu.dma_semaphore, #tpu.memory_space<semaphore_mem>>) src(%arg26 : memref<10000xf32, #tpu.memory_space<vmem>>) dst(%dma_wait3A_253 : memref<10000xf32, #tpu.memory_space<hbm>>)
        tpu.yield
      }) : () -> ()
    } else {
    }
    return
  }
}

#map = affine_map<(d0, d1) -> (0)>
#map1 = affine_map<(d0, d1) -> (0, 0)>
module attributes {stable_mosaic.version = 14 : i64} {
  func.func @sc_layer(%arg0: i32, %arg1: i32, %arg2: memref<320000xi32, #tpu.memory_space<hbm>>, %arg3: memref<320000xi32, #tpu.memory_space<hbm>>, %arg4: memref<10000xf32, #tpu.memory_space<hbm>>, %arg5: memref<10000xf32, #tpu.memory_space<hbm>>, %arg6: memref<10000x128xf32, #tpu.memory_space<hbm>>, %arg7: memref<10000x128xf32, #tpu.memory_space<hbm>>, %arg8: memref<10000xf32, #tpu.memory_space<hbm>>, %arg9: memref<20000x128xf32, #tpu.memory_space<hbm>>, %arg10: memref<20000xf32, #tpu.memory_space<hbm>>, %arg11: memref<80xi32, #tpu.memory_space<vmem>>, %arg12: memref<80xi32, #tpu.memory_space<vmem>>, %arg13: memref<80xi32, #tpu.memory_space<vmem>>, %arg14: memref<80xi32, #tpu.memory_space<vmem>>, %arg15: memref<80xi32, #tpu.memory_space<vmem>>, %arg16: memref<80xi32, #tpu.memory_space<vmem>>, %arg17: memref<80xi32, #tpu.memory_space<vmem>>, %arg18: memref<80xi32, #tpu.memory_space<vmem>>, %arg19: memref<80xf32, #tpu.memory_space<vmem>>, %arg20: memref<80xf32, #tpu.memory_space<vmem>>, %arg21: memref<80xf32, #tpu.memory_space<vmem>>, %arg22: memref<80xf32, #tpu.memory_space<vmem>>, %arg23: memref<80xf32, #tpu.memory_space<vmem>>, %arg24: memref<80x128xf32, #tpu.memory_space<vmem>>, %arg25: memref<80x128xf32, #tpu.memory_space<vmem>>, %arg26: memref<10000xf32, #tpu.memory_space<vmem>>, %arg27: memref<!tpu.dma_semaphore, #tpu.memory_space<semaphore_mem>>, %arg28: memref<!tpu.dma_semaphore, #tpu.memory_space<semaphore_mem>>, %arg29: memref<!tpu.dma_semaphore, #tpu.memory_space<semaphore_mem>>, %arg30: memref<!tpu.dma_semaphore, #tpu.memory_space<semaphore_mem>>, %arg31: memref<!tpu.dma_semaphore, #tpu.memory_space<semaphore_mem>>, %arg32: memref<!tpu.dma_semaphore, #tpu.memory_space<semaphore_mem>>, %arg33: memref<10000x128xf32, #tpu.memory_space<vmem_shared>>, %arg34: memref<10000xf32, #tpu.memory_space<vmem_shared>>) attributes {dimension_semantics = [#tpu.dimension_semantics<core_parallel>, #tpu.dimension_semantics<subcore_parallel>], iteration_bounds = array<i64: 2, 16>, scalar_prefetch = 0 : i64, scratch_operands = 24 : i64, tpu.core_type = #tpu.core_type<sc_vector_subcore>, window_params = [{transform_indices = #map}, {transform_indices = #map}, {transform_indices = #map}, {transform_indices = #map}, {transform_indices = #map1}, {transform_indices = #map1}, {transform_indices = #map}, {transform_indices = #map1}, {transform_indices = #map}]} {
    %mul3A = arith.constant 20000 : i32
    %mul3A_0 = arith.muli %arg1, %mul3A : i32
    %eq3A = arith.constant 0 : i32
    %eq3A_1 = arith.cmpi eq, %arg1, %eq3A : i32
    %convert_element_type3A = arith.extui %eq3A_1 : i1 to i32
    %cond3A = arith.constant 0 : i32
    %cond3A_2 = arith.cmpi ne, %convert_element_type3A, %cond3A : i32
    scf.if %cond3A_2 {
      "tpu.region"() ({
        %run_scoped3A = tpu.sem_alloc : memref<!tpu.dma_semaphore, #tpu.memory_space<semaphore_mem>>
        tpu.enqueue_dma source(%arg8 : memref<10000xf32, #tpu.memory_space<hbm>>) target(%arg34 : memref<10000xf32, #tpu.memory_space<vmem_shared>>) target_semaphore(%run_scoped3A : memref<!tpu.dma_semaphore, #tpu.memory_space<semaphore_mem>>)
        tpu.wait_dma2 semaphore(%run_scoped3A : memref<!tpu.dma_semaphore, #tpu.memory_space<semaphore_mem>>) src(%arg8 : memref<10000xf32, #tpu.memory_space<hbm>>) dst(%arg34 : memref<10000xf32, #tpu.memory_space<vmem_shared>>)
        tpu.yield
      }) : () -> ()
    } else {
    }
    %barrier3A = arith.constant 0 : index
    tpu.barrier barrier_id(%barrier3A)
    %eq3A_3 = arith.constant 0 : i32
    %eq3A_4 = arith.cmpi eq, %arg1, %eq3A_3 : i32
    %convert_element_type3A_5 = arith.extui %eq3A_4 : i1 to i32
    %cond3A_6 = arith.constant 0 : i32
    %cond3A_7 = arith.cmpi ne, %convert_element_type3A_5, %cond3A_6 : i32
    scf.if %cond3A_7 {
      "tpu.region"() ({
        %run_scoped3A = tpu.sem_alloc : memref<!tpu.dma_semaphore, #tpu.memory_space<semaphore_mem>>
        tpu.enqueue_dma source(%arg7 : memref<10000x128xf32, #tpu.memory_space<hbm>>) target(%arg33 : memref<10000x128xf32, #tpu.memory_space<vmem_shared>>) target_semaphore(%run_scoped3A : memref<!tpu.dma_semaphore, #tpu.memory_space<semaphore_mem>>)
        tpu.wait_dma2 semaphore(%run_scoped3A : memref<!tpu.dma_semaphore, #tpu.memory_space<semaphore_mem>>) src(%arg7 : memref<10000x128xf32, #tpu.memory_space<hbm>>) dst(%arg33 : memref<10000x128xf32, #tpu.memory_space<vmem_shared>>)
        tpu.yield
      }) : () -> ()
    } else {
    }
    %barrier3A_8 = arith.constant 0 : index
    tpu.barrier barrier_id(%barrier3A_8)
    %mul3A_9 = arith.constant 10000 : i32
    %mul3A_10 = arith.muli %arg0, %mul3A_9 : i32
    %mul3A_11 = arith.constant 10000 : i32
    %mul3A_12 = arith.muli %arg0, %mul3A_11 : i32
    %add3A = arith.addi %mul3A_0, %mul3A_10 : i32
    %add3A_13 = arith.constant 0 : i32
    %add3A_14 = arith.addi %add3A, %add3A_13 : i32
    %min3A = arith.constant 319920 : i32
    %min3A_15 = arith.minsi %add3A_14, %min3A : i32
    "tpu.region"() ({
      %run_scoped3A = tpu.sem_alloc : memref<!tpu.dma_semaphore, #tpu.memory_space<semaphore_mem>>
      %dma_start3A_143 = tpu.memref_slice %arg2[%min3A_15] : memref<320000xi32, #tpu.memory_space<hbm>> -> memref<80xi32, #tpu.memory_space<hbm>>
      %dma_start3A_144 = tpu.memref_slice %arg2[%min3A_15] : memref<320000xi32, #tpu.memory_space<hbm>> -> memref<80xi32, #tpu.memory_space<hbm>>
      tpu.enqueue_dma source(%dma_start3A_144 : memref<80xi32, #tpu.memory_space<hbm>>) target(%arg11 : memref<80xi32, #tpu.memory_space<vmem>>) target_semaphore(%run_scoped3A : memref<!tpu.dma_semaphore, #tpu.memory_space<semaphore_mem>>)
      %dma_wait3A_145 = tpu.memref_slice %arg2[%min3A_15] : memref<320000xi32, #tpu.memory_space<hbm>> -> memref<80xi32, #tpu.memory_space<hbm>>
      %dma_wait3A_146 = tpu.memref_slice %arg2[%min3A_15] : memref<320000xi32, #tpu.memory_space<hbm>> -> memref<80xi32, #tpu.memory_space<hbm>>
      tpu.wait_dma2 semaphore(%run_scoped3A : memref<!tpu.dma_semaphore, #tpu.memory_space<semaphore_mem>>) src(%dma_wait3A_146 : memref<80xi32, #tpu.memory_space<hbm>>) dst(%arg11 : memref<80xi32, #tpu.memory_space<vmem>>)
      tpu.yield
    }) : () -> ()
    "tpu.region"() ({
      %run_scoped3A = tpu.sem_alloc : memref<!tpu.dma_semaphore, #tpu.memory_space<semaphore_mem>>
      %dma_start3A_143 = tpu.memref_slice %arg3[%min3A_15] : memref<320000xi32, #tpu.memory_space<hbm>> -> memref<80xi32, #tpu.memory_space<hbm>>
      %dma_start3A_144 = tpu.memref_slice %arg3[%min3A_15] : memref<320000xi32, #tpu.memory_space<hbm>> -> memref<80xi32, #tpu.memory_space<hbm>>
      tpu.enqueue_dma source(%dma_start3A_144 : memref<80xi32, #tpu.memory_space<hbm>>) target(%arg13 : memref<80xi32, #tpu.memory_space<vmem>>) target_semaphore(%run_scoped3A : memref<!tpu.dma_semaphore, #tpu.memory_space<semaphore_mem>>)
      %dma_wait3A_145 = tpu.memref_slice %arg3[%min3A_15] : memref<320000xi32, #tpu.memory_space<hbm>> -> memref<80xi32, #tpu.memory_space<hbm>>
      %dma_wait3A_146 = tpu.memref_slice %arg3[%min3A_15] : memref<320000xi32, #tpu.memory_space<hbm>> -> memref<80xi32, #tpu.memory_space<hbm>>
      tpu.wait_dma2 semaphore(%run_scoped3A : memref<!tpu.dma_semaphore, #tpu.memory_space<semaphore_mem>>) src(%dma_wait3A_146 : memref<80xi32, #tpu.memory_space<hbm>>) dst(%arg13 : memref<80xi32, #tpu.memory_space<vmem>>)
      tpu.yield
    }) : () -> ()
    %dma_start3A = arith.constant 0 : i32
    %dma_start3A_16 = tpu.memref_slice %arg4[%dma_start3A] : memref<10000xf32, #tpu.memory_space<hbm>> -> memref<10000xf32, #tpu.memory_space<hbm>>
    tpu.enqueue_indirect_dma source(%dma_start3A_16 : memref<10000xf32, #tpu.memory_space<hbm>>) target(%arg19 : memref<80xf32, #tpu.memory_space<vmem>>) offsets(%arg11 : memref<80xi32, #tpu.memory_space<vmem>>) semaphore(%arg27 : memref<!tpu.dma_semaphore, #tpu.memory_space<semaphore_mem>>)
    %dma_start3A_17 = arith.constant 0 : i32
    %dma_start3A_18 = tpu.memref_slice %arg5[%dma_start3A_17] : memref<10000xf32, #tpu.memory_space<hbm>> -> memref<10000xf32, #tpu.memory_space<hbm>>
    tpu.enqueue_indirect_dma source(%dma_start3A_18 : memref<10000xf32, #tpu.memory_space<hbm>>) target(%arg21 : memref<80xf32, #tpu.memory_space<vmem>>) offsets(%arg13 : memref<80xi32, #tpu.memory_space<vmem>>) semaphore(%arg29 : memref<!tpu.dma_semaphore, #tpu.memory_space<semaphore_mem>>)
    %dma_start3A_19 = arith.constant 0 : i32
    %dma_start3A_20 = arith.constant 0 : i32
    %dma_start3A_21 = tpu.memref_slice %arg6[%dma_start3A_19, %dma_start3A_20] : memref<10000x128xf32, #tpu.memory_space<hbm>> -> memref<10000x128xf32, #tpu.memory_space<hbm>>
    tpu.enqueue_indirect_dma source(%dma_start3A_21 : memref<10000x128xf32, #tpu.memory_space<hbm>>) target(%arg24 : memref<80x128xf32, #tpu.memory_space<vmem>>) offsets(%arg11 : memref<80xi32, #tpu.memory_space<vmem>>) semaphore(%arg31 : memref<!tpu.dma_semaphore, #tpu.memory_space<semaphore_mem>>)
    %scan3A = arith.constant 0 : i32
    %scan3A_22 = arith.constant 0 : i32
    %scan3A_23 = arith.constant 62 : i32
    %scan3A_24 = arith.addi %scan3A_22, %scan3A_23 : i32
    %scan3A_25 = arith.constant 1 : i32
    scf.for %scan3A_143 = %scan3A_22 to %scan3A_24 step %scan3A_25  : i32 {
      %mul3A_144 = arith.constant 2 : i32
      %mul3A_145 = arith.muli %mul3A_144, %scan3A_143 : i32
      %dma_wait3A_146 = arith.constant 0 : i32
      %dma_wait3A_147 = tpu.memref_slice %arg4[%dma_wait3A_146] : memref<10000xf32, #tpu.memory_space<hbm>> -> memref<80xf32, #tpu.memory_space<hbm>>
      %dma_wait3A_148 = arith.constant 0 : i32
      %dma_wait3A_149 = tpu.memref_slice %arg4[%dma_wait3A_148] : memref<10000xf32, #tpu.memory_space<hbm>> -> memref<80xf32, #tpu.memory_space<hbm>>
      tpu.wait_dma2 semaphore(%arg27 : memref<!tpu.dma_semaphore, #tpu.memory_space<semaphore_mem>>) src(%dma_wait3A_149 : memref<80xf32, #tpu.memory_space<hbm>>) dst(%arg19 : memref<80xf32, #tpu.memory_space<vmem>>)
      %dma_wait3A_150 = arith.constant 0 : i32
      %dma_wait3A_151 = tpu.memref_slice %arg5[%dma_wait3A_150] : memref<10000xf32, #tpu.memory_space<hbm>> -> memref<80xf32, #tpu.memory_space<hbm>>
      %dma_wait3A_152 = arith.constant 0 : i32
      %dma_wait3A_153 = tpu.memref_slice %arg5[%dma_wait3A_152] : memref<10000xf32, #tpu.memory_space<hbm>> -> memref<80xf32, #tpu.memory_space<hbm>>
      tpu.wait_dma2 semaphore(%arg29 : memref<!tpu.dma_semaphore, #tpu.memory_space<semaphore_mem>>) src(%dma_wait3A_153 : memref<80xf32, #tpu.memory_space<hbm>>) dst(%arg21 : memref<80xf32, #tpu.memory_space<vmem>>)
      %get3A_154 = arith.constant 0 : index
      %get3A_155 = tpu.vector_load %arg19[%get3A_154] {strides = array<i32>} : memref<80xf32, #tpu.memory_space<vmem>>, vector<16xf32>,
      %get3A_156 = arith.constant 0 : index
      %get3A_157 = tpu.vector_load %arg21[%get3A_156] {strides = array<i32>} : memref<80xf32, #tpu.memory_space<vmem>>, vector<16xf32>,
      %add3A_158 = arith.addf %get3A_155, %get3A_157 : vector<16xf32>
      %mul3A_159 = arith.constant 2.000000e-01 : f32
      %mul3A_160 = vector.broadcast %mul3A_159 : f32 to vector<16xf32>
      %mul3A_161 = arith.mulf %mul3A_160, %add3A_158 : vector<16xf32>
      %max3A_162 = arith.maximumf %add3A_158, %mul3A_161 : vector<16xf32>
      %exp3A_163 = math.exp %max3A_162 : vector<16xf32>
      %swap3A_164 = arith.constant 0 : index
      %swap3A_165 = tpu.vector_load %arg23[%swap3A_164] {strides = array<i32>} : memref<80xf32, #tpu.memory_space<vmem>>, vector<16xf32>,
      tpu.vector_store %arg23[%swap3A_164], %exp3A_163 {strides = array<i32>} : memref<80xf32, #tpu.memory_space<vmem>>, vector<16xf32>,
      %get3A_166 = arith.constant 16 : index
      %get3A_167 = tpu.vector_load %arg19[%get3A_166] {strides = array<i32>} : memref<80xf32, #tpu.memory_space<vmem>>, vector<16xf32>,
      %get3A_168 = arith.constant 16 : index
      %get3A_169 = tpu.vector_load %arg21[%get3A_168] {strides = array<i32>} : memref<80xf32, #tpu.memory_space<vmem>>, vector<16xf32>,
      %add3A_170 = arith.addf %get3A_167, %get3A_169 : vector<16xf32>
      %mul3A_171 = arith.constant 2.000000e-01 : f32
      %mul3A_172 = vector.broadcast %mul3A_171 : f32 to vector<16xf32>
      %mul3A_173 = arith.mulf %mul3A_172, %add3A_170 : vector<16xf32>
      %max3A_174 = arith.maximumf %add3A_170, %mul3A_173 : vector<16xf32>
      %exp3A_175 = math.exp %max3A_174 : vector<16xf32>
      %swap3A_176 = arith.constant 16 : index
      %swap3A_177 = tpu.vector_load %arg23[%swap3A_176] {strides = array<i32>} : memref<80xf32, #tpu.memory_space<vmem>>, vector<16xf32>,
      tpu.vector_store %arg23[%swap3A_176], %exp3A_175 {strides = array<i32>} : memref<80xf32, #tpu.memory_space<vmem>>, vector<16xf32>,
      %get3A_178 = arith.constant 32 : index
      %get3A_179 = tpu.vector_load %arg19[%get3A_178] {strides = array<i32>} : memref<80xf32, #tpu.memory_space<vmem>>, vector<16xf32>,
      %get3A_180 = arith.constant 32 : index
      %get3A_181 = tpu.vector_load %arg21[%get3A_180] {strides = array<i32>} : memref<80xf32, #tpu.memory_space<vmem>>, vector<16xf32>,
      %add3A_182 = arith.addf %get3A_179, %get3A_181 : vector<16xf32>
      %mul3A_183 = arith.constant 2.000000e-01 : f32
      %mul3A_184 = vector.broadcast %mul3A_183 : f32 to vector<16xf32>
      %mul3A_185 = arith.mulf %mul3A_184, %add3A_182 : vector<16xf32>
      %max3A_186 = arith.maximumf %add3A_182, %mul3A_185 : vector<16xf32>
      %exp3A_187 = math.exp %max3A_186 : vector<16xf32>
      %swap3A_188 = arith.constant 32 : index
      %swap3A_189 = tpu.vector_load %arg23[%swap3A_188] {strides = array<i32>} : memref<80xf32, #tpu.memory_space<vmem>>, vector<16xf32>,
      tpu.vector_store %arg23[%swap3A_188], %exp3A_187 {strides = array<i32>} : memref<80xf32, #tpu.memory_space<vmem>>, vector<16xf32>,
      %get3A_190 = arith.constant 48 : index
      %get3A_191 = tpu.vector_load %arg19[%get3A_190] {strides = array<i32>} : memref<80xf32, #tpu.memory_space<vmem>>, vector<16xf32>,
      %get3A_192 = arith.constant 48 : index
      %get3A_193 = tpu.vector_load %arg21[%get3A_192] {strides = array<i32>} : memref<80xf32, #tpu.memory_space<vmem>>, vector<16xf32>,
      %add3A_194 = arith.addf %get3A_191, %get3A_193 : vector<16xf32>
      %mul3A_195 = arith.constant 2.000000e-01 : f32
      %mul3A_196 = vector.broadcast %mul3A_195 : f32 to vector<16xf32>
      %mul3A_197 = arith.mulf %mul3A_196, %add3A_194 : vector<16xf32>
      %max3A_198 = arith.maximumf %add3A_194, %mul3A_197 : vector<16xf32>
      %exp3A_199 = math.exp %max3A_198 : vector<16xf32>
      %swap3A_200 = arith.constant 48 : index
      %swap3A_201 = tpu.vector_load %arg23[%swap3A_200] {strides = array<i32>} : memref<80xf32, #tpu.memory_space<vmem>>, vector<16xf32>,
      tpu.vector_store %arg23[%swap3A_200], %exp3A_199 {strides = array<i32>} : memref<80xf32, #tpu.memory_space<vmem>>, vector<16xf32>,
      %get3A_202 = arith.constant 64 : index
      %get3A_203 = tpu.vector_load %arg19[%get3A_202] {strides = array<i32>} : memref<80xf32, #tpu.memory_space<vmem>>, vector<16xf32>,
      %get3A_204 = arith.constant 64 : index
      %get3A_205 = tpu.vector_load %arg21[%get3A_204] {strides = array<i32>} : memref<80xf32, #tpu.memory_space<vmem>>, vector<16xf32>,
      %add3A_206 = arith.addf %get3A_203, %get3A_205 : vector<16xf32>
      %mul3A_207 = arith.constant 2.000000e-01 : f32
      %mul3A_208 = vector.broadcast %mul3A_207 : f32 to vector<16xf32>
      %mul3A_209 = arith.mulf %mul3A_208, %add3A_206 : vector<16xf32>
      %max3A_210 = arith.maximumf %add3A_206, %mul3A_209 : vector<16xf32>
      %exp3A_211 = math.exp %max3A_210 : vector<16xf32>
      %swap3A_212 = arith.constant 64 : index
      %swap3A_213 = tpu.vector_load %arg23[%swap3A_212] {strides = array<i32>} : memref<80xf32, #tpu.memory_space<vmem>>, vector<16xf32>,
      tpu.vector_store %arg23[%swap3A_212], %exp3A_211 {strides = array<i32>} : memref<80xf32, #tpu.memory_space<vmem>>, vector<16xf32>,
      "tpu.region"() ({
        %run_scoped3A = tpu.sem_alloc : memref<!tpu.dma_semaphore, #tpu.memory_space<semaphore_mem>>
        %dma_start3A_340 = arith.constant 0 : i32
        %dma_start3A_341 = tpu.memref_slice %arg34[%dma_start3A_340] : memref<10000xf32, #tpu.memory_space<vmem_shared>> -> memref<10000xf32, #tpu.memory_space<vmem_shared>>
        tpu.enqueue_indirect_dma source(%arg23 : memref<80xf32, #tpu.memory_space<vmem>>) target(%dma_start3A_341 : memref<10000xf32, #tpu.memory_space<vmem_shared>>) offsets(%arg13 : memref<80xi32, #tpu.memory_space<vmem>>) semaphore(%run_scoped3A : memref<!tpu.dma_semaphore, #tpu.memory_space<semaphore_mem>>) {add = true}
        %dma_wait3A_342 = arith.constant 0 : i32
        %dma_wait3A_343 = tpu.memref_slice %arg34[%dma_wait3A_342] : memref<10000xf32, #tpu.memory_space<vmem_shared>> -> memref<10000xf32, #tpu.memory_space<vmem_shared>>
        tpu.wait_indirect_dma semaphore(%run_scoped3A : memref<!tpu.dma_semaphore, #tpu.memory_space<semaphore_mem>>) src(%arg23 : memref<80xf32, #tpu.memory_space<vmem>>) dst(%dma_wait3A_343 : memref<10000xf32, #tpu.memory_space<vmem_shared>>)
        tpu.yield
      }) : () -> ()
      %add3A_214 = arith.constant 1 : i32
      %add3A_215 = arith.addi %mul3A_145, %add3A_214 : i32
      %add3A_216 = arith.addi %mul3A_0, %mul3A_10 : i32
      %mul3A_217 = arith.constant 80 : i32
      %mul3A_218 = arith.muli %add3A_215, %mul3A_217 : i32
      %add3A_219 = arith.addi %add3A_216, %mul3A_218 : i32
      %min3A_220 = arith.constant 319920 : i32
      %min3A_221 = arith.minsi %add3A_219, %min3A_220 : i32
      "tpu.region"() ({
        %run_scoped3A = tpu.sem_alloc : memref<!tpu.dma_semaphore, #tpu.memory_space<semaphore_mem>>
        %dma_start3A_340 = tpu.memref_slice %arg2[%min3A_221] : memref<320000xi32, #tpu.memory_space<hbm>> -> memref<80xi32, #tpu.memory_space<hbm>>
        %dma_start3A_341 = tpu.memref_slice %arg2[%min3A_221] : memref<320000xi32, #tpu.memory_space<hbm>> -> memref<80xi32, #tpu.memory_space<hbm>>
        tpu.enqueue_dma source(%dma_start3A_341 : memref<80xi32, #tpu.memory_space<hbm>>) target(%arg12 : memref<80xi32, #tpu.memory_space<vmem>>) target_semaphore(%run_scoped3A : memref<!tpu.dma_semaphore, #tpu.memory_space<semaphore_mem>>)
        %dma_wait3A_342 = tpu.memref_slice %arg2[%min3A_221] : memref<320000xi32, #tpu.memory_space<hbm>> -> memref<80xi32, #tpu.memory_space<hbm>>
        %dma_wait3A_343 = tpu.memref_slice %arg2[%min3A_221] : memref<320000xi32, #tpu.memory_space<hbm>> -> memref<80xi32, #tpu.memory_space<hbm>>
        tpu.wait_dma2 semaphore(%run_scoped3A : memref<!tpu.dma_semaphore, #tpu.memory_space<semaphore_mem>>) src(%dma_wait3A_343 : memref<80xi32, #tpu.memory_space<hbm>>) dst(%arg12 : memref<80xi32, #tpu.memory_space<vmem>>)
        tpu.yield
      }) : () -> ()
      "tpu.region"() ({
        %run_scoped3A = tpu.sem_alloc : memref<!tpu.dma_semaphore, #tpu.memory_space<semaphore_mem>>
        %dma_start3A_340 = tpu.memref_slice %arg3[%min3A_221] : memref<320000xi32, #tpu.memory_space<hbm>> -> memref<80xi32, #tpu.memory_space<hbm>>
        %dma_start3A_341 = tpu.memref_slice %arg3[%min3A_221] : memref<320000xi32, #tpu.memory_space<hbm>> -> memref<80xi32, #tpu.memory_space<hbm>>
        tpu.enqueue_dma source(%dma_start3A_341 : memref<80xi32, #tpu.memory_space<hbm>>) target(%arg14 : memref<80xi32, #tpu.memory_space<vmem>>) target_semaphore(%run_scoped3A : memref<!tpu.dma_semaphore, #tpu.memory_space<semaphore_mem>>)
        %dma_wait3A_342 = tpu.memref_slice %arg3[%min3A_221] : memref<320000xi32, #tpu.memory_space<hbm>> -> memref<80xi32, #tpu.memory_space<hbm>>
        %dma_wait3A_343 = tpu.memref_slice %arg3[%min3A_221] : memref<320000xi32, #tpu.memory_space<hbm>> -> memref<80xi32, #tpu.memory_space<hbm>>
        tpu.wait_dma2 semaphore(%run_scoped3A : memref<!tpu.dma_semaphore, #tpu.memory_space<semaphore_mem>>) src(%dma_wait3A_343 : memref<80xi32, #tpu.memory_space<hbm>>) dst(%arg14 : memref<80xi32, #tpu.memory_space<vmem>>)
        tpu.yield
      }) : () -> ()
      %dma_start3A_222 = arith.constant 0 : i32
      %dma_start3A_223 = tpu.memref_slice %arg4[%dma_start3A_222] : memref<10000xf32, #tpu.memory_space<hbm>> -> memref<10000xf32, #tpu.memory_space<hbm>>
      tpu.enqueue_indirect_dma source(%dma_start3A_223 : memref<10000xf32, #tpu.memory_space<hbm>>) target(%arg20 : memref<80xf32, #tpu.memory_space<vmem>>) offsets(%arg12 : memref<80xi32, #tpu.memory_space<vmem>>) semaphore(%arg28 : memref<!tpu.dma_semaphore, #tpu.memory_space<semaphore_mem>>)
      %dma_start3A_224 = arith.constant 0 : i32
      %dma_start3A_225 = tpu.memref_slice %arg5[%dma_start3A_224] : memref<10000xf32, #tpu.memory_space<hbm>> -> memref<10000xf32, #tpu.memory_space<hbm>>
      tpu.enqueue_indirect_dma source(%dma_start3A_225 : memref<10000xf32, #tpu.memory_space<hbm>>) target(%arg22 : memref<80xf32, #tpu.memory_space<vmem>>) offsets(%arg14 : memref<80xi32, #tpu.memory_space<vmem>>) semaphore(%arg30 : memref<!tpu.dma_semaphore, #tpu.memory_space<semaphore_mem>>)
      %dma_start3A_226 = arith.constant 0 : i32
      %dma_start3A_227 = arith.constant 0 : i32
      %dma_start3A_228 = tpu.memref_slice %arg6[%dma_start3A_226, %dma_start3A_227] : memref<10000x128xf32, #tpu.memory_space<hbm>> -> memref<10000x128xf32, #tpu.memory_space<hbm>>
      tpu.enqueue_indirect_dma source(%dma_start3A_228 : memref<10000x128xf32, #tpu.memory_space<hbm>>) target(%arg25 : memref<80x128xf32, #tpu.memory_space<vmem>>) offsets(%arg12 : memref<80xi32, #tpu.memory_space<vmem>>) semaphore(%arg32 : memref<!tpu.dma_semaphore, #tpu.memory_space<semaphore_mem>>)
      %dma_wait3A_229 = arith.constant 0 : i32
      %dma_wait3A_230 = arith.constant 0 : i32
      %dma_wait3A_231 = tpu.memref_slice %arg6[%dma_wait3A_229, %dma_wait3A_230] : memref<10000x128xf32, #tpu.memory_space<hbm>> -> memref<80x128xf32, #tpu.memory_space<hbm>>
      %dma_wait3A_232 = arith.constant 0 : i32
      %dma_wait3A_233 = arith.constant 0 : i32
      %dma_wait3A_234 = tpu.memref_slice %arg6[%dma_wait3A_232, %dma_wait3A_233] : memref<10000x128xf32, #tpu.memory_space<hbm>> -> memref<80x128xf32, #tpu.memory_space<hbm>>
      tpu.wait_dma2 semaphore(%arg31 : memref<!tpu.dma_semaphore, #tpu.memory_space<semaphore_mem>>) src(%dma_wait3A_234 : memref<80x128xf32, #tpu.memory_space<hbm>>) dst(%arg24 : memref<80x128xf32, #tpu.memory_space<vmem>>)
      %scan3A_235 = arith.constant 0 : i32
      %scan3A_236 = arith.constant 0 : i32
      %scan3A_237 = arith.constant 80 : i32
      %scan3A_238 = arith.addi %scan3A_236, %scan3A_237 : i32
      %scan3A_239 = arith.constant 1 : i32
      scf.for %scan3A_340 = %scan3A_236 to %scan3A_238 step %scan3A_239  : i32 {
        %broadcast_in_dim3A = vector.broadcast %scan3A_340 : i32 to vector<16xi32>
        %gather3A = tpu.vector_load_idx %arg23[%broadcast_in_dim3A] : memref<80xf32, #tpu.memory_space<vmem>>[vector<16xi32>], vector<16xf32>,
        %get3A_341 = arith.index_cast %scan3A_340 : i32 to index
        %get3A_342 = arith.constant 0 : index
        %get3A_343 = tpu.vector_load %arg24[%get3A_341, %get3A_342] {strides = array<i32>} : memref<80x128xf32, #tpu.memory_space<vmem>>, vector<16xf32>,
        %mul3A_344 = arith.mulf %get3A_343, %gather3A : vector<16xf32>
        %swap3A_345 = arith.index_cast %scan3A_340 : i32 to index
        %swap3A_346 = arith.constant 0 : index
        %swap3A_347 = tpu.vector_load %arg24[%swap3A_345, %swap3A_346] {strides = array<i32>} : memref<80x128xf32, #tpu.memory_space<vmem>>, vector<16xf32>,
        tpu.vector_store %arg24[%swap3A_345, %swap3A_346], %mul3A_344 {strides = array<i32>} : memref<80x128xf32, #tpu.memory_space<vmem>>, vector<16xf32>,
        %get3A_348 = arith.index_cast %scan3A_340 : i32 to index
        %get3A_349 = arith.constant 16 : index
        %get3A_350 = tpu.vector_load %arg24[%get3A_348, %get3A_349] {strides = array<i32>} : memref<80x128xf32, #tpu.memory_space<vmem>>, vector<16xf32>,
        %mul3A_351 = arith.mulf %get3A_350, %gather3A : vector<16xf32>
        %swap3A_352 = arith.index_cast %scan3A_340 : i32 to index
        %swap3A_353 = arith.constant 16 : index
        %swap3A_354 = tpu.vector_load %arg24[%swap3A_352, %swap3A_353] {strides = array<i32>} : memref<80x128xf32, #tpu.memory_space<vmem>>, vector<16xf32>,
        tpu.vector_store %arg24[%swap3A_352, %swap3A_353], %mul3A_351 {strides = array<i32>} : memref<80x128xf32, #tpu.memory_space<vmem>>, vector<16xf32>,
        %get3A_355 = arith.index_cast %scan3A_340 : i32 to index
        %get3A_356 = arith.constant 32 : index
        %get3A_357 = tpu.vector_load %arg24[%get3A_355, %get3A_356] {strides = array<i32>} : memref<80x128xf32, #tpu.memory_space<vmem>>, vector<16xf32>,
        %mul3A_358 = arith.mulf %get3A_357, %gather3A : vector<16xf32>
        %swap3A_359 = arith.index_cast %scan3A_340 : i32 to index
        %swap3A_360 = arith.constant 32 : index
        %swap3A_361 = tpu.vector_load %arg24[%swap3A_359, %swap3A_360] {strides = array<i32>} : memref<80x128xf32, #tpu.memory_space<vmem>>, vector<16xf32>,
        tpu.vector_store %arg24[%swap3A_359, %swap3A_360], %mul3A_358 {strides = array<i32>} : memref<80x128xf32, #tpu.memory_space<vmem>>, vector<16xf32>,
        %get3A_362 = arith.index_cast %scan3A_340 : i32 to index
        %get3A_363 = arith.constant 48 : index
        %get3A_364 = tpu.vector_load %arg24[%get3A_362, %get3A_363] {strides = array<i32>} : memref<80x128xf32, #tpu.memory_space<vmem>>, vector<16xf32>,
        %mul3A_365 = arith.mulf %get3A_364, %gather3A : vector<16xf32>
        %swap3A_366 = arith.index_cast %scan3A_340 : i32 to index
        %swap3A_367 = arith.constant 48 : index
        %swap3A_368 = tpu.vector_load %arg24[%swap3A_366, %swap3A_367] {strides = array<i32>} : memref<80x128xf32, #tpu.memory_space<vmem>>, vector<16xf32>,
        tpu.vector_store %arg24[%swap3A_366, %swap3A_367], %mul3A_365 {strides = array<i32>} : memref<80x128xf32, #tpu.memory_space<vmem>>, vector<16xf32>,
        %get3A_369 = arith.index_cast %scan3A_340 : i32 to index
        %get3A_370 = arith.constant 64 : index
        %get3A_371 = tpu.vector_load %arg24[%get3A_369, %get3A_370] {strides = array<i32>} : memref<80x128xf32, #tpu.memory_space<vmem>>, vector<16xf32>,
        %mul3A_372 = arith.mulf %get3A_371, %gather3A : vector<16xf32>
        %swap3A_373 = arith.index_cast %scan3A_340 : i32 to index
        %swap3A_374 = arith.constant 64 : index
        %swap3A_375 = tpu.vector_load %arg24[%swap3A_373, %swap3A_374] {strides = array<i32>} : memref<80x128xf32, #tpu.memory_space<vmem>>, vector<16xf32>,
        tpu.vector_store %arg24[%swap3A_373, %swap3A_374], %mul3A_372 {strides = array<i32>} : memref<80x128xf32, #tpu.memory_space<vmem>>, vector<16xf32>,
        %get3A_376 = arith.index_cast %scan3A_340 : i32 to index
        %get3A_377 = arith.constant 80 : index
        %get3A_378 = tpu.vector_load %arg24[%get3A_376, %get3A_377] {strides = array<i32>} : memref<80x128xf32, #tpu.memory_space<vmem>>, vector<16xf32>,
        %mul3A_379 = arith.mulf %get3A_378, %gather3A : vector<16xf32>
        %swap3A_380 = arith.index_cast %scan3A_340 : i32 to index
        %swap3A_381 = arith.constant 80 : index
        %swap3A_382 = tpu.vector_load %arg24[%swap3A_380, %swap3A_381] {strides = array<i32>} : memref<80x128xf32, #tpu.memory_space<vmem>>, vector<16xf32>,
        tpu.vector_store %arg24[%swap3A_380, %swap3A_381], %mul3A_379 {strides = array<i32>} : memref<80x128xf32, #tpu.memory_space<vmem>>, vector<16xf32>,
        %get3A_383 = arith.index_cast %scan3A_340 : i32 to index
        %get3A_384 = arith.constant 96 : index
        %get3A_385 = tpu.vector_load %arg24[%get3A_383, %get3A_384] {strides = array<i32>} : memref<80x128xf32, #tpu.memory_space<vmem>>, vector<16xf32>,
        %mul3A_386 = arith.mulf %get3A_385, %gather3A : vector<16xf32>
        %swap3A_387 = arith.index_cast %scan3A_340 : i32 to index
        %swap3A_388 = arith.constant 96 : index
        %swap3A_389 = tpu.vector_load %arg24[%swap3A_387, %swap3A_388] {strides = array<i32>} : memref<80x128xf32, #tpu.memory_space<vmem>>, vector<16xf32>,
        tpu.vector_store %arg24[%swap3A_387, %swap3A_388], %mul3A_386 {strides = array<i32>} : memref<80x128xf32, #tpu.memory_space<vmem>>, vector<16xf32>,
        %get3A_390 = arith.index_cast %scan3A_340 : i32 to index
        %get3A_391 = arith.constant 112 : index
        %get3A_392 = tpu.vector_load %arg24[%get3A_390, %get3A_391] {strides = array<i32>} : memref<80x128xf32, #tpu.memory_space<vmem>>, vector<16xf32>,
        %mul3A_393 = arith.mulf %get3A_392, %gather3A : vector<16xf32>
        %swap3A_394 = arith.index_cast %scan3A_340 : i32 to index
        %swap3A_395 = arith.constant 112 : index
        %swap3A_396 = tpu.vector_load %arg24[%swap3A_394, %swap3A_395] {strides = array<i32>} : memref<80x128xf32, #tpu.memory_space<vmem>>, vector<16xf32>,
        tpu.vector_store %arg24[%swap3A_394, %swap3A_395], %mul3A_393 {strides = array<i32>} : memref<80x128xf32, #tpu.memory_space<vmem>>, vector<16xf32>,
      }
      %scan3A_240 = arith.constant 80 : i32
      "tpu.region"() ({
        %run_scoped3A = tpu.sem_alloc : memref<!tpu.dma_semaphore, #tpu.memory_space<semaphore_mem>>
        %dma_start3A_340 = arith.constant 0 : i32
        %dma_start3A_341 = arith.constant 0 : i32
        %dma_start3A_342 = tpu.memref_slice %arg33[%dma_start3A_340, %dma_start3A_341] : memref<10000x128xf32, #tpu.memory_space<vmem_shared>> -> memref<10000x128xf32, #tpu.memory_space<vmem_shared>>
        tpu.enqueue_indirect_dma source(%arg24 : memref<80x128xf32, #tpu.memory_space<vmem>>) target(%dma_start3A_342 : memref<10000x128xf32, #tpu.memory_space<vmem_shared>>) offsets(%arg13 : memref<80xi32, #tpu.memory_space<vmem>>) semaphore(%run_scoped3A : memref<!tpu.dma_semaphore, #tpu.memory_space<semaphore_mem>>) {add = true}
        %dma_wait3A_343 = arith.constant 0 : i32
        %dma_wait3A_344 = arith.constant 0 : i32
        %dma_wait3A_345 = tpu.memref_slice %arg33[%dma_wait3A_343, %dma_wait3A_344] : memref<10000x128xf32, #tpu.memory_space<vmem_shared>> -> memref<10000x128xf32, #tpu.memory_space<vmem_shared>>
        tpu.wait_indirect_dma semaphore(%run_scoped3A : memref<!tpu.dma_semaphore, #tpu.memory_space<semaphore_mem>>) src(%arg24 : memref<80x128xf32, #tpu.memory_space<vmem>>) dst(%dma_wait3A_345 : memref<10000x128xf32, #tpu.memory_space<vmem_shared>>)
        tpu.yield
      }) : () -> ()
      %mul3A_241 = arith.constant 2 : i32
      %mul3A_242 = arith.muli %mul3A_241, %scan3A_143 : i32
      %add3A_243 = arith.constant 1 : i32
      %add3A_244 = arith.addi %mul3A_242, %add3A_243 : i32
      %dma_wait3A_245 = arith.constant 0 : i32
      %dma_wait3A_246 = tpu.memref_slice %arg4[%dma_wait3A_245] : memref<10000xf32, #tpu.memory_space<hbm>> -> memref<80xf32, #tpu.memory_space<hbm>>
      %dma_wait3A_247 = arith.constant 0 : i32
      %dma_wait3A_248 = tpu.memref_slice %arg4[%dma_wait3A_247] : memref<10000xf32, #tpu.memory_space<hbm>> -> memref<80xf32, #tpu.memory_space<hbm>>
      tpu.wait_dma2 semaphore(%arg28 : memref<!tpu.dma_semaphore, #tpu.memory_space<semaphore_mem>>) src(%dma_wait3A_248 : memref<80xf32, #tpu.memory_space<hbm>>) dst(%arg20 : memref<80xf32, #tpu.memory_space<vmem>>)
      %dma_wait3A_249 = arith.constant 0 : i32
      %dma_wait3A_250 = tpu.memref_slice %arg5[%dma_wait3A_249] : memref<10000xf32, #tpu.memory_space<hbm>> -> memref<80xf32, #tpu.memory_space<hbm>>
      %dma_wait3A_251 = arith.constant 0 : i32
      %dma_wait3A_252 = tpu.memref_slice %arg5[%dma_wait3A_251] : memref<10000xf32, #tpu.memory_space<hbm>> -> memref<80xf32, #tpu.memory_space<hbm>>
      tpu.wait_dma2 semaphore(%arg30 : memref<!tpu.dma_semaphore, #tpu.memory_space<semaphore_mem>>) src(%dma_wait3A_252 : memref<80xf32, #tpu.memory_space<hbm>>) dst(%arg22 : memref<80xf32, #tpu.memory_space<vmem>>)
      %get3A_253 = arith.constant 0 : index
      %get3A_254 = tpu.vector_load %arg20[%get3A_253] {strides = array<i32>} : memref<80xf32, #tpu.memory_space<vmem>>, vector<16xf32>,
      %get3A_255 = arith.constant 0 : index
      %get3A_256 = tpu.vector_load %arg22[%get3A_255] {strides = array<i32>} : memref<80xf32, #tpu.memory_space<vmem>>, vector<16xf32>,
      %add3A_257 = arith.addf %get3A_254, %get3A_256 : vector<16xf32>
      %mul3A_258 = arith.constant 2.000000e-01 : f32
      %mul3A_259 = vector.broadcast %mul3A_258 : f32 to vector<16xf32>
      %mul3A_260 = arith.mulf %mul3A_259, %add3A_257 : vector<16xf32>
      %max3A_261 = arith.maximumf %add3A_257, %mul3A_260 : vector<16xf32>
      %exp3A_262 = math.exp %max3A_261 : vector<16xf32>
      %swap3A_263 = arith.constant 0 : index
      %swap3A_264 = tpu.vector_load %arg23[%swap3A_263] {strides = array<i32>} : memref<80xf32, #tpu.memory_space<vmem>>, vector<16xf32>,
      tpu.vector_store %arg23[%swap3A_263], %exp3A_262 {strides = array<i32>} : memref<80xf32, #tpu.memory_space<vmem>>, vector<16xf32>,
      %get3A_265 = arith.constant 16 : index
      %get3A_266 = tpu.vector_load %arg20[%get3A_265] {strides = array<i32>} : memref<80xf32, #tpu.memory_space<vmem>>, vector<16xf32>,
      %get3A_267 = arith.constant 16 : index
      %get3A_268 = tpu.vector_load %arg22[%get3A_267] {strides = array<i32>} : memref<80xf32, #tpu.memory_space<vmem>>, vector<16xf32>,
      %add3A_269 = arith.addf %get3A_266, %get3A_268 : vector<16xf32>
      %mul3A_270 = arith.constant 2.000000e-01 : f32
      %mul3A_271 = vector.broadcast %mul3A_270 : f32 to vector<16xf32>
      %mul3A_272 = arith.mulf %mul3A_271, %add3A_269 : vector<16xf32>
      %max3A_273 = arith.maximumf %add3A_269, %mul3A_272 : vector<16xf32>
      %exp3A_274 = math.exp %max3A_273 : vector<16xf32>
      %swap3A_275 = arith.constant 16 : index
      %swap3A_276 = tpu.vector_load %arg23[%swap3A_275] {strides = array<i32>} : memref<80xf32, #tpu.memory_space<vmem>>, vector<16xf32>,
      tpu.vector_store %arg23[%swap3A_275], %exp3A_274 {strides = array<i32>} : memref<80xf32, #tpu.memory_space<vmem>>, vector<16xf32>,
      %get3A_277 = arith.constant 32 : index
      %get3A_278 = tpu.vector_load %arg20[%get3A_277] {strides = array<i32>} : memref<80xf32, #tpu.memory_space<vmem>>, vector<16xf32>,
      %get3A_279 = arith.constant 32 : index
      %get3A_280 = tpu.vector_load %arg22[%get3A_279] {strides = array<i32>} : memref<80xf32, #tpu.memory_space<vmem>>, vector<16xf32>,
      %add3A_281 = arith.addf %get3A_278, %get3A_280 : vector<16xf32>
      %mul3A_282 = arith.constant 2.000000e-01 : f32
      %mul3A_283 = vector.broadcast %mul3A_282 : f32 to vector<16xf32>
      %mul3A_284 = arith.mulf %mul3A_283, %add3A_281 : vector<16xf32>
      %max3A_285 = arith.maximumf %add3A_281, %mul3A_284 : vector<16xf32>
      %exp3A_286 = math.exp %max3A_285 : vector<16xf32>
      %swap3A_287 = arith.constant 32 : index
      %swap3A_288 = tpu.vector_load %arg23[%swap3A_287] {strides = array<i32>} : memref<80xf32, #tpu.memory_space<vmem>>, vector<16xf32>,
      tpu.vector_store %arg23[%swap3A_287], %exp3A_286 {strides = array<i32>} : memref<80xf32, #tpu.memory_space<vmem>>, vector<16xf32>,
      %get3A_289 = arith.constant 48 : index
      %get3A_290 = tpu.vector_load %arg20[%get3A_289] {strides = array<i32>} : memref<80xf32, #tpu.memory_space<vmem>>, vector<16xf32>,
      %get3A_291 = arith.constant 48 : index
      %get3A_292 = tpu.vector_load %arg22[%get3A_291] {strides = array<i32>} : memref<80xf32, #tpu.memory_space<vmem>>, vector<16xf32>,
      %add3A_293 = arith.addf %get3A_290, %get3A_292 : vector<16xf32>
      %mul3A_294 = arith.constant 2.000000e-01 : f32
      %mul3A_295 = vector.broadcast %mul3A_294 : f32 to vector<16xf32>
      %mul3A_296 = arith.mulf %mul3A_295, %add3A_293 : vector<16xf32>
      %max3A_297 = arith.maximumf %add3A_293, %mul3A_296 : vector<16xf32>
      %exp3A_298 = math.exp %max3A_297 : vector<16xf32>
      %swap3A_299 = arith.constant 48 : index
      %swap3A_300 = tpu.vector_load %arg23[%swap3A_299] {strides = array<i32>} : memref<80xf32, #tpu.memory_space<vmem>>, vector<16xf32>,
      tpu.vector_store %arg23[%swap3A_299], %exp3A_298 {strides = array<i32>} : memref<80xf32, #tpu.memory_space<vmem>>, vector<16xf32>,
      %get3A_301 = arith.constant 64 : index
      %get3A_302 = tpu.vector_load %arg20[%get3A_301] {strides = array<i32>} : memref<80xf32, #tpu.memory_space<vmem>>, vector<16xf32>,
      %get3A_303 = arith.constant 64 : index
      %get3A_304 = tpu.vector_load %arg22[%get3A_303] {strides = array<i32>} : memref<80xf32, #tpu.memory_space<vmem>>, vector<16xf32>,
      %add3A_305 = arith.addf %get3A_302, %get3A_304 : vector<16xf32>
      %mul3A_306 = arith.constant 2.000000e-01 : f32
      %mul3A_307 = vector.broadcast %mul3A_306 : f32 to vector<16xf32>
      %mul3A_308 = arith.mulf %mul3A_307, %add3A_305 : vector<16xf32>
      %max3A_309 = arith.maximumf %add3A_305, %mul3A_308 : vector<16xf32>
      %exp3A_310 = math.exp %max3A_309 : vector<16xf32>
      %swap3A_311 = arith.constant 64 : index
      %swap3A_312 = tpu.vector_load %arg23[%swap3A_311] {strides = array<i32>} : memref<80xf32, #tpu.memory_space<vmem>>, vector<16xf32>,
      tpu.vector_store %arg23[%swap3A_311], %exp3A_310 {strides = array<i32>} : memref<80xf32, #tpu.memory_space<vmem>>, vector<16xf32>,
      "tpu.region"() ({
        %run_scoped3A = tpu.sem_alloc : memref<!tpu.dma_semaphore, #tpu.memory_space<semaphore_mem>>
        %dma_start3A_340 = arith.constant 0 : i32
        %dma_start3A_341 = tpu.memref_slice %arg34[%dma_start3A_340] : memref<10000xf32, #tpu.memory_space<vmem_shared>> -> memref<10000xf32, #tpu.memory_space<vmem_shared>>
        tpu.enqueue_indirect_dma source(%arg23 : memref<80xf32, #tpu.memory_space<vmem>>) target(%dma_start3A_341 : memref<10000xf32, #tpu.memory_space<vmem_shared>>) offsets(%arg14 : memref<80xi32, #tpu.memory_space<vmem>>) semaphore(%run_scoped3A : memref<!tpu.dma_semaphore, #tpu.memory_space<semaphore_mem>>) {add = true}
        %dma_wait3A_342 = arith.constant 0 : i32
        %dma_wait3A_343 = tpu.memref_slice %arg34[%dma_wait3A_342] : memref<10000xf32, #tpu.memory_space<vmem_shared>> -> memref<10000xf32, #tpu.memory_space<vmem_shared>>
        tpu.wait_indirect_dma semaphore(%run_scoped3A : memref<!tpu.dma_semaphore, #tpu.memory_space<semaphore_mem>>) src(%arg23 : memref<80xf32, #tpu.memory_space<vmem>>) dst(%dma_wait3A_343 : memref<10000xf32, #tpu.memory_space<vmem_shared>>)
        tpu.yield
      }) : () -> ()
      %add3A_313 = arith.constant 1 : i32
      %add3A_314 = arith.addi %add3A_244, %add3A_313 : i32
      %add3A_315 = arith.addi %mul3A_0, %mul3A_10 : i32
      %mul3A_316 = arith.constant 80 : i32
      %mul3A_317 = arith.muli %add3A_314, %mul3A_316 : i32
      %add3A_318 = arith.addi %add3A_315, %mul3A_317 : i32
      %min3A_319 = arith.constant 319920 : i32
      %min3A_320 = arith.minsi %add3A_318, %min3A_319 : i32
      "tpu.region"() ({
        %run_scoped3A = tpu.sem_alloc : memref<!tpu.dma_semaphore, #tpu.memory_space<semaphore_mem>>
        %dma_start3A_340 = tpu.memref_slice %arg2[%min3A_320] : memref<320000xi32, #tpu.memory_space<hbm>> -> memref<80xi32, #tpu.memory_space<hbm>>
        %dma_start3A_341 = tpu.memref_slice %arg2[%min3A_320] : memref<320000xi32, #tpu.memory_space<hbm>> -> memref<80xi32, #tpu.memory_space<hbm>>
        tpu.enqueue_dma source(%dma_start3A_341 : memref<80xi32, #tpu.memory_space<hbm>>) target(%arg11 : memref<80xi32, #tpu.memory_space<vmem>>) target_semaphore(%run_scoped3A : memref<!tpu.dma_semaphore, #tpu.memory_space<semaphore_mem>>)
        %dma_wait3A_342 = tpu.memref_slice %arg2[%min3A_320] : memref<320000xi32, #tpu.memory_space<hbm>> -> memref<80xi32, #tpu.memory_space<hbm>>
        %dma_wait3A_343 = tpu.memref_slice %arg2[%min3A_320] : memref<320000xi32, #tpu.memory_space<hbm>> -> memref<80xi32, #tpu.memory_space<hbm>>
        tpu.wait_dma2 semaphore(%run_scoped3A : memref<!tpu.dma_semaphore, #tpu.memory_space<semaphore_mem>>) src(%dma_wait3A_343 : memref<80xi32, #tpu.memory_space<hbm>>) dst(%arg11 : memref<80xi32, #tpu.memory_space<vmem>>)
        tpu.yield
      }) : () -> ()
      "tpu.region"() ({
        %run_scoped3A = tpu.sem_alloc : memref<!tpu.dma_semaphore, #tpu.memory_space<semaphore_mem>>
        %dma_start3A_340 = tpu.memref_slice %arg3[%min3A_320] : memref<320000xi32, #tpu.memory_space<hbm>> -> memref<80xi32, #tpu.memory_space<hbm>>
        %dma_start3A_341 = tpu.memref_slice %arg3[%min3A_320] : memref<320000xi32, #tpu.memory_space<hbm>> -> memref<80xi32, #tpu.memory_space<hbm>>
        tpu.enqueue_dma source(%dma_start3A_341 : memref<80xi32, #tpu.memory_space<hbm>>) target(%arg13 : memref<80xi32, #tpu.memory_space<vmem>>) target_semaphore(%run_scoped3A : memref<!tpu.dma_semaphore, #tpu.memory_space<semaphore_mem>>)
        %dma_wait3A_342 = tpu.memref_slice %arg3[%min3A_320] : memref<320000xi32, #tpu.memory_space<hbm>> -> memref<80xi32, #tpu.memory_space<hbm>>
        %dma_wait3A_343 = tpu.memref_slice %arg3[%min3A_320] : memref<320000xi32, #tpu.memory_space<hbm>> -> memref<80xi32, #tpu.memory_space<hbm>>
        tpu.wait_dma2 semaphore(%run_scoped3A : memref<!tpu.dma_semaphore, #tpu.memory_space<semaphore_mem>>) src(%dma_wait3A_343 : memref<80xi32, #tpu.memory_space<hbm>>) dst(%arg13 : memref<80xi32, #tpu.memory_space<vmem>>)
        tpu.yield
      }) : () -> ()
      %dma_start3A_321 = arith.constant 0 : i32
      %dma_start3A_322 = tpu.memref_slice %arg4[%dma_start3A_321] : memref<10000xf32, #tpu.memory_space<hbm>> -> memref<10000xf32, #tpu.memory_space<hbm>>
      tpu.enqueue_indirect_dma source(%dma_start3A_322 : memref<10000xf32, #tpu.memory_space<hbm>>) target(%arg19 : memref<80xf32, #tpu.memory_space<vmem>>) offsets(%arg11 : memref<80xi32, #tpu.memory_space<vmem>>) semaphore(%arg27 : memref<!tpu.dma_semaphore, #tpu.memory_space<semaphore_mem>>)
      %dma_start3A_323 = arith.constant 0 : i32
      %dma_start3A_324 = tpu.memref_slice %arg5[%dma_start3A_323] : memref<10000xf32, #tpu.memory_space<hbm>> -> memref<10000xf32, #tpu.memory_space<hbm>>
      tpu.enqueue_indirect_dma source(%dma_start3A_324 : memref<10000xf32, #tpu.memory_space<hbm>>) target(%arg21 : memref<80xf32, #tpu.memory_space<vmem>>) offsets(%arg13 : memref<80xi32, #tpu.memory_space<vmem>>) semaphore(%arg29 : memref<!tpu.dma_semaphore, #tpu.memory_space<semaphore_mem>>)
      %dma_start3A_325 = arith.constant 0 : i32
      %dma_start3A_326 = arith.constant 0 : i32
      %dma_start3A_327 = tpu.memref_slice %arg6[%dma_start3A_325, %dma_start3A_326] : memref<10000x128xf32, #tpu.memory_space<hbm>> -> memref<10000x128xf32, #tpu.memory_space<hbm>>
      tpu.enqueue_indirect_dma source(%dma_start3A_327 : memref<10000x128xf32, #tpu.memory_space<hbm>>) target(%arg24 : memref<80x128xf32, #tpu.memory_space<vmem>>) offsets(%arg11 : memref<80xi32, #tpu.memory_space<vmem>>) semaphore(%arg31 : memref<!tpu.dma_semaphore, #tpu.memory_space<semaphore_mem>>)
      %dma_wait3A_328 = arith.constant 0 : i32
      %dma_wait3A_329 = arith.constant 0 : i32
      %dma_wait3A_330 = tpu.memref_slice %arg6[%dma_wait3A_328, %dma_wait3A_329] : memref<10000x128xf32, #tpu.memory_space<hbm>> -> memref<80x128xf32, #tpu.memory_space<hbm>>
      %dma_wait3A_331 = arith.constant 0 : i32
      %dma_wait3A_332 = arith.constant 0 : i32
      %dma_wait3A_333 = tpu.memref_slice %arg6[%dma_wait3A_331, %dma_wait3A_332] : memref<10000x128xf32, #tpu.memory_space<hbm>> -> memref<80x128xf32, #tpu.memory_space<hbm>>
      tpu.wait_dma2 semaphore(%arg32 : memref<!tpu.dma_semaphore, #tpu.memory_space<semaphore_mem>>) src(%dma_wait3A_333 : memref<80x128xf32, #tpu.memory_space<hbm>>) dst(%arg25 : memref<80x128xf32, #tpu.memory_space<vmem>>)
      %scan3A_334 = arith.constant 0 : i32
      %scan3A_335 = arith.constant 0 : i32
      %scan3A_336 = arith.constant 80 : i32
      %scan3A_337 = arith.addi %scan3A_335, %scan3A_336 : i32
      %scan3A_338 = arith.constant 1 : i32
      scf.for %scan3A_340 = %scan3A_335 to %scan3A_337 step %scan3A_338  : i32 {
        %broadcast_in_dim3A = vector.broadcast %scan3A_340 : i32 to vector<16xi32>
        %gather3A = tpu.vector_load_idx %arg23[%broadcast_in_dim3A] : memref<80xf32, #tpu.memory_space<vmem>>[vector<16xi32>], vector<16xf32>,
        %get3A_341 = arith.index_cast %scan3A_340 : i32 to index
        %get3A_342 = arith.constant 0 : index
        %get3A_343 = tpu.vector_load %arg25[%get3A_341, %get3A_342] {strides = array<i32>} : memref<80x128xf32, #tpu.memory_space<vmem>>, vector<16xf32>,
        %mul3A_344 = arith.mulf %get3A_343, %gather3A : vector<16xf32>
        %swap3A_345 = arith.index_cast %scan3A_340 : i32 to index
        %swap3A_346 = arith.constant 0 : index
        %swap3A_347 = tpu.vector_load %arg25[%swap3A_345, %swap3A_346] {strides = array<i32>} : memref<80x128xf32, #tpu.memory_space<vmem>>, vector<16xf32>,
        tpu.vector_store %arg25[%swap3A_345, %swap3A_346], %mul3A_344 {strides = array<i32>} : memref<80x128xf32, #tpu.memory_space<vmem>>, vector<16xf32>,
        %get3A_348 = arith.index_cast %scan3A_340 : i32 to index
        %get3A_349 = arith.constant 16 : index
        %get3A_350 = tpu.vector_load %arg25[%get3A_348, %get3A_349] {strides = array<i32>} : memref<80x128xf32, #tpu.memory_space<vmem>>, vector<16xf32>,
        %mul3A_351 = arith.mulf %get3A_350, %gather3A : vector<16xf32>
        %swap3A_352 = arith.index_cast %scan3A_340 : i32 to index
        %swap3A_353 = arith.constant 16 : index
        %swap3A_354 = tpu.vector_load %arg25[%swap3A_352, %swap3A_353] {strides = array<i32>} : memref<80x128xf32, #tpu.memory_space<vmem>>, vector<16xf32>,
        tpu.vector_store %arg25[%swap3A_352, %swap3A_353], %mul3A_351 {strides = array<i32>} : memref<80x128xf32, #tpu.memory_space<vmem>>, vector<16xf32>,
        %get3A_355 = arith.index_cast %scan3A_340 : i32 to index
        %get3A_356 = arith.constant 32 : index
        %get3A_357 = tpu.vector_load %arg25[%get3A_355, %get3A_356] {strides = array<i32>} : memref<80x128xf32, #tpu.memory_space<vmem>>, vector<16xf32>,
        %mul3A_358 = arith.mulf %get3A_357, %gather3A : vector<16xf32>
        %swap3A_359 = arith.index_cast %scan3A_340 : i32 to index
        %swap3A_360 = arith.constant 32 : index
        %swap3A_361 = tpu.vector_load %arg25[%swap3A_359, %swap3A_360] {strides = array<i32>} : memref<80x128xf32, #tpu.memory_space<vmem>>, vector<16xf32>,
        tpu.vector_store %arg25[%swap3A_359, %swap3A_360], %mul3A_358 {strides = array<i32>} : memref<80x128xf32, #tpu.memory_space<vmem>>, vector<16xf32>,
        %get3A_362 = arith.index_cast %scan3A_340 : i32 to index
        %get3A_363 = arith.constant 48 : index
        %get3A_364 = tpu.vector_load %arg25[%get3A_362, %get3A_363] {strides = array<i32>} : memref<80x128xf32, #tpu.memory_space<vmem>>, vector<16xf32>,
        %mul3A_365 = arith.mulf %get3A_364, %gather3A : vector<16xf32>
        %swap3A_366 = arith.index_cast %scan3A_340 : i32 to index
        %swap3A_367 = arith.constant 48 : index
        %swap3A_368 = tpu.vector_load %arg25[%swap3A_366, %swap3A_367] {strides = array<i32>} : memref<80x128xf32, #tpu.memory_space<vmem>>, vector<16xf32>,
        tpu.vector_store %arg25[%swap3A_366, %swap3A_367], %mul3A_365 {strides = array<i32>} : memref<80x128xf32, #tpu.memory_space<vmem>>, vector<16xf32>,
        %get3A_369 = arith.index_cast %scan3A_340 : i32 to index
        %get3A_370 = arith.constant 64 : index
        %get3A_371 = tpu.vector_load %arg25[%get3A_369, %get3A_370] {strides = array<i32>} : memref<80x128xf32, #tpu.memory_space<vmem>>, vector<16xf32>,
        %mul3A_372 = arith.mulf %get3A_371, %gather3A : vector<16xf32>
        %swap3A_373 = arith.index_cast %scan3A_340 : i32 to index
        %swap3A_374 = arith.constant 64 : index
        %swap3A_375 = tpu.vector_load %arg25[%swap3A_373, %swap3A_374] {strides = array<i32>} : memref<80x128xf32, #tpu.memory_space<vmem>>, vector<16xf32>,
        tpu.vector_store %arg25[%swap3A_373, %swap3A_374], %mul3A_372 {strides = array<i32>} : memref<80x128xf32, #tpu.memory_space<vmem>>, vector<16xf32>,
        %get3A_376 = arith.index_cast %scan3A_340 : i32 to index
        %get3A_377 = arith.constant 80 : index
        %get3A_378 = tpu.vector_load %arg25[%get3A_376, %get3A_377] {strides = array<i32>} : memref<80x128xf32, #tpu.memory_space<vmem>>, vector<16xf32>,
        %mul3A_379 = arith.mulf %get3A_378, %gather3A : vector<16xf32>
        %swap3A_380 = arith.index_cast %scan3A_340 : i32 to index
        %swap3A_381 = arith.constant 80 : index
        %swap3A_382 = tpu.vector_load %arg25[%swap3A_380, %swap3A_381] {strides = array<i32>} : memref<80x128xf32, #tpu.memory_space<vmem>>, vector<16xf32>,
        tpu.vector_store %arg25[%swap3A_380, %swap3A_381], %mul3A_379 {strides = array<i32>} : memref<80x128xf32, #tpu.memory_space<vmem>>, vector<16xf32>,
        %get3A_383 = arith.index_cast %scan3A_340 : i32 to index
        %get3A_384 = arith.constant 96 : index
        %get3A_385 = tpu.vector_load %arg25[%get3A_383, %get3A_384] {strides = array<i32>} : memref<80x128xf32, #tpu.memory_space<vmem>>, vector<16xf32>,
        %mul3A_386 = arith.mulf %get3A_385, %gather3A : vector<16xf32>
        %swap3A_387 = arith.index_cast %scan3A_340 : i32 to index
        %swap3A_388 = arith.constant 96 : index
        %swap3A_389 = tpu.vector_load %arg25[%swap3A_387, %swap3A_388] {strides = array<i32>} : memref<80x128xf32, #tpu.memory_space<vmem>>, vector<16xf32>,
        tpu.vector_store %arg25[%swap3A_387, %swap3A_388], %mul3A_386 {strides = array<i32>} : memref<80x128xf32, #tpu.memory_space<vmem>>, vector<16xf32>,
        %get3A_390 = arith.index_cast %scan3A_340 : i32 to index
        %get3A_391 = arith.constant 112 : index
        %get3A_392 = tpu.vector_load %arg25[%get3A_390, %get3A_391] {strides = array<i32>} : memref<80x128xf32, #tpu.memory_space<vmem>>, vector<16xf32>,
        %mul3A_393 = arith.mulf %get3A_392, %gather3A : vector<16xf32>
        %swap3A_394 = arith.index_cast %scan3A_340 : i32 to index
        %swap3A_395 = arith.constant 112 : index
        %swap3A_396 = tpu.vector_load %arg25[%swap3A_394, %swap3A_395] {strides = array<i32>} : memref<80x128xf32, #tpu.memory_space<vmem>>, vector<16xf32>,
        tpu.vector_store %arg25[%swap3A_394, %swap3A_395], %mul3A_393 {strides = array<i32>} : memref<80x128xf32, #tpu.memory_space<vmem>>, vector<16xf32>,
      }
      %scan3A_339 = arith.constant 80 : i32
      "tpu.region"() ({
        %run_scoped3A = tpu.sem_alloc : memref<!tpu.dma_semaphore, #tpu.memory_space<semaphore_mem>>
        %dma_start3A_340 = arith.constant 0 : i32
        %dma_start3A_341 = arith.constant 0 : i32
        %dma_start3A_342 = tpu.memref_slice %arg33[%dma_start3A_340, %dma_start3A_341] : memref<10000x128xf32, #tpu.memory_space<vmem_shared>> -> memref<10000x128xf32, #tpu.memory_space<vmem_shared>>
        tpu.enqueue_indirect_dma source(%arg25 : memref<80x128xf32, #tpu.memory_space<vmem>>) target(%dma_start3A_342 : memref<10000x128xf32, #tpu.memory_space<vmem_shared>>) offsets(%arg14 : memref<80xi32, #tpu.memory_space<vmem>>) semaphore(%run_scoped3A : memref<!tpu.dma_semaphore, #tpu.memory_space<semaphore_mem>>) {add = true}
        %dma_wait3A_343 = arith.constant 0 : i32
        %dma_wait3A_344 = arith.constant 0 : i32
        %dma_wait3A_345 = tpu.memref_slice %arg33[%dma_wait3A_343, %dma_wait3A_344] : memref<10000x128xf32, #tpu.memory_space<vmem_shared>> -> memref<10000x128xf32, #tpu.memory_space<vmem_shared>>
        tpu.wait_indirect_dma semaphore(%run_scoped3A : memref<!tpu.dma_semaphore, #tpu.memory_space<semaphore_mem>>) src(%arg25 : memref<80x128xf32, #tpu.memory_space<vmem>>) dst(%dma_wait3A_345 : memref<10000x128xf32, #tpu.memory_space<vmem_shared>>)
        tpu.yield
      }) : () -> ()
    }
    %scan3A_26 = arith.constant 62 : i32
    %dma_wait3A = arith.constant 0 : i32
    %dma_wait3A_27 = tpu.memref_slice %arg4[%dma_wait3A] : memref<10000xf32, #tpu.memory_space<hbm>> -> memref<80xf32, #tpu.memory_space<hbm>>
    %dma_wait3A_28 = arith.constant 0 : i32
    %dma_wait3A_29 = tpu.memref_slice %arg4[%dma_wait3A_28] : memref<10000xf32, #tpu.memory_space<hbm>> -> memref<80xf32, #tpu.memory_space<hbm>>
    tpu.wait_dma2 semaphore(%arg27 : memref<!tpu.dma_semaphore, #tpu.memory_space<semaphore_mem>>) src(%dma_wait3A_29 : memref<80xf32, #tpu.memory_space<hbm>>) dst(%arg19 : memref<80xf32, #tpu.memory_space<vmem>>)
    %dma_wait3A_30 = arith.constant 0 : i32
    %dma_wait3A_31 = tpu.memref_slice %arg5[%dma_wait3A_30] : memref<10000xf32, #tpu.memory_space<hbm>> -> memref<80xf32, #tpu.memory_space<hbm>>
    %dma_wait3A_32 = arith.constant 0 : i32
    %dma_wait3A_33 = tpu.memref_slice %arg5[%dma_wait3A_32] : memref<10000xf32, #tpu.memory_space<hbm>> -> memref<80xf32, #tpu.memory_space<hbm>>
    tpu.wait_dma2 semaphore(%arg29 : memref<!tpu.dma_semaphore, #tpu.memory_space<semaphore_mem>>) src(%dma_wait3A_33 : memref<80xf32, #tpu.memory_space<hbm>>) dst(%arg21 : memref<80xf32, #tpu.memory_space<vmem>>)
    %get3A = arith.constant 0 : index
    %get3A_34 = tpu.vector_load %arg19[%get3A] {strides = array<i32>} : memref<80xf32, #tpu.memory_space<vmem>>, vector<16xf32>,
    %get3A_35 = arith.constant 0 : index
    %get3A_36 = tpu.vector_load %arg21[%get3A_35] {strides = array<i32>} : memref<80xf32, #tpu.memory_space<vmem>>, vector<16xf32>,
    %add3A_37 = arith.addf %get3A_34, %get3A_36 : vector<16xf32>
    %mul3A_38 = arith.constant 2.000000e-01 : f32
    %mul3A_39 = vector.broadcast %mul3A_38 : f32 to vector<16xf32>
    %mul3A_40 = arith.mulf %mul3A_39, %add3A_37 : vector<16xf32>
    %max3A = arith.maximumf %add3A_37, %mul3A_40 : vector<16xf32>
    %exp3A = math.exp %max3A : vector<16xf32>
    %swap3A = arith.constant 0 : index
    %swap3A_41 = tpu.vector_load %arg23[%swap3A] {strides = array<i32>} : memref<80xf32, #tpu.memory_space<vmem>>, vector<16xf32>,
    tpu.vector_store %arg23[%swap3A], %exp3A {strides = array<i32>} : memref<80xf32, #tpu.memory_space<vmem>>, vector<16xf32>,
    %get3A_42 = arith.constant 16 : index
    %get3A_43 = tpu.vector_load %arg19[%get3A_42] {strides = array<i32>} : memref<80xf32, #tpu.memory_space<vmem>>, vector<16xf32>,
    %get3A_44 = arith.constant 16 : index
    %get3A_45 = tpu.vector_load %arg21[%get3A_44] {strides = array<i32>} : memref<80xf32, #tpu.memory_space<vmem>>, vector<16xf32>,
    %add3A_46 = arith.addf %get3A_43, %get3A_45 : vector<16xf32>
    %mul3A_47 = arith.constant 2.000000e-01 : f32
    %mul3A_48 = vector.broadcast %mul3A_47 : f32 to vector<16xf32>
    %mul3A_49 = arith.mulf %mul3A_48, %add3A_46 : vector<16xf32>
    %max3A_50 = arith.maximumf %add3A_46, %mul3A_49 : vector<16xf32>
    %exp3A_51 = math.exp %max3A_50 : vector<16xf32>
    %swap3A_52 = arith.constant 16 : index
    %swap3A_53 = tpu.vector_load %arg23[%swap3A_52] {strides = array<i32>} : memref<80xf32, #tpu.memory_space<vmem>>, vector<16xf32>,
    tpu.vector_store %arg23[%swap3A_52], %exp3A_51 {strides = array<i32>} : memref<80xf32, #tpu.memory_space<vmem>>, vector<16xf32>,
    %get3A_54 = arith.constant 32 : index
    %get3A_55 = tpu.vector_load %arg19[%get3A_54] {strides = array<i32>} : memref<80xf32, #tpu.memory_space<vmem>>, vector<16xf32>,
    %get3A_56 = arith.constant 32 : index
    %get3A_57 = tpu.vector_load %arg21[%get3A_56] {strides = array<i32>} : memref<80xf32, #tpu.memory_space<vmem>>, vector<16xf32>,
    %add3A_58 = arith.addf %get3A_55, %get3A_57 : vector<16xf32>
    %mul3A_59 = arith.constant 2.000000e-01 : f32
    %mul3A_60 = vector.broadcast %mul3A_59 : f32 to vector<16xf32>
    %mul3A_61 = arith.mulf %mul3A_60, %add3A_58 : vector<16xf32>
    %max3A_62 = arith.maximumf %add3A_58, %mul3A_61 : vector<16xf32>
    %exp3A_63 = math.exp %max3A_62 : vector<16xf32>
    %swap3A_64 = arith.constant 32 : index
    %swap3A_65 = tpu.vector_load %arg23[%swap3A_64] {strides = array<i32>} : memref<80xf32, #tpu.memory_space<vmem>>, vector<16xf32>,
    tpu.vector_store %arg23[%swap3A_64], %exp3A_63 {strides = array<i32>} : memref<80xf32, #tpu.memory_space<vmem>>, vector<16xf32>,
    %get3A_66 = arith.constant 48 : index
    %get3A_67 = tpu.vector_load %arg19[%get3A_66] {strides = array<i32>} : memref<80xf32, #tpu.memory_space<vmem>>, vector<16xf32>,
    %get3A_68 = arith.constant 48 : index
    %get3A_69 = tpu.vector_load %arg21[%get3A_68] {strides = array<i32>} : memref<80xf32, #tpu.memory_space<vmem>>, vector<16xf32>,
    %add3A_70 = arith.addf %get3A_67, %get3A_69 : vector<16xf32>
    %mul3A_71 = arith.constant 2.000000e-01 : f32
    %mul3A_72 = vector.broadcast %mul3A_71 : f32 to vector<16xf32>
    %mul3A_73 = arith.mulf %mul3A_72, %add3A_70 : vector<16xf32>
    %max3A_74 = arith.maximumf %add3A_70, %mul3A_73 : vector<16xf32>
    %exp3A_75 = math.exp %max3A_74 : vector<16xf32>
    %swap3A_76 = arith.constant 48 : index
    %swap3A_77 = tpu.vector_load %arg23[%swap3A_76] {strides = array<i32>} : memref<80xf32, #tpu.memory_space<vmem>>, vector<16xf32>,
    tpu.vector_store %arg23[%swap3A_76], %exp3A_75 {strides = array<i32>} : memref<80xf32, #tpu.memory_space<vmem>>, vector<16xf32>,
    %get3A_78 = arith.constant 64 : index
    %get3A_79 = tpu.vector_load %arg19[%get3A_78] {strides = array<i32>} : memref<80xf32, #tpu.memory_space<vmem>>, vector<16xf32>,
    %get3A_80 = arith.constant 64 : index
    %get3A_81 = tpu.vector_load %arg21[%get3A_80] {strides = array<i32>} : memref<80xf32, #tpu.memory_space<vmem>>, vector<16xf32>,
    %add3A_82 = arith.addf %get3A_79, %get3A_81 : vector<16xf32>
    %mul3A_83 = arith.constant 2.000000e-01 : f32
    %mul3A_84 = vector.broadcast %mul3A_83 : f32 to vector<16xf32>
    %mul3A_85 = arith.mulf %mul3A_84, %add3A_82 : vector<16xf32>
    %max3A_86 = arith.maximumf %add3A_82, %mul3A_85 : vector<16xf32>
    %exp3A_87 = math.exp %max3A_86 : vector<16xf32>
    %swap3A_88 = arith.constant 64 : index
    %swap3A_89 = tpu.vector_load %arg23[%swap3A_88] {strides = array<i32>} : memref<80xf32, #tpu.memory_space<vmem>>, vector<16xf32>,
    tpu.vector_store %arg23[%swap3A_88], %exp3A_87 {strides = array<i32>} : memref<80xf32, #tpu.memory_space<vmem>>, vector<16xf32>,
    "tpu.region"() ({
      %run_scoped3A = tpu.sem_alloc : memref<!tpu.dma_semaphore, #tpu.memory_space<semaphore_mem>>
      %dma_start3A_143 = arith.constant 0 : i32
      %dma_start3A_144 = tpu.memref_slice %arg34[%dma_start3A_143] : memref<10000xf32, #tpu.memory_space<vmem_shared>> -> memref<10000xf32, #tpu.memory_space<vmem_shared>>
      tpu.enqueue_indirect_dma source(%arg23 : memref<80xf32, #tpu.memory_space<vmem>>) target(%dma_start3A_144 : memref<10000xf32, #tpu.memory_space<vmem_shared>>) offsets(%arg13 : memref<80xi32, #tpu.memory_space<vmem>>) semaphore(%run_scoped3A : memref<!tpu.dma_semaphore, #tpu.memory_space<semaphore_mem>>) {add = true}
      %dma_wait3A_145 = arith.constant 0 : i32
      %dma_wait3A_146 = tpu.memref_slice %arg34[%dma_wait3A_145] : memref<10000xf32, #tpu.memory_space<vmem_shared>> -> memref<10000xf32, #tpu.memory_space<vmem_shared>>
      tpu.wait_indirect_dma semaphore(%run_scoped3A : memref<!tpu.dma_semaphore, #tpu.memory_space<semaphore_mem>>) src(%arg23 : memref<80xf32, #tpu.memory_space<vmem>>) dst(%dma_wait3A_146 : memref<10000xf32, #tpu.memory_space<vmem_shared>>)
      tpu.yield
    }) : () -> ()
    %add3A_90 = arith.addi %mul3A_0, %mul3A_10 : i32
    %add3A_91 = arith.constant 10000 : i32
    %add3A_92 = arith.addi %add3A_90, %add3A_91 : i32
    %min3A_93 = arith.constant 319920 : i32
    %min3A_94 = arith.minsi %add3A_92, %min3A_93 : i32
    "tpu.region"() ({
      %run_scoped3A = tpu.sem_alloc : memref<!tpu.dma_semaphore, #tpu.memory_space<semaphore_mem>>
      %dma_start3A_143 = tpu.memref_slice %arg2[%min3A_94] : memref<320000xi32, #tpu.memory_space<hbm>> -> memref<80xi32, #tpu.memory_space<hbm>>
      %dma_start3A_144 = tpu.memref_slice %arg2[%min3A_94] : memref<320000xi32, #tpu.memory_space<hbm>> -> memref<80xi32, #tpu.memory_space<hbm>>
      tpu.enqueue_dma source(%dma_start3A_144 : memref<80xi32, #tpu.memory_space<hbm>>) target(%arg12 : memref<80xi32, #tpu.memory_space<vmem>>) target_semaphore(%run_scoped3A : memref<!tpu.dma_semaphore, #tpu.memory_space<semaphore_mem>>)
      %dma_wait3A_145 = tpu.memref_slice %arg2[%min3A_94] : memref<320000xi32, #tpu.memory_space<hbm>> -> memref<80xi32, #tpu.memory_space<hbm>>
      %dma_wait3A_146 = tpu.memref_slice %arg2[%min3A_94] : memref<320000xi32, #tpu.memory_space<hbm>> -> memref<80xi32, #tpu.memory_space<hbm>>
      tpu.wait_dma2 semaphore(%run_scoped3A : memref<!tpu.dma_semaphore, #tpu.memory_space<semaphore_mem>>) src(%dma_wait3A_146 : memref<80xi32, #tpu.memory_space<hbm>>) dst(%arg12 : memref<80xi32, #tpu.memory_space<vmem>>)
      tpu.yield
    }) : () -> ()
    "tpu.region"() ({
      %run_scoped3A = tpu.sem_alloc : memref<!tpu.dma_semaphore, #tpu.memory_space<semaphore_mem>>
      %dma_start3A_143 = tpu.memref_slice %arg3[%min3A_94] : memref<320000xi32, #tpu.memory_space<hbm>> -> memref<80xi32, #tpu.memory_space<hbm>>
      %dma_start3A_144 = tpu.memref_slice %arg3[%min3A_94] : memref<320000xi32, #tpu.memory_space<hbm>> -> memref<80xi32, #tpu.memory_space<hbm>>
      tpu.enqueue_dma source(%dma_start3A_144 : memref<80xi32, #tpu.memory_space<hbm>>) target(%arg14 : memref<80xi32, #tpu.memory_space<vmem>>) target_semaphore(%run_scoped3A : memref<!tpu.dma_semaphore, #tpu.memory_space<semaphore_mem>>)
      %dma_wait3A_145 = tpu.memref_slice %arg3[%min3A_94] : memref<320000xi32, #tpu.memory_space<hbm>> -> memref<80xi32, #tpu.memory_space<hbm>>
      %dma_wait3A_146 = tpu.memref_slice %arg3[%min3A_94] : memref<320000xi32, #tpu.memory_space<hbm>> -> memref<80xi32, #tpu.memory_space<hbm>>
      tpu.wait_dma2 semaphore(%run_scoped3A : memref<!tpu.dma_semaphore, #tpu.memory_space<semaphore_mem>>) src(%dma_wait3A_146 : memref<80xi32, #tpu.memory_space<hbm>>) dst(%arg14 : memref<80xi32, #tpu.memory_space<vmem>>)
      tpu.yield
    }) : () -> ()
    %dma_start3A_95 = arith.constant 0 : i32
    %dma_start3A_96 = tpu.memref_slice %arg4[%dma_start3A_95] : memref<10000xf32, #tpu.memory_space<hbm>> -> memref<10000xf32, #tpu.memory_space<hbm>>
    tpu.enqueue_indirect_dma source(%dma_start3A_96 : memref<10000xf32, #tpu.memory_space<hbm>>) target(%arg20 : memref<80xf32, #tpu.memory_space<vmem>>) offsets(%arg12 : memref<80xi32, #tpu.memory_space<vmem>>) semaphore(%arg28 : memref<!tpu.dma_semaphore, #tpu.memory_space<semaphore_mem>>)
    %dma_start3A_97 = arith.constant 0 : i32
    %dma_start3A_98 = tpu.memref_slice %arg5[%dma_start3A_97] : memref<10000xf32, #tpu.memory_space<hbm>> -> memref<10000xf32, #tpu.memory_space<hbm>>
    tpu.enqueue_indirect_dma source(%dma_start3A_98 : memref<10000xf32, #tpu.memory_space<hbm>>) target(%arg22 : memref<80xf32, #tpu.memory_space<vmem>>) offsets(%arg14 : memref<80xi32, #tpu.memory_space<vmem>>) semaphore(%arg30 : memref<!tpu.dma_semaphore, #tpu.memory_space<semaphore_mem>>)
    %dma_start3A_99 = arith.constant 0 : i32
    %dma_start3A_100 = arith.constant 0 : i32
    %dma_start3A_101 = tpu.memref_slice %arg6[%dma_start3A_99, %dma_start3A_100] : memref<10000x128xf32, #tpu.memory_space<hbm>> -> memref<10000x128xf32, #tpu.memory_space<hbm>>
    tpu.enqueue_indirect_dma source(%dma_start3A_101 : memref<10000x128xf32, #tpu.memory_space<hbm>>) target(%arg25 : memref<80x128xf32, #tpu.memory_space<vmem>>) offsets(%arg12 : memref<80xi32, #tpu.memory_space<vmem>>) semaphore(%arg32 : memref<!tpu.dma_semaphore, #tpu.memory_space<semaphore_mem>>)
    %dma_wait3A_102 = arith.constant 0 : i32
    %dma_wait3A_103 = arith.constant 0 : i32
    %dma_wait3A_104 = tpu.memref_slice %arg6[%dma_wait3A_102, %dma_wait3A_103] : memref<10000x128xf32, #tpu.memory_space<hbm>> -> memref<80x128xf32, #tpu.memory_space<hbm>>
    %dma_wait3A_105 = arith.constant 0 : i32
    %dma_wait3A_106 = arith.constant 0 : i32
    %dma_wait3A_107 = tpu.memref_slice %arg6[%dma_wait3A_105, %dma_wait3A_106] : memref<10000x128xf32, #tpu.memory_space<hbm>> -> memref<80x128xf32, #tpu.memory_space<hbm>>
    tpu.wait_dma2 semaphore(%arg31 : memref<!tpu.dma_semaphore, #tpu.memory_space<semaphore_mem>>) src(%dma_wait3A_107 : memref<80x128xf32, #tpu.memory_space<hbm>>) dst(%arg24 : memref<80x128xf32, #tpu.memory_space<vmem>>)
    %scan3A_108 = arith.constant 0 : i32
    %scan3A_109 = arith.constant 0 : i32
    %scan3A_110 = arith.constant 80 : i32
    %scan3A_111 = arith.addi %scan3A_109, %scan3A_110 : i32
    %scan3A_112 = arith.constant 1 : i32
    scf.for %scan3A_143 = %scan3A_109 to %scan3A_111 step %scan3A_112  : i32 {
      %broadcast_in_dim3A = vector.broadcast %scan3A_143 : i32 to vector<16xi32>
      %gather3A = tpu.vector_load_idx %arg23[%broadcast_in_dim3A] : memref<80xf32, #tpu.memory_space<vmem>>[vector<16xi32>], vector<16xf32>,
      %get3A_144 = arith.index_cast %scan3A_143 : i32 to index
      %get3A_145 = arith.constant 0 : index
      %get3A_146 = tpu.vector_load %arg24[%get3A_144, %get3A_145] {strides = array<i32>} : memref<80x128xf32, #tpu.memory_space<vmem>>, vector<16xf32>,
      %mul3A_147 = arith.mulf %get3A_146, %gather3A : vector<16xf32>
      %swap3A_148 = arith.index_cast %scan3A_143 : i32 to index
      %swap3A_149 = arith.constant 0 : index
      %swap3A_150 = tpu.vector_load %arg24[%swap3A_148, %swap3A_149] {strides = array<i32>} : memref<80x128xf32, #tpu.memory_space<vmem>>, vector<16xf32>,
      tpu.vector_store %arg24[%swap3A_148, %swap3A_149], %mul3A_147 {strides = array<i32>} : memref<80x128xf32, #tpu.memory_space<vmem>>, vector<16xf32>,
      %get3A_151 = arith.index_cast %scan3A_143 : i32 to index
      %get3A_152 = arith.constant 16 : index
      %get3A_153 = tpu.vector_load %arg24[%get3A_151, %get3A_152] {strides = array<i32>} : memref<80x128xf32, #tpu.memory_space<vmem>>, vector<16xf32>,
      %mul3A_154 = arith.mulf %get3A_153, %gather3A : vector<16xf32>
      %swap3A_155 = arith.index_cast %scan3A_143 : i32 to index
      %swap3A_156 = arith.constant 16 : index
      %swap3A_157 = tpu.vector_load %arg24[%swap3A_155, %swap3A_156] {strides = array<i32>} : memref<80x128xf32, #tpu.memory_space<vmem>>, vector<16xf32>,
      tpu.vector_store %arg24[%swap3A_155, %swap3A_156], %mul3A_154 {strides = array<i32>} : memref<80x128xf32, #tpu.memory_space<vmem>>, vector<16xf32>,
      %get3A_158 = arith.index_cast %scan3A_143 : i32 to index
      %get3A_159 = arith.constant 32 : index
      %get3A_160 = tpu.vector_load %arg24[%get3A_158, %get3A_159] {strides = array<i32>} : memref<80x128xf32, #tpu.memory_space<vmem>>, vector<16xf32>,
      %mul3A_161 = arith.mulf %get3A_160, %gather3A : vector<16xf32>
      %swap3A_162 = arith.index_cast %scan3A_143 : i32 to index
      %swap3A_163 = arith.constant 32 : index
      %swap3A_164 = tpu.vector_load %arg24[%swap3A_162, %swap3A_163] {strides = array<i32>} : memref<80x128xf32, #tpu.memory_space<vmem>>, vector<16xf32>,
      tpu.vector_store %arg24[%swap3A_162, %swap3A_163], %mul3A_161 {strides = array<i32>} : memref<80x128xf32, #tpu.memory_space<vmem>>, vector<16xf32>,
      %get3A_165 = arith.index_cast %scan3A_143 : i32 to index
      %get3A_166 = arith.constant 48 : index
      %get3A_167 = tpu.vector_load %arg24[%get3A_165, %get3A_166] {strides = array<i32>} : memref<80x128xf32, #tpu.memory_space<vmem>>, vector<16xf32>,
      %mul3A_168 = arith.mulf %get3A_167, %gather3A : vector<16xf32>
      %swap3A_169 = arith.index_cast %scan3A_143 : i32 to index
      %swap3A_170 = arith.constant 48 : index
      %swap3A_171 = tpu.vector_load %arg24[%swap3A_169, %swap3A_170] {strides = array<i32>} : memref<80x128xf32, #tpu.memory_space<vmem>>, vector<16xf32>,
      tpu.vector_store %arg24[%swap3A_169, %swap3A_170], %mul3A_168 {strides = array<i32>} : memref<80x128xf32, #tpu.memory_space<vmem>>, vector<16xf32>,
      %get3A_172 = arith.index_cast %scan3A_143 : i32 to index
      %get3A_173 = arith.constant 64 : index
      %get3A_174 = tpu.vector_load %arg24[%get3A_172, %get3A_173] {strides = array<i32>} : memref<80x128xf32, #tpu.memory_space<vmem>>, vector<16xf32>,
      %mul3A_175 = arith.mulf %get3A_174, %gather3A : vector<16xf32>
      %swap3A_176 = arith.index_cast %scan3A_143 : i32 to index
      %swap3A_177 = arith.constant 64 : index
      %swap3A_178 = tpu.vector_load %arg24[%swap3A_176, %swap3A_177] {strides = array<i32>} : memref<80x128xf32, #tpu.memory_space<vmem>>, vector<16xf32>,
      tpu.vector_store %arg24[%swap3A_176, %swap3A_177], %mul3A_175 {strides = array<i32>} : memref<80x128xf32, #tpu.memory_space<vmem>>, vector<16xf32>,
      %get3A_179 = arith.index_cast %scan3A_143 : i32 to index
      %get3A_180 = arith.constant 80 : index
      %get3A_181 = tpu.vector_load %arg24[%get3A_179, %get3A_180] {strides = array<i32>} : memref<80x128xf32, #tpu.memory_space<vmem>>, vector<16xf32>,
      %mul3A_182 = arith.mulf %get3A_181, %gather3A : vector<16xf32>
      %swap3A_183 = arith.index_cast %scan3A_143 : i32 to index
      %swap3A_184 = arith.constant 80 : index
      %swap3A_185 = tpu.vector_load %arg24[%swap3A_183, %swap3A_184] {strides = array<i32>} : memref<80x128xf32, #tpu.memory_space<vmem>>, vector<16xf32>,
      tpu.vector_store %arg24[%swap3A_183, %swap3A_184], %mul3A_182 {strides = array<i32>} : memref<80x128xf32, #tpu.memory_space<vmem>>, vector<16xf32>,
      %get3A_186 = arith.index_cast %scan3A_143 : i32 to index
      %get3A_187 = arith.constant 96 : index
      %get3A_188 = tpu.vector_load %arg24[%get3A_186, %get3A_187] {strides = array<i32>} : memref<80x128xf32, #tpu.memory_space<vmem>>, vector<16xf32>,
      %mul3A_189 = arith.mulf %get3A_188, %gather3A : vector<16xf32>
      %swap3A_190 = arith.index_cast %scan3A_143 : i32 to index
      %swap3A_191 = arith.constant 96 : index
      %swap3A_192 = tpu.vector_load %arg24[%swap3A_190, %swap3A_191] {strides = array<i32>} : memref<80x128xf32, #tpu.memory_space<vmem>>, vector<16xf32>,
      tpu.vector_store %arg24[%swap3A_190, %swap3A_191], %mul3A_189 {strides = array<i32>} : memref<80x128xf32, #tpu.memory_space<vmem>>, vector<16xf32>,
      %get3A_193 = arith.index_cast %scan3A_143 : i32 to index
      %get3A_194 = arith.constant 112 : index
      %get3A_195 = tpu.vector_load %arg24[%get3A_193, %get3A_194] {strides = array<i32>} : memref<80x128xf32, #tpu.memory_space<vmem>>, vector<16xf32>,
      %mul3A_196 = arith.mulf %get3A_195, %gather3A : vector<16xf32>
      %swap3A_197 = arith.index_cast %scan3A_143 : i32 to index
      %swap3A_198 = arith.constant 112 : index
      %swap3A_199 = tpu.vector_load %arg24[%swap3A_197, %swap3A_198] {strides = array<i32>} : memref<80x128xf32, #tpu.memory_space<vmem>>, vector<16xf32>,
      tpu.vector_store %arg24[%swap3A_197, %swap3A_198], %mul3A_196 {strides = array<i32>} : memref<80x128xf32, #tpu.memory_space<vmem>>, vector<16xf32>,
    }
    %scan3A_113 = arith.constant 80 : i32
    "tpu.region"() ({
      %run_scoped3A = tpu.sem_alloc : memref<!tpu.dma_semaphore, #tpu.memory_space<semaphore_mem>>
      %dma_start3A_143 = arith.constant 0 : i32
      %dma_start3A_144 = arith.constant 0 : i32
      %dma_start3A_145 = tpu.memref_slice %arg33[%dma_start3A_143, %dma_start3A_144] : memref<10000x128xf32, #tpu.memory_space<vmem_shared>> -> memref<10000x128xf32, #tpu.memory_space<vmem_shared>>
      tpu.enqueue_indirect_dma source(%arg24 : memref<80x128xf32, #tpu.memory_space<vmem>>) target(%dma_start3A_145 : memref<10000x128xf32, #tpu.memory_space<vmem_shared>>) offsets(%arg13 : memref<80xi32, #tpu.memory_space<vmem>>) semaphore(%run_scoped3A : memref<!tpu.dma_semaphore, #tpu.memory_space<semaphore_mem>>) {add = true}
      %dma_wait3A_146 = arith.constant 0 : i32
      %dma_wait3A_147 = arith.constant 0 : i32
      %dma_wait3A_148 = tpu.memref_slice %arg33[%dma_wait3A_146, %dma_wait3A_147] : memref<10000x128xf32, #tpu.memory_space<vmem_shared>> -> memref<10000x128xf32, #tpu.memory_space<vmem_shared>>
      tpu.wait_indirect_dma semaphore(%run_scoped3A : memref<!tpu.dma_semaphore, #tpu.memory_space<semaphore_mem>>) src(%arg24 : memref<80x128xf32, #tpu.memory_space<vmem>>) dst(%dma_wait3A_148 : memref<10000x128xf32, #tpu.memory_space<vmem_shared>>)
      tpu.yield
    }) : () -> ()
    %dma_wait3A_114 = arith.constant 0 : i32
    %dma_wait3A_115 = tpu.memref_slice %arg4[%dma_wait3A_114] : memref<10000xf32, #tpu.memory_space<hbm>> -> memref<80xf32, #tpu.memory_space<hbm>>
    %dma_wait3A_116 = arith.constant 0 : i32
    %dma_wait3A_117 = tpu.memref_slice %arg4[%dma_wait3A_116] : memref<10000xf32, #tpu.memory_space<hbm>> -> memref<80xf32, #tpu.memory_space<hbm>>
    tpu.wait_dma2 semaphore(%arg28 : memref<!tpu.dma_semaphore, #tpu.memory_space<semaphore_mem>>) src(%dma_wait3A_117 : memref<80xf32, #tpu.memory_space<hbm>>) dst(%arg20 : memref<80xf32, #tpu.memory_space<vmem>>)
    %dma_wait3A_118 = arith.constant 0 : i32
    %dma_wait3A_119 = tpu.memref_slice %arg5[%dma_wait3A_118] : memref<10000xf32, #tpu.memory_space<hbm>> -> memref<80xf32, #tpu.memory_space<hbm>>
    %dma_wait3A_120 = arith.constant 0 : i32
    %dma_wait3A_121 = tpu.memref_slice %arg5[%dma_wait3A_120] : memref<10000xf32, #tpu.memory_space<hbm>> -> memref<80xf32, #tpu.memory_space<hbm>>
    tpu.wait_dma2 semaphore(%arg30 : memref<!tpu.dma_semaphore, #tpu.memory_space<semaphore_mem>>) src(%dma_wait3A_121 : memref<80xf32, #tpu.memory_space<hbm>>) dst(%arg22 : memref<80xf32, #tpu.memory_space<vmem>>)
    %dma_wait3A_122 = arith.constant 0 : i32
    %dma_wait3A_123 = arith.constant 0 : i32
    %dma_wait3A_124 = tpu.memref_slice %arg6[%dma_wait3A_122, %dma_wait3A_123] : memref<10000x128xf32, #tpu.memory_space<hbm>> -> memref<80x128xf32, #tpu.memory_space<hbm>>
    %dma_wait3A_125 = arith.constant 0 : i32
    %dma_wait3A_126 = arith.constant 0 : i32
    %dma_wait3A_127 = tpu.memref_slice %arg6[%dma_wait3A_125, %dma_wait3A_126] : memref<10000x128xf32, #tpu.memory_space<hbm>> -> memref<80x128xf32, #tpu.memory_space<hbm>>
    tpu.wait_dma2 semaphore(%arg32 : memref<!tpu.dma_semaphore, #tpu.memory_space<semaphore_mem>>) src(%dma_wait3A_127 : memref<80x128xf32, #tpu.memory_space<hbm>>) dst(%arg25 : memref<80x128xf32, #tpu.memory_space<vmem>>)
    %barrier3A_128 = arith.constant 0 : index
    tpu.barrier barrier_id(%barrier3A_128)
    %lt3A = arith.constant 15 : i32
    %lt3A_129 = arith.cmpi slt, %arg1, %lt3A : i32
    %convert_element_type3A_130 = arith.extui %lt3A_129 : i1 to i32
    %cond3A_131 = arith.constant 0 : i32
    %cond3A_132 = arith.cmpi ne, %convert_element_type3A_130, %cond3A_131 : i32
    scf.if %cond3A_132 {
      %mul3A_143 = arith.constant 632 : i32
      %mul3A_144 = arith.muli %arg1, %mul3A_143 : i32
      %add3A_145 = arith.addi %mul3A_12, %mul3A_144 : i32
      "tpu.region"() ({
        %run_scoped3A = tpu.sem_alloc : memref<!tpu.dma_semaphore, #tpu.memory_space<semaphore_mem>>
        %dma_start3A_146 = arith.constant 0 : i32
        %dma_start3A_147 = tpu.memref_slice %arg9[%add3A_145, %dma_start3A_146] : memref<20000x128xf32, #tpu.memory_space<hbm>> -> memref<632x128xf32, #tpu.memory_space<hbm>>
        %dma_start3A_148 = arith.constant 0 : i32
        %dma_start3A_149 = tpu.memref_slice %arg33[%mul3A_144, %dma_start3A_148] : memref<10000x128xf32, #tpu.memory_space<vmem_shared>> -> memref<632x128xf32, #tpu.memory_space<vmem_shared>>
        tpu.enqueue_dma source(%dma_start3A_149 : memref<632x128xf32, #tpu.memory_space<vmem_shared>>) target(%dma_start3A_147 : memref<632x128xf32, #tpu.memory_space<hbm>>) target_semaphore(%run_scoped3A : memref<!tpu.dma_semaphore, #tpu.memory_space<semaphore_mem>>)
        %dma_wait3A_150 = arith.constant 0 : i32
        %dma_wait3A_151 = tpu.memref_slice %arg9[%add3A_145, %dma_wait3A_150] : memref<20000x128xf32, #tpu.memory_space<hbm>> -> memref<632x128xf32, #tpu.memory_space<hbm>>
        %dma_wait3A_152 = arith.constant 0 : i32
        %dma_wait3A_153 = tpu.memref_slice %arg33[%mul3A_144, %dma_wait3A_152] : memref<10000x128xf32, #tpu.memory_space<vmem_shared>> -> memref<632x128xf32, #tpu.memory_space<vmem_shared>>
        tpu.wait_dma2 semaphore(%run_scoped3A : memref<!tpu.dma_semaphore, #tpu.memory_space<semaphore_mem>>) src(%dma_wait3A_153 : memref<632x128xf32, #tpu.memory_space<vmem_shared>>) dst(%dma_wait3A_151 : memref<632x128xf32, #tpu.memory_space<hbm>>)
        tpu.yield
      }) : () -> ()
    } else {
    }
    %eq3A_133 = arith.constant 15 : i32
    %eq3A_134 = arith.cmpi eq, %arg1, %eq3A_133 : i32
    %convert_element_type3A_135 = arith.extui %eq3A_134 : i1 to i32
    %cond3A_136 = arith.constant 0 : i32
    %cond3A_137 = arith.cmpi ne, %convert_element_type3A_135, %cond3A_136 : i32
    scf.if %cond3A_137 {
      %add3A_143 = arith.constant 9480 : i32
      %add3A_144 = arith.addi %mul3A_12, %add3A_143 : i32
      "tpu.region"() ({
        %run_scoped3A = tpu.sem_alloc : memref<!tpu.dma_semaphore, #tpu.memory_space<semaphore_mem>>
        %dma_start3A_145 = arith.constant 0 : i32
        %dma_start3A_146 = tpu.memref_slice %arg9[%add3A_144, %dma_start3A_145] : memref<20000x128xf32, #tpu.memory_space<hbm>> -> memref<520x128xf32, #tpu.memory_space<hbm>>
        %dma_start3A_147 = arith.constant 9480 : i32
        %dma_start3A_148 = arith.constant 0 : i32
        %dma_start3A_149 = tpu.memref_slice %arg33[%dma_start3A_147, %dma_start3A_148] : memref<10000x128xf32, #tpu.memory_space<vmem_shared>> -> memref<520x128xf32, #tpu.memory_space<vmem_shared>>
        tpu.enqueue_dma source(%dma_start3A_149 : memref<520x128xf32, #tpu.memory_space<vmem_shared>>) target(%dma_start3A_146 : memref<520x128xf32, #tpu.memory_space<hbm>>) target_semaphore(%run_scoped3A : memref<!tpu.dma_semaphore, #tpu.memory_space<semaphore_mem>>)
        %dma_wait3A_150 = arith.constant 0 : i32
        %dma_wait3A_151 = tpu.memref_slice %arg9[%add3A_144, %dma_wait3A_150] : memref<20000x128xf32, #tpu.memory_space<hbm>> -> memref<520x128xf32, #tpu.memory_space<hbm>>
        %dma_wait3A_152 = arith.constant 9480 : i32
        %dma_wait3A_153 = arith.constant 0 : i32
        %dma_wait3A_154 = tpu.memref_slice %arg33[%dma_wait3A_152, %dma_wait3A_153] : memref<10000x128xf32, #tpu.memory_space<vmem_shared>> -> memref<520x128xf32, #tpu.memory_space<vmem_shared>>
        tpu.wait_dma2 semaphore(%run_scoped3A : memref<!tpu.dma_semaphore, #tpu.memory_space<semaphore_mem>>) src(%dma_wait3A_154 : memref<520x128xf32, #tpu.memory_space<vmem_shared>>) dst(%dma_wait3A_151 : memref<520x128xf32, #tpu.memory_space<hbm>>)
        tpu.yield
      }) : () -> ()
    } else {
    }
    %eq3A_138 = arith.constant 0 : i32
    %eq3A_139 = arith.cmpi eq, %arg1, %eq3A_138 : i32
    %convert_element_type3A_140 = arith.extui %eq3A_139 : i1 to i32
    %cond3A_141 = arith.constant 0 : i32
    %cond3A_142 = arith.cmpi ne, %convert_element_type3A_140, %cond3A_141 : i32
    scf.if %cond3A_142 {
      "tpu.region"() ({
        %run_scoped3A = tpu.sem_alloc : memref<!tpu.dma_semaphore, #tpu.memory_space<semaphore_mem>>
        tpu.enqueue_dma source(%arg34 : memref<10000xf32, #tpu.memory_space<vmem_shared>>) target(%arg26 : memref<10000xf32, #tpu.memory_space<vmem>>) target_semaphore(%run_scoped3A : memref<!tpu.dma_semaphore, #tpu.memory_space<semaphore_mem>>)
        tpu.wait_dma2 semaphore(%run_scoped3A : memref<!tpu.dma_semaphore, #tpu.memory_space<semaphore_mem>>) src(%arg34 : memref<10000xf32, #tpu.memory_space<vmem_shared>>) dst(%arg26 : memref<10000xf32, #tpu.memory_space<vmem>>)
        tpu.yield
      }) : () -> ()
      "tpu.region"() ({
        %run_scoped3A = tpu.sem_alloc : memref<!tpu.dma_semaphore, #tpu.memory_space<semaphore_mem>>
        %dma_start3A_143 = tpu.memref_slice %arg10[%mul3A_12] : memref<20000xf32, #tpu.memory_space<hbm>> -> memref<10000xf32, #tpu.memory_space<hbm>>
        %dma_start3A_144 = tpu.memref_slice %arg10[%mul3A_12] : memref<20000xf32, #tpu.memory_space<hbm>> -> memref<10000xf32, #tpu.memory_space<hbm>>
        tpu.enqueue_dma source(%arg26 : memref<10000xf32, #tpu.memory_space<vmem>>) target(%dma_start3A_144 : memref<10000xf32, #tpu.memory_space<hbm>>) target_semaphore(%run_scoped3A : memref<!tpu.dma_semaphore, #tpu.memory_space<semaphore_mem>>)
        %dma_wait3A_145 = tpu.memref_slice %arg10[%mul3A_12] : memref<20000xf32, #tpu.memory_space<hbm>> -> memref<10000xf32, #tpu.memory_space<hbm>>
        %dma_wait3A_146 = tpu.memref_slice %arg10[%mul3A_12] : memref<20000xf32, #tpu.memory_space<hbm>> -> memref<10000xf32, #tpu.memory_space<hbm>>
        tpu.wait_dma2 semaphore(%run_scoped3A : memref<!tpu.dma_semaphore, #tpu.memory_space<semaphore_mem>>) src(%arg26 : memref<10000xf32, #tpu.memory_space<vmem>>) dst(%dma_wait3A_146 : memref<10000xf32, #tpu.memory_space<hbm>>)
        tpu.yield
      }) : () -> ()
    } else {
    }
    return
  }
}

module attributes {stable_mosaic.version = 14 : i64} {
  func.func @body(%arg0: i32, %arg1: i32, %arg2: memref<1024x128xf32, #tpu.memory_space<vmem>>, %arg3: memref<1x128x128xf32, #tpu.memory_space<vmem>>, %arg4: memref<1x1x128xf32, #tpu.memory_space<vmem>>, %arg5: memref<1x1x128xf32, #tpu.memory_space<vmem>>, %arg6: memref<1x1024x128xf32, #tpu.memory_space<vmem>>, %arg7: memref<1x1x1024xf32, #tpu.memory_space<vmem>>, %arg8: memref<1x1x1024xf32, #tpu.memory_space<vmem>>) attributes {dimension_semantics = [#tpu.dimension_semantics<arbitrary>, #tpu.dimension_semantics<arbitrary>], iteration_bounds = array<i64: 4, 10>, scalar_prefetch = 0 : i64, scratch_operands = 0 : i64, tpu.core_type = #tpu.core_type<tc>, window_params = [{transform_indices = @transform_0, window_bounds = array<i64: 1024, 128>}, {transform_indices = @transform_1, window_bounds = array<i64: 1, 128, 128>}, {transform_indices = @transform_2, window_bounds = array<i64: 1, 1, 128>}, {transform_indices = @transform_3, window_bounds = array<i64: 1, 1, 128>}, {transform_indices = @transform_4, window_bounds = array<i64: 1, 1024, 128>}, {transform_indices = @transform_5, window_bounds = array<i64: 1, 1, 1024>}, {transform_indices = @transform_6, window_bounds = array<i64: 1, 1, 1024>}]} {
    %get3A = arith.constant 0 : index
    %get3A_0 = arith.constant 0 : index
    %get3A_1 = vector.load %arg2[%get3A, %get3A_0] : memref<1024x128xf32, #tpu.memory_space<vmem>>, vector<1024x128xf32>
    %get3A_2 = arith.constant 0 : index
    %get3A_3 = arith.constant 0 : index
    %get3A_4 = arith.constant 0 : index
    %get3A_5 = vector.load %arg3[%get3A_2, %get3A_3, %get3A_4] : memref<1x128x128xf32, #tpu.memory_space<vmem>>, vector<1x128x128xf32>
    %get3A_6 = vector.shape_cast %get3A_5 : vector<1x128x128xf32> to vector<128x128xf32>
    %dot_general3A = arith.constant dense<0.000000e+00> : vector<1024x128xf32>
    %dot_general3A_7 = tpu.matmul %get3A_1, %get3A_6, %dot_general3A {dimension_numbers = #tpu.dot_dimension_numbers<[1], [0], [0], [1], [0, 0, 1, 1], [], []>, transpose_lhs_hint = false} : vector<1024x128xf32>, vector<128x128xf32>, vector<1024x128xf32> -> vector<1024x128xf32>
    %swap3A = arith.constant 0 : index
    %swap3A_8 = arith.constant 0 : index
    %swap3A_9 = arith.constant 0 : index
    %swap3A_10 = vector.load %arg6[%swap3A, %swap3A_8, %swap3A_9] : memref<1x1024x128xf32, #tpu.memory_space<vmem>>, vector<1x1024x128xf32>
    %swap3A_11 = vector.shape_cast %swap3A_10 : vector<1x1024x128xf32> to vector<1024x128xf32>
    %swap3A_12 = vector.shape_cast %dot_general3A_7 : vector<1024x128xf32> to vector<1x1024x128xf32>
    tpu.vector_store %arg6[%swap3A, %swap3A_8, %swap3A_9], %swap3A_12 {strides = array<i32>} : memref<1x1024x128xf32, #tpu.memory_space<vmem>>, vector<1x1024x128xf32>,
    %get3A_13 = arith.constant 0 : index
    %get3A_14 = arith.constant 0 : index
    %get3A_15 = arith.constant 0 : index
    %get3A_16 = vector.load %arg4[%get3A_13, %get3A_14, %get3A_15] : memref<1x1x128xf32, #tpu.memory_space<vmem>>, vector<1x1x128xf32>
    %get3A_17 = vector.shape_cast %get3A_16 : vector<1x1x128xf32> to vector<1x128xf32>
    %mul3A = vector.broadcast %get3A_17 : vector<1x128xf32> to vector<1024x128xf32>
    %mul3A_18 = arith.mulf %dot_general3A_7, %mul3A : vector<1024x128xf32>
    %reduce_sum3A = arith.constant dense<0.000000e+00> : vector<1024xf32>
    %reduce_sum3A_19 = vector.multi_reduction <add>, %mul3A_18, %reduce_sum3A [1] : vector<1024x128xf32> to vector<1024xf32>
    %swap3A_20 = arith.constant 0 : index
    %swap3A_21 = arith.constant 0 : index
    %swap3A_22 = arith.constant 0 : index
    %swap3A_23 = vector.load %arg7[%swap3A_20, %swap3A_21, %swap3A_22] : memref<1x1x1024xf32, #tpu.memory_space<vmem>>, vector<1x1x1024xf32>
    %swap3A_24 = vector.shape_cast %swap3A_23 : vector<1x1x1024xf32> to vector<1024xf32>
    %swap3A_25 = vector.shape_cast %reduce_sum3A_19 : vector<1024xf32> to vector<1x1x1024xf32>
    tpu.vector_store %arg7[%swap3A_20, %swap3A_21, %swap3A_22], %swap3A_25 {strides = array<i32>} : memref<1x1x1024xf32, #tpu.memory_space<vmem>>, vector<1x1x1024xf32>,
    %get3A_26 = arith.constant 0 : index
    %get3A_27 = arith.constant 0 : index
    %get3A_28 = arith.constant 0 : index
    %get3A_29 = vector.load %arg5[%get3A_26, %get3A_27, %get3A_28] : memref<1x1x128xf32, #tpu.memory_space<vmem>>, vector<1x1x128xf32>
    %get3A_30 = vector.shape_cast %get3A_29 : vector<1x1x128xf32> to vector<1x128xf32>
    %mul3A_31 = vector.broadcast %get3A_30 : vector<1x128xf32> to vector<1024x128xf32>
    %mul3A_32 = arith.mulf %dot_general3A_7, %mul3A_31 : vector<1024x128xf32>
    %reduce_sum3A_33 = arith.constant dense<0.000000e+00> : vector<1024xf32>
    %reduce_sum3A_34 = vector.multi_reduction <add>, %mul3A_32, %reduce_sum3A_33 [1] : vector<1024x128xf32> to vector<1024xf32>
    %swap3A_35 = arith.constant 0 : index
    %swap3A_36 = arith.constant 0 : index
    %swap3A_37 = arith.constant 0 : index
    %swap3A_38 = vector.load %arg8[%swap3A_35, %swap3A_36, %swap3A_37] : memref<1x1x1024xf32, #tpu.memory_space<vmem>>, vector<1x1x1024xf32>
    %swap3A_39 = vector.shape_cast %swap3A_38 : vector<1x1x1024xf32> to vector<1024xf32>
    %swap3A_40 = vector.shape_cast %reduce_sum3A_34 : vector<1024xf32> to vector<1x1x1024xf32>
    tpu.vector_store %arg8[%swap3A_35, %swap3A_36, %swap3A_37], %swap3A_40 {strides = array<i32>} : memref<1x1x1024xf32, #tpu.memory_space<vmem>>, vector<1x1x1024xf32>,
    return
  }
  func.func @transform_0(%arg0: i32, %arg1: i32) -> (i32, i32) {
    %c0_i32 = arith.constant 0 : i32
    %c0_i32_0 = arith.constant 0 : i32
    return %arg1, %c0_i32 : i32, i32
  }
  func.func @transform_1(%arg0: i32, %arg1: i32) -> (i32, i32, i32) {
    %c0_i32 = arith.constant 0 : i32
    %c0_i32_0 = arith.constant 0 : i32
    %c0_i32_1 = arith.constant 0 : i32
    return %arg0, %c0_i32, %c0_i32_0 : i32, i32, i32
  }
  func.func @transform_2(%arg0: i32, %arg1: i32) -> (i32, i32, i32) {
    %c0_i32 = arith.constant 0 : i32
    %c0_i32_0 = arith.constant 0 : i32
    %c0_i32_1 = arith.constant 0 : i32
    return %arg0, %c0_i32, %c0_i32_0 : i32, i32, i32
  }
  func.func @transform_3(%arg0: i32, %arg1: i32) -> (i32, i32, i32) {
    %c0_i32 = arith.constant 0 : i32
    %c0_i32_0 = arith.constant 0 : i32
    %c0_i32_1 = arith.constant 0 : i32
    return %arg0, %c0_i32, %c0_i32_0 : i32, i32, i32
  }
  func.func @transform_4(%arg0: i32, %arg1: i32) -> (i32, i32, i32) {
    %c0_i32 = arith.constant 0 : i32
    %c0_i32_0 = arith.constant 0 : i32
    return %arg0, %arg1, %c0_i32 : i32, i32, i32
  }
  func.func @transform_5(%arg0: i32, %arg1: i32) -> (i32, i32, i32) {
    %c0_i32 = arith.constant 0 : i32
    %c0_i32_0 = arith.constant 0 : i32
    return %arg0, %c0_i32, %arg1 : i32, i32, i32
  }
  func.func @transform_6(%arg0: i32, %arg1: i32) -> (i32, i32, i32) {
    %c0_i32 = arith.constant 0 : i32
    %c0_i32_0 = arith.constant 0 : i32
    return %arg0, %c0_i32, %arg1 : i32, i32, i32
  }
}

module attributes {stable_mosaic.version = 14 : i64} {
  func.func @body(%arg0: i32, %arg1: i32, %arg2: memref<1x1024x128xf32, #tpu.memory_space<vmem>>, %arg3: memref<1x1024x1xf32, #tpu.memory_space<vmem>>, %arg4: memref<1x1x128xf32, #tpu.memory_space<vmem>>, %arg5: memref<1x128x128xf32, #tpu.memory_space<vmem>>, %arg6: memref<1x1x128xf32, #tpu.memory_space<vmem>>, %arg7: memref<1x1x128xf32, #tpu.memory_space<vmem>>, %arg8: memref<1024x128xf32, #tpu.memory_space<vmem>>, %arg9: memref<1x1x1024xf32, #tpu.memory_space<vmem>>, %arg10: memref<1x1x1024xf32, #tpu.memory_space<vmem>>) attributes {dimension_semantics = [#tpu.dimension_semantics<arbitrary>, #tpu.dimension_semantics<arbitrary>], iteration_bounds = array<i64: 10, 4>, scalar_prefetch = 0 : i64, scratch_operands = 0 : i64, tpu.core_type = #tpu.core_type<tc>, window_params = [{transform_indices = @transform_0, window_bounds = array<i64: 1, 1024, 128>}, {transform_indices = @transform_1, window_bounds = array<i64: 1, 1024, 1>}, {transform_indices = @transform_2, window_bounds = array<i64: 1, 1, 128>}, {transform_indices = @transform_3, window_bounds = array<i64: 1, 128, 128>}, {pipeline_mode = #tpu.pipeline_mode<synchronous>, transform_indices = @transform_4, window_bounds = array<i64: 1, 1, 128>}, {pipeline_mode = #tpu.pipeline_mode<synchronous>, transform_indices = @transform_5, window_bounds = array<i64: 1, 1, 128>}, {transform_indices = @transform_6, window_bounds = array<i64: 1024, 128>}, {transform_indices = @transform_7, window_bounds = array<i64: 1, 1, 1024>}, {transform_indices = @transform_8, window_bounds = array<i64: 1, 1, 1024>}]} {
    %get3A = arith.constant 0 : index
    %get3A_0 = arith.constant 0 : index
    %get3A_1 = arith.constant 0 : index
    %get3A_2 = vector.load %arg3[%get3A, %get3A_0, %get3A_1] : memref<1x1024x1xf32, #tpu.memory_space<vmem>>, vector<1x1024x1xf32>
    %get3A_3 = vector.shape_cast %get3A_2 : vector<1x1024x1xf32> to vector<1024x1xf32>
    %max3A = arith.constant 9.99999971E-10 : f32
    %max3A_4 = vector.broadcast %max3A : f32 to vector<1024x1xf32>
    %max3A_5 = arith.maximumf %get3A_3, %max3A_4 : vector<1024x1xf32>
    %div3A = arith.constant 1.000000e+00 : f32
    %div3A_6 = vector.broadcast %div3A : f32 to vector<1024x1xf32>
    %div3A_7 = arith.divf %div3A_6, %max3A_5 : vector<1024x1xf32>
    %get3A_8 = arith.constant 0 : index
    %get3A_9 = arith.constant 0 : index
    %get3A_10 = arith.constant 0 : index
    %get3A_11 = vector.load %arg2[%get3A_8, %get3A_9, %get3A_10] : memref<1x1024x128xf32, #tpu.memory_space<vmem>>, vector<1x1024x128xf32>
    %get3A_12 = vector.shape_cast %get3A_11 : vector<1x1024x128xf32> to vector<1024x128xf32>
    %mul3A = vector.broadcast %div3A_7 : vector<1024x1xf32> to vector<1024x128xf32>
    %mul3A_13 = arith.mulf %get3A_12, %mul3A : vector<1024x128xf32>
    %get3A_14 = arith.constant 0 : index
    %get3A_15 = arith.constant 0 : index
    %get3A_16 = arith.constant 0 : index
    %get3A_17 = vector.load %arg4[%get3A_14, %get3A_15, %get3A_16] : memref<1x1x128xf32, #tpu.memory_space<vmem>>, vector<1x1x128xf32>
    %get3A_18 = vector.shape_cast %get3A_17 : vector<1x1x128xf32> to vector<1x128xf32>
    %add3A = vector.broadcast %get3A_18 : vector<1x128xf32> to vector<1024x128xf32>
    %add3A_19 = arith.addf %mul3A_13, %add3A : vector<1024x128xf32>
    %max3A_20 = arith.constant 0.000000e+00 : f32
    %max3A_21 = vector.broadcast %max3A_20 : f32 to vector<1024x128xf32>
    %max3A_22 = arith.maximumf %add3A_19, %max3A_21 : vector<1024x128xf32>
    %get3A_23 = arith.constant 0 : index
    %get3A_24 = arith.constant 0 : index
    %get3A_25 = arith.constant 0 : index
    %get3A_26 = vector.load %arg5[%get3A_23, %get3A_24, %get3A_25] : memref<1x128x128xf32, #tpu.memory_space<vmem>>, vector<1x128x128xf32>
    %get3A_27 = vector.shape_cast %get3A_26 : vector<1x128x128xf32> to vector<128x128xf32>
    %dot_general3A = arith.constant dense<0.000000e+00> : vector<1024x128xf32>
    %dot_general3A_28 = tpu.matmul %max3A_22, %get3A_27, %dot_general3A {dimension_numbers = #tpu.dot_dimension_numbers<[1], [0], [0], [1], [0, 0, 1, 1], [], []>, transpose_lhs_hint = false} : vector<1024x128xf32>, vector<128x128xf32>, vector<1024x128xf32> -> vector<1024x128xf32>
    %eq3A = arith.constant 0 : i32
    %eq3A_29 = arith.cmpi eq, %arg1, %eq3A : i32
    %convert_element_type3A = arith.extui %eq3A_29 : i1 to i32
    %cond3A = arith.constant 0 : i32
    %cond3A_30 = arith.cmpi ne, %convert_element_type3A, %cond3A : i32
    scf.if %cond3A_30 {
      %swap3A = arith.constant 0 : index
      %swap3A_40 = arith.constant 0 : index
      %swap3A_41 = vector.load %arg8[%swap3A, %swap3A_40] : memref<1024x128xf32, #tpu.memory_space<vmem>>, vector<1024x128xf32>
      tpu.vector_store %arg8[%swap3A, %swap3A_40], %dot_general3A_28 {strides = array<i32>} : memref<1024x128xf32, #tpu.memory_space<vmem>>, vector<1024x128xf32>,
    } else {
    }
    %gt3A = arith.constant 0 : i32
    %gt3A_31 = arith.cmpi sgt, %arg1, %gt3A : i32
    %convert_element_type3A_32 = arith.extui %gt3A_31 : i1 to i32
    %cond3A_33 = arith.constant 0 : i32
    %cond3A_34 = arith.cmpi ne, %convert_element_type3A_32, %cond3A_33 : i32
    scf.if %cond3A_34 {
      %get3A_40 = arith.constant 0 : index
      %get3A_41 = arith.constant 0 : index
      %get3A_42 = vector.load %arg8[%get3A_40, %get3A_41] : memref<1024x128xf32, #tpu.memory_space<vmem>>, vector<1024x128xf32>
      %add3A_43 = arith.addf %get3A_42, %dot_general3A_28 : vector<1024x128xf32>
      %swap3A = arith.constant 0 : index
      %swap3A_44 = arith.constant 0 : index
      %swap3A_45 = vector.load %arg8[%swap3A, %swap3A_44] : memref<1024x128xf32, #tpu.memory_space<vmem>>, vector<1024x128xf32>
      tpu.vector_store %arg8[%swap3A, %swap3A_44], %add3A_43 {strides = array<i32>} : memref<1024x128xf32, #tpu.memory_space<vmem>>, vector<1024x128xf32>,
    } else {
    }
    %eq3A_35 = arith.constant 3 : i32
    %eq3A_36 = arith.cmpi eq, %arg1, %eq3A_35 : i32
    %convert_element_type3A_37 = arith.extui %eq3A_36 : i1 to i32
    %cond3A_38 = arith.constant 0 : i32
    %cond3A_39 = arith.cmpi ne, %convert_element_type3A_37, %cond3A_38 : i32
    scf.if %cond3A_39 {
      %get3A_40 = arith.constant 0 : index
      %get3A_41 = arith.constant 0 : index
      %get3A_42 = vector.load %arg8[%get3A_40, %get3A_41] : memref<1024x128xf32, #tpu.memory_space<vmem>>, vector<1024x128xf32>
      %get3A_43 = arith.constant 0 : index
      %get3A_44 = arith.constant 0 : index
      %get3A_45 = arith.constant 0 : index
      %get3A_46 = vector.load %arg6[%get3A_43, %get3A_44, %get3A_45] : memref<1x1x128xf32, #tpu.memory_space<vmem>>, vector<1x1x128xf32>
      %get3A_47 = vector.shape_cast %get3A_46 : vector<1x1x128xf32> to vector<1x128xf32>
      %mul3A_48 = vector.broadcast %get3A_47 : vector<1x128xf32> to vector<1024x128xf32>
      %mul3A_49 = arith.mulf %get3A_42, %mul3A_48 : vector<1024x128xf32>
      %reduce_sum3A = arith.constant dense<0.000000e+00> : vector<1024xf32>
      %reduce_sum3A_50 = vector.multi_reduction <add>, %mul3A_49, %reduce_sum3A [1] : vector<1024x128xf32> to vector<1024xf32>
      %swap3A = arith.constant 0 : index
      %swap3A_51 = arith.constant 0 : index
      %swap3A_52 = arith.constant 0 : index
      %swap3A_53 = vector.load %arg9[%swap3A, %swap3A_51, %swap3A_52] : memref<1x1x1024xf32, #tpu.memory_space<vmem>>, vector<1x1x1024xf32>
      %swap3A_54 = vector.shape_cast %swap3A_53 : vector<1x1x1024xf32> to vector<1024xf32>
      %swap3A_55 = vector.shape_cast %reduce_sum3A_50 : vector<1024xf32> to vector<1x1x1024xf32>
      tpu.vector_store %arg9[%swap3A, %swap3A_51, %swap3A_52], %swap3A_55 {strides = array<i32>} : memref<1x1x1024xf32, #tpu.memory_space<vmem>>, vector<1x1x1024xf32>,
      %get3A_56 = arith.constant 0 : index
      %get3A_57 = arith.constant 0 : index
      %get3A_58 = arith.constant 0 : index
      %get3A_59 = vector.load %arg7[%get3A_56, %get3A_57, %get3A_58] : memref<1x1x128xf32, #tpu.memory_space<vmem>>, vector<1x1x128xf32>
      %get3A_60 = vector.shape_cast %get3A_59 : vector<1x1x128xf32> to vector<1x128xf32>
      %mul3A_61 = vector.broadcast %get3A_60 : vector<1x128xf32> to vector<1024x128xf32>
      %mul3A_62 = arith.mulf %get3A_42, %mul3A_61 : vector<1024x128xf32>
      %reduce_sum3A_63 = arith.constant dense<0.000000e+00> : vector<1024xf32>
      %reduce_sum3A_64 = vector.multi_reduction <add>, %mul3A_62, %reduce_sum3A_63 [1] : vector<1024x128xf32> to vector<1024xf32>
      %swap3A_65 = arith.constant 0 : index
      %swap3A_66 = arith.constant 0 : index
      %swap3A_67 = arith.constant 0 : index
      %swap3A_68 = vector.load %arg10[%swap3A_65, %swap3A_66, %swap3A_67] : memref<1x1x1024xf32, #tpu.memory_space<vmem>>, vector<1x1x1024xf32>
      %swap3A_69 = vector.shape_cast %swap3A_68 : vector<1x1x1024xf32> to vector<1024xf32>
      %swap3A_70 = vector.shape_cast %reduce_sum3A_64 : vector<1024xf32> to vector<1x1x1024xf32>
      tpu.vector_store %arg10[%swap3A_65, %swap3A_66, %swap3A_67], %swap3A_70 {strides = array<i32>} : memref<1x1x1024xf32, #tpu.memory_space<vmem>>, vector<1x1x1024xf32>,
    } else {
    }
    return
  }
  func.func @transform_0(%arg0: i32, %arg1: i32) -> (i32, i32, i32) {
    %c0_i32 = arith.constant 0 : i32
    %c0_i32_0 = arith.constant 0 : i32
    return %arg1, %arg0, %c0_i32 : i32, i32, i32
  }
  func.func @transform_1(%arg0: i32, %arg1: i32) -> (i32, i32, i32) {
    %c0_i32 = arith.constant 0 : i32
    %c0_i32_0 = arith.constant 0 : i32
    return %arg1, %arg0, %c0_i32 : i32, i32, i32
  }
  func.func @transform_2(%arg0: i32, %arg1: i32) -> (i32, i32, i32) {
    %c0_i32 = arith.constant 0 : i32
    %c0_i32_0 = arith.constant 0 : i32
    %c0_i32_1 = arith.constant 0 : i32
    return %arg1, %c0_i32, %c0_i32_0 : i32, i32, i32
  }
  func.func @transform_3(%arg0: i32, %arg1: i32) -> (i32, i32, i32) {
    %c0_i32 = arith.constant 0 : i32
    %c0_i32_0 = arith.constant 0 : i32
    %c0_i32_1 = arith.constant 0 : i32
    return %arg1, %c0_i32, %c0_i32_0 : i32, i32, i32
  }
  func.func @transform_4(%arg0: i32, %arg1: i32) -> (i32, i32, i32) {
    %c0_i32 = arith.constant 0 : i32
    %c0_i32_0 = arith.constant 0 : i32
    %c0_i32_1 = arith.constant 0 : i32
    %c0_i32_2 = arith.constant 0 : i32
    return %c0_i32, %c0_i32_0, %c0_i32_1 : i32, i32, i32
  }
  func.func @transform_5(%arg0: i32, %arg1: i32) -> (i32, i32, i32) {
    %c0_i32 = arith.constant 0 : i32
    %c0_i32_0 = arith.constant 0 : i32
    %c0_i32_1 = arith.constant 0 : i32
    %c0_i32_2 = arith.constant 0 : i32
    return %c0_i32, %c0_i32_0, %c0_i32_1 : i32, i32, i32
  }
  func.func @transform_6(%arg0: i32, %arg1: i32) -> (i32, i32) {
    %c0_i32 = arith.constant 0 : i32
    %c0_i32_0 = arith.constant 0 : i32
    return %arg0, %c0_i32 : i32, i32
  }
  func.func @transform_7(%arg0: i32, %arg1: i32) -> (i32, i32, i32) {
    %c0_i32 = arith.constant 0 : i32
    %c0_i32_0 = arith.constant 0 : i32
    %c0_i32_1 = arith.constant 0 : i32
    return %c0_i32, %c0_i32_0, %arg0 : i32, i32, i32
  }
  func.func @transform_8(%arg0: i32, %arg1: i32) -> (i32, i32, i32) {
    %c0_i32 = arith.constant 0 : i32
    %c0_i32_0 = arith.constant 0 : i32
    %c0_i32_1 = arith.constant 0 : i32
    return %c0_i32, %c0_i32_0, %arg0 : i32, i32, i32
  }
}

module attributes {stable_mosaic.version = 14 : i64} {
  func.func @body(%arg0: i32, %arg1: memref<2x1024x128xf32, #tpu.memory_space<vmem>>, %arg2: memref<2x1024x1xf32, #tpu.memory_space<vmem>>, %arg3: memref<1x1x128xf32, #tpu.memory_space<vmem>>, %arg4: memref<1024x128xf32, #tpu.memory_space<vmem>>) attributes {dimension_semantics = [#tpu.dimension_semantics<arbitrary>], iteration_bounds = array<i64: 10>, scalar_prefetch = 0 : i64, scratch_operands = 0 : i64, tpu.core_type = #tpu.core_type<tc>, window_params = [{transform_indices = @transform_0, window_bounds = array<i64: 2, 1024, 128>}, {transform_indices = @transform_1, window_bounds = array<i64: 2, 1024, 1>}, {pipeline_mode = #tpu.pipeline_mode<synchronous>, transform_indices = @transform_2, window_bounds = array<i64: 1, 1, 128>}, {transform_indices = @transform_3, window_bounds = array<i64: 1024, 128>}]} {
    %get3A = arith.constant 0 : index
    %get3A_0 = arith.constant 0 : index
    %get3A_1 = arith.constant 0 : index
    %get3A_2 = vector.load %arg2[%get3A, %get3A_0, %get3A_1] : memref<2x1024x1xf32, #tpu.memory_space<vmem>>, vector<1x1024x1xf32>
    %get3A_3 = vector.shape_cast %get3A_2 : vector<1x1024x1xf32> to vector<1024x1xf32>
    %get3A_4 = arith.constant 1 : index
    %get3A_5 = arith.constant 0 : index
    %get3A_6 = arith.constant 0 : index
    %get3A_7 = vector.load %arg2[%get3A_4, %get3A_5, %get3A_6] : memref<2x1024x1xf32, #tpu.memory_space<vmem>>, vector<1x1024x1xf32>
    %get3A_8 = vector.shape_cast %get3A_7 : vector<1x1024x1xf32> to vector<1024x1xf32>
    %add3A = arith.addf %get3A_3, %get3A_8 : vector<1024x1xf32>
    %max3A = arith.constant 9.99999971E-10 : f32
    %max3A_9 = vector.broadcast %max3A : f32 to vector<1024x1xf32>
    %max3A_10 = arith.maximumf %add3A, %max3A_9 : vector<1024x1xf32>
    %div3A = arith.constant 1.000000e+00 : f32
    %div3A_11 = vector.broadcast %div3A : f32 to vector<1024x1xf32>
    %div3A_12 = arith.divf %div3A_11, %max3A_10 : vector<1024x1xf32>
    %get3A_13 = arith.constant 0 : index
    %get3A_14 = arith.constant 0 : index
    %get3A_15 = arith.constant 0 : index
    %get3A_16 = vector.load %arg1[%get3A_13, %get3A_14, %get3A_15] : memref<2x1024x128xf32, #tpu.memory_space<vmem>>, vector<1x1024x128xf32>
    %get3A_17 = vector.shape_cast %get3A_16 : vector<1x1024x128xf32> to vector<1024x128xf32>
    %get3A_18 = arith.constant 1 : index
    %get3A_19 = arith.constant 0 : index
    %get3A_20 = arith.constant 0 : index
    %get3A_21 = vector.load %arg1[%get3A_18, %get3A_19, %get3A_20] : memref<2x1024x128xf32, #tpu.memory_space<vmem>>, vector<1x1024x128xf32>
    %get3A_22 = vector.shape_cast %get3A_21 : vector<1x1024x128xf32> to vector<1024x128xf32>
    %add3A_23 = arith.addf %get3A_17, %get3A_22 : vector<1024x128xf32>
    %mul3A = vector.broadcast %div3A_12 : vector<1024x1xf32> to vector<1024x128xf32>
    %mul3A_24 = arith.mulf %add3A_23, %mul3A : vector<1024x128xf32>
    %get3A_25 = arith.constant 0 : index
    %get3A_26 = arith.constant 0 : index
    %get3A_27 = arith.constant 0 : index
    %get3A_28 = vector.load %arg3[%get3A_25, %get3A_26, %get3A_27] : memref<1x1x128xf32, #tpu.memory_space<vmem>>, vector<1x1x128xf32>
    %get3A_29 = vector.shape_cast %get3A_28 : vector<1x1x128xf32> to vector<1x128xf32>
    %add3A_30 = vector.broadcast %get3A_29 : vector<1x128xf32> to vector<1024x128xf32>
    %add3A_31 = arith.addf %mul3A_24, %add3A_30 : vector<1024x128xf32>
    %swap3A = arith.constant 0 : index
    %swap3A_32 = arith.constant 0 : index
    %swap3A_33 = vector.load %arg4[%swap3A, %swap3A_32] : memref<1024x128xf32, #tpu.memory_space<vmem>>, vector<1024x128xf32>
    tpu.vector_store %arg4[%swap3A, %swap3A_32], %add3A_31 {strides = array<i32>} : memref<1024x128xf32, #tpu.memory_space<vmem>>, vector<1024x128xf32>,
    return
  }
  func.func @transform_0(%arg0: i32) -> (i32, i32, i32) {
    %c0_i32 = arith.constant 0 : i32
    %c0_i32_0 = arith.constant 0 : i32
    %c0_i32_1 = arith.constant 0 : i32
    return %c0_i32, %arg0, %c0_i32_0 : i32, i32, i32
  }
  func.func @transform_1(%arg0: i32) -> (i32, i32, i32) {
    %c0_i32 = arith.constant 0 : i32
    %c0_i32_0 = arith.constant 0 : i32
    %c0_i32_1 = arith.constant 0 : i32
    return %c0_i32, %arg0, %c0_i32_0 : i32, i32, i32
  }
  func.func @transform_2(%arg0: i32) -> (i32, i32, i32) {
    %c0_i32 = arith.constant 0 : i32
    %c0_i32_0 = arith.constant 0 : i32
    %c0_i32_1 = arith.constant 0 : i32
    %c0_i32_2 = arith.constant 0 : i32
    return %c0_i32, %c0_i32_0, %c0_i32_1 : i32, i32, i32
  }
  func.func @transform_3(%arg0: i32) -> (i32, i32) {
    %c0_i32 = arith.constant 0 : i32
    %c0_i32_0 = arith.constant 0 : i32
    return %arg0, %c0_i32 : i32, i32
  }
}

</mosaic_0001>

<sc_bundles>
// kernel: kernel.10.cloned.1.call-start
scs
__scs_entry_jumppad:
0x0: {  	(pc) =	sbr.rel $0x88, $3  }
0x1: {  	(tag) =	ssettag $0x0;
	lr =	simm.s32 $0x1  }
0x2: {  	[smem:$0x3F97] =	sst lr;
	_ =	strace $0xD0000000  }
0x3: {  	_ = 	snop  }
0x4: {  	_ = 	snop  }
0x5: {  	_ = 	snop  }
0x6: {  	_ = 	snop  }
0x7: {  	_ = 	snop  }
__scs_overlays_trampoline_lowered:
0x8: {  	[smem:$0x3FA6] =	sst s0  }
0x9: {  	[smem:$0x3FA7] =	sst s1  }
0xa: {  	[smem:$0x3FA8] =	sst s2  }
0xb: {  	[smem:$0x3FA9] =	sst s3  }
0xc: {  	[smem:$0x3FAA] =	sst s4  }
0xd: {  	[smem:$0x3FAB] =	sst s5  }
0xe: {  	[smem:$0x3FAC] =	sst s6  }
0xf: {  	[smem:$0x3FAD] =	sst s7  }
0x10: {  	[smem:$0x3FAE] =	sst s8  }
0x11: {  	[smem:$0x3FAF] =	sst s9;
	s0 =	simm.s32 @!p0 $0x0  }
0x12: {  	s1 =	sld [smem:$0x3F95];
	s0 =	simm.s32 @p0 $0x1  }
0x13: {  	[smem:$0x3FB0] =	sst s0;
	s0 =	simm.s32 @!p1 $0x0  }
0x14: {  	s2 =	sld [smem:$0x3F94];
	s0 =	simm.s32 @p1 $0x1  }
0x15: {  	[smem:$0x3FB1] =	sst s0;
	s0 =	simm.s32 @!p2 $0x0  }
0x16: {  	s3 =	sld [smem:$0x3FDB];
	s0 =	simm.s32 @p2 $0x1  }
0x17: {  	s4 =	simm.s32 $0x1BF5;
	[smem:$0x3FB3] =	sst s0  }
0x18: {  	s0 =	sld [smem:$0x3F96];
	_ =	swait.ge [sflag:s4], $0x0  }
0x19: {  	s7 =	sld [smem:$0x3F97]  }
0x1a: {  	s8 =	sadd.s32 $0xFFFFE003, lr  }
0x1b: {  	s9 =	sadd.s32 $0xFFFFFEF7, lr;
	s5 =	simm.s32 $0xFFFFFFFF;
	p2 =	slt.u32 s8, $0xFFFFF086  }
0x1c: {  	p1 =	slt.u32 s9, $0xF7A;
	s5 =	simm.s32 @!p2 $0x0  }
0x1d: {  	s5 =	simm.s32 @p1 $0x1;
	p0 =	seq.s32 s7, s2  }
0x1e: {  	s7 =	smul.u32 @!p0 $0xF7A, s2;
	p2 =	seq.s32 @!p0 s5, $0x0  }
0x1f: {  	s9 =	smul.u32 $0xF7A, s1;
	s8 =	simm.s32 @!p0 $0x1BF5;
	p2 =	por !p2, p0  }
0x20: {  	[sflag:s8] =	ssyncset.s32 @!p0 $0xFFFFF086;
	s6 =	sadd.s32 @!p0 s3, s7;
	s7 =	simm.s32 @!p0 $0x108  }
0x21: {  	s3 =	sadd.s32 s3, s9;
	s6 =	sadd.s32 @!p0 $0x88, s6;
	s7 =	simm.s32 @p2 $0x1082  }
0x22: {  	[simem:s7], [sflag:s8] =	dma.local @!p0 [hbm:s6], $0xF7A  }
0x23: {  	s9 =	sor.u32 $0xD0000000, s2;
	s6 =	simm.s32 $0x108;
	_ =	swait.ge @!p0 [sflag:s8], $0x0  }
0x24: {  	s3 =	sadd.s32 $0x88, s3;
	s6 =	simm.s32 @!p1 $0x1082;
	[sflag:s4] =	ssyncset.s32 $0xFFFFF086  }
0x25: {  	[simem:s6], [sflag:s4] =	dma.local [hbm:s3], $0xF7A  }
0x26: {  	[smem:$0x3F97] =	sst s1;
	(tag) =	ssettag s2;
	_ =	strace s9  }
0x27: {  	s1 =	sld [smem:$0x3FA7]  }
0x28: {  	s2 =	sld [smem:$0x3FA8]  }
0x29: {  	s4 =	sld [smem:$0x3FAA]  }
0x2a: {  	p0 =	seq.s32 s5, $0x0;
	s5 =	sld [smem:$0x3FAB]  }
0x2b: {  	s6 =	sld [smem:$0x3FAC]  }
0x2c: {  	s7 =	sld [smem:$0x3FAD]  }
0x2d: {  	s3 =	simm.s32 $0x108;
	s8 =	sld [smem:$0x3FAE]  }
0x2e: {  	s3 =	simm.s32 @!p0 $0x1082;
	s9 =	sld [smem:$0x3FAF]  }
0x2f: {  	lr =	sadd.s32 s0, s3;
	s0 =	sld [smem:$0x3FA6]  }
0x30: {  	s3 =	sld [smem:$0x3FA9]  }
0x31: {  	[smem:$0x3FB2] =	sst s10  }
0x32: {  	s10 =	sld [smem:$0x3FB0];
	_ =	sdelay $0x3  }
0x33: {  	p0 =	seq.s32 s10, $0x1;
	s10 =	sld [smem:$0x3FB2];
	_ =	sdelay $0x3  }
0x34: {  	[smem:$0x3FB2] =	sst s10  }
0x35: {  	s10 =	sld [smem:$0x3FB1];
	_ =	sdelay $0x3  }
0x36: {  	p1 =	seq.s32 s10, $0x1;
	s10 =	sld [smem:$0x3FB2];
	_ =	sdelay $0x3  }
0x37: {  	[smem:$0x3FB2] =	sst s10  }
0x38: {  	s10 =	sld [smem:$0x3FB3]  }
0x39: {  	_ = 	snop;
	(pc) =	sbr.ind lr, $3  }
0x3a: {  	_ = 	snop  }
0x3b: {  	_ = 	snop  }
0x3c: {  	p2 =	seq.s32 s10, $0x1;
	s10 =	sld [smem:$0x3FB2]  }
0x3d: {  	_ =	shalt  }
0x3e: {  	_ =	shalt  }
0x3f: {  	_ =	shalt  }
0x40: {  	_ =	shalt  }
0x41: {  	_ =	shalt  }
0x42: {  	_ =	shalt  }
0x43: {  	_ =	shalt  }
0x44: {  	_ =	shalt  }
0x45: {  	_ =	shalt  }
0x46: {  	_ =	shalt  }
0x47: {  	_ =	shalt  }
0x48: {  	_ =	shalt  }
0x49: {  	_ =	shalt  }
0x4a: {  	_ =	shalt  }
0x4b: {  	_ =	shalt  }
0x4c: {  	_ =	shalt  }
0x4d: {  	_ =	shalt  }
0x4e: {  	_ =	shalt  }
0x4f: {  	_ =	shalt  }
0x50: {  	_ =	shalt  }
0x51: {  	_ =	shalt  }
0x52: {  	_ =	shalt  }
0x53: {  	_ =	shalt  }
0x54: {  	_ =	shalt  }
0x55: {  	_ =	shalt  }
0x56: {  	_ =	shalt  }
0x57: {  	_ =	shalt  }
0x58: {  	_ =	shalt  }
0x59: {  	_ =	shalt  }
0x5a: {  	_ =	shalt  }
0x5b: {  	_ =	shalt  }
0x5c: {  	_ =	shalt  }
0x5d: {  	_ =	shalt  }
0x5e: {  	_ =	shalt  }
0x5f: {  	_ =	shalt  }
0x60: {  	_ =	shalt  }
0x61: {  	_ =	shalt  }
0x62: {  	_ =	shalt  }
0x63: {  	_ =	shalt  }
0x64: {  	_ =	shalt  }
0x65: {  	_ =	shalt  }
0x66: {  	_ =	shalt  }
0x67: {  	_ =	shalt  }
0x68: {  	_ =	shalt  }
0x69: {  	_ =	shalt  }
0x6a: {  	_ =	shalt  }
0x6b: {  	_ =	shalt  }
0x6c: {  	_ =	shalt  }
0x6d: {  	_ =	shalt  }
0x6e: {  	_ =	shalt  }
0x6f: {  	_ =	shalt  }
0x70: {  	_ =	shalt  }
0x71: {  	_ =	shalt  }
0x72: {  	_ =	shalt  }
0x73: {  	_ =	shalt  }
0x74: {  	_ =	shalt  }
0x75: {  	_ =	shalt  }
0x76: {  	_ =	shalt  }
0x77: {  	_ =	shalt  }
0x78: {  	_ =	shalt  }
0x79: {  	_ =	shalt  }
0x7a: {  	_ =	shalt  }
0x7b: {  	_ =	shalt  }
0x7c: {  	_ =	shalt  }
0x7d: {  	_ =	shalt  }
0x7e: {  	_ =	shalt  }
0x7f: {  	_ =	shalt  }
0x80: {  	_ =	shalt  }
0x81: {  	_ =	shalt  }
0x82: {  	_ =	shalt  }
0x83: {  	_ =	shalt  }
0x84: {  	_ =	shalt  }
0x85: {  	_ =	shalt  }
0x86: {  	_ =	shalt  }
0x87: {  	_ =	shalt  }
.Lfunc_end0:
.L_simem_size_0:
called_computation.1_lowered:
.L_overlay_start_0:
0x88: {  	s2 =	sld [smem:$0x3FD9]  }
0x89: {  	s3 =	sld [smem:$0x3FFE];
	_ =	sdelay $0x1  }
0x8a: {  	s1 =	srdreg.scid  }
0x8b: {  	s0 =	sand.u32 $0x1, s1  }
0x8c: {  	s17 =	sshll.u32 s0, $0xA;
	s2 =	sadd.s32 s3, s2  }
0x8d: {  	s2 =	sadd.s32 s2, s17  }
0x8e: {  	[smem:$0x3FBE] =	sst s2  }
0x8f: {  	_ = 	snop  }
0x90: {  	s2 =	sld [smem:$0x3FD0];
	(tm) =	ssettm $0x1  }
0x91: {  	s18 =	sld [smem:$0x3FFB];
	_ =	sdelay $0x3  }
0x92: {  	_ =	strace s18  }
0x93: {  	s3 =	sld [smem:$0x3FFC];
	_ =	sdelay $0x3  }
0x94: {  	_ =	strace s3  }
0x95: {  	s3 =	sld [smem:$0x3FFD];
	_ =	sdelay $0x3  }
0x96: {  	_ =	strace s3  }
0x97: {  	_ =	strace $0x8FFFFFFF  }
0x98: {  	s19 =	sld [smem:$0x3FDB];
	_ =	sdelay $0x1  }
0x99: {  	s4 =	simm.s32 $_scs_section_size  }
0x9a: {  	s5 =	simm.s32 $_size__tile_overlayer_lowered;
	s6 =	simm.s32 $_tile_overlayer_lowered  }
0x9b: {  	s22 =	simm.s32 $0x1BFF;
	s21 =	sshll.u32 s6, $0x1;
	s3 =	sadd.s32 s4, s19  }
0x9c: {  	s7 =	simm.s32 $0x0;
	s20 =	sshll.u32 s5, $0x1;
	s5 =	sadd.s32 s21, s3  }
0x9d: {  	[timem:s7], [sflag:s22] =	dma.local [hbm:s5], s20  }
0x9e: {  	_ =	swait.ge [sflag:s22], s20  }
0x9f: {  	s4 =	ssub.s32 $0x0, s20;
	[sflag:s22] =	ssyncset.done $0x0  }
0xa0: {  	[sflag:s22] =	ssyncadd.s32 s4;
	_ =	sdelay $0x1  }
0xa1: {  	s23 =	simm.s32 $0x1B8B  }
0xa2: {  	_ =	swait.ge [sflag:s23], $0x1  }
0xa3: {  	[sflag:s23] =	ssyncset.done $0x0  }
0xa4: {  	s25 =	simm.s32 $0x1B8E;
	s24 =	sld [smem:$0x3FFE];
	[sflag:s23] =	ssyncadd.s32 $0xFFFFFFFF  }
0xa5: {  	s26 =	simm.s32 $execute0_lowered;
	[smem:$0x3FD2] =	sst s25  }
0xa6: {  	s5 =	sshll.u32 s26, $0x1;
	_ =	strace $0x80000049;
	[dreg:$0x1] =	wrdreg $0xFFFFFFFF  }
0xa7: {  	s28 =	simm.s32 $_size_execute0_lowered;
	s3 =	sadd.s32 s3, s5;
	[dreg:$0x0] =	wrdreg $0x0  }
0xa8: {  	s5 =	sshll.u32 s28, $0x1;
	[dreg:$0x2] =	wrdreg s3  }
0xa9: {  	[dreg:$0x3] =	wrdreg s5  }
0xaa: {  	[dreg:$0x4] =	wrdreg $0xC0  }
0xab: {  	_ =	task [dreg:s7], $0x5FFFF  }
0xac: {  	[dreg:$0x1] =	wrdreg $0xFFFFFFFF  }
0xad: {  	[dreg:$0x0] =	wrdreg $0x60  }
0xae: {  	[dreg:$0x2] =	wrdreg s24  }
0xaf: {  	[dreg:$0x3] =	wrdreg s2  }
0xb0: {  	[dreg:$0x4] =	wrdreg $0x7C000  }
0xb1: {  	[dreg:$0x5] =	wrdreg $0x1B4800  }
0xb2: {  	[dreg:$0x6] =	wrdreg $0x9  }
0xb3: {  	_ =	task.clear_ibuf [dreg:s7], $0x7FFFF;
	_ =	strace $0x90000049  }
0xb4: {  	s29 =	simm.s32 $0x9;
	_ =	strace $0x8000004B  }
0xb5: {  	_ =	swait.ge [sflag:s29], $0x1  }
0xb6: {  	[sflag:s29] =	ssyncadd.s32 $0xFFFFFFFF  }
0xb7: {  	_ =	strace $0x9000004B  }
0xb8: {  	_ =	sfence  }
0xb9: {  	s30 =	sld [smem:$0x0];
	_ =	sdelay $0x2  }
0xba: {  	s31 =	sshll.u32 s1, $0xD;
	s1 =	sshrl.u32 s1, $0x2  }
0xbb: {  	s3 =	sand.u32 $0x4000, s31;
	s1 =	sadd.s32 s1, s30  }
0xbc: {  	s0 =	sor.u32 s3, s0;
	s1 =	sshll.u32 s1, $0x11  }
0xbd: {  	s0 =	sor.u32 s1, s0  }
0xbe: {  	s0 =	sadd.s32 $0x8F2B, s0  }
0xbf: {  	[sflag:s0] =	ssyncadd.remote.s32 $0x1  }
0xc0: {  	_ =	sfence.sel $0xFFFF  }
0xc1: {  	[dreg:$0x0] =	wrdreg $0xFFFFFFFF;
	(pc) =	sbr.abs _section_cstart, $3  }
0xc2: {  	[dreg:$0x1] =	wrdreg $0xFFFFFFFF  }
0xc3: {  	_ =	task.clear_ibuf [dreg:s7], $0x2FFFF;
	_ =	strace $0x9FFFFFFF  }
0xc4: {  	(tm) =	ssettm $0x7FFFFFFF  }
0xc5: {  	_ =	shalt  }
tec
execute0_lowered:
.L_overlay_start_1:
0x0: {  	(tag) =	ssettag $0x1  }
0x1: {  	s0 =	rddreg [dreg:$0x0]  }
0x2: {  	s2 =	rddreg [dreg:$0x2]  }
0x3: {  	s3 =	rddreg [dreg:$0x3];
	s1 =	simm.s32 $0x0  }
0x4: {  	s20 =	srdreg.scid;
	s17 =	stileid.u32;
	s30 =	simm.s32 $0x480  }
0x5: {  	s31 =	simm.s32 $0x1;
	s19 =	simm.s32 $0x4;
	[smem:$0x7FF] =	sst s1  }
0x6: {  	s5 =	sadd.s32 $0xA600, s0;
	s6 =	sadd.s32 $0x800, s0;
	s1 =	sand.u32 $0x1, s20  }
0x7: {  	s7 =	sadd.s32 $0x3B600, s0;
	s9 =	sadd.s32 $0x3BC00, s0;
	s8 =	smul.u32 $0x4E20, s17  }
0x8: {  	s10 =	sadd.s32 $0x14400, s0;
	s11 =	sadd.s32 $0xB3000, s0;
	s16 =	smul.u32 $0x278, s17  }
0x9: {  	s21 =	sadd.s32 $0x3CC00, s0;
	s26 =	smul.u32 $0x4F000, s17;
	p1 =	sne.s32 s17, $0xF  }
0xa: {  	p0 =	sne.s32 s17, $0x0;
	s20 =	simm.s32 $0x6;
	_ =	strace $0x8000004A  }
0xb: {  	s4 =	smul.u32 $0x2710, s1;
	[dreg:$0x5] =	wrdreg s11;
	s12 =	ssub.s32 $0x2, s1  }
0xc: {  	s1 =	smul.u32 $0x138800, s1;
	p2 =	sne.s32 @p1 s17, $0x0;
	s11 =	simm.s32 $0x180  }
0xd: {  	s17 =	simm.s32 $0x5;
	s14 =	sshrl.u32 s12, $0x1;
	s28 =	sshrl.u32 s26, $0x2  }
0xe: {  	p2 =	por p2, !p1;
	s26 =	simm.s32 $0x50;
	s13 =	sshrl.u32 s4, $0x3  }
0xf: {  	s8 =	sadd.s32 s4, s8;
	s12 =	ssub.s32 s12, s14;
	s4 =	sadd.s32 s16, s4  }
0x10: {  	s1 =	sshrl.u32 s1, $0x3;
	s16 =	simm.s32 $0x2C80;
	s0 =	sadd.s32 s13, s0  }
0x11: {  	s22 =	sshrl.u32 s8, $0x3;
	s24 =	smin.u32 s8, $0x4BAA0;
	s14 =	sadd.s32 $0x50, s8  }
0x12: {  	s15 =	sadd.s32 $0xA0, s8;
	s4 =	sshll.u32 s4, $0x4;
	s29 =	smax.u32 s12, $0x1  }
0x13: {  	s1 =	sadd.s32 s21, s1;
	s23 =	sadd.s32 s5, s22;
	[dreg:$0xd] =	wrdreg s29  }
0x14: {  	s12 =	simm.s32 $0x280;
	s13 =	sadd.s32 s6, s22;
	[dreg:$0x6] =	wrdreg s23  }
0x15: {  	s4 =	sadd.s32 s21, s4;
	s0 =	sadd.s32 $0x3C200, s0;
	[dreg:$0x7] =	wrdreg s13  }
0x16: {  	s1 =	sadd.s32 $0x25080, s1;
	s22 =	simm.s32 $0x7;
	[dreg:$0xa] =	wrdreg s4  }
0x17: {  	s13 =	sshrl.u32 s24, $0x3;
	[dreg:$0xb] =	wrdreg s0;
	s0 =	sadd.s32 $0x128400, s2  }
0x18: {  	[dreg:$0xc] =	wrdreg s1;
	s23 =	simm.s32 $0x100;
	s24 =	simm.s32 $0x0  }
0x19: {  	s25 =	sadd.s32 $0x4E2, s13;
	s0 =	sshrl.u32 @!p1 s0, $0x3;
	s13 =	simm.s32 $0x380  }
0x1a: {  	s18 =	sadd.s32 s5, s25;
	s8 =	sadd.s32 s6, s25;
	[dreg:$0xf] =	wrdreg s0  }
0x1b: {  	s0 =	simm.s32 $0x3;
	[dreg:$0x9] =	wrdreg s8;
	s8 =	sadd.s32 s28, s2  }
0x1c: {  	[dreg:$0x8] =	wrdreg s18;
	s18 =	simm.s32 $0x2;
	s1 =	sshrl.u32 @p1 s8, $0x3  }
0x1d: {  	s8 =	simm.s32 $0x80;
	[dreg:$0xe] =	wrdreg s1;
	s1 =	simm.s32 $0x400  }
.LBB2_1:
0x1e: {  	[dreg:$0x10] =	wrdreg s24  }
0x1f: {  	[bflag:$0x0] =	sbarrier.arrive @p0 $0xFFFF  }
0x20: {  	s4 =	sshrl.u32 @!p0 s3, $0x3;
	s21 =	simm.s32 @!p0 $0x1C07;
	s24 =	rddreg [dreg:$0x5]  }
0x21: {  	[spmem:s4], [sflag:s21] =	dma.local @!p0 [hbm:s24], $0x4F0  }
0x22: {  	s4 =	simm.s32 @!p0 $0x7  }
0x23: {  	_ =	swait.ge @!p0 [sflag:s4], $0x4F0  }
0x24: {  	[sflag:s4] =	ssyncset.done @!p0 $0x0  }
0x25: {  	[sflag:s4] =	ssyncadd.s32 @!p0 $0xFFFFFB10  }
0x26: {  	[bflag:$0x0] =	sbarrier.arrive @!p0 $0xFFFF  }
0x27: {  	s24 =	sshrl.u32 @!p0 s2, $0x3;
	s25 =	rddreg [dreg:$0x1]  }
0x28: {  	[spmem:s24], [sflag:s21] =	dma.local @!p0 [hbm:s25], $0x27100  }
0x29: {  	_ =	swait.ge @!p0 [sflag:s4], $0x27100  }
0x2a: {  	[sflag:s4] =	ssyncset.done @!p0 $0x0  }
0x2b: {  	[sflag:s4] =	ssyncadd.s32 @!p0 $0xFFFD8F00  }
0x2c: {  	[bflag:$0x0] =	sbarrier.arrive $0xFFFF  }
0x2d: {  	s4 =	simm.s32 $0x0;
	s24 =	rddreg [dreg:$0x6]  }
0x2e: {  	[tilespmem:s4], [sflag:$0x7] =	stream.linear.gather [hbm4b:s24+s4], $0x50, $0x38;
	[tilespmem:$0x1B6F8] =	vst v63  }
0x2f: {  	_ =	swait.ge [sflag:s22], $0x50  }
0x30: {  	[sflag:s22] =	ssyncset.done $0x0  }
0x31: {  	s25 =	rddreg [dreg:$0x7];
	[sflag:s22] =	ssyncadd.s32 $0xFFFFFFB0  }
0x32: {  	[tilespmem:s23], [sflag:$0x7] =	stream.linear.gather [hbm4b:s25+s4], $0x50, $0x38;
	[tilespmem:$0x1B6F8] =	vst v63  }
0x33: {  	_ =	swait.ge [sflag:s22], $0x50  }
0x34: {  	[sflag:s22] =	ssyncset.done $0x0  }
0x35: {  	s28 =	simm.s32 $0x200;
	[sflag:s22] =	ssyncadd.s32 $0xFFFFFFB0  }
0x36: {  	[tilespmem:s28], [sflag:$0x1] =	stream.indirect.gather [hbm4b:s7+s26], $0x1, s4, s26, $0xb8;
	[tilespmem:$0x1B6F8] =	vst v63  }
0x37: {  	s29 =	simm.s32 $0x300  }
0x38: {  	[tilespmem:s29], [sflag:$0x3] =	stream.indirect.gather [hbm4b:s9+s26], $0x1, s23, s26, $0xb8;
	[tilespmem:$0x1B6F8] =	vst v63  }
0x39: {  	s24 =	simm.s32 $0x0  }
0x3a: {  	[tilespmem:s30], [sflag:$0x5] =	stream.indirect.gather [hbm4b:s10+s26], $0x80, s4, s26, $0xb8;
	[tilespmem:$0x1B6F8] =	vst v63  }
.LBB2_2:
0x3b: {  	_ =	swait.ge [sflag:s31], $0x50  }
0x3c: {  	[sflag:s31] =	ssyncset.done $0x0  }
0x3d: {  	[sflag:s31] =	ssyncadd.s32 $0xFFFFFFB0  }
0x3e: {  	_ =	swait.ge [sflag:s0], $0x50  }
0x3f: {  	[sflag:s0] =	ssyncset.done $0x0  }
0x40: {  	[sflag:s0] =	ssyncadd.s32 $0xFFFFFFB0  }
0x41: {  	v0 =	vld [tilespmem:$0x200]  }
0x42: {  	v1 =	vld [tilespmem:$0x300]  }
0x43: {  	v2 =	vld [tilespmem:$0x210]  }
0x44: {  	v3 =	vld [tilespmem:$0x310]  }
0x45: {  	v4 =	vld [tilespmem:$0x220]  }
0x46: {  	v5 =	vld [tilespmem:$0x320]  }
0x47: {  	v6 =	vld [tilespmem:$0x230]  }
0x48: {  	v7 =	vld [tilespmem:$0x330]  }
0x49: {  	v8 =	vld [tilespmem:$0x240]  }
0x4a: {  	v9 =	vld [tilespmem:$0x340]  }
0x4b: {  	v0 =	vadd.f32 v1, v0  }
0x4c: {  	v1 =	vadd.f32 v3, v2  }
0x4d: {  	v3 =	vadd.f32 v5, v4;
	v2 =	vmul.f32 $2.000000030e-01, v0  }
0x4e: {  	v5 =	vadd.f32 v7, v6;
	v4 =	vmul.f32 $2.000000030e-01, v1  }
0x4f: {  	v6 =	vadd.f32 v9, v8;
	v0 =	vmax.f32 v0, v2;
	v2 =	vmul.f32 $2.000000030e-01, v3  }
0x50: {  	v1 =	vmax.f32 v1, v4;
	v4 =	vmul.f32 $2.000000030e-01, v5;
	v0 =	vmul.f32 $1.442695020e+00, v0  }
0x51: {  	v1 =	vmul.f32 $1.442695020e+00, v1;
	v2 =	vmax.f32 v3, v2;
	v3 =	vmul.f32 $2.000000030e-01, v6  }
0x52: {  	(erf) = vpow2.f32 v0;
	v0 =	vmul.f32 $1.442695020e+00, v2;
	v2 =	vmax.f32 v5, v4  }
0x53: {  	(erf) = vpow2.f32 v1;
	v1 =	vmul.f32 $1.442695020e+00, v2;
	v2 =	vmax.f32 v6, v3  }
0x54: {  	(erf) = vpow2.f32 v0;
	v0 =	vmul.f32 $1.442695020e+00, v2  }
0x55: {  	(erf) = vpow2.f32 v1  }
0x56: {  	(erf) = vpow2.f32 v0;
	_ =	sdelay $0x4  }
0x57: {  	v0 =	vpop (erf)  }
0x58: {  	v1 =	vpop (erf);
	[tilespmem:$0x400] =	vst v0  }
0x59: {  	v0 =	vpop (erf);
	[tilespmem:$0x410] =	vst v1  }
0x5a: {  	v1 =	vpop (erf);
	[tilespmem:$0x420] =	vst v0  }
0x5b: {  	[tilespmem:$0x430] =	vst v1;
	v0 =	vpop (erf)  }
0x5c: {  	s25 =	smul.u32 $0xA0, s24;
	[tilespmem:$0x440] =	vst v0  }
0x5d: {  	[spmem:s3] =	stream.indirect.scatter.add.f32 [tilespmem:s1], [sflag:$0x7], $0x1, s23, s26, $0xb8;
	[tilespmem:$0x1B6F8] =	vst v63  }
0x5e: {  	s4 =	sadd.s32 s25, s14;
	_ =	swait.ge [sflag:s22], $0x50  }
0x5f: {  	s4 =	sshrl.u32 s4, $0x3;
	[sflag:s22] =	ssyncset.done $0x0  }
0x60: {  	s28 =	simm.s32 $0x0;
	s21 =	sadd.s32 s5, s4;
	[sflag:s22] =	ssyncadd.s32 $0xFFFFFFB0  }
0x61: {  	[tilespmem:s8], [sflag:$0x7] =	stream.linear.gather [hbm4b:s21+s28], $0x50, $0x38;
	[tilespmem:$0x1B6F8] =	vst v63  }
0x62: {  	_ =	swait.ge [sflag:s22], $0x50  }
0x63: {  	[sflag:s22] =	ssyncset.done $0x0  }
0x64: {  	s4 =	sadd.s32 s6, s4;
	[sflag:s22] =	ssyncadd.s32 $0xFFFFFFB0  }
0x65: {  	[tilespmem:s11], [sflag:$0x7] =	stream.linear.gather [hbm4b:s4+s28], $0x50, $0x38;
	[tilespmem:$0x1B6F8] =	vst v63  }
0x66: {  	_ =	swait.ge [sflag:s22], $0x50  }
0x67: {  	[sflag:s22] =	ssyncset.done $0x0  }
0x68: {  	[sflag:s22] =	ssyncadd.s32 $0xFFFFFFB0  }
0x69: {  	[tilespmem:s12], [sflag:$0x2] =	stream.indirect.gather [hbm4b:s7+s26], $0x1, s8, s26, $0xb8;
	[tilespmem:$0x1B6F8] =	vst v63  }
0x6a: {  	_ = 	snop  }
0x6b: {  	[tilespmem:s13], [sflag:$0x4] =	stream.indirect.gather [hbm4b:s9+s26], $0x1, s11, s26, $0xb8;
	[tilespmem:$0x1B6F8] =	vst v63  }
0x6c: {  	_ = 	snop  }
0x6d: {  	[tilespmem:s16], [sflag:$0x6] =	stream.indirect.gather [hbm4b:s10+s26], $0x80, s8, s26, $0xb8;
	[tilespmem:$0x1B6F8] =	vst v63  }
0x6e: {  	_ =	swait.ge [sflag:s17], $0x2800  }
0x6f: {  	v0 =	vmov s28;
	[sflag:s17] =	ssyncset.done $0x0  }
0x70: {  	s4 =	simm.s32 $0x4C0;
	[sflag:s17] =	ssyncadd.s32 $0xFFFFD800  }
0x71: {  	v4 =	vld [tilespmem:s4+$0x30]  }
0x72: {  	v7 =	vld [tilespmem:s4+$0x10]  }
0x73: {  	v5 =	vld [tilespmem:s4+$0xFFFFFFC0]  }
0x74: {  	v1 =	vld.idx.msk [tilespmem:v0+s1+$0x0], $0xffff  }
0x75: {  	v9 =	vld [tilespmem:s4+$0xFFFFFFE0]  }
0x76: {  	v0 =	vld [tilespmem:s4+$0xFFFFFFF0]  }
0x77: {  	v2 =	vld [tilespmem:s4+$0x20]  }
0x78: {  	v3 =	vld [tilespmem:s4+$0xFFFFFFD0]  }
0x79: {  	v8 =	vmul.f32 v4, v1;
	v4 =	vld [tilespmem:s4+$0x0]  }
0x7a: {  	v6 =	vmul.f32 v5, v1  }
0x7b: {  	s21 =	simm.s32 $0x1;
	s28 =	simm.s32 $0x4C0;
	v5 =	vmul.f32 v9, v1;
	v7 =	vmul.f32 v7, v1  }
.LBB2_3:
0x7c: {  	p3 =	sne.s32 s21, $0x4F  }
0x7d: {  	v3 =	vmul.f32 v3, v1;
	v2 =	vmul.f32 v2, v1;
	[tilespmem:s4+$0x30] =	vst v8;
	s28 =	sadd.s32 $0x80, s28;
	s29 =	smov.u32 s21;
	s21 =	sadd.s32 $0x1, s21  }
0x7e: {  	[tilespmem:s4+$0xFFFFFFC0] =	vst v6;
	v6 =	vmul.f32 v0, v1;
	v1 =	vmul.f32 v4, v1  }
0x7f: {  	[tilespmem:s4+$0x10] =	vst v7  }
0x80: {  	v4 =	vmov s29;
	[tilespmem:s4+$0xFFFFFFE0] =	vst v5  }
0x81: {  	v0 =	vld [tilespmem:s28+$0xFFFFFFF0];
	[tilespmem:s4+$0xFFFFFFF0] =	vst v6  }
0x82: {  	v5 =	vld [tilespmem:s28+$0x30];
	[tilespmem:s4+$0x0] =	vst v1  }
0x83: {  	v7 =	vld [tilespmem:s28+$0x10];
	[tilespmem:s4+$0x20] =	vst v2  }
0x84: {  	v6 =	vld [tilespmem:s28+$0xFFFFFFC0];
	[tilespmem:s4+$0xFFFFFFD0] =	vst v3;
	s4 =	smov.u32 s28  }
0x85: {  	v1 =	vld.idx.msk [tilespmem:v4+s1+$0x0], $0xffff  }
0x86: {  	v9 =	vld [tilespmem:s28+$0xFFFFFFE0]  }
0x87: {  	v2 =	vld [tilespmem:s28+$0x20]  }
.Ltmp0:
0x88: {  	v3 =	vld [tilespmem:s28+$0xFFFFFFD0];
	(pc) =	sbr.rel @p3 .LBB2_3-.Ltmp0, $3  }
0x89: {  	v4 =	vld [tilespmem:s28+$0x0];
	_ =	sdelay $0x1  }
0x8a: {  	v6 =	vmul.f32 v6, v1;
	v8 =	vmul.f32 v5, v1  }
0x8b: {  	v7 =	vmul.f32 v7, v1;
	v5 =	vmul.f32 v9, v1  }
0x8c: {  	[tilespmem:s4+$0x30] =	vst v8  }
0x8d: {  	[tilespmem:s4+$0xFFFFFFC0] =	vst v6  }
0x8e: {  	v0 =	vmul.f32 v0, v1;
	[tilespmem:s4+$0x10] =	vst v7  }
0x8f: {  	v2 =	vmul.f32 v2, v1;
	[tilespmem:s4+$0xFFFFFFE0] =	vst v5  }
0x90: {  	v4 =	vmul.f32 v4, v1;
	[tilespmem:s4+$0xFFFFFFF0] =	vst v0  }
0x91: {  	v0 =	vmul.f32 v3, v1;
	[tilespmem:s4+$0x20] =	vst v2  }
0x92: {  	[tilespmem:s4+$0x0] =	vst v4  }
0x93: {  	[tilespmem:s4+$0xFFFFFFD0] =	vst v0  }
0x94: {  	[spmem:s2] =	stream.indirect.scatter.add.f32 [tilespmem:s30], [sflag:$0x7], $0x80, s23, s26, $0xb8;
	[tilespmem:$0x1B6F8] =	vst v63  }
0x95: {  	_ =	swait.ge [sflag:s22], $0x2800  }
0x96: {  	[sflag:s22] =	ssyncset.done $0x0  }
0x97: {  	[sflag:s22] =	ssyncadd.s32 $0xFFFFD800  }
0x98: {  	_ =	swait.ge [sflag:s18], $0x50  }
0x99: {  	[sflag:s18] =	ssyncset.done $0x0  }
0x9a: {  	[sflag:s18] =	ssyncadd.s32 $0xFFFFFFB0  }
0x9b: {  	_ =	swait.ge [sflag:s19], $0x50  }
0x9c: {  	[sflag:s19] =	ssyncset.done $0x0  }
0x9d: {  	[sflag:s19] =	ssyncadd.s32 $0xFFFFFFB0  }
0x9e: {  	v0 =	vld [tilespmem:$0x280]  }
0x9f: {  	v1 =	vld [tilespmem:$0x380]  }
0xa0: {  	v2 =	vld [tilespmem:$0x290]  }
0xa1: {  	v3 =	vld [tilespmem:$0x390]  }
0xa2: {  	v4 =	vld [tilespmem:$0x2A0]  }
0xa3: {  	v5 =	vld [tilespmem:$0x3A0]  }
0xa4: {  	v6 =	vld [tilespmem:$0x2B0]  }
0xa5: {  	v7 =	vld [tilespmem:$0x3B0]  }
0xa6: {  	v8 =	vld [tilespmem:$0x2C0]  }
0xa7: {  	v9 =	vld [tilespmem:$0x3C0]  }
0xa8: {  	v0 =	vadd.f32 v1, v0  }
0xa9: {  	v1 =	vadd.f32 v3, v2  }
0xaa: {  	v3 =	vadd.f32 v5, v4;
	v2 =	vmul.f32 $2.000000030e-01, v0  }
0xab: {  	v5 =	vadd.f32 v7, v6;
	v4 =	vmul.f32 $2.000000030e-01, v1  }
0xac: {  	v6 =	vadd.f32 v9, v8;
	v0 =	vmax.f32 v0, v2;
	v2 =	vmul.f32 $2.000000030e-01, v3  }
0xad: {  	v1 =	vmax.f32 v1, v4;
	v4 =	vmul.f32 $2.000000030e-01, v5;
	v0 =	vmul.f32 $1.442695020e+00, v0  }
0xae: {  	v1 =	vmul.f32 $1.442695020e+00, v1;
	v2 =	vmax.f32 v3, v2;
	v3 =	vmul.f32 $2.000000030e-01, v6  }
0xaf: {  	(erf) = vpow2.f32 v0;
	v0 =	vmul.f32 $1.442695020e+00, v2;
	v2 =	vmax.f32 v5, v4  }
0xb0: {  	(erf) = vpow2.f32 v1;
	v1 =	vmul.f32 $1.442695020e+00, v2;
	v2 =	vmax.f32 v6, v3  }
0xb1: {  	(erf) = vpow2.f32 v0;
	v0 =	vmul.f32 $1.442695020e+00, v2  }
0xb2: {  	(erf) = vpow2.f32 v1  }
0xb3: {  	(erf) = vpow2.f32 v0;
	_ =	sdelay $0x4  }
0xb4: {  	v0 =	vpop (erf)  }
0xb5: {  	v1 =	vpop (erf);
	[tilespmem:$0x400] =	vst v0  }
0xb6: {  	v0 =	vpop (erf);
	[tilespmem:$0x410] =	vst v1  }
0xb7: {  	v1 =	vpop (erf);
	[tilespmem:$0x420] =	vst v0  }
0xb8: {  	[tilespmem:$0x430] =	vst v1;
	v0 =	vpop (erf)  }
0xb9: {  	[tilespmem:$0x440] =	vst v0  }
0xba: {  	[spmem:s3] =	stream.indirect.scatter.add.f32 [tilespmem:s1], [sflag:$0x7], $0x1, s11, s26, $0xb8;
	[tilespmem:$0x1B6F8] =	vst v63  }
0xbb: {  	s25 =	sadd.s32 s25, s15;
	_ =	swait.ge [sflag:s22], $0x50  }
0xbc: {  	s4 =	sshrl.u32 s25, $0x3;
	[sflag:s22] =	ssyncset.done $0x0  }
0xbd: {  	s25 =	simm.s32 $0x0;
	s21 =	sadd.s32 s5, s4;
	[sflag:s22] =	ssyncadd.s32 $0xFFFFFFB0  }
0xbe: {  	[tilespmem:s25], [sflag:$0x7] =	stream.linear.gather [hbm4b:s21+s25], $0x50, $0x38;
	[tilespmem:$0x1B6F8] =	vst v63  }
0xbf: {  	_ =	swait.ge [sflag:s22], $0x50  }
0xc0: {  	[sflag:s22] =	ssyncset.done $0x0  }
0xc1: {  	s4 =	sadd.s32 s6, s4;
	[sflag:s22] =	ssyncadd.s32 $0xFFFFFFB0  }
0xc2: {  	[tilespmem:s23], [sflag:$0x7] =	stream.linear.gather [hbm4b:s4+s25], $0x50, $0x38;
	[tilespmem:$0x1B6F8] =	vst v63  }
0xc3: {  	_ =	swait.ge [sflag:s22], $0x50  }
0xc4: {  	[sflag:s22] =	ssyncset.done $0x0  }
0xc5: {  	s28 =	simm.s32 $0x200;
	[sflag:s22] =	ssyncadd.s32 $0xFFFFFFB0  }
0xc6: {  	[tilespmem:s28], [sflag:$0x1] =	stream.indirect.gather [hbm4b:s7+s26], $0x1, s25, s26, $0xb8;
	[tilespmem:$0x1B6F8] =	vst v63  }
0xc7: {  	s29 =	simm.s32 $0x300  }
0xc8: {  	[tilespmem:s29], [sflag:$0x3] =	stream.indirect.gather [hbm4b:s9+s26], $0x1, s23, s26, $0xb8;
	[tilespmem:$0x1B6F8] =	vst v63  }
0xc9: {  	_ = 	snop  }
0xca: {  	[tilespmem:s30], [sflag:$0x5] =	stream.indirect.gather [hbm4b:s10+s26], $0x80, s25, s26, $0xb8;
	[tilespmem:$0x1B6F8] =	vst v63  }
0xcb: {  	_ =	swait.ge [sflag:s20], $0x2800  }
0xcc: {  	v0 =	vmov s25;
	[sflag:s20] =	ssyncset.done $0x0  }
0xcd: {  	s4 =	simm.s32 $0x2CC0;
	[sflag:s20] =	ssyncadd.s32 $0xFFFFD800  }
0xce: {  	v4 =	vld [tilespmem:s4+$0x30]  }
0xcf: {  	v7 =	vld [tilespmem:s4+$0x10]  }
0xd0: {  	v5 =	vld [tilespmem:s4+$0xFFFFFFC0]  }
0xd1: {  	v1 =	vld.idx.msk [tilespmem:v0+s1+$0x0], $0xffff  }
0xd2: {  	v9 =	vld [tilespmem:s4+$0xFFFFFFE0]  }
0xd3: {  	v0 =	vld [tilespmem:s4+$0xFFFFFFF0]  }
0xd4: {  	v2 =	vld [tilespmem:s4+$0x20]  }
0xd5: {  	v3 =	vld [tilespmem:s4+$0xFFFFFFD0]  }
0xd6: {  	v8 =	vmul.f32 v4, v1;
	v4 =	vld [tilespmem:s4+$0x0]  }
0xd7: {  	v6 =	vmul.f32 v5, v1  }
0xd8: {  	s21 =	simm.s32 $0x1;
	s25 =	simm.s32 $0x2CC0;
	v5 =	vmul.f32 v9, v1;
	v7 =	vmul.f32 v7, v1  }
.LBB2_5:
0xd9: {  	p3 =	sne.s32 s21, $0x4F  }
0xda: {  	v3 =	vmul.f32 v3, v1;
	v2 =	vmul.f32 v2, v1;
	[tilespmem:s4+$0x30] =	vst v8;
	s25 =	sadd.s32 $0x80, s25;
	s28 =	smov.u32 s21;
	s21 =	sadd.s32 $0x1, s21  }
0xdb: {  	[tilespmem:s4+$0xFFFFFFC0] =	vst v6;
	v6 =	vmul.f32 v0, v1;
	v1 =	vmul.f32 v4, v1  }
0xdc: {  	[tilespmem:s4+$0x10] =	vst v7  }
0xdd: {  	v4 =	vmov s28;
	[tilespmem:s4+$0xFFFFFFE0] =	vst v5  }
0xde: {  	v0 =	vld [tilespmem:s25+$0xFFFFFFF0];
	[tilespmem:s4+$0xFFFFFFF0] =	vst v6  }
0xdf: {  	v5 =	vld [tilespmem:s25+$0x30];
	[tilespmem:s4+$0x0] =	vst v1  }
0xe0: {  	v7 =	vld [tilespmem:s25+$0x10];
	[tilespmem:s4+$0x20] =	vst v2  }
0xe1: {  	v6 =	vld [tilespmem:s25+$0xFFFFFFC0];
	[tilespmem:s4+$0xFFFFFFD0] =	vst v3;
	s4 =	smov.u32 s25  }
0xe2: {  	v1 =	vld.idx.msk [tilespmem:v4+s1+$0x0], $0xffff  }
0xe3: {  	v9 =	vld [tilespmem:s25+$0xFFFFFFE0]  }
0xe4: {  	v2 =	vld [tilespmem:s25+$0x20]  }
.Ltmp1:
0xe5: {  	v3 =	vld [tilespmem:s25+$0xFFFFFFD0];
	(pc) =	sbr.rel @p3 .LBB2_5-.Ltmp1, $3  }
0xe6: {  	v4 =	vld [tilespmem:s25+$0x0];
	_ =	sdelay $0x1  }
0xe7: {  	v6 =	vmul.f32 v6, v1;
	v8 =	vmul.f32 v5, v1  }
0xe8: {  	v7 =	vmul.f32 v7, v1;
	v5 =	vmul.f32 v9, v1  }
0xe9: {  	[tilespmem:s4+$0x30] =	vst v8  }
0xea: {  	[tilespmem:s4+$0xFFFFFFC0] =	vst v6  }
0xeb: {  	v0 =	vmul.f32 v0, v1;
	[tilespmem:s4+$0x10] =	vst v7  }
0xec: {  	v2 =	vmul.f32 v2, v1;
	[tilespmem:s4+$0xFFFFFFE0] =	vst v5  }
0xed: {  	v63 =	vmul.f32 v3, v1;
	[tilespmem:s4+$0xFFFFFFF0] =	vst v0  }
0xee: {  	s24 =	sadd.s32 $0x1, s24;
	v4 =	vmul.f32 v4, v1;
	[tilespmem:s4+$0x20] =	vst v2  }
0xef: {  	p3 =	sne.s32 s24, $0x3E;
	[tilespmem:s4+$0xFFFFFFD0] =	vst v63  }
.Ltmp2:
0xf0: {  	[tilespmem:s4+$0x0] =	vst v4;
	(pc) =	sbr.rel @p3 .LBB2_2-.Ltmp2, $4  }
0xf1: {  	[spmem:s2] =	stream.indirect.scatter.add.f32 [tilespmem:s16], [sflag:$0x7], $0x80, s11, s26, $0xb8;
	[tilespmem:$0x1B6F8] =	vst v63  }
0xf2: {  	_ =	swait.ge [sflag:s22], $0x2800  }
0xf3: {  	[sflag:s22] =	ssyncset.done $0x0  }
0xf4: {  	[sflag:s22] =	ssyncadd.s32 $0xFFFFD800  }
0xf5: {  	_ =	swait.ge [sflag:s31], $0x50  }
0xf6: {  	[sflag:s31] =	ssyncset.done $0x0  }
0xf7: {  	[sflag:s31] =	ssyncadd.s32 $0xFFFFFFB0  }
0xf8: {  	_ =	swait.ge [sflag:s0], $0x50  }
0xf9: {  	[sflag:s0] =	ssyncset.done $0x0  }
0xfa: {  	[sflag:s0] =	ssyncadd.s32 $0xFFFFFFB0  }
0xfb: {  	v0 =	vld [tilespmem:$0x200]  }
0xfc: {  	v1 =	vld [tilespmem:$0x300]  }
0xfd: {  	v2 =	vld [tilespmem:$0x210]  }
0xfe: {  	v3 =	vld [tilespmem:$0x310]  }
0xff: {  	v4 =	vld [tilespmem:$0x220]  }
0x100: {  	v5 =	vld [tilespmem:$0x320]  }
0x101: {  	v6 =	vld [tilespmem:$0x230]  }
0x102: {  	v7 =	vld [tilespmem:$0x330]  }
0x103: {  	v8 =	vld [tilespmem:$0x240]  }
0x104: {  	v9 =	vld [tilespmem:$0x340]  }
0x105: {  	v0 =	vadd.f32 v1, v0  }
0x106: {  	v1 =	vadd.f32 v3, v2  }
0x107: {  	v3 =	vadd.f32 v5, v4;
	v2 =	vmul.f32 $2.000000030e-01, v0  }
0x108: {  	v5 =	vadd.f32 v7, v6;
	v4 =	vmul.f32 $2.000000030e-01, v1  }
0x109: {  	v6 =	vadd.f32 v9, v8;
	v0 =	vmax.f32 v0, v2;
	v2 =	vmul.f32 $2.000000030e-01, v3  }
0x10a: {  	v1 =	vmax.f32 v1, v4;
	v4 =	vmul.f32 $2.000000030e-01, v5;
	v0 =	vmul.f32 $1.442695020e+00, v0  }
0x10b: {  	v1 =	vmul.f32 $1.442695020e+00, v1;
	v2 =	vmax.f32 v3, v2;
	v3 =	vmul.f32 $2.000000030e-01, v6  }
0x10c: {  	(erf) = vpow2.f32 v0;
	v0 =	vmul.f32 $1.442695020e+00, v2;
	v2 =	vmax.f32 v5, v4  }
0x10d: {  	(erf) = vpow2.f32 v1;
	v1 =	vmul.f32 $1.442695020e+00, v2;
	v2 =	vmax.f32 v6, v3  }
0x10e: {  	(erf) = vpow2.f32 v0;
	v0 =	vmul.f32 $1.442695020e+00, v2  }
0x10f: {  	(erf) = vpow2.f32 v1  }
0x110: {  	(erf) = vpow2.f32 v0;
	_ =	sdelay $0x4  }
0x111: {  	v0 =	vpop (erf)  }
0x112: {  	v1 =	vpop (erf);
	[tilespmem:$0x400] =	vst v0  }
0x113: {  	v0 =	vpop (erf);
	[tilespmem:$0x410] =	vst v1  }
0x114: {  	v1 =	vpop (erf);
	[tilespmem:$0x420] =	vst v0  }
0x115: {  	[tilespmem:$0x430] =	vst v1;
	v0 =	vpop (erf)  }
0x116: {  	[tilespmem:$0x440] =	vst v0  }
0x117: {  	[spmem:s3] =	stream.indirect.scatter.add.f32 [tilespmem:s1], [sflag:$0x7], $0x1, s23, s26, $0xb8;
	[tilespmem:$0x1B6F8] =	vst v63  }
0x118: {  	_ =	swait.ge [sflag:s22], $0x50  }
0x119: {  	[sflag:s22] =	ssyncset.done $0x0  }
0x11a: {  	s4 =	simm.s32 $0x0;
	s21 =	rddreg [dreg:$0x8];
	[sflag:s22] =	ssyncadd.s32 $0xFFFFFFB0  }
0x11b: {  	[tilespmem:s8], [sflag:$0x7] =	stream.linear.gather [hbm4b:s21+s4], $0x50, $0x38;
	[tilespmem:$0x1B6F8] =	vst v63  }
0x11c: {  	_ =	swait.ge [sflag:s22], $0x50  }
0x11d: {  	[sflag:s22] =	ssyncset.done $0x0  }
0x11e: {  	s29 =	rddreg [dreg:$0x9];
	[sflag:s22] =	ssyncadd.s32 $0xFFFFFFB0  }
0x11f: {  	[tilespmem:s11], [sflag:$0x7] =	stream.linear.gather [hbm4b:s29+s4], $0x50, $0x38;
	[tilespmem:$0x1B6F8] =	vst v63  }
0x120: {  	_ =	swait.ge [sflag:s22], $0x50  }
0x121: {  	[sflag:s22] =	ssyncset.done $0x0  }
0x122: {  	[sflag:s22] =	ssyncadd.s32 $0xFFFFFFB0  }
0x123: {  	[tilespmem:s12], [sflag:$0x2] =	stream.indirect.gather [hbm4b:s7+s26], $0x1, s8, s26, $0xb8;
	[tilespmem:$0x1B6F8] =	vst v63  }
0x124: {  	_ = 	snop  }
0x125: {  	[tilespmem:s13], [sflag:$0x4] =	stream.indirect.gather [hbm4b:s9+s26], $0x1, s11, s26, $0xb8;
	[tilespmem:$0x1B6F8] =	vst v63  }
0x126: {  	_ = 	snop  }
0x127: {  	[tilespmem:s16], [sflag:$0x6] =	stream.indirect.gather [hbm4b:s10+s26], $0x80, s8, s26, $0xb8;
	[tilespmem:$0x1B6F8] =	vst v63  }
0x128: {  	_ =	swait.ge [sflag:s17], $0x2800  }
0x129: {  	v0 =	vmov s4;
	[sflag:s17] =	ssyncset.done $0x0  }
0x12a: {  	s4 =	simm.s32 $0x4C0;
	[sflag:s17] =	ssyncadd.s32 $0xFFFFD800  }
0x12b: {  	v4 =	vld [tilespmem:s4+$0x30]  }
0x12c: {  	v7 =	vld [tilespmem:s4+$0x10]  }
0x12d: {  	v5 =	vld [tilespmem:s4+$0xFFFFFFC0]  }
0x12e: {  	v1 =	vld.idx.msk [tilespmem:v0+s1+$0x0], $0xffff  }
0x12f: {  	v9 =	vld [tilespmem:s4+$0xFFFFFFE0]  }
0x130: {  	v0 =	vld [tilespmem:s4+$0xFFFFFFF0]  }
0x131: {  	v2 =	vld [tilespmem:s4+$0x20]  }
0x132: {  	v3 =	vld [tilespmem:s4+$0xFFFFFFD0]  }
0x133: {  	v8 =	vmul.f32 v4, v1;
	v4 =	vld [tilespmem:s4+$0x0]  }
0x134: {  	v6 =	vmul.f32 v5, v1  }
0x135: {  	s24 =	simm.s32 $0x4C0;
	s21 =	simm.s32 $0x1;
	v5 =	vmul.f32 v9, v1;
	v7 =	vmul.f32 v7, v1  }
.LBB2_8:
0x136: {  	p3 =	sne.s32 s21, $0x4F  }
0x137: {  	v3 =	vmul.f32 v3, v1;
	v2 =	vmul.f32 v2, v1;
	[tilespmem:s4+$0x30] =	vst v8;
	s24 =	sadd.s32 $0x80, s24;
	s25 =	smov.u32 s21;
	s21 =	sadd.s32 $0x1, s21  }
0x138: {  	[tilespmem:s4+$0xFFFFFFC0] =	vst v6;
	v6 =	vmul.f32 v0, v1;
	v1 =	vmul.f32 v4, v1  }
0x139: {  	[tilespmem:s4+$0x10] =	vst v7  }
0x13a: {  	v4 =	vmov s25;
	[tilespmem:s4+$0xFFFFFFE0] =	vst v5  }
0x13b: {  	v0 =	vld [tilespmem:s24+$0xFFFFFFF0];
	[tilespmem:s4+$0xFFFFFFF0] =	vst v6  }
0x13c: {  	v5 =	vld [tilespmem:s24+$0x30];
	[tilespmem:s4+$0x0] =	vst v1  }
0x13d: {  	v7 =	vld [tilespmem:s24+$0x10];
	[tilespmem:s4+$0x20] =	vst v2  }
0x13e: {  	v6 =	vld [tilespmem:s24+$0xFFFFFFC0];
	[tilespmem:s4+$0xFFFFFFD0] =	vst v3;
	s4 =	smov.u32 s24  }
0x13f: {  	v1 =	vld.idx.msk [tilespmem:v4+s1+$0x0], $0xffff  }
0x140: {  	v9 =	vld [tilespmem:s24+$0xFFFFFFE0]  }
0x141: {  	v2 =	vld [tilespmem:s24+$0x20]  }
.Ltmp3:
0x142: {  	v3 =	vld [tilespmem:s24+$0xFFFFFFD0];
	(pc) =	sbr.rel @p3 .LBB2_8-.Ltmp3, $3  }
0x143: {  	v4 =	vld [tilespmem:s24+$0x0];
	_ =	sdelay $0x1  }
0x144: {  	v6 =	vmul.f32 v6, v1;
	v8 =	vmul.f32 v5, v1  }
0x145: {  	v7 =	vmul.f32 v7, v1;
	v5 =	vmul.f32 v9, v1  }
0x146: {  	[tilespmem:s4+$0x30] =	vst v8  }
0x147: {  	[tilespmem:s4+$0xFFFFFFC0] =	vst v6  }
0x148: {  	v0 =	vmul.f32 v0, v1;
	[tilespmem:s4+$0x10] =	vst v7  }
0x149: {  	v2 =	vmul.f32 v2, v1;
	[tilespmem:s4+$0xFFFFFFE0] =	vst v5  }
0x14a: {  	v63 =	vmul.f32 v3, v1;
	[tilespmem:s4+$0xFFFFFFF0] =	vst v0  }
0x14b: {  	v4 =	vmul.f32 v4, v1;
	[tilespmem:s4+$0x20] =	vst v2  }
0x14c: {  	[tilespmem:s4+$0xFFFFFFD0] =	vst v63  }
0x14d: {  	[tilespmem:s4+$0x0] =	vst v4  }
0x14e: {  	[spmem:s2] =	stream.indirect.scatter.add.f32 [tilespmem:s30], [sflag:$0x7], $0x80, s23, s26, $0xb8;
	[tilespmem:$0x1B6F8] =	vst v63  }
0x14f: {  	_ =	swait.ge [sflag:s22], $0x2800  }
0x150: {  	[sflag:s22] =	ssyncset.done $0x0  }
0x151: {  	[sflag:s22] =	ssyncadd.s32 $0xFFFFD800  }
0x152: {  	_ =	swait.ge [sflag:s18], $0x50  }
0x153: {  	[sflag:s18] =	ssyncset.done $0x0  }
0x154: {  	[sflag:s18] =	ssyncadd.s32 $0xFFFFFFB0  }
0x155: {  	_ =	swait.ge [sflag:s19], $0x50  }
0x156: {  	[sflag:s19] =	ssyncset.done $0x0  }
0x157: {  	[sflag:s19] =	ssyncadd.s32 $0xFFFFFFB0  }
0x158: {  	_ =	swait.ge [sflag:s20], $0x2800  }
0x159: {  	[sflag:s20] =	ssyncset.done $0x0  }
0x15a: {  	[sflag:s20] =	ssyncadd.s32 $0xFFFFD800  }
0x15b: {  	s4 =	stileid.u32;
	[bflag:$0x0] =	sbarrier.arrive $0xFFFF  }
0x15c: {  	s4 =	sshll.u32 @p1 s4, $0x6;
	s21 =	rddreg [dreg:$0xa]  }
0x15d: {  	s4 =	sor.u32 @p1 $0x1C07, s4;
	s24 =	rddreg [dreg:$0xe]  }
0x15e: {  	[hbm:s21], [sflag:s4] =	dma.local @p1 [spmem:s24], $0x2780  }
0x15f: {  	s4 =	simm.s32 @p1 $0x7  }
0x160: {  	_ =	swait.ge @p1 [sflag:s4], $0x2780  }
0x161: {  	[sflag:s4] =	ssyncset.done @p1 $0x0  }
0x162: {  	s21 =	simm.s32 @!p2 $0x7;
	[sflag:s4] =	ssyncadd.s32 @p1 $0xFFFFD880;
	s4 =	simm.s32 @!p2 $0x5480  }
0x163: {  	[tilespmem:s4], [sflag:$0x7] =	stream.linear.gather @!p2 [spmem:s3], $0x2780, $0x38;
	[tilespmem:$0x1B6F8] =	vst v63  }
0x164: {  	_ =	swait.ge @!p2 [sflag:s21], $0x2780  }
0x165: {  	[sflag:s21] =	ssyncset.done @!p2 $0x0  }
0x166: {  	s24 =	simm.s32 @!p2 $0x0;
	s25 =	rddreg [dreg:$0xb];
	[sflag:s21] =	ssyncadd.s32 @!p2 $0xFFFFD880  }
0x167: {  	[hbm4b:s25+s24] =	stream.linear.scatter @!p2 [tilespmem:s4], [sflag:$0x7], $0x2710, $0x38;
	[tilespmem:$0x1B6F8] =	vst v63  }
0x168: {  	_ =	swait.ge @!p2 [sflag:s21], $0x2710  }
0x169: {  	[sflag:s21] =	ssyncset.done @!p2 $0x0;
	s24 =	rddreg [dreg:$0xf]  }
0x16a: {  	s4 =	simm.s32 @!p1 $0x1FC7;
	[sflag:s21] =	ssyncadd.s32 @!p2 $0xFFFFD8F0;
	s21 =	rddreg [dreg:$0xc]  }
0x16b: {  	[hbm:s21], [sflag:s4] =	dma.local @!p1 [spmem:s24], $0x2080  }
0x16c: {  	s4 =	simm.s32 @!p1 $0x7  }
0x16d: {  	_ =	swait.ge @!p1 [sflag:s4], $0x2080  }
0x16e: {  	s28 =	rddreg [dreg:$0x10]  }
0x16f: {  	s29 =	rddreg [dreg:$0xd];
	s24 =	sadd.s32 $0x1, s28  }
0x170: {  	p3 =	sne.s32 s24, s29  }
.Ltmp4:
0x171: {  	_ = 	snop;
	(pc) =	sbr.rel @p3 .LBB2_1-.Ltmp4, $3  }
0x172: {  	_ =	sdelay $0x1  }
0x173: {  	[sflag:s4] =	ssyncset.done @!p1 $0x0  }
0x174: {  	[sflag:s4] =	ssyncadd.s32 @!p1 $0xFFFFDF80  }
0x175: {  	_ =	sfence.sel $0x180000  }
0x176: {  	[bflag:$0x0] =	sbarrier.arrive $0xFFFF  }
0x177: {  	_ =	strace $0x9000004A  }
0x178: {  	[bflag:$0x2] =	sbarrier.arrive $0xFFFF  }
0x179: {  	s0 =	rddreg [dreg:$0x4]  }
0x17a: {  	s0 =	sadd.s32 @!p0 $0x100000, s0  }
0x17b: {  	[sflag:s0] =	ssyncadd.tile.s32 @!p0 $0x1;
	_ =	shalt  }
.Lfunc_end2:
_tile_overlayer_lowered:
.L_overlay_start_2:
0x17c: {  	(tag) =	ssettag $0x2  }
0x17d: {  	s0 =	rddreg [dreg:$0x0];
	s2 =	stileid.u32  }
0x17e: {  	s1 =	rddreg [dreg:$0x1];
	p0 =	sne.s32 s2, $0x0  }
0x17f: {  	s3 =	rddreg [dreg:$0x2];
	[bflag:$0x3] =	sbarrier.arrive $0xFFFF;
	s2 =	simm.s32 @!p0 $0x1C07  }
0x180: {  	[timem:s3], [sflag:s2] =	dma.local @!p0 [hbm:s0], s1  }
0x181: {  	s0 =	simm.s32 @!p0 $0x7  }
0x182: {  	_ =	swait.ge @!p0 [sflag:s0], s1  }
0x183: {  	s1 =	ssub.s32 @!p0 $0x0, s1;
	[sflag:s0] =	ssyncset.done @!p0 $0x0  }
0x184: {  	[sflag:s0] =	ssyncadd.s32 @!p0 s1  }
0x185: {  	[bflag:$0x3] =	sbarrier.arrive $0xFFFF  }
0x186: {  	_ =	shalt  }

// kernel: kernel.7.cloned.1.call-start
scs
__scs_entry_jumppad:
0x0: {  	(pc) =	sbr.rel $0x88, $3  }
0x1: {  	(tag) =	ssettag $0x0;
	lr =	simm.s32 $0x1  }
0x2: {  	[smem:$0x3F97] =	sst lr;
	_ =	strace $0xD0000000  }
0x3: {  	_ = 	snop  }
0x4: {  	_ = 	snop  }
0x5: {  	_ = 	snop  }
0x6: {  	_ = 	snop  }
0x7: {  	_ = 	snop  }
__scs_overlays_trampoline_lowered:
0x8: {  	[smem:$0x3FA6] =	sst s0  }
0x9: {  	[smem:$0x3FA7] =	sst s1  }
0xa: {  	[smem:$0x3FA8] =	sst s2  }
0xb: {  	[smem:$0x3FA9] =	sst s3  }
0xc: {  	[smem:$0x3FAA] =	sst s4  }
0xd: {  	[smem:$0x3FAB] =	sst s5  }
0xe: {  	[smem:$0x3FAC] =	sst s6  }
0xf: {  	[smem:$0x3FAD] =	sst s7  }
0x10: {  	[smem:$0x3FAE] =	sst s8  }
0x11: {  	[smem:$0x3FAF] =	sst s9;
	s0 =	simm.s32 @!p0 $0x0  }
0x12: {  	s1 =	sld [smem:$0x3F95];
	s0 =	simm.s32 @p0 $0x1  }
0x13: {  	[smem:$0x3FB0] =	sst s0;
	s0 =	simm.s32 @!p1 $0x0  }
0x14: {  	s2 =	sld [smem:$0x3F94];
	s0 =	simm.s32 @p1 $0x1  }
0x15: {  	[smem:$0x3FB1] =	sst s0;
	s0 =	simm.s32 @!p2 $0x0  }
0x16: {  	s3 =	sld [smem:$0x3FDB];
	s0 =	simm.s32 @p2 $0x1  }
0x17: {  	s4 =	simm.s32 $0x1BF5;
	[smem:$0x3FB3] =	sst s0  }
0x18: {  	s0 =	sld [smem:$0x3F96];
	_ =	swait.ge [sflag:s4], $0x0  }
0x19: {  	s7 =	sld [smem:$0x3F97]  }
0x1a: {  	s8 =	sadd.s32 $0xFFFFE003, lr  }
0x1b: {  	s9 =	sadd.s32 $0xFFFFFEF7, lr;
	s5 =	simm.s32 $0xFFFFFFFF;
	p2 =	slt.u32 s8, $0xFFFFF086  }
0x1c: {  	p1 =	slt.u32 s9, $0xF7A;
	s5 =	simm.s32 @!p2 $0x0  }
0x1d: {  	s5 =	simm.s32 @p1 $0x1;
	p0 =	seq.s32 s7, s2  }
0x1e: {  	s7 =	smul.u32 @!p0 $0xF7A, s2;
	p2 =	seq.s32 @!p0 s5, $0x0  }
0x1f: {  	s9 =	smul.u32 $0xF7A, s1;
	s8 =	simm.s32 @!p0 $0x1BF5;
	p2 =	por !p2, p0  }
0x20: {  	[sflag:s8] =	ssyncset.s32 @!p0 $0xFFFFF086;
	s6 =	sadd.s32 @!p0 s3, s7;
	s7 =	simm.s32 @!p0 $0x108  }
0x21: {  	s3 =	sadd.s32 s3, s9;
	s6 =	sadd.s32 @!p0 $0x88, s6;
	s7 =	simm.s32 @p2 $0x1082  }
0x22: {  	[simem:s7], [sflag:s8] =	dma.local @!p0 [hbm:s6], $0xF7A  }
0x23: {  	s9 =	sor.u32 $0xD0000000, s2;
	s6 =	simm.s32 $0x108;
	_ =	swait.ge @!p0 [sflag:s8], $0x0  }
0x24: {  	s3 =	sadd.s32 $0x88, s3;
	s6 =	simm.s32 @!p1 $0x1082;
	[sflag:s4] =	ssyncset.s32 $0xFFFFF086  }
0x25: {  	[simem:s6], [sflag:s4] =	dma.local [hbm:s3], $0xF7A  }
0x26: {  	[smem:$0x3F97] =	sst s1;
	(tag) =	ssettag s2;
	_ =	strace s9  }
0x27: {  	s1 =	sld [smem:$0x3FA7]  }
0x28: {  	s2 =	sld [smem:$0x3FA8]  }
0x29: {  	s4 =	sld [smem:$0x3FAA]  }
0x2a: {  	p0 =	seq.s32 s5, $0x0;
	s5 =	sld [smem:$0x3FAB]  }
0x2b: {  	s6 =	sld [smem:$0x3FAC]  }
0x2c: {  	s7 =	sld [smem:$0x3FAD]  }
0x2d: {  	s3 =	simm.s32 $0x108;
	s8 =	sld [smem:$0x3FAE]  }
0x2e: {  	s3 =	simm.s32 @!p0 $0x1082;
	s9 =	sld [smem:$0x3FAF]  }
0x2f: {  	lr =	sadd.s32 s0, s3;
	s0 =	sld [smem:$0x3FA6]  }
0x30: {  	s3 =	sld [smem:$0x3FA9]  }
0x31: {  	[smem:$0x3FB2] =	sst s10  }
0x32: {  	s10 =	sld [smem:$0x3FB0];
	_ =	sdelay $0x3  }
0x33: {  	p0 =	seq.s32 s10, $0x1;
	s10 =	sld [smem:$0x3FB2];
	_ =	sdelay $0x3  }
0x34: {  	[smem:$0x3FB2] =	sst s10  }
0x35: {  	s10 =	sld [smem:$0x3FB1];
	_ =	sdelay $0x3  }
0x36: {  	p1 =	seq.s32 s10, $0x1;
	s10 =	sld [smem:$0x3FB2];
	_ =	sdelay $0x3  }
0x37: {  	[smem:$0x3FB2] =	sst s10  }
0x38: {  	s10 =	sld [smem:$0x3FB3]  }
0x39: {  	_ = 	snop;
	(pc) =	sbr.ind lr, $3  }
0x3a: {  	_ = 	snop  }
0x3b: {  	_ = 	snop  }
0x3c: {  	p2 =	seq.s32 s10, $0x1;
	s10 =	sld [smem:$0x3FB2]  }
0x3d: {  	_ =	shalt  }
0x3e: {  	_ =	shalt  }
0x3f: {  	_ =	shalt  }
0x40: {  	_ =	shalt  }
0x41: {  	_ =	shalt  }
0x42: {  	_ =	shalt  }
0x43: {  	_ =	shalt  }
0x44: {  	_ =	shalt  }
0x45: {  	_ =	shalt  }
0x46: {  	_ =	shalt  }
0x47: {  	_ =	shalt  }
0x48: {  	_ =	shalt  }
0x49: {  	_ =	shalt  }
0x4a: {  	_ =	shalt  }
0x4b: {  	_ =	shalt  }
0x4c: {  	_ =	shalt  }
0x4d: {  	_ =	shalt  }
0x4e: {  	_ =	shalt  }
0x4f: {  	_ =	shalt  }
0x50: {  	_ =	shalt  }
0x51: {  	_ =	shalt  }
0x52: {  	_ =	shalt  }
0x53: {  	_ =	shalt  }
0x54: {  	_ =	shalt  }
0x55: {  	_ =	shalt  }
0x56: {  	_ =	shalt  }
0x57: {  	_ =	shalt  }
0x58: {  	_ =	shalt  }
0x59: {  	_ =	shalt  }
0x5a: {  	_ =	shalt  }
0x5b: {  	_ =	shalt  }
0x5c: {  	_ =	shalt  }
0x5d: {  	_ =	shalt  }
0x5e: {  	_ =	shalt  }
0x5f: {  	_ =	shalt  }
0x60: {  	_ =	shalt  }
0x61: {  	_ =	shalt  }
0x62: {  	_ =	shalt  }
0x63: {  	_ =	shalt  }
0x64: {  	_ =	shalt  }
0x65: {  	_ =	shalt  }
0x66: {  	_ =	shalt  }
0x67: {  	_ =	shalt  }
0x68: {  	_ =	shalt  }
0x69: {  	_ =	shalt  }
0x6a: {  	_ =	shalt  }
0x6b: {  	_ =	shalt  }
0x6c: {  	_ =	shalt  }
0x6d: {  	_ =	shalt  }
0x6e: {  	_ =	shalt  }
0x6f: {  	_ =	shalt  }
0x70: {  	_ =	shalt  }
0x71: {  	_ =	shalt  }
0x72: {  	_ =	shalt  }
0x73: {  	_ =	shalt  }
0x74: {  	_ =	shalt  }
0x75: {  	_ =	shalt  }
0x76: {  	_ =	shalt  }
0x77: {  	_ =	shalt  }
0x78: {  	_ =	shalt  }
0x79: {  	_ =	shalt  }
0x7a: {  	_ =	shalt  }
0x7b: {  	_ =	shalt  }
0x7c: {  	_ =	shalt  }
0x7d: {  	_ =	shalt  }
0x7e: {  	_ =	shalt  }
0x7f: {  	_ =	shalt  }
0x80: {  	_ =	shalt  }
0x81: {  	_ =	shalt  }
0x82: {  	_ =	shalt  }
0x83: {  	_ =	shalt  }
0x84: {  	_ =	shalt  }
0x85: {  	_ =	shalt  }
0x86: {  	_ =	shalt  }
0x87: {  	_ =	shalt  }
.Lfunc_end0:
.L_simem_size_0:
called_computation_lowered:
.L_overlay_start_0:
0x88: {  	s2 =	sld [smem:$0x3FD9]  }
0x89: {  	s3 =	sld [smem:$0x3FFE];
	_ =	sdelay $0x1  }
0x8a: {  	s1 =	srdreg.scid  }
0x8b: {  	s0 =	sand.u32 $0x1, s1  }
0x8c: {  	s17 =	sshll.u32 s0, $0xA;
	s2 =	sadd.s32 s3, s2  }
0x8d: {  	s2 =	sadd.s32 s2, s17  }
0x8e: {  	[smem:$0x3FBE] =	sst s2  }
0x8f: {  	_ = 	snop  }
0x90: {  	s2 =	sld [smem:$0x3FD0];
	(tm) =	ssettm $0x1  }
0x91: {  	s18 =	sld [smem:$0x3FFB];
	_ =	sdelay $0x3  }
0x92: {  	_ =	strace s18  }
0x93: {  	s3 =	sld [smem:$0x3FFC];
	_ =	sdelay $0x3  }
0x94: {  	_ =	strace s3  }
0x95: {  	s3 =	sld [smem:$0x3FFD];
	_ =	sdelay $0x3  }
0x96: {  	_ =	strace s3  }
0x97: {  	_ =	strace $0x8FFFFFFF  }
0x98: {  	s19 =	sld [smem:$0x3FDB];
	_ =	sdelay $0x1  }
0x99: {  	s4 =	simm.s32 $_scs_section_size  }
0x9a: {  	s5 =	simm.s32 $_size__tile_overlayer_lowered;
	s6 =	simm.s32 $_tile_overlayer_lowered  }
0x9b: {  	s22 =	simm.s32 $0x1BFF;
	s21 =	sshll.u32 s6, $0x1;
	s3 =	sadd.s32 s4, s19  }
0x9c: {  	s7 =	simm.s32 $0x0;
	s20 =	sshll.u32 s5, $0x1;
	s5 =	sadd.s32 s21, s3  }
0x9d: {  	[timem:s7], [sflag:s22] =	dma.local [hbm:s5], s20  }
0x9e: {  	_ =	swait.ge [sflag:s22], s20  }
0x9f: {  	s4 =	ssub.s32 $0x0, s20;
	[sflag:s22] =	ssyncset.done $0x0  }
0xa0: {  	[sflag:s22] =	ssyncadd.s32 s4;
	_ =	sdelay $0x1  }
0xa1: {  	s23 =	simm.s32 $0x1B8B  }
0xa2: {  	_ =	swait.ge [sflag:s23], $0x1  }
0xa3: {  	[sflag:s23] =	ssyncset.done $0x0  }
0xa4: {  	s25 =	simm.s32 $0x1B8E;
	s24 =	sld [smem:$0x3FFE];
	[sflag:s23] =	ssyncadd.s32 $0xFFFFFFFF  }
0xa5: {  	s26 =	simm.s32 $execute0_lowered;
	[smem:$0x3FD2] =	sst s25  }
0xa6: {  	s5 =	sshll.u32 s26, $0x1;
	_ =	strace $0x80000046;
	[dreg:$0x1] =	wrdreg $0xFFFFFFFF  }
0xa7: {  	s28 =	simm.s32 $_size_execute0_lowered;
	s3 =	sadd.s32 s3, s5;
	[dreg:$0x0] =	wrdreg $0x0  }
0xa8: {  	s5 =	sshll.u32 s28, $0x1;
	[dreg:$0x2] =	wrdreg s3  }
0xa9: {  	[dreg:$0x3] =	wrdreg s5  }
0xaa: {  	[dreg:$0x4] =	wrdreg $0xC0  }
0xab: {  	_ =	task [dreg:s7], $0x5FFFF  }
0xac: {  	[dreg:$0x1] =	wrdreg $0xFFFFFFFF  }
0xad: {  	[dreg:$0x0] =	wrdreg $0x60  }
0xae: {  	[dreg:$0x2] =	wrdreg s24  }
0xaf: {  	[dreg:$0x3] =	wrdreg s2  }
0xb0: {  	[dreg:$0x4] =	wrdreg $0x7E000  }
0xb1: {  	[dreg:$0x5] =	wrdreg $0x1B6800  }
0xb2: {  	[dreg:$0x6] =	wrdreg $0x1B8F80  }
0xb3: {  	[dreg:$0x7] =	wrdreg $0x9  }
0xb4: {  	_ =	task.clear_ibuf [dreg:s7], $0x8FFFF;
	_ =	strace $0x90000046  }
0xb5: {  	s29 =	simm.s32 $0x9;
	_ =	strace $0x80000048  }
0xb6: {  	_ =	swait.ge [sflag:s29], $0x1  }
0xb7: {  	[sflag:s29] =	ssyncadd.s32 $0xFFFFFFFF  }
0xb8: {  	_ =	strace $0x90000048  }
0xb9: {  	_ =	sfence  }
0xba: {  	s30 =	sld [smem:$0x0];
	_ =	sdelay $0x2  }
0xbb: {  	s31 =	sshll.u32 s1, $0xD;
	s1 =	sshrl.u32 s1, $0x2  }
0xbc: {  	s3 =	sand.u32 $0x4000, s31;
	s1 =	sadd.s32 s1, s30  }
0xbd: {  	s0 =	sor.u32 s3, s0;
	s1 =	sshll.u32 s1, $0x11  }
0xbe: {  	s0 =	sor.u32 s1, s0  }
0xbf: {  	s0 =	sadd.s32 $0x8F2B, s0  }
0xc0: {  	[sflag:s0] =	ssyncadd.remote.s32 $0x1  }
0xc1: {  	_ =	sfence.sel $0xFFFF  }
0xc2: {  	[dreg:$0x0] =	wrdreg $0xFFFFFFFF;
	(pc) =	sbr.abs _section_cstart, $3  }
0xc3: {  	[dreg:$0x1] =	wrdreg $0xFFFFFFFF  }
0xc4: {  	_ =	task.clear_ibuf [dreg:s7], $0x2FFFF;
	_ =	strace $0x9FFFFFFF  }
0xc5: {  	(tm) =	ssettm $0x7FFFFFFF  }
tec
execute0_lowered:
.L_overlay_start_1:
0x0: {  	(tag) =	ssettag $0x1  }
0x1: {  	s0 =	rddreg [dreg:$0x0]  }
0x2: {  	s2 =	rddreg [dreg:$0x2]  }
0x3: {  	s31 =	rddreg [dreg:$0x4]  }
0x4: {  	s1 =	simm.s32 $0x0;
	s24 =	srdreg.scid;
	s14 =	stileid.u32  }
0x5: {  	s28 =	simm.s32 $0x100;
	s29 =	simm.s32 $0x50;
	s30 =	simm.s32 $0x200  }
0x6: {  	[smem:$0x7FF] =	sst s1;
	s6 =	sadd.s32 $0xA600, s0;
	s7 =	sadd.s32 $0x800, s0  }
0x7: {  	s8 =	sadd.s32 $0xB0800, s0;
	s9 =	sadd.s32 $0xB1C00, s0;
	s10 =	sadd.s32 $0x14400, s0  }
0x8: {  	s3 =	sadd.s32 $0xB3000, s0;
	s1 =	sand.u32 $0x1, s24;
	s25 =	smul.u32 $0x4E20, s14  }
0x9: {  	s4 =	sadd.s32 $0xB4A00, s0;
	s13 =	smul.u32 $0x278, s14;
	s0 =	sadd.s32 $0xB3600, s0  }
0xa: {  	s15 =	smul.u32 $0x4F000, s14;
	p1 =	sne.s32 s14, $0xF;
	p0 =	sne.s32 s14, $0x0  }
0xb: {  	_ =	strace $0x80000047;
	[dreg:$0x6] =	wrdreg s3;
	s17 =	smul.u32 $0x4E20, s1  }
0xc: {  	s5 =	ssub.s32 $0x2, s1;
	s1 =	smul.u32 $0x271000, s1;
	p2 =	sne.s32 @p1 s14, $0x0  }
0xd: {  	s14 =	simm.s32 $0x4;
	s3 =	simm.s32 $0x6;
	s11 =	sshrl.u32 s5, $0x1  }
0xe: {  	s12 =	sshrl.u32 s25, $0x3;
	s22 =	sshrl.u32 s15, $0x2;
	p2 =	por p2, !p1  }
0xf: {  	s15 =	simm.s32 $0x680;
	s5 =	ssub.s32 s5, s11;
	s26 =	sadd.s32 s6, s12  }
0x10: {  	s12 =	sadd.s32 s7, s12;
	s16 =	sadd.s32 s13, s17;
	s21 =	sadd.s32 $0x2710, s17  }
0x11: {  	s18 =	sshrl.u32 s17, $0x3;
	s1 =	sshrl.u32 s1, $0x3;
	[dreg:$0x7] =	wrdreg s26  }
0x12: {  	s11 =	simm.s32 $0x600;
	[dreg:$0x8] =	wrdreg s12;
	s12 =	sshll.u32 s16, $0x4  }
0x13: {  	s13 =	sadd.s32 s13, s21;
	s1 =	sadd.s32 s4, s1;
	s20 =	sshrl.u32 s21, $0x3  }
0x14: {  	s26 =	sadd.s32 $0x128400, s2;
	s12 =	sadd.s32 s4, s12;
	s19 =	sshll.u32 s13, $0x4  }
0x15: {  	s23 =	sadd.s32 $0x25080, s1;
	s24 =	sadd.s32 $0x4C180, s1;
	[dreg:$0x11] =	wrdreg s26  }
0x16: {  	s26 =	simm.s32 $0x7;
	s1 =	simm.s32 $0x3;
	[dreg:$0x9] =	wrdreg s12  }
0x17: {  	s13 =	simm.s32 $0x2;
	s12 =	sadd.s32 s0, s18;
	[dreg:$0xe] =	wrdreg s23  }
0x18: {  	s4 =	sadd.s32 s4, s19;
	s0 =	sadd.s32 s0, s20;
	[dreg:$0xf] =	wrdreg s24  }
0x19: {  	s19 =	sadd.s32 $0x50, s25;
	s20 =	sadd.s32 $0xA0, s25;
	[dreg:$0xa] =	wrdreg s12  }
0x1a: {  	s25 =	smax.u32 s5, $0x1;
	s18 =	simm.s32 $0x180;
	[dreg:$0xb] =	wrdreg s4  }
0x1b: {  	s23 =	simm.s32 $0x280;
	s5 =	simm.s32 $0x0;
	[dreg:$0xc] =	wrdreg s0  }
0x1c: {  	s0 =	sadd.s32 s22, s2;
	[dreg:$0x10] =	wrdreg s25;
	s22 =	simm.s32 $0x1  }
0x1d: {  	v0 =	vmov s17;
	v1 =	vmov s21;
	s25 =	simm.s32 $0x2E80;
	s12 =	simm.s32 $0x5;
	[dreg:$0xd] =	wrdreg s0  }
.LBB2_1:
0x1e: {  	[dreg:$0x12] =	wrdreg s5  }
0x1f: {  	[bflag:$0x0] =	sbarrier.arrive @p0 $0xFFFF  }
0x20: {  	s21 =	rddreg [dreg:$0x3]  }
0x21: {  	s5 =	simm.s32 @!p0 $0x1C07;
	s0 =	rddreg [dreg:$0x6];
	s4 =	sshrl.u32 @!p0 s21, $0x3  }
0x22: {  	[spmem:s4], [sflag:s5] =	dma.local @!p0 [hbm:s0], $0x4F0  }
0x23: {  	s4 =	simm.s32 @!p0 $0x7  }
0x24: {  	_ =	swait.ge @!p0 [sflag:s4], $0x4F0  }
0x25: {  	[sflag:s4] =	ssyncset.done @!p0 $0x0  }
0x26: {  	s17 =	sshrl.u32 @!p0 s31, $0x3;
	[sflag:s4] =	ssyncadd.s32 @!p0 $0xFFFFFB10  }
0x27: {  	[spmem:s17], [sflag:s5] =	dma.local @!p0 [hbm:s0], $0x4F0  }
0x28: {  	_ =	swait.ge @!p0 [sflag:s4], $0x4F0  }
0x29: {  	[sflag:s4] =	ssyncset.done @!p0 $0x0  }
0x2a: {  	[sflag:s4] =	ssyncadd.s32 @!p0 $0xFFFFFB10  }
0x2b: {  	[bflag:$0x0] =	sbarrier.arrive @!p0 $0xFFFF  }
0x2c: {  	s17 =	sshrl.u32 @!p0 s2, $0x3;
	s0 =	rddreg [dreg:$0x1]  }
0x2d: {  	[spmem:s17], [sflag:s5] =	dma.local @!p0 [hbm:s0], $0x27100  }
0x2e: {  	_ =	swait.ge @!p0 [sflag:s4], $0x27100  }
0x2f: {  	[sflag:s4] =	ssyncset.done @!p0 $0x0  }
0x30: {  	[sflag:s4] =	ssyncadd.s32 @!p0 $0xFFFD8F00  }
0x31: {  	[bflag:$0x0] =	sbarrier.arrive $0xFFFF  }
0x32: {  	s16 =	smov.u32 s31;
	s24 =	simm.s32 $0x0;
	s31 =	rddreg [dreg:$0x7]  }
0x33: {  	[tilespmem:s24], [sflag:$0x7] =	stream.linear.gather [hbm4b:s31+s24], $0x50, $0x38;
	[tilespmem:$0x1BB70] =	vst v63  }
0x34: {  	_ =	swait.ge [sflag:s26], $0x50  }
0x35: {  	[sflag:s26] =	ssyncset.done $0x0  }
0x36: {  	s17 =	rddreg [dreg:$0x8];
	[sflag:s26] =	ssyncadd.s32 $0xFFFFFFB0  }
0x37: {  	[tilespmem:s28], [sflag:$0x7] =	stream.linear.gather [hbm4b:s17+s24], $0x50, $0x38;
	[tilespmem:$0x1BB70] =	vst v63  }
0x38: {  	_ =	swait.ge [sflag:s26], $0x50  }
0x39: {  	[sflag:s26] =	ssyncset.done $0x0  }
0x3a: {  	[sflag:s26] =	ssyncadd.s32 $0xFFFFFFB0  }
0x3b: {  	v2 =	vld [tilespmem:$0x0]  }
0x3c: {  	v3 =	vld [tilespmem:$0x100]  }
0x3d: {  	v4 =	vld [tilespmem:$0x10]  }
0x3e: {  	v5 =	vld [tilespmem:$0x110]  }
0x3f: {  	v6 =	vld [tilespmem:$0x20]  }
0x40: {  	v7 =	vld [tilespmem:$0x120];
	v2 =	vadd.s32 v0, v2  }
0x41: {  	[tilespmem:$0x200] =	vst v2;
	v2 =	vadd.s32 v0, v3;
	v3 =	vld [tilespmem:$0x30]  }
0x42: {  	v61 =	vld [tilespmem:$0x130];
	[tilespmem:$0x300] =	vst v2;
	v2 =	vadd.s32 v0, v4  }
0x43: {  	v62 =	vld [tilespmem:$0x40];
	[tilespmem:$0x210] =	vst v2;
	v2 =	vadd.s32 v0, v5  }
0x44: {  	v63 =	vld [tilespmem:$0x140];
	[tilespmem:$0x310] =	vst v2;
	v2 =	vadd.s32 v0, v6  }
0x45: {  	[tilespmem:$0x220] =	vst v2;
	v2 =	vadd.s32 v0, v7  }
0x46: {  	[tilespmem:$0x320] =	vst v2;
	v2 =	vadd.s32 v0, v3  }
0x47: {  	[tilespmem:$0x230] =	vst v2;
	v2 =	vadd.s32 v0, v61  }
0x48: {  	[tilespmem:$0x330] =	vst v2;
	v2 =	vadd.s32 v0, v62  }
0x49: {  	[tilespmem:$0x240] =	vst v2;
	v2 =	vadd.s32 v0, v63  }
0x4a: {  	s0 =	smov.u32 s21;
	s21 =	simm.s32 $0x400;
	[tilespmem:$0x340] =	vst v2  }
0x4b: {  	[tilespmem:s21], [sflag:$0x1] =	stream.indirect.gather [hbm4b:s8+s29], $0x1, s30, s29, $0xb8;
	[tilespmem:$0x1BB70] =	vst v63  }
0x4c: {  	s31 =	simm.s32 $0x500;
	s24 =	simm.s32 $0x300  }
0x4d: {  	[tilespmem:s31], [sflag:$0x3] =	stream.indirect.gather [hbm4b:s9+s29], $0x1, s24, s29, $0xb8;
	[tilespmem:$0x1BB70] =	vst v63  }
0x4e: {  	s4 =	simm.s32 $0x0  }
0x4f: {  	[tilespmem:s15], [sflag:$0x5] =	stream.indirect.gather [hbm4b:s10+s29], $0x80, s30, s29, $0xb8;
	[tilespmem:$0x1BB70] =	vst v63  }
.LBB2_2:
0x50: {  	_ =	swait.ge [sflag:s22], $0x50  }
0x51: {  	[sflag:s22] =	ssyncset.done $0x0  }
0x52: {  	[sflag:s22] =	ssyncadd.s32 $0xFFFFFFB0  }
0x53: {  	_ =	swait.ge [sflag:s1], $0x50  }
0x54: {  	[sflag:s1] =	ssyncset.done $0x0  }
0x55: {  	[sflag:s1] =	ssyncadd.s32 $0xFFFFFFB0  }
0x56: {  	v2 =	vld [tilespmem:$0x400]  }
0x57: {  	v3 =	vld [tilespmem:$0x500]  }
0x58: {  	v4 =	vld [tilespmem:$0x410]  }
0x59: {  	v5 =	vld [tilespmem:$0x510]  }
0x5a: {  	v6 =	vld [tilespmem:$0x420]  }
0x5b: {  	v7 =	vld [tilespmem:$0x520]  }
0x5c: {  	v8 =	vld [tilespmem:$0x430]  }
0x5d: {  	v9 =	vld [tilespmem:$0x530]  }
0x5e: {  	v10 =	vld [tilespmem:$0x440]  }
0x5f: {  	v11 =	vld [tilespmem:$0x540]  }
0x60: {  	v2 =	vadd.f32 v3, v2  }
0x61: {  	v3 =	vadd.f32 v5, v4  }
0x62: {  	v5 =	vadd.f32 v7, v6;
	v4 =	vmul.f32 $2.000000030e-01, v2  }
0x63: {  	v7 =	vadd.f32 v9, v8;
	v6 =	vmul.f32 $2.000000030e-01, v3  }
0x64: {  	v8 =	vadd.f32 v11, v10;
	v2 =	vmax.f32 v2, v4;
	v4 =	vmul.f32 $2.000000030e-01, v5  }
0x65: {  	v3 =	vmax.f32 v3, v6;
	v6 =	vmul.f32 $2.000000030e-01, v7;
	v2 =	vmul.f32 $1.442695020e+00, v2  }
0x66: {  	v3 =	vmul.f32 $1.442695020e+00, v3;
	v4 =	vmax.f32 v5, v4;
	v5 =	vmul.f32 $2.000000030e-01, v8  }
0x67: {  	(erf) = vpow2.f32 v2;
	v2 =	vmul.f32 $1.442695020e+00, v4;
	v4 =	vmax.f32 v7, v6  }
0x68: {  	(erf) = vpow2.f32 v3;
	v3 =	vmul.f32 $1.442695020e+00, v4;
	v4 =	vmax.f32 v8, v5  }
0x69: {  	(erf) = vpow2.f32 v2;
	v2 =	vmul.f32 $1.442695020e+00, v4  }
0x6a: {  	(erf) = vpow2.f32 v3  }
0x6b: {  	(erf) = vpow2.f32 v2;
	_ =	sdelay $0x4  }
0x6c: {  	v2 =	vpop (erf)  }
0x6d: {  	v3 =	vpop (erf);
	[tilespmem:$0x600] =	vst v2  }
0x6e: {  	v2 =	vpop (erf);
	[tilespmem:$0x610] =	vst v3  }
0x6f: {  	v3 =	vpop (erf);
	[tilespmem:$0x620] =	vst v2  }
0x70: {  	[tilespmem:$0x630] =	vst v3;
	v2 =	vpop (erf)  }
0x71: {  	s17 =	smul.u32 $0xA0, s4;
	[tilespmem:$0x640] =	vst v2  }
0x72: {  	[spmem:s0] =	stream.indirect.scatter.add.f32 [tilespmem:s11], [sflag:$0x7], $0x1, s28, s29, $0xb8;
	[tilespmem:$0x1BB70] =	vst v63  }
0x73: {  	s5 =	sadd.s32 s17, s19;
	_ =	swait.ge [sflag:s26], $0x50  }
0x74: {  	s24 =	simm.s32 $0x0;
	s5 =	sshrl.u32 s5, $0x3;
	[sflag:s26] =	ssyncset.done $0x0  }
0x75: {  	s31 =	simm.s32 $0x80;
	s21 =	sadd.s32 s6, s5;
	[sflag:s26] =	ssyncadd.s32 $0xFFFFFFB0  }
0x76: {  	[tilespmem:s31], [sflag:$0x7] =	stream.linear.gather [hbm4b:s21+s24], $0x50, $0x38;
	[tilespmem:$0x1BB70] =	vst v63  }
0x77: {  	_ =	swait.ge [sflag:s26], $0x50  }
0x78: {  	[sflag:s26] =	ssyncset.done $0x0  }
0x79: {  	s5 =	sadd.s32 s7, s5;
	[sflag:s26] =	ssyncadd.s32 $0xFFFFFFB0  }
0x7a: {  	[tilespmem:s18], [sflag:$0x7] =	stream.linear.gather [hbm4b:s5+s24], $0x50, $0x38;
	[tilespmem:$0x1BB70] =	vst v63  }
0x7b: {  	_ =	swait.ge [sflag:s26], $0x50  }
0x7c: {  	[sflag:s26] =	ssyncset.done $0x0  }
0x7d: {  	[sflag:s26] =	ssyncadd.s32 $0xFFFFFFB0  }
0x7e: {  	v2 =	vld [tilespmem:$0x80]  }
0x7f: {  	v3 =	vld [tilespmem:$0x180]  }
0x80: {  	v4 =	vld [tilespmem:$0x90]  }
0x81: {  	v5 =	vld [tilespmem:$0x190]  }
0x82: {  	v6 =	vld [tilespmem:$0xA0]  }
0x83: {  	v7 =	vld [tilespmem:$0x1A0];
	v2 =	vadd.s32 v0, v2  }
0x84: {  	[tilespmem:$0x280] =	vst v2;
	v2 =	vadd.s32 v0, v3;
	v3 =	vld [tilespmem:$0xB0]  }
0x85: {  	[tilespmem:$0x380] =	vst v2;
	v2 =	vadd.s32 v0, v4;
	v4 =	vld [tilespmem:$0x1B0]  }
0x86: {  	[tilespmem:$0x290] =	vst v2;
	v2 =	vadd.s32 v0, v5;
	v5 =	vld [tilespmem:$0xC0]  }
0x87: {  	[tilespmem:$0x390] =	vst v2;
	v2 =	vadd.s32 v0, v6;
	v6 =	vld [tilespmem:$0x1C0]  }
0x88: {  	[tilespmem:$0x2A0] =	vst v2;
	v2 =	vadd.s32 v0, v7  }
0x89: {  	[tilespmem:$0x3A0] =	vst v2;
	v2 =	vadd.s32 v0, v3  }
0x8a: {  	[tilespmem:$0x2B0] =	vst v2;
	v2 =	vadd.s32 v0, v4  }
0x8b: {  	[tilespmem:$0x3B0] =	vst v2;
	v2 =	vadd.s32 v0, v5  }
0x8c: {  	[tilespmem:$0x2C0] =	vst v2;
	v2 =	vadd.s32 v0, v6  }
0x8d: {  	s31 =	simm.s32 $0x480;
	[tilespmem:$0x3C0] =	vst v2  }
0x8e: {  	[tilespmem:s31], [sflag:$0x2] =	stream.indirect.gather [hbm4b:s8+s29], $0x1, s23, s29, $0xb8;
	[tilespmem:$0x1BB70] =	vst v63  }
0x8f: {  	s21 =	simm.s32 $0x380;
	s31 =	simm.s32 $0x580  }
0x90: {  	[tilespmem:s31], [sflag:$0x4] =	stream.indirect.gather [hbm4b:s9+s29], $0x1, s21, s29, $0xb8;
	[tilespmem:$0x1BB70] =	vst v63  }
0x91: {  	_ = 	snop  }
0x92: {  	[tilespmem:s25], [sflag:$0x6] =	stream.indirect.gather [hbm4b:s10+s29], $0x80, s23, s29, $0xb8;
	[tilespmem:$0x1BB70] =	vst v63  }
0x93: {  	_ =	swait.ge [sflag:s12], $0x2800  }
0x94: {  	v2 =	vmov s24;
	[sflag:s12] =	ssyncset.done $0x0  }
0x95: {  	s24 =	simm.s32 $0x6C0;
	[sflag:s12] =	ssyncadd.s32 $0xFFFFD800  }
0x96: {  	v6 =	vld [tilespmem:s24+$0x30]  }
0x97: {  	v9 =	vld [tilespmem:s24+$0x10]  }
0x98: {  	v7 =	vld [tilespmem:s24+$0xFFFFFFC0]  }
0x99: {  	v3 =	vld.idx.msk [tilespmem:v2+s11+$0x0], $0xffff  }
0x9a: {  	v11 =	vld [tilespmem:s24+$0xFFFFFFE0]  }
0x9b: {  	v2 =	vld [tilespmem:s24+$0xFFFFFFF0]  }
0x9c: {  	v4 =	vld [tilespmem:s24+$0x20]  }
0x9d: {  	v5 =	vld [tilespmem:s24+$0xFFFFFFD0]  }
0x9e: {  	v10 =	vmul.f32 v6, v3;
	v6 =	vld [tilespmem:s24+$0x0]  }
0x9f: {  	v8 =	vmul.f32 v7, v3  }
0xa0: {  	s5 =	simm.s32 $0x1;
	s21 =	simm.s32 $0x6C0;
	v7 =	vmul.f32 v11, v3;
	v9 =	vmul.f32 v9, v3  }
.LBB2_3:
0xa1: {  	p3 =	sne.s32 s5, $0x4F  }
0xa2: {  	v5 =	vmul.f32 v5, v3;
	v4 =	vmul.f32 v4, v3;
	[tilespmem:s24+$0x30] =	vst v10;
	s21 =	sadd.s32 $0x80, s21;
	s31 =	smov.u32 s5;
	s5 =	sadd.s32 $0x1, s5  }
0xa3: {  	[tilespmem:s24+$0xFFFFFFC0] =	vst v8;
	v8 =	vmul.f32 v2, v3;
	v3 =	vmul.f32 v6, v3  }
0xa4: {  	[tilespmem:s24+$0x10] =	vst v9  }
0xa5: {  	v6 =	vmov s31;
	[tilespmem:s24+$0xFFFFFFE0] =	vst v7  }
0xa6: {  	v2 =	vld [tilespmem:s21+$0xFFFFFFF0];
	[tilespmem:s24+$0xFFFFFFF0] =	vst v8  }
0xa7: {  	v7 =	vld [tilespmem:s21+$0x30];
	[tilespmem:s24+$0x0] =	vst v3  }
0xa8: {  	v9 =	vld [tilespmem:s21+$0x10];
	[tilespmem:s24+$0x20] =	vst v4  }
0xa9: {  	v8 =	vld [tilespmem:s21+$0xFFFFFFC0];
	[tilespmem:s24+$0xFFFFFFD0] =	vst v5;
	s24 =	smov.u32 s21  }
0xaa: {  	v3 =	vld.idx.msk [tilespmem:v6+s11+$0x0], $0xffff  }
0xab: {  	v11 =	vld [tilespmem:s21+$0xFFFFFFE0]  }
0xac: {  	v4 =	vld [tilespmem:s21+$0x20]  }
.Ltmp0:
0xad: {  	v5 =	vld [tilespmem:s21+$0xFFFFFFD0];
	(pc) =	sbr.rel @p3 .LBB2_3-.Ltmp0, $3  }
0xae: {  	v6 =	vld [tilespmem:s21+$0x0];
	_ =	sdelay $0x1  }
0xaf: {  	v8 =	vmul.f32 v8, v3;
	v10 =	vmul.f32 v7, v3  }
0xb0: {  	v9 =	vmul.f32 v9, v3;
	v7 =	vmul.f32 v11, v3  }
0xb1: {  	[tilespmem:s24+$0x30] =	vst v10  }
0xb2: {  	[tilespmem:s24+$0xFFFFFFC0] =	vst v8  }
0xb3: {  	v2 =	vmul.f32 v2, v3;
	[tilespmem:s24+$0x10] =	vst v9  }
0xb4: {  	v4 =	vmul.f32 v4, v3;
	[tilespmem:s24+$0xFFFFFFE0] =	vst v7  }
0xb5: {  	v6 =	vmul.f32 v6, v3;
	[tilespmem:s24+$0xFFFFFFF0] =	vst v2  }
0xb6: {  	v2 =	vmul.f32 v5, v3;
	[tilespmem:s24+$0x20] =	vst v4  }
0xb7: {  	[tilespmem:s24+$0x0] =	vst v6  }
0xb8: {  	[tilespmem:s24+$0xFFFFFFD0] =	vst v2  }
0xb9: {  	[spmem:s2] =	stream.indirect.scatter.add.f32 [tilespmem:s15], [sflag:$0x7], $0x80, s28, s29, $0xb8;
	[tilespmem:$0x1BB70] =	vst v63  }
0xba: {  	_ =	swait.ge [sflag:s26], $0x2800  }
0xbb: {  	[sflag:s26] =	ssyncset.done $0x0  }
0xbc: {  	[sflag:s26] =	ssyncadd.s32 $0xFFFFD800  }
0xbd: {  	_ =	swait.ge [sflag:s13], $0x50  }
0xbe: {  	[sflag:s13] =	ssyncset.done $0x0  }
0xbf: {  	[sflag:s13] =	ssyncadd.s32 $0xFFFFFFB0  }
0xc0: {  	_ =	swait.ge [sflag:s14], $0x50  }
0xc1: {  	[sflag:s14] =	ssyncset.done $0x0  }
0xc2: {  	[sflag:s14] =	ssyncadd.s32 $0xFFFFFFB0  }
0xc3: {  	v2 =	vld [tilespmem:$0x480]  }
0xc4: {  	v3 =	vld [tilespmem:$0x580]  }
0xc5: {  	v4 =	vld [tilespmem:$0x490]  }
0xc6: {  	v5 =	vld [tilespmem:$0x590]  }
0xc7: {  	v6 =	vld [tilespmem:$0x4A0]  }
0xc8: {  	v7 =	vld [tilespmem:$0x5A0]  }
0xc9: {  	v8 =	vld [tilespmem:$0x4B0]  }
0xca: {  	v9 =	vld [tilespmem:$0x5B0]  }
0xcb: {  	v10 =	vld [tilespmem:$0x4C0]  }
0xcc: {  	v11 =	vld [tilespmem:$0x5C0]  }
0xcd: {  	v2 =	vadd.f32 v3, v2  }
0xce: {  	v3 =	vadd.f32 v5, v4  }
0xcf: {  	v5 =	vadd.f32 v7, v6;
	v4 =	vmul.f32 $2.000000030e-01, v2  }
0xd0: {  	v7 =	vadd.f32 v9, v8;
	v6 =	vmul.f32 $2.000000030e-01, v3  }
0xd1: {  	v8 =	vadd.f32 v11, v10;
	v2 =	vmax.f32 v2, v4;
	v4 =	vmul.f32 $2.000000030e-01, v5  }
0xd2: {  	v3 =	vmax.f32 v3, v6;
	v6 =	vmul.f32 $2.000000030e-01, v7;
	v2 =	vmul.f32 $1.442695020e+00, v2  }
0xd3: {  	v3 =	vmul.f32 $1.442695020e+00, v3;
	v4 =	vmax.f32 v5, v4;
	v5 =	vmul.f32 $2.000000030e-01, v8  }
0xd4: {  	(erf) = vpow2.f32 v2;
	v2 =	vmul.f32 $1.442695020e+00, v4;
	v4 =	vmax.f32 v7, v6  }
0xd5: {  	(erf) = vpow2.f32 v3;
	v3 =	vmul.f32 $1.442695020e+00, v4;
	v4 =	vmax.f32 v8, v5  }
0xd6: {  	(erf) = vpow2.f32 v2;
	v2 =	vmul.f32 $1.442695020e+00, v4  }
0xd7: {  	(erf) = vpow2.f32 v3  }
0xd8: {  	(erf) = vpow2.f32 v2;
	_ =	sdelay $0x4  }
0xd9: {  	v2 =	vpop (erf)  }
0xda: {  	v3 =	vpop (erf);
	[tilespmem:$0x600] =	vst v2  }
0xdb: {  	v2 =	vpop (erf);
	[tilespmem:$0x610] =	vst v3  }
0xdc: {  	v3 =	vpop (erf);
	[tilespmem:$0x620] =	vst v2  }
0xdd: {  	s5 =	sadd.s32 s17, s20;
	[tilespmem:$0x630] =	vst v3;
	v2 =	vpop (erf)  }
0xde: {  	p3 =	slt.s32 s5, $0x4E1B0;
	[tilespmem:$0x640] =	vst v2  }
0xdf: {  	[spmem:s0] =	stream.indirect.scatter.add.f32 [tilespmem:s11], [sflag:$0x7], $0x1, s18, s29, $0xb8;
	[tilespmem:$0x1BB70] =	vst v63  }
0xe0: {  	s5 =	simm.s32 @!p3 $0x4E1B0;
	_ =	swait.ge [sflag:s26], $0x50  }
0xe1: {  	s5 =	sshrl.u32 s5, $0x3;
	[sflag:s26] =	ssyncset.done $0x0  }
0xe2: {  	s21 =	simm.s32 $0x0;
	s31 =	sadd.s32 s6, s5;
	[sflag:s26] =	ssyncadd.s32 $0xFFFFFFB0  }
0xe3: {  	[tilespmem:s21], [sflag:$0x7] =	stream.linear.gather [hbm4b:s31+s21], $0x50, $0x38;
	[tilespmem:$0x1BB70] =	vst v63  }
0xe4: {  	_ =	swait.ge [sflag:s26], $0x50  }
0xe5: {  	[sflag:s26] =	ssyncset.done $0x0  }
0xe6: {  	s5 =	sadd.s32 s7, s5;
	[sflag:s26] =	ssyncadd.s32 $0xFFFFFFB0  }
0xe7: {  	[tilespmem:s28], [sflag:$0x7] =	stream.linear.gather [hbm4b:s5+s21], $0x50, $0x38;
	[tilespmem:$0x1BB70] =	vst v63  }
0xe8: {  	_ =	swait.ge [sflag:s26], $0x50  }
0xe9: {  	[sflag:s26] =	ssyncset.done $0x0  }
0xea: {  	[sflag:s26] =	ssyncadd.s32 $0xFFFFFFB0  }
0xeb: {  	v2 =	vld [tilespmem:$0x0]  }
0xec: {  	v3 =	vld [tilespmem:$0x100]  }
0xed: {  	v4 =	vld [tilespmem:$0x10]  }
0xee: {  	v5 =	vld [tilespmem:$0x110]  }
0xef: {  	v6 =	vld [tilespmem:$0x20]  }
0xf0: {  	v7 =	vld [tilespmem:$0x120];
	v2 =	vadd.s32 v0, v2  }
0xf1: {  	[tilespmem:$0x200] =	vst v2;
	v2 =	vadd.s32 v0, v3;
	v3 =	vld [tilespmem:$0x30]  }
0xf2: {  	[tilespmem:$0x300] =	vst v2;
	v2 =	vadd.s32 v0, v4;
	v4 =	vld [tilespmem:$0x130]  }
0xf3: {  	[tilespmem:$0x210] =	vst v2;
	v2 =	vadd.s32 v0, v5;
	v5 =	vld [tilespmem:$0x40]  }
0xf4: {  	[tilespmem:$0x310] =	vst v2;
	v2 =	vadd.s32 v0, v6;
	v6 =	vld [tilespmem:$0x140]  }
0xf5: {  	[tilespmem:$0x220] =	vst v2;
	v2 =	vadd.s32 v0, v7  }
0xf6: {  	[tilespmem:$0x320] =	vst v2;
	v2 =	vadd.s32 v0, v3  }
0xf7: {  	[tilespmem:$0x230] =	vst v2;
	v2 =	vadd.s32 v0, v4  }
0xf8: {  	[tilespmem:$0x330] =	vst v2;
	v2 =	vadd.s32 v0, v5  }
0xf9: {  	[tilespmem:$0x240] =	vst v2;
	v2 =	vadd.s32 v0, v6  }
0xfa: {  	s17 =	simm.s32 $0x400;
	[tilespmem:$0x340] =	vst v2  }
0xfb: {  	[tilespmem:s17], [sflag:$0x1] =	stream.indirect.gather [hbm4b:s8+s29], $0x1, s30, s29, $0xb8;
	[tilespmem:$0x1BB70] =	vst v63  }
0xfc: {  	s24 =	simm.s32 $0x300;
	s31 =	simm.s32 $0x500  }
0xfd: {  	[tilespmem:s31], [sflag:$0x3] =	stream.indirect.gather [hbm4b:s9+s29], $0x1, s24, s29, $0xb8;
	[tilespmem:$0x1BB70] =	vst v63  }
0xfe: {  	_ = 	snop  }
0xff: {  	[tilespmem:s15], [sflag:$0x5] =	stream.indirect.gather [hbm4b:s10+s29], $0x80, s30, s29, $0xb8;
	[tilespmem:$0x1BB70] =	vst v63  }
0x100: {  	_ =	swait.ge [sflag:s3], $0x2800  }
0x101: {  	v2 =	vmov s21;
	[sflag:s3] =	ssyncset.done $0x0  }
0x102: {  	s17 =	simm.s32 $0x2EC0;
	[sflag:s3] =	ssyncadd.s32 $0xFFFFD800  }
0x103: {  	v6 =	vld [tilespmem:s17+$0x30]  }
0x104: {  	v9 =	vld [tilespmem:s17+$0x10]  }
0x105: {  	v7 =	vld [tilespmem:s17+$0xFFFFFFC0]  }
0x106: {  	v3 =	vld.idx.msk [tilespmem:v2+s11+$0x0], $0xffff  }
0x107: {  	v11 =	vld [tilespmem:s17+$0xFFFFFFE0]  }
0x108: {  	v2 =	vld [tilespmem:s17+$0xFFFFFFF0]  }
0x109: {  	v4 =	vld [tilespmem:s17+$0x20]  }
0x10a: {  	v5 =	vld [tilespmem:s17+$0xFFFFFFD0]  }
0x10b: {  	v10 =	vmul.f32 v6, v3;
	v6 =	vld [tilespmem:s17+$0x0]  }
0x10c: {  	v8 =	vmul.f32 v7, v3  }
0x10d: {  	s5 =	simm.s32 $0x1;
	s21 =	simm.s32 $0x2EC0;
	v7 =	vmul.f32 v11, v3;
	v9 =	vmul.f32 v9, v3  }
.LBB2_5:
0x10e: {  	p3 =	sne.s32 s5, $0x4F  }
0x10f: {  	v5 =	vmul.f32 v5, v3;
	v4 =	vmul.f32 v4, v3;
	[tilespmem:s17+$0x30] =	vst v10;
	s21 =	sadd.s32 $0x80, s21;
	s24 =	smov.u32 s5;
	s5 =	sadd.s32 $0x1, s5  }
0x110: {  	[tilespmem:s17+$0xFFFFFFC0] =	vst v8;
	v8 =	vmul.f32 v2, v3;
	v3 =	vmul.f32 v6, v3  }
0x111: {  	[tilespmem:s17+$0x10] =	vst v9  }
0x112: {  	v6 =	vmov s24;
	[tilespmem:s17+$0xFFFFFFE0] =	vst v7  }
0x113: {  	v2 =	vld [tilespmem:s21+$0xFFFFFFF0];
	[tilespmem:s17+$0xFFFFFFF0] =	vst v8  }
0x114: {  	v7 =	vld [tilespmem:s21+$0x30];
	[tilespmem:s17+$0x0] =	vst v3  }
0x115: {  	v9 =	vld [tilespmem:s21+$0x10];
	[tilespmem:s17+$0x20] =	vst v4  }
0x116: {  	v8 =	vld [tilespmem:s21+$0xFFFFFFC0];
	[tilespmem:s17+$0xFFFFFFD0] =	vst v5;
	s17 =	smov.u32 s21  }
0x117: {  	v3 =	vld.idx.msk [tilespmem:v6+s11+$0x0], $0xffff  }
0x118: {  	v11 =	vld [tilespmem:s21+$0xFFFFFFE0]  }
0x119: {  	v4 =	vld [tilespmem:s21+$0x20]  }
.Ltmp1:
0x11a: {  	v5 =	vld [tilespmem:s21+$0xFFFFFFD0];
	(pc) =	sbr.rel @p3 .LBB2_5-.Ltmp1, $3  }
0x11b: {  	v6 =	vld [tilespmem:s21+$0x0];
	_ =	sdelay $0x1  }
0x11c: {  	v8 =	vmul.f32 v8, v3;
	v10 =	vmul.f32 v7, v3  }
0x11d: {  	v9 =	vmul.f32 v9, v3;
	v7 =	vmul.f32 v11, v3  }
0x11e: {  	[tilespmem:s17+$0x30] =	vst v10  }
0x11f: {  	[tilespmem:s17+$0xFFFFFFC0] =	vst v8  }
0x120: {  	v2 =	vmul.f32 v2, v3;
	[tilespmem:s17+$0x10] =	vst v9  }
0x121: {  	v4 =	vmul.f32 v4, v3;
	[tilespmem:s17+$0xFFFFFFE0] =	vst v7  }
0x122: {  	v6 =	vmul.f32 v6, v3;
	[tilespmem:s17+$0xFFFFFFF0] =	vst v2  }
0x123: {  	s4 =	sadd.s32 $0x1, s4;
	v2 =	vmul.f32 v5, v3;
	[tilespmem:s17+$0x20] =	vst v4  }
0x124: {  	p3 =	sne.s32 s4, $0x7D;
	[tilespmem:s17+$0x0] =	vst v6  }
.Ltmp2:
0x125: {  	[tilespmem:s17+$0xFFFFFFD0] =	vst v2;
	(pc) =	sbr.rel @p3 .LBB2_2-.Ltmp2, $4  }
0x126: {  	[spmem:s2] =	stream.indirect.scatter.add.f32 [tilespmem:s25], [sflag:$0x7], $0x80, s18, s29, $0xb8;
	[tilespmem:$0x1BB70] =	vst v63  }
0x127: {  	_ =	swait.ge [sflag:s26], $0x2800  }
0x128: {  	[sflag:s26] =	ssyncset.done $0x0  }
0x129: {  	[sflag:s26] =	ssyncadd.s32 $0xFFFFD800  }
0x12a: {  	_ =	swait.ge [sflag:s22], $0x50  }
0x12b: {  	[sflag:s22] =	ssyncset.done $0x0  }
0x12c: {  	[sflag:s22] =	ssyncadd.s32 $0xFFFFFFB0  }
0x12d: {  	_ =	swait.ge [sflag:s1], $0x50  }
0x12e: {  	[sflag:s1] =	ssyncset.done $0x0  }
0x12f: {  	[sflag:s1] =	ssyncadd.s32 $0xFFFFFFB0  }
.Ltmp3:
0x130: {  	_ =	swait.ge [sflag:s12], $0x2800;
	(pc) =	sbr.rel @p1 .LBB2_10-.Ltmp3, $3  }
0x131: {  	[sflag:s12] =	ssyncset.done $0x0  }
0x132: {  	[sflag:s12] =	ssyncadd.s32 $0xFFFFD800  }
0x133: {  	[bflag:$0x0] =	sbarrier.arrive $0xFFFF;
	_ =	sdelay $0x1  }
0x134: {  	s0 =	rddreg [dreg:$0x11]  }
0x135: {  	s24 =	rddreg [dreg:$0xe]  }
.Ltmp4:
0x136: {  	s5 =	simm.s32 $0x1FC7;
	s4 =	sshrl.u32 s0, $0x3;
	(pc) =	sbr.rel .LBB2_9-.Ltmp4, $4  }
0x137: {  	[hbm:s24], [sflag:s5] =	dma.local [spmem:s4], $0x2080  }
0x138: {  	_ =	swait.ge [sflag:s26], $0x2080  }
0x139: {  	[sflag:s26] =	ssyncset.done $0x0  }
0x13a: {  	s31 =	smov.u32 s16;
	[sflag:s26] =	ssyncadd.s32 $0xFFFFDF80  }
.LBB2_10:
0x13b: {  	s4 =	stileid.u32;
	s5 =	rddreg [dreg:$0xd]  }
0x13c: {  	s17 =	rddreg [dreg:$0x9];
	s4 =	sshll.u32 s4, $0x6  }
.Ltmp5:
0x13d: {  	s5 =	sshrl.u32 s5, $0x3;
	s4 =	sor.u32 $0x1C07, s4;
	(pc) =	sbr.rel @!p0 .LBB2_11-.Ltmp5, $4  }
0x13e: {  	[hbm:s17], [sflag:s4] =	dma.local [spmem:s5], $0x2780  }
0x13f: {  	_ =	swait.ge [sflag:s26], $0x2780  }
0x140: {  	[sflag:s26] =	ssyncset.done $0x0  }
0x141: {  	s31 =	smov.u32 s16;
	[sflag:s26] =	ssyncadd.s32 $0xFFFFD880  }
.LBB2_9:
0x142: {  	[bflag:$0x0] =	sbarrier.arrive $0xFFFF  }
.LBB2_12:
0x143: {  	[bflag:$0x0] =	sbarrier.arrive $0xFFFF  }
0x144: {  	s4 =	simm.s32 $0x0;
	s0 =	rddreg [dreg:$0x7]  }
0x145: {  	[tilespmem:s4], [sflag:$0x7] =	stream.linear.gather [hbm4b:s0+s4], $0x50, $0x38;
	[tilespmem:$0x1BB70] =	vst v63  }
0x146: {  	_ =	swait.ge [sflag:s26], $0x50  }
0x147: {  	[sflag:s26] =	ssyncset.done $0x0  }
0x148: {  	s17 =	rddreg [dreg:$0x8];
	[sflag:s26] =	ssyncadd.s32 $0xFFFFFFB0  }
0x149: {  	[tilespmem:s28], [sflag:$0x7] =	stream.linear.gather [hbm4b:s17+s4], $0x50, $0x38;
	[tilespmem:$0x1BB70] =	vst v63  }
0x14a: {  	_ =	swait.ge [sflag:s26], $0x50  }
0x14b: {  	[sflag:s26] =	ssyncset.done $0x0  }
0x14c: {  	[sflag:s26] =	ssyncadd.s32 $0xFFFFFFB0  }
0x14d: {  	v2 =	vld [tilespmem:$0x0]  }
0x14e: {  	v3 =	vld [tilespmem:$0x100]  }
0x14f: {  	v4 =	vld [tilespmem:$0x10]  }
0x150: {  	v5 =	vld [tilespmem:$0x110]  }
0x151: {  	v6 =	vld [tilespmem:$0x20]  }
0x152: {  	v7 =	vld [tilespmem:$0x120];
	v2 =	vadd.s32 v1, v2  }
0x153: {  	[tilespmem:$0x200] =	vst v2;
	v2 =	vadd.s32 v1, v3;
	v3 =	vld [tilespmem:$0x30]  }
0x154: {  	v61 =	vld [tilespmem:$0x130];
	[tilespmem:$0x300] =	vst v2;
	v2 =	vadd.s32 v1, v4  }
0x155: {  	v62 =	vld [tilespmem:$0x40];
	[tilespmem:$0x210] =	vst v2;
	v2 =	vadd.s32 v1, v5  }
0x156: {  	v63 =	vld [tilespmem:$0x140];
	[tilespmem:$0x310] =	vst v2;
	v2 =	vadd.s32 v1, v6  }
0x157: {  	[tilespmem:$0x220] =	vst v2;
	v2 =	vadd.s32 v1, v7  }
0x158: {  	[tilespmem:$0x320] =	vst v2;
	v2 =	vadd.s32 v1, v3  }
0x159: {  	[tilespmem:$0x230] =	vst v2;
	v2 =	vadd.s32 v1, v61  }
0x15a: {  	[tilespmem:$0x330] =	vst v2;
	v2 =	vadd.s32 v1, v62  }
0x15b: {  	[tilespmem:$0x240] =	vst v2;
	v2 =	vadd.s32 v1, v63  }
0x15c: {  	s21 =	simm.s32 $0x400;
	[tilespmem:$0x340] =	vst v2  }
0x15d: {  	[tilespmem:s21], [sflag:$0x1] =	stream.indirect.gather [hbm4b:s8+s29], $0x1, s30, s29, $0xb8;
	[tilespmem:$0x1BB70] =	vst v63  }
0x15e: {  	s24 =	simm.s32 $0x300;
	s5 =	simm.s32 $0x500  }
0x15f: {  	[tilespmem:s5], [sflag:$0x3] =	stream.indirect.gather [hbm4b:s9+s29], $0x1, s24, s29, $0xb8;
	[tilespmem:$0x1BB70] =	vst v63  }
0x160: {  	s17 =	simm.s32 $0x0  }
0x161: {  	[tilespmem:s15], [sflag:$0x5] =	stream.indirect.gather [hbm4b:s10+s29], $0x80, s30, s29, $0xb8;
	[tilespmem:$0x1BB70] =	vst v63  }
.LBB2_13:
0x162: {  	_ =	swait.ge [sflag:s22], $0x50  }
0x163: {  	[sflag:s22] =	ssyncset.done $0x0  }
0x164: {  	[sflag:s22] =	ssyncadd.s32 $0xFFFFFFB0  }
0x165: {  	_ =	swait.ge [sflag:s1], $0x50  }
0x166: {  	[sflag:s1] =	ssyncset.done $0x0  }
0x167: {  	[sflag:s1] =	ssyncadd.s32 $0xFFFFFFB0  }
0x168: {  	v2 =	vld [tilespmem:$0x400]  }
0x169: {  	v3 =	vld [tilespmem:$0x500]  }
0x16a: {  	v4 =	vld [tilespmem:$0x410]  }
0x16b: {  	v5 =	vld [tilespmem:$0x510]  }
0x16c: {  	v6 =	vld [tilespmem:$0x420]  }
0x16d: {  	v7 =	vld [tilespmem:$0x520]  }
0x16e: {  	v8 =	vld [tilespmem:$0x430]  }
0x16f: {  	v9 =	vld [tilespmem:$0x530]  }
0x170: {  	v10 =	vld [tilespmem:$0x440]  }
0x171: {  	v11 =	vld [tilespmem:$0x540]  }
0x172: {  	v2 =	vadd.f32 v3, v2  }
0x173: {  	v3 =	vadd.f32 v5, v4  }
0x174: {  	v5 =	vadd.f32 v7, v6;
	v4 =	vmul.f32 $2.000000030e-01, v2  }
0x175: {  	v7 =	vadd.f32 v9, v8;
	v6 =	vmul.f32 $2.000000030e-01, v3  }
0x176: {  	v8 =	vadd.f32 v11, v10;
	v2 =	vmax.f32 v2, v4;
	v4 =	vmul.f32 $2.000000030e-01, v5  }
0x177: {  	v3 =	vmax.f32 v3, v6;
	v6 =	vmul.f32 $2.000000030e-01, v7;
	v2 =	vmul.f32 $1.442695020e+00, v2  }
0x178: {  	v3 =	vmul.f32 $1.442695020e+00, v3;
	v4 =	vmax.f32 v5, v4;
	v5 =	vmul.f32 $2.000000030e-01, v8  }
0x179: {  	(erf) = vpow2.f32 v2;
	v2 =	vmul.f32 $1.442695020e+00, v4;
	v4 =	vmax.f32 v7, v6  }
0x17a: {  	(erf) = vpow2.f32 v3;
	v3 =	vmul.f32 $1.442695020e+00, v4;
	v4 =	vmax.f32 v8, v5  }
0x17b: {  	(erf) = vpow2.f32 v2;
	v2 =	vmul.f32 $1.442695020e+00, v4  }
0x17c: {  	(erf) = vpow2.f32 v3  }
0x17d: {  	(erf) = vpow2.f32 v2;
	_ =	sdelay $0x4  }
0x17e: {  	v2 =	vpop (erf)  }
0x17f: {  	v3 =	vpop (erf);
	[tilespmem:$0x600] =	vst v2  }
0x180: {  	v2 =	vpop (erf);
	[tilespmem:$0x610] =	vst v3  }
0x181: {  	v3 =	vpop (erf);
	[tilespmem:$0x620] =	vst v2  }
0x182: {  	[tilespmem:$0x630] =	vst v3;
	v2 =	vpop (erf)  }
0x183: {  	s24 =	smul.u32 $0xA0, s17;
	[tilespmem:$0x640] =	vst v2  }
0x184: {  	[spmem:s31] =	stream.indirect.scatter.add.f32 [tilespmem:s11], [sflag:$0x7], $0x1, s28, s29, $0xb8;
	[tilespmem:$0x1BB70] =	vst v63  }
0x185: {  	s5 =	sadd.s32 s24, s19;
	_ =	swait.ge [sflag:s26], $0x50  }
0x186: {  	s5 =	sshrl.u32 s5, $0x3;
	[sflag:s26] =	ssyncset.done $0x0  }
0x187: {  	s0 =	simm.s32 $0x80;
	s21 =	sadd.s32 s6, s5;
	[sflag:s26] =	ssyncadd.s32 $0xFFFFFFB0  }
0x188: {  	[tilespmem:s0], [sflag:$0x7] =	stream.linear.gather [hbm4b:s21+s4], $0x50, $0x38;
	[tilespmem:$0x1BB70] =	vst v63  }
0x189: {  	_ =	swait.ge [sflag:s26], $0x50  }
0x18a: {  	[sflag:s26] =	ssyncset.done $0x0  }
0x18b: {  	s5 =	sadd.s32 s7, s5;
	[sflag:s26] =	ssyncadd.s32 $0xFFFFFFB0  }
0x18c: {  	[tilespmem:s18], [sflag:$0x7] =	stream.linear.gather [hbm4b:s5+s4], $0x50, $0x38;
	[tilespmem:$0x1BB70] =	vst v63  }
0x18d: {  	_ =	swait.ge [sflag:s26], $0x50  }
0x18e: {  	[sflag:s26] =	ssyncset.done $0x0  }
0x18f: {  	[sflag:s26] =	ssyncadd.s32 $0xFFFFFFB0  }
0x190: {  	v2 =	vld [tilespmem:$0x80]  }
0x191: {  	v3 =	vld [tilespmem:$0x180]  }
0x192: {  	v4 =	vld [tilespmem:$0x90]  }
0x193: {  	v5 =	vld [tilespmem:$0x190]  }
0x194: {  	v6 =	vld [tilespmem:$0xA0]  }
0x195: {  	v7 =	vld [tilespmem:$0x1A0];
	v2 =	vadd.s32 v1, v2  }
0x196: {  	[tilespmem:$0x280] =	vst v2;
	v2 =	vadd.s32 v1, v3;
	v3 =	vld [tilespmem:$0xB0]  }
0x197: {  	[tilespmem:$0x380] =	vst v2;
	v2 =	vadd.s32 v1, v4;
	v4 =	vld [tilespmem:$0x1B0]  }
0x198: {  	[tilespmem:$0x290] =	vst v2;
	v2 =	vadd.s32 v1, v5;
	v5 =	vld [tilespmem:$0xC0]  }
0x199: {  	[tilespmem:$0x390] =	vst v2;
	v2 =	vadd.s32 v1, v6;
	v6 =	vld [tilespmem:$0x1C0]  }
0x19a: {  	[tilespmem:$0x2A0] =	vst v2;
	v2 =	vadd.s32 v1, v7  }
0x19b: {  	[tilespmem:$0x3A0] =	vst v2;
	v2 =	vadd.s32 v1, v3  }
0x19c: {  	[tilespmem:$0x2B0] =	vst v2;
	v2 =	vadd.s32 v1, v4  }
0x19d: {  	[tilespmem:$0x3B0] =	vst v2;
	v2 =	vadd.s32 v1, v5  }
0x19e: {  	[tilespmem:$0x2C0] =	vst v2;
	v2 =	vadd.s32 v1, v6  }
0x19f: {  	s21 =	simm.s32 $0x480;
	[tilespmem:$0x3C0] =	vst v2  }
0x1a0: {  	[tilespmem:s21], [sflag:$0x2] =	stream.indirect.gather [hbm4b:s8+s29], $0x1, s23, s29, $0xb8;
	[tilespmem:$0x1BB70] =	vst v63  }
0x1a1: {  	s5 =	simm.s32 $0x380;
	s21 =	simm.s32 $0x580  }
0x1a2: {  	[tilespmem:s21], [sflag:$0x4] =	stream.indirect.gather [hbm4b:s9+s29], $0x1, s5, s29, $0xb8;
	[tilespmem:$0x1BB70] =	vst v63  }
0x1a3: {  	_ = 	snop  }
0x1a4: {  	[tilespmem:s25], [sflag:$0x6] =	stream.indirect.gather [hbm4b:s10+s29], $0x80, s23, s29, $0xb8;
	[tilespmem:$0x1BB70] =	vst v63  }
0x1a5: {  	_ =	swait.ge [sflag:s12], $0x2800  }
0x1a6: {  	v2 =	vmov s4;
	[sflag:s12] =	ssyncset.done $0x0  }
0x1a7: {  	s5 =	simm.s32 $0x6C0;
	[sflag:s12] =	ssyncadd.s32 $0xFFFFD800  }
0x1a8: {  	v6 =	vld [tilespmem:s5+$0x30]  }
0x1a9: {  	v9 =	vld [tilespmem:s5+$0x10]  }
0x1aa: {  	v7 =	vld [tilespmem:s5+$0xFFFFFFC0]  }
0x1ab: {  	v3 =	vld.idx.msk [tilespmem:v2+s11+$0x0], $0xffff  }
0x1ac: {  	v11 =	vld [tilespmem:s5+$0xFFFFFFE0]  }
0x1ad: {  	v2 =	vld [tilespmem:s5+$0xFFFFFFF0]  }
0x1ae: {  	v4 =	vld [tilespmem:s5+$0x20]  }
0x1af: {  	v5 =	vld [tilespmem:s5+$0xFFFFFFD0]  }
0x1b0: {  	v10 =	vmul.f32 v6, v3;
	v6 =	vld [tilespmem:s5+$0x0]  }
0x1b1: {  	v8 =	vmul.f32 v7, v3  }
0x1b2: {  	s31 =	simm.s32 $0x6C0;
	s21 =	simm.s32 $0x1;
	v7 =	vmul.f32 v11, v3;
	v9 =	vmul.f32 v9, v3  }
.LBB2_14:
0x1b3: {  	p3 =	sne.s32 s21, $0x4F  }
0x1b4: {  	v5 =	vmul.f32 v5, v3;
	v4 =	vmul.f32 v4, v3;
	[tilespmem:s5+$0x30] =	vst v10;
	s31 =	sadd.s32 $0x80, s31;
	s0 =	smov.u32 s21;
	s21 =	sadd.s32 $0x1, s21  }
0x1b5: {  	[tilespmem:s5+$0xFFFFFFC0] =	vst v8;
	v8 =	vmul.f32 v2, v3;
	v3 =	vmul.f32 v6, v3  }
0x1b6: {  	[tilespmem:s5+$0x10] =	vst v9  }
0x1b7: {  	v6 =	vmov s0;
	[tilespmem:s5+$0xFFFFFFE0] =	vst v7  }
0x1b8: {  	v2 =	vld [tilespmem:s31+$0xFFFFFFF0];
	[tilespmem:s5+$0xFFFFFFF0] =	vst v8  }
0x1b9: {  	v7 =	vld [tilespmem:s31+$0x30];
	[tilespmem:s5+$0x0] =	vst v3  }
0x1ba: {  	v9 =	vld [tilespmem:s31+$0x10];
	[tilespmem:s5+$0x20] =	vst v4  }
0x1bb: {  	v8 =	vld [tilespmem:s31+$0xFFFFFFC0];
	[tilespmem:s5+$0xFFFFFFD0] =	vst v5;
	s5 =	smov.u32 s31  }
0x1bc: {  	v3 =	vld.idx.msk [tilespmem:v6+s11+$0x0], $0xffff  }
0x1bd: {  	v11 =	vld [tilespmem:s31+$0xFFFFFFE0]  }
0x1be: {  	v4 =	vld [tilespmem:s31+$0x20]  }
.Ltmp6:
0x1bf: {  	v5 =	vld [tilespmem:s31+$0xFFFFFFD0];
	(pc) =	sbr.rel @p3 .LBB2_14-.Ltmp6, $3  }
0x1c0: {  	v6 =	vld [tilespmem:s31+$0x0];
	_ =	sdelay $0x1  }
0x1c1: {  	v8 =	vmul.f32 v8, v3;
	v10 =	vmul.f32 v7, v3  }
0x1c2: {  	v9 =	vmul.f32 v9, v3;
	v7 =	vmul.f32 v11, v3  }
0x1c3: {  	[tilespmem:s5+$0x30] =	vst v10  }
0x1c4: {  	[tilespmem:s5+$0xFFFFFFC0] =	vst v8  }
0x1c5: {  	v2 =	vmul.f32 v2, v3;
	[tilespmem:s5+$0x10] =	vst v9  }
0x1c6: {  	v4 =	vmul.f32 v4, v3;
	[tilespmem:s5+$0xFFFFFFE0] =	vst v7  }
0x1c7: {  	v6 =	vmul.f32 v6, v3;
	[tilespmem:s5+$0xFFFFFFF0] =	vst v2  }
0x1c8: {  	v2 =	vmul.f32 v5, v3;
	[tilespmem:s5+$0x20] =	vst v4  }
0x1c9: {  	[tilespmem:s5+$0x0] =	vst v6  }
0x1ca: {  	[tilespmem:s5+$0xFFFFFFD0] =	vst v2  }
0x1cb: {  	[spmem:s2] =	stream.indirect.scatter.add.f32 [tilespmem:s15], [sflag:$0x7], $0x80, s28, s29, $0xb8;
	[tilespmem:$0x1BB70] =	vst v63  }
0x1cc: {  	_ =	swait.ge [sflag:s26], $0x2800  }
0x1cd: {  	[sflag:s26] =	ssyncset.done $0x0  }
0x1ce: {  	[sflag:s26] =	ssyncadd.s32 $0xFFFFD800  }
0x1cf: {  	_ =	swait.ge [sflag:s13], $0x50  }
0x1d0: {  	[sflag:s13] =	ssyncset.done $0x0  }
0x1d1: {  	[sflag:s13] =	ssyncadd.s32 $0xFFFFFFB0  }
0x1d2: {  	_ =	swait.ge [sflag:s14], $0x50  }
0x1d3: {  	[sflag:s14] =	ssyncset.done $0x0  }
0x1d4: {  	[sflag:s14] =	ssyncadd.s32 $0xFFFFFFB0  }
0x1d5: {  	v2 =	vld [tilespmem:$0x480]  }
0x1d6: {  	v3 =	vld [tilespmem:$0x580]  }
0x1d7: {  	v4 =	vld [tilespmem:$0x490]  }
0x1d8: {  	v5 =	vld [tilespmem:$0x590]  }
0x1d9: {  	v6 =	vld [tilespmem:$0x4A0]  }
0x1da: {  	v7 =	vld [tilespmem:$0x5A0]  }
0x1db: {  	v8 =	vld [tilespmem:$0x4B0]  }
0x1dc: {  	v9 =	vld [tilespmem:$0x5B0]  }
0x1dd: {  	v10 =	vld [tilespmem:$0x4C0]  }
0x1de: {  	v11 =	vld [tilespmem:$0x5C0]  }
0x1df: {  	v2 =	vadd.f32 v3, v2  }
0x1e0: {  	v3 =	vadd.f32 v5, v4  }
0x1e1: {  	v5 =	vadd.f32 v7, v6;
	v4 =	vmul.f32 $2.000000030e-01, v2  }
0x1e2: {  	v7 =	vadd.f32 v9, v8;
	v6 =	vmul.f32 $2.000000030e-01, v3  }
0x1e3: {  	v8 =	vadd.f32 v11, v10;
	v2 =	vmax.f32 v2, v4;
	v4 =	vmul.f32 $2.000000030e-01, v5  }
0x1e4: {  	v3 =	vmax.f32 v3, v6;
	v6 =	vmul.f32 $2.000000030e-01, v7;
	v2 =	vmul.f32 $1.442695020e+00, v2  }
0x1e5: {  	v3 =	vmul.f32 $1.442695020e+00, v3;
	v4 =	vmax.f32 v5, v4;
	v5 =	vmul.f32 $2.000000030e-01, v8  }
0x1e6: {  	(erf) = vpow2.f32 v2;
	v2 =	vmul.f32 $1.442695020e+00, v4;
	v4 =	vmax.f32 v7, v6  }
0x1e7: {  	(erf) = vpow2.f32 v3;
	v3 =	vmul.f32 $1.442695020e+00, v4;
	v4 =	vmax.f32 v8, v5  }
0x1e8: {  	(erf) = vpow2.f32 v2;
	v2 =	vmul.f32 $1.442695020e+00, v4  }
0x1e9: {  	(erf) = vpow2.f32 v3  }
0x1ea: {  	(erf) = vpow2.f32 v2;
	_ =	sdelay $0x4  }
0x1eb: {  	v2 =	vpop (erf)  }
0x1ec: {  	v3 =	vpop (erf);
	[tilespmem:$0x600] =	vst v2  }
0x1ed: {  	v2 =	vpop (erf);
	[tilespmem:$0x610] =	vst v3  }
0x1ee: {  	v3 =	vpop (erf);
	[tilespmem:$0x620] =	vst v2  }
0x1ef: {  	s0 =	sadd.s32 s24, s20;
	[tilespmem:$0x630] =	vst v3;
	v2 =	vpop (erf)  }
0x1f0: {  	p3 =	slt.s32 s0, $0x4E1B0;
	[tilespmem:$0x640] =	vst v2  }
0x1f1: {  	[spmem:s16] =	stream.indirect.scatter.add.f32 [tilespmem:s11], [sflag:$0x7], $0x1, s18, s29, $0xb8;
	[tilespmem:$0x1BB70] =	vst v63  }
0x1f2: {  	s0 =	simm.s32 @!p3 $0x4E1B0;
	_ =	swait.ge [sflag:s26], $0x50  }
0x1f3: {  	s0 =	sshrl.u32 s0, $0x3;
	[sflag:s26] =	ssyncset.done $0x0  }
0x1f4: {  	s21 =	simm.s32 $0x0;
	s24 =	sadd.s32 s6, s0;
	[sflag:s26] =	ssyncadd.s32 $0xFFFFFFB0  }
0x1f5: {  	[tilespmem:s21], [sflag:$0x7] =	stream.linear.gather [hbm4b:s24+s21], $0x50, $0x38;
	[tilespmem:$0x1BB70] =	vst v63  }
0x1f6: {  	_ =	swait.ge [sflag:s26], $0x50  }
0x1f7: {  	[sflag:s26] =	ssyncset.done $0x0  }
0x1f8: {  	s0 =	sadd.s32 s7, s0;
	[sflag:s26] =	ssyncadd.s32 $0xFFFFFFB0  }
0x1f9: {  	[tilespmem:s28], [sflag:$0x7] =	stream.linear.gather [hbm4b:s0+s21], $0x50, $0x38;
	[tilespmem:$0x1BB70] =	vst v63  }
0x1fa: {  	_ =	swait.ge [sflag:s26], $0x50  }
0x1fb: {  	[sflag:s26] =	ssyncset.done $0x0  }
0x1fc: {  	[sflag:s26] =	ssyncadd.s32 $0xFFFFFFB0  }
0x1fd: {  	v2 =	vld [tilespmem:$0x0]  }
0x1fe: {  	v3 =	vld [tilespmem:$0x100]  }
0x1ff: {  	v4 =	vld [tilespmem:$0x10]  }
0x200: {  	v5 =	vld [tilespmem:$0x110]  }
0x201: {  	v6 =	vld [tilespmem:$0x20]  }
0x202: {  	v7 =	vld [tilespmem:$0x120];
	v2 =	vadd.s32 v1, v2  }
0x203: {  	[tilespmem:$0x200] =	vst v2;
	v2 =	vadd.s32 v1, v3;
	v3 =	vld [tilespmem:$0x30]  }
0x204: {  	[tilespmem:$0x300] =	vst v2;
	v2 =	vadd.s32 v1, v4;
	v4 =	vld [tilespmem:$0x130]  }
0x205: {  	[tilespmem:$0x210] =	vst v2;
	v2 =	vadd.s32 v1, v5;
	v5 =	vld [tilespmem:$0x40]  }
0x206: {  	[tilespmem:$0x310] =	vst v2;
	v2 =	vadd.s32 v1, v6;
	v6 =	vld [tilespmem:$0x140]  }
0x207: {  	[tilespmem:$0x220] =	vst v2;
	v2 =	vadd.s32 v1, v7  }
0x208: {  	[tilespmem:$0x320] =	vst v2;
	v2 =	vadd.s32 v1, v3  }
0x209: {  	[tilespmem:$0x230] =	vst v2;
	v2 =	vadd.s32 v1, v4  }
0x20a: {  	[tilespmem:$0x330] =	vst v2;
	v2 =	vadd.s32 v1, v5  }
0x20b: {  	[tilespmem:$0x240] =	vst v2;
	v2 =	vadd.s32 v1, v6  }
0x20c: {  	s24 =	simm.s32 $0x400;
	[tilespmem:$0x340] =	vst v2  }
0x20d: {  	[tilespmem:s24], [sflag:$0x1] =	stream.indirect.gather [hbm4b:s8+s29], $0x1, s30, s29, $0xb8;
	[tilespmem:$0x1BB70] =	vst v63  }
0x20e: {  	s5 =	simm.s32 $0x300;
	s24 =	simm.s32 $0x500  }
0x20f: {  	[tilespmem:s24], [sflag:$0x3] =	stream.indirect.gather [hbm4b:s9+s29], $0x1, s5, s29, $0xb8;
	[tilespmem:$0x1BB70] =	vst v63  }
0x210: {  	_ = 	snop  }
0x211: {  	[tilespmem:s15], [sflag:$0x5] =	stream.indirect.gather [hbm4b:s10+s29], $0x80, s30, s29, $0xb8;
	[tilespmem:$0x1BB70] =	vst v63  }
0x212: {  	_ =	swait.ge [sflag:s3], $0x2800  }
0x213: {  	v2 =	vmov s21;
	[sflag:s3] =	ssyncset.done $0x0  }
0x214: {  	s5 =	simm.s32 $0x2EC0;
	[sflag:s3] =	ssyncadd.s32 $0xFFFFD800  }
0x215: {  	v6 =	vld [tilespmem:s5+$0x30]  }
0x216: {  	v9 =	vld [tilespmem:s5+$0x10]  }
0x217: {  	v7 =	vld [tilespmem:s5+$0xFFFFFFC0]  }
0x218: {  	v3 =	vld.idx.msk [tilespmem:v2+s11+$0x0], $0xffff  }
0x219: {  	v11 =	vld [tilespmem:s5+$0xFFFFFFE0]  }
0x21a: {  	v2 =	vld [tilespmem:s5+$0xFFFFFFF0]  }
0x21b: {  	v4 =	vld [tilespmem:s5+$0x20]  }
0x21c: {  	v5 =	vld [tilespmem:s5+$0xFFFFFFD0]  }
0x21d: {  	v10 =	vmul.f32 v6, v3;
	v6 =	vld [tilespmem:s5+$0x0]  }
0x21e: {  	v8 =	vmul.f32 v7, v3  }
0x21f: {  	s31 =	smov.u32 s16;
	s21 =	simm.s32 $0x1;
	s24 =	simm.s32 $0x2EC0;
	v7 =	vmul.f32 v11, v3;
	v9 =	vmul.f32 v9, v3  }
.LBB2_16:
0x220: {  	p3 =	sne.s32 s21, $0x4F  }
0x221: {  	v5 =	vmul.f32 v5, v3;
	v4 =	vmul.f32 v4, v3;
	[tilespmem:s5+$0x30] =	vst v10;
	s24 =	sadd.s32 $0x80, s24;
	s0 =	smov.u32 s21;
	s21 =	sadd.s32 $0x1, s21  }
0x222: {  	[tilespmem:s5+$0xFFFFFFC0] =	vst v8;
	v8 =	vmul.f32 v2, v3;
	v3 =	vmul.f32 v6, v3  }
0x223: {  	[tilespmem:s5+$0x10] =	vst v9  }
0x224: {  	v6 =	vmov s0;
	[tilespmem:s5+$0xFFFFFFE0] =	vst v7  }
0x225: {  	v2 =	vld [tilespmem:s24+$0xFFFFFFF0];
	[tilespmem:s5+$0xFFFFFFF0] =	vst v8  }
0x226: {  	v7 =	vld [tilespmem:s24+$0x30];
	[tilespmem:s5+$0x0] =	vst v3  }
0x227: {  	v9 =	vld [tilespmem:s24+$0x10];
	[tilespmem:s5+$0x20] =	vst v4  }
0x228: {  	v8 =	vld [tilespmem:s24+$0xFFFFFFC0];
	[tilespmem:s5+$0xFFFFFFD0] =	vst v5;
	s5 =	smov.u32 s24  }
0x229: {  	v3 =	vld.idx.msk [tilespmem:v6+s11+$0x0], $0xffff  }
0x22a: {  	v11 =	vld [tilespmem:s24+$0xFFFFFFE0]  }
0x22b: {  	v4 =	vld [tilespmem:s24+$0x20]  }
.Ltmp7:
0x22c: {  	v5 =	vld [tilespmem:s24+$0xFFFFFFD0];
	(pc) =	sbr.rel @p3 .LBB2_16-.Ltmp7, $3  }
0x22d: {  	v6 =	vld [tilespmem:s24+$0x0];
	_ =	sdelay $0x1  }
0x22e: {  	v8 =	vmul.f32 v8, v3;
	v10 =	vmul.f32 v7, v3  }
0x22f: {  	v9 =	vmul.f32 v9, v3;
	v7 =	vmul.f32 v11, v3  }
0x230: {  	[tilespmem:s5+$0x30] =	vst v10  }
0x231: {  	[tilespmem:s5+$0xFFFFFFC0] =	vst v8  }
0x232: {  	v2 =	vmul.f32 v2, v3;
	[tilespmem:s5+$0x10] =	vst v9  }
0x233: {  	v4 =	vmul.f32 v4, v3;
	[tilespmem:s5+$0xFFFFFFE0] =	vst v7  }
0x234: {  	v6 =	vmul.f32 v6, v3;
	[tilespmem:s5+$0xFFFFFFF0] =	vst v2  }
0x235: {  	s17 =	sadd.s32 $0x1, s17;
	v2 =	vmul.f32 v5, v3;
	[tilespmem:s5+$0x20] =	vst v4  }
0x236: {  	p3 =	sne.s32 s17, $0x7D;
	[tilespmem:s5+$0x0] =	vst v6  }
.Ltmp8:
0x237: {  	[tilespmem:s5+$0xFFFFFFD0] =	vst v2;
	(pc) =	sbr.rel @p3 .LBB2_13-.Ltmp8, $4  }
0x238: {  	[spmem:s2] =	stream.indirect.scatter.add.f32 [tilespmem:s25], [sflag:$0x7], $0x80, s18, s29, $0xb8;
	[tilespmem:$0x1BB70] =	vst v63  }
0x239: {  	_ =	swait.ge [sflag:s26], $0x2800  }
0x23a: {  	[sflag:s26] =	ssyncset.done $0x0  }
0x23b: {  	[sflag:s26] =	ssyncadd.s32 $0xFFFFD800  }
0x23c: {  	_ =	swait.ge [sflag:s22], $0x50  }
0x23d: {  	[sflag:s22] =	ssyncset.done $0x0  }
0x23e: {  	[sflag:s22] =	ssyncadd.s32 $0xFFFFFFB0  }
0x23f: {  	_ =	swait.ge [sflag:s1], $0x50  }
0x240: {  	[sflag:s1] =	ssyncset.done $0x0  }
0x241: {  	[sflag:s1] =	ssyncadd.s32 $0xFFFFFFB0  }
0x242: {  	_ =	swait.ge [sflag:s12], $0x2800  }
0x243: {  	[sflag:s12] =	ssyncset.done $0x0  }
0x244: {  	[sflag:s12] =	ssyncadd.s32 $0xFFFFD800  }
0x245: {  	s0 =	stileid.u32;
	[bflag:$0x0] =	sbarrier.arrive $0xFFFF  }
0x246: {  	s0 =	sshll.u32 @p1 s0, $0x6;
	s4 =	rddreg [dreg:$0xd]  }
0x247: {  	s0 =	sor.u32 @p1 $0x1C07, s0;
	s5 =	rddreg [dreg:$0xb];
	s4 =	sshrl.u32 @p1 s4, $0x3  }
0x248: {  	[hbm:s5], [sflag:s0] =	dma.local @p1 [spmem:s4], $0x2780  }
0x249: {  	s0 =	simm.s32 @p1 $0x7  }
0x24a: {  	_ =	swait.ge @p1 [sflag:s0], $0x2780  }
0x24b: {  	[sflag:s0] =	ssyncset.done @p1 $0x0  }
0x24c: {  	s4 =	simm.s32 @!p2 $0x7;
	[sflag:s0] =	ssyncadd.s32 @p1 $0xFFFFD880;
	s0 =	simm.s32 @!p2 $0x5680  }
0x24d: {  	[tilespmem:s0], [sflag:$0x7] =	stream.linear.gather @!p2 [spmem:s31], $0x2780, $0x38;
	[tilespmem:$0x1BB70] =	vst v63  }
0x24e: {  	_ =	swait.ge @!p2 [sflag:s4], $0x2780  }
0x24f: {  	[sflag:s4] =	ssyncset.done @!p2 $0x0  }
0x250: {  	s5 =	simm.s32 @!p2 $0x0;
	s16 =	rddreg [dreg:$0xc];
	[sflag:s4] =	ssyncadd.s32 @!p2 $0xFFFFD880  }
0x251: {  	[hbm4b:s16+s5] =	stream.linear.scatter @!p2 [tilespmem:s0], [sflag:$0x7], $0x2710, $0x38;
	[tilespmem:$0x1BB70] =	vst v63  }
0x252: {  	_ =	swait.ge @!p2 [sflag:s4], $0x2710  }
0x253: {  	s0 =	rddreg [dreg:$0x11]  }
0x254: {  	[sflag:s4] =	ssyncset.done @!p2 $0x0;
	s5 =	rddreg [dreg:$0xf]  }
0x255: {  	[sflag:s4] =	ssyncadd.s32 @!p2 $0xFFFFD8F0;
	s0 =	sshrl.u32 @!p1 s0, $0x3;
	s4 =	simm.s32 @!p1 $0x1FC7  }
0x256: {  	[hbm:s5], [sflag:s4] =	dma.local @!p1 [spmem:s0], $0x2080  }
0x257: {  	s0 =	simm.s32 @!p1 $0x7  }
0x258: {  	_ =	swait.ge @!p1 [sflag:s0], $0x2080  }
0x259: {  	s21 =	rddreg [dreg:$0x12]  }
0x25a: {  	s24 =	rddreg [dreg:$0x10];
	s5 =	sadd.s32 $0x1, s21  }
0x25b: {  	p3 =	sne.s32 s5, s24  }
.Ltmp9:
0x25c: {  	_ = 	snop;
	(pc) =	sbr.rel @p3 .LBB2_1-.Ltmp9, $4  }
.Ltmp10:
0x25d: {  	_ = 	snop;
	(pc) =	sbr.rel @!p3 .LBB2_19-.Ltmp10, $4  }
0x25e: {  	_ = 	snop  }
0x25f: {  	[sflag:s0] =	ssyncset.done @!p1 $0x0  }
0x260: {  	[sflag:s0] =	ssyncadd.s32 @!p1 $0xFFFFDF80  }
0x261: {  	_ = 	snop  }
.LBB2_11:
0x262: {  	s5 =	simm.s32 $0x5680  }
0x263: {  	[tilespmem:s5], [sflag:$0x7] =	stream.linear.gather [spmem:s0], $0x2780, $0x38;
	[tilespmem:$0x1BB70] =	vst v63  }
0x264: {  	_ =	swait.ge [sflag:s26], $0x2780  }
0x265: {  	[sflag:s26] =	ssyncset.done $0x0  }
0x266: {  	s24 =	simm.s32 $0x0;
	s4 =	rddreg [dreg:$0xa];
	[sflag:s26] =	ssyncadd.s32 $0xFFFFD880  }
0x267: {  	[hbm4b:s4+s24] =	stream.linear.scatter [tilespmem:s5], [sflag:$0x7], $0x2710, $0x38;
	[tilespmem:$0x1BB70] =	vst v63  }
0x268: {  	_ =	swait.ge [sflag:s26], $0x2710  }
0x269: {  	[sflag:s26] =	ssyncset.done $0x0  }
0x26a: {  	[sflag:s26] =	ssyncadd.s32 $0xFFFFD8F0  }
0x26b: {  	s17 =	sshrl.u32 s2, $0x3;
	[bflag:$0x0] =	sbarrier.arrive $0xFFFF  }
.Ltmp11:
0x26c: {  	s24 =	simm.s32 $0x1C07;
	s21 =	rddreg [dreg:$0x1];
	(pc) =	sbr.rel .LBB2_12-.Ltmp11, $4  }
0x26d: {  	[spmem:s17], [sflag:s24] =	dma.local [hbm:s21], $0x27100  }
0x26e: {  	_ =	swait.ge [sflag:s26], $0x27100  }
0x26f: {  	[sflag:s26] =	ssyncset.done $0x0  }
0x270: {  	[sflag:s26] =	ssyncadd.s32 $0xFFFD8F00  }
.LBB2_19:
0x271: {  	_ =	sfence.sel $0x180000  }
0x272: {  	[bflag:$0x0] =	sbarrier.arrive $0xFFFF  }
0x273: {  	_ =	strace $0x90000047  }
0x274: {  	[bflag:$0x2] =	sbarrier.arrive $0xFFFF  }
0x275: {  	s0 =	rddreg [dreg:$0x5]  }
0x276: {  	s0 =	sadd.s32 @!p0 $0x100000, s0  }
0x277: {  	[sflag:s0] =	ssyncadd.tile.s32 @!p0 $0x1;
	_ =	shalt  }
.Lfunc_end2:
_tile_overlayer_lowered:
.L_overlay_start_2:
0x278: {  	(tag) =	ssettag $0x2  }
0x279: {  	s0 =	rddreg [dreg:$0x0];
	s2 =	stileid.u32  }
0x27a: {  	s1 =	rddreg [dreg:$0x1];
	p0 =	sne.s32 s2, $0x0  }
0x27b: {  	s3 =	rddreg [dreg:$0x2];
	[bflag:$0x3] =	sbarrier.arrive $0xFFFF;
	s2 =	simm.s32 @!p0 $0x1C07  }
0x27c: {  	[timem:s3], [sflag:s2] =	dma.local @!p0 [hbm:s0], s1  }
0x27d: {  	s0 =	simm.s32 @!p0 $0x7  }
0x27e: {  	_ =	swait.ge @!p0 [sflag:s0], s1  }
0x27f: {  	s1 =	ssub.s32 @!p0 $0x0, s1;
	[sflag:s0] =	ssyncset.done @!p0 $0x0  }
0x280: {  	[sflag:s0] =	ssyncadd.s32 @!p0 s1  }
0x281: {  	[bflag:$0x3] =	sbarrier.arrive $0xFFFF  }
0x282: {  	_ =	shalt  }

</sc_bundles>
